<compile_context>
chip_gen: v7x
topology: tpu7x:2x2x1
jax: 0.10.2.dev20260603
libtpu: 0.0.44.dev20260713+nightly
codegen_flags: <defaults>
</compile_context>

<pallas_src>
import functools

import jax
import jax.numpy as jnp
from jax import lax
from jax.experimental import pallas as pl
from jax.experimental.pallas import tpu as pltpu
from jax.experimental.pallas import tpu_sc as plsc

_LEAK = 0.01
_DELTA = 0.5
_NS = 16
_NC = 2
_B = 80


def _stage1_body(nf_ref, w_ref, out_ref):
    out_ref[0] = jnp.dot(nf_ref[...], w_ref[...],
                         preferred_element_type=jnp.float32)


def _stage3_body(nf_ref, a0_ref, a1_ref, wa_ref, wb0_ref, wb1_ref, out_ref):
    acc = jnp.dot(nf_ref[...], wa_ref[...], preferred_element_type=jnp.float32)
    acc = acc + jnp.dot(a0_ref[...], wb0_ref[...],
                        preferred_element_type=jnp.float32)
    acc = acc + jnp.dot(a1_ref[...], wb1_ref[...],
                        preferred_element_type=jnp.float32)
    out_ref[...] = jnp.where(acc >= 0, acc, _LEAK * acc)


@functools.lru_cache(maxsize=None)
def _make_sc_edge(N, E, H):
    ept = E // _NS
    nch = ept // _B
    rpt = (N // _NS) & ~7
    tail = N - rpt * _NS
    nsl = H // 16
    mesh = plsc.VectorSubcoreMesh(core_axis_name="c", subcore_axis_name="s")

    @functools.partial(
        pl.kernel,
        out_type=jax.ShapeDtypeStruct((_NC, N, H), jnp.float32),
        mesh=mesh,
        scratch_types=[
            pltpu.VMEM((5, _B), jnp.int32),
            pltpu.VMEM((_B,), jnp.float32),
            pltpu.VMEM((H,), jnp.float32),
            pltpu.VMEM((_B, H), jnp.float32),
            pltpu.VMEM((_B, H), jnp.float32),
            pltpu.VMEM((_B, H), jnp.float32),
            pltpu.VMEM_SHARED((N, H), jnp.float32),
            pltpu.SemaphoreType.DMA,
            pltpu.SemaphoreType.DMA,
        ],
    )
    def sc_edge(T, meta, dd, b2, zrows, out,
                meta_v, dist_v, b_v, pa_v, pc_v, msg_v,
                acc_sh, sem0, sem1):
        c = lax.axis_index("c")
        s = lax.axis_index("s")
        pltpu.sync_copy(zrows.at[pl.ds(0, rpt)], acc_sh.at[pl.ds(s * rpt, rpt)])
        @pl.when(s == _NS - 1)
        def _zero_tail():
            pltpu.sync_copy(zrows.at[pl.ds(0, tail)],
                            acc_sh.at[pl.ds(rpt * _NS, tail)])
        pltpu.sync_copy(b2.at[c], b_v)
        plsc.subcore_barrier()
        b_vecs = [b_v[pl.ds(16 * k, 16)] for k in range(nsl)]

        def chunk_body(j, carry):
            pltpu.sync_copy(meta.at[s, j], meta_v)
            pltpu.sync_copy(dd.at[s, j], dist_v)
            cpa = pltpu.async_copy(T.at[meta_v.at[2 * c]], pa_v, sem0)
            cpb = pltpu.async_copy(T.at[meta_v.at[2 * c + 1]], pc_v, sem1)
            cpa.wait()
            cpb.wait()

            def group_body(g, carry2):
                dvec = dist_v[pl.ds(g * 16, 16)]
                cvec = jnp.where(dvec < _DELTA, jnp.float32(1.0),
                                 jnp.float32(0.0))
                for lane in range(16):
                    e = g * 16 + lane
                    d = dvec[lane]
                    coef = cvec[lane]
                    for k in range(nsl):
                        v = (pa_v[e, pl.ds(16 * k, 16)]
                             + pc_v[e, pl.ds(16 * k, 16)]
                             + d * b_vecs[k])
                        msg_v[e, pl.ds(16 * k, 16)] = (
                            jnp.where(v >= 0, v, _LEAK * v) * coef)
                return carry2

            lax.fori_loop(0, _B // 16, group_body, 0)
            pltpu.sync_copy(msg_v, acc_sh.at[meta_v.at[4]], add=True)
            return carry

        lax.fori_loop(0, nch, chunk_body, 0)
        plsc.subcore_barrier()
        pltpu.sync_copy(acc_sh.at[pl.ds(s * rpt, rpt)],
                        out.at[c, pl.ds(s * rpt, rpt)])
        @pl.when(s == _NS - 1)
        def _write_tail():
            pltpu.sync_copy(acc_sh.at[pl.ds(rpt * _NS, tail)],
                            out.at[c, pl.ds(rpt * _NS, tail)])

    return sc_edge


def kernel(node_feat, edge_index, dist, W_edge, W_node):
    N, IN = node_feat.shape
    OUT = W_node.shape[1]
    E = dist.shape[0]
    H = OUT // 2
    src = edge_index[0].astype(jnp.int32)
    dst = edge_index[1].astype(jnp.int32)
    A = W_edge[:IN]
    b = W_edge[IN]
    C = W_edge[IN + 1:]

    W2 = jnp.concatenate([A[:, :H], C[:, :H], A[:, H:], C[:, H:]], axis=1)
    m_blk = 1000
    P4 = pl.pallas_call(
        _stage1_body,
        grid=(N // m_blk, 4),
        in_specs=[
            pl.BlockSpec((m_blk, IN), lambda i, t: (i, 0)),
            pl.BlockSpec((IN, H), lambda i, t: (0, t)),
        ],
        out_specs=pl.BlockSpec((1, m_blk, H), lambda i, t: (t, i, 0)),
        out_shape=jax.ShapeDtypeStruct((4, N, H), jnp.float32),
    )(node_feat, W2)
    T = P4.reshape(4 * N, H)

    ept = E // _NS
    nch = ept // _B
    src3 = src.reshape(_NS, nch, _B)
    dst3 = dst.reshape(_NS, nch, _B)
    dd3 = dist.reshape(_NS, nch, _B)
    meta = jnp.stack(
        [src3, dst3 + N, src3 + 2 * N, dst3 + 3 * N, dst3], axis=2)
    b2 = b.reshape(_NC, H)
    zrows = jnp.zeros((N // _NS, H), jnp.float32)
    aggr2 = _make_sc_edge(N, E, H)(T, meta, dd3, b2, zrows)

    out = pl.pallas_call(
        _stage3_body,
        grid=(N // m_blk,),
        in_specs=[
            pl.BlockSpec((m_blk, IN), lambda i: (i, 0)),
            pl.BlockSpec((m_blk, H), lambda i: (i, 0)),
            pl.BlockSpec((m_blk, H), lambda i: (i, 0)),
            pl.BlockSpec((IN, OUT), lambda i: (0, 0)),
            pl.BlockSpec((H, OUT), lambda i: (0, 0)),
            pl.BlockSpec((H, OUT), lambda i: (0, 0)),
        ],
        out_specs=pl.BlockSpec((m_blk, OUT), lambda i: (i, 0)),
        out_shape=jax.ShapeDtypeStruct((N, OUT), jnp.float32),
    )(node_feat, aggr2[0], aggr2[1], W_node[:IN], W_node[IN:IN + H],
      W_node[IN + H:])
    return out

# --- scband reference (transcript-rebuilt; emitter-appended) ---
"""Pipeline reference for scband-mpnnlayer-17952963297943 (READ-ONLY COPY).

The authoritative reference and input builder live on the scoring server;
editing this copy changes nothing except your own understanding.
"""

import jax, jax.numpy as jnp
import numpy as np

N = 10000
E = 160000
IN_DIM = 256
OUT_DIM = 256
DELTA = 0.5


def setup_inputs(seed: int = 0) -> dict:
    key = jax.random.key(seed)
    k1, k2, k3, k4, k5 = jax.random.split(key, 5)
    node_feat = jax.random.normal(k1, (N, IN_DIM), dtype=jnp.float32)
    edge_index = jax.random.randint(k2, (2, E), 0, N)
    dist = jax.random.uniform(k3, (E,), dtype=jnp.float32)
    # edge_W: Linear(2*in_dim + 1 -> out_dim, bias=False), stored as [in, out]
    W_edge = jax.random.normal(k4, (2 * IN_DIM + 1, OUT_DIM), dtype=jnp.float32) * (1.0 / np.sqrt(2 * IN_DIM + 1))
    # node_W: Linear(out_dim + in_dim -> out_dim, bias=False), stored as [in, out]
    W_node = jax.random.normal(k5, (OUT_DIM + IN_DIM, OUT_DIM), dtype=jnp.float32) * (1.0 / np.sqrt(OUT_DIM + IN_DIM))
    return {"node_feat": node_feat, "edge_index": edge_index, "dist": dist, "W_edge": W_edge, "W_node": W_node}


def reference(node_feat, edge_index, dist, W_edge, W_node):
    src = edge_index[0]
    dst = edge_index[1]
    u = jnp.take(node_feat, src, axis=0)   # edges.src['nf']
    v = jnp.take(node_feat, dst, axis=0)   # edges.dst['nf']
    e_u_v = dist[:, None]
    feature = jnp.concatenate([u, e_u_v, v], axis=-1)          # [E, 2*in+1]
    msg = jax.nn.leaky_relu(feature @ W_edge, negative_slope=0.01)  # edge_W MLP
    edge_mask = (dist < DELTA).astype(msg.dtype)[:, None]
    masked_msg = msg * edge_mask
    # aggr == 'sum': sum messages into destination nodes
    aggr_msg = jax.ops.segment_sum(masked_msg, dst, num_segments=N)  # [N, out]
    h = jnp.concatenate([node_feat, aggr_msg], axis=-1)              # [N, in+out]
    node_feat_p = jax.nn.leaky_relu(h @ W_node, negative_slope=0.01)
    return node_feat_p

if __name__ == "__main__":
    import jax
    _d = setup_inputs()
    print(jax.jit(kernel)(*tuple(_d.values())))

</pallas_src>

<mosaic_0001>
#map = affine_map<(d0, d1) -> (0, 0)>
#map1 = affine_map<(d0, d1) -> (0, 0, 0, 0)>
#map2 = affine_map<(d0, d1) -> (0, 0, 0)>
module attributes {stable_mosaic.version = 14 : i64} {
  func.func @sc_edge(%arg0: i32, %arg1: i32, %arg2: memref<40000x128xf32, #tpu.memory_space<hbm>>, %arg3: memref<16x125x5x80xi32, #tpu.memory_space<hbm>>, %arg4: memref<16x125x80xf32, #tpu.memory_space<hbm>>, %arg5: memref<2x128xf32, #tpu.memory_space<hbm>>, %arg6: memref<625x128xf32, #tpu.memory_space<hbm>>, %arg7: memref<2x10000x128xf32, #tpu.memory_space<hbm>>, %arg8: memref<5x80xi32, #tpu.memory_space<vmem>>, %arg9: memref<80xf32, #tpu.memory_space<vmem>>, %arg10: memref<128xf32, #tpu.memory_space<vmem>>, %arg11: memref<80x128xf32, #tpu.memory_space<vmem>>, %arg12: memref<80x128xf32, #tpu.memory_space<vmem>>, %arg13: memref<80x128xf32, #tpu.memory_space<vmem>>, %arg14: memref<10000x128xf32, #tpu.memory_space<vmem_shared>>, %arg15: memref<!tpu.dma_semaphore, #tpu.memory_space<semaphore_mem>>, %arg16: memref<!tpu.dma_semaphore, #tpu.memory_space<semaphore_mem>>) attributes {dimension_semantics = [#tpu.dimension_semantics<core_parallel>, #tpu.dimension_semantics<subcore_parallel>], iteration_bounds = array<i64: 2, 16>, scalar_prefetch = 0 : i64, scratch_operands = 9 : i64, tpu.core_type = #tpu.core_type<sc_vector_subcore>, window_params = [{transform_indices = #map}, {transform_indices = #map1}, {transform_indices = #map2}, {transform_indices = #map}, {transform_indices = #map}, {transform_indices = #map2}]} {
    %mul3A = arith.constant 624 : i32
    %mul3A_0 = arith.muli %arg1, %mul3A : i32
    "tpu.region"() ({
      %run_scoped3A = tpu.sem_alloc : memref<!tpu.dma_semaphore, #tpu.memory_space<semaphore_mem>>
      %dma_start3A = arith.constant 0 : i32
      %dma_start3A_41 = tpu.memref_slice %arg14[%mul3A_0, %dma_start3A] : memref<10000x128xf32, #tpu.memory_space<vmem_shared>> -> memref<624x128xf32, #tpu.memory_space<vmem_shared>>
      %dma_start3A_42 = arith.constant 0 : i32
      %dma_start3A_43 = arith.constant 0 : i32
      %dma_start3A_44 = tpu.memref_slice %arg6[%dma_start3A_42, %dma_start3A_43] : memref<625x128xf32, #tpu.memory_space<hbm>> -> memref<624x128xf32, #tpu.memory_space<hbm>>
      tpu.enqueue_dma source(%dma_start3A_44 : memref<624x128xf32, #tpu.memory_space<hbm>>) target(%dma_start3A_41 : memref<624x128xf32, #tpu.memory_space<vmem_shared>>) target_semaphore(%run_scoped3A : memref<!tpu.dma_semaphore, #tpu.memory_space<semaphore_mem>>)
      %dma_wait3A = arith.constant 0 : i32
      %dma_wait3A_45 = tpu.memref_slice %arg14[%mul3A_0, %dma_wait3A] : memref<10000x128xf32, #tpu.memory_space<vmem_shared>> -> memref<624x128xf32, #tpu.memory_space<vmem_shared>>
      %dma_wait3A_46 = arith.constant 0 : i32
      %dma_wait3A_47 = arith.constant 0 : i32
      %dma_wait3A_48 = tpu.memref_slice %arg6[%dma_wait3A_46, %dma_wait3A_47] : memref<625x128xf32, #tpu.memory_space<hbm>> -> memref<624x128xf32, #tpu.memory_space<hbm>>
      tpu.wait_dma2 semaphore(%run_scoped3A : memref<!tpu.dma_semaphore, #tpu.memory_space<semaphore_mem>>) src(%dma_wait3A_48 : memref<624x128xf32, #tpu.memory_space<hbm>>) dst(%dma_wait3A_45 : memref<624x128xf32, #tpu.memory_space<vmem_shared>>)
      tpu.yield
    }) : () -> ()
    %eq3A = arith.constant 15 : i32
    %eq3A_1 = arith.cmpi eq, %arg1, %eq3A : i32
    %convert_element_type3A = arith.extui %eq3A_1 : i1 to i32
    %cond3A = arith.constant 0 : i32
    %cond3A_2 = arith.cmpi ne, %convert_element_type3A, %cond3A : i32
    scf.if %cond3A_2 {
      "tpu.region"() ({
        %run_scoped3A = tpu.sem_alloc : memref<!tpu.dma_semaphore, #tpu.memory_space<semaphore_mem>>
        %dma_start3A = arith.constant 9984 : i32
        %dma_start3A_41 = arith.constant 0 : i32
        %dma_start3A_42 = tpu.memref_slice %arg14[%dma_start3A, %dma_start3A_41] : memref<10000x128xf32, #tpu.memory_space<vmem_shared>> -> memref<16x128xf32, #tpu.memory_space<vmem_shared>>
        %dma_start3A_43 = arith.constant 0 : i32
        %dma_start3A_44 = arith.constant 0 : i32
        %dma_start3A_45 = tpu.memref_slice %arg6[%dma_start3A_43, %dma_start3A_44] : memref<625x128xf32, #tpu.memory_space<hbm>> -> memref<16x128xf32, #tpu.memory_space<hbm>>
        tpu.enqueue_dma source(%dma_start3A_45 : memref<16x128xf32, #tpu.memory_space<hbm>>) target(%dma_start3A_42 : memref<16x128xf32, #tpu.memory_space<vmem_shared>>) target_semaphore(%run_scoped3A : memref<!tpu.dma_semaphore, #tpu.memory_space<semaphore_mem>>)
        %dma_wait3A = arith.constant 9984 : i32
        %dma_wait3A_46 = arith.constant 0 : i32
        %dma_wait3A_47 = tpu.memref_slice %arg14[%dma_wait3A, %dma_wait3A_46] : memref<10000x128xf32, #tpu.memory_space<vmem_shared>> -> memref<16x128xf32, #tpu.memory_space<vmem_shared>>
        %dma_wait3A_48 = arith.constant 0 : i32
        %dma_wait3A_49 = arith.constant 0 : i32
        %dma_wait3A_50 = tpu.memref_slice %arg6[%dma_wait3A_48, %dma_wait3A_49] : memref<625x128xf32, #tpu.memory_space<hbm>> -> memref<16x128xf32, #tpu.memory_space<hbm>>
        tpu.wait_dma2 semaphore(%run_scoped3A : memref<!tpu.dma_semaphore, #tpu.memory_space<semaphore_mem>>) src(%dma_wait3A_50 : memref<16x128xf32, #tpu.memory_space<hbm>>) dst(%dma_wait3A_47 : memref<16x128xf32, #tpu.memory_space<vmem_shared>>)
        tpu.yield
      }) : () -> ()
    } else {
    }
    "tpu.region"() ({
      %run_scoped3A = tpu.sem_alloc : memref<!tpu.dma_semaphore, #tpu.memory_space<semaphore_mem>>
      %dma_start3A = arith.constant 0 : i32
      %dma_start3A_41 = tpu.memref_slice %arg5[%arg0, %dma_start3A] : memref<2x128xf32, #tpu.memory_space<hbm>> -> memref<1x128xf32, #tpu.memory_space<hbm>>
      %dma_start3A_42 = tpu.memref_squeeze %dma_start3A_41 : memref<1x128xf32, #tpu.memory_space<hbm>> -> memref<128xf32, #tpu.memory_space<hbm>>
      %dma_start3A_43 = arith.constant 0 : i32
      %dma_start3A_44 = tpu.memref_slice %arg5[%arg0, %dma_start3A_43] : memref<2x128xf32, #tpu.memory_space<hbm>> -> memref<1x128xf32, #tpu.memory_space<hbm>>
      %dma_start3A_45 = tpu.memref_squeeze %dma_start3A_44 : memref<1x128xf32, #tpu.memory_space<hbm>> -> memref<128xf32, #tpu.memory_space<hbm>>
      tpu.enqueue_dma source(%dma_start3A_45 : memref<128xf32, #tpu.memory_space<hbm>>) target(%arg10 : memref<128xf32, #tpu.memory_space<vmem>>) target_semaphore(%run_scoped3A : memref<!tpu.dma_semaphore, #tpu.memory_space<semaphore_mem>>)
      %dma_wait3A = arith.constant 0 : i32
      %dma_wait3A_46 = tpu.memref_slice %arg5[%arg0, %dma_wait3A] : memref<2x128xf32, #tpu.memory_space<hbm>> -> memref<1x128xf32, #tpu.memory_space<hbm>>
      %dma_wait3A_47 = tpu.memref_squeeze %dma_wait3A_46 : memref<1x128xf32, #tpu.memory_space<hbm>> -> memref<128xf32, #tpu.memory_space<hbm>>
      %dma_wait3A_48 = arith.constant 0 : i32
      %dma_wait3A_49 = tpu.memref_slice %arg5[%arg0, %dma_wait3A_48] : memref<2x128xf32, #tpu.memory_space<hbm>> -> memref<1x128xf32, #tpu.memory_space<hbm>>
      %dma_wait3A_50 = tpu.memref_squeeze %dma_wait3A_49 : memref<1x128xf32, #tpu.memory_space<hbm>> -> memref<128xf32, #tpu.memory_space<hbm>>
      tpu.wait_dma2 semaphore(%run_scoped3A : memref<!tpu.dma_semaphore, #tpu.memory_space<semaphore_mem>>) src(%dma_wait3A_50 : memref<128xf32, #tpu.memory_space<hbm>>) dst(%arg10 : memref<128xf32, #tpu.memory_space<vmem>>)
      tpu.yield
    }) : () -> ()
    %barrier3A = arith.constant 0 : index
    tpu.barrier barrier_id(%barrier3A)
    %get3A = arith.constant 0 : index
    %get3A_3 = tpu.vector_load %arg10[%get3A] {strides = array<i32>} : memref<128xf32, #tpu.memory_space<vmem>>, vector<16xf32>,
    %get3A_4 = vector.shape_cast %get3A_3 : vector<16xf32> to vector<16xf32>
    %get3A_5 = arith.constant 16 : index
    %get3A_6 = tpu.vector_load %arg10[%get3A_5] {strides = array<i32>} : memref<128xf32, #tpu.memory_space<vmem>>, vector<16xf32>,
    %get3A_7 = vector.shape_cast %get3A_6 : vector<16xf32> to vector<16xf32>
    %get3A_8 = arith.constant 32 : index
    %get3A_9 = tpu.vector_load %arg10[%get3A_8] {strides = array<i32>} : memref<128xf32, #tpu.memory_space<vmem>>, vector<16xf32>,
    %get3A_10 = vector.shape_cast %get3A_9 : vector<16xf32> to vector<16xf32>
    %get3A_11 = arith.constant 48 : index
    %get3A_12 = tpu.vector_load %arg10[%get3A_11] {strides = array<i32>} : memref<128xf32, #tpu.memory_space<vmem>>, vector<16xf32>,
    %get3A_13 = vector.shape_cast %get3A_12 : vector<16xf32> to vector<16xf32>
    %get3A_14 = arith.constant 64 : index
    %get3A_15 = tpu.vector_load %arg10[%get3A_14] {strides = array<i32>} : memref<128xf32, #tpu.memory_space<vmem>>, vector<16xf32>,
    %get3A_16 = vector.shape_cast %get3A_15 : vector<16xf32> to vector<16xf32>
    %get3A_17 = arith.constant 80 : index
    %get3A_18 = tpu.vector_load %arg10[%get3A_17] {strides = array<i32>} : memref<128xf32, #tpu.memory_space<vmem>>, vector<16xf32>,
    %get3A_19 = vector.shape_cast %get3A_18 : vector<16xf32> to vector<16xf32>
    %get3A_20 = arith.constant 96 : index
    %get3A_21 = tpu.vector_load %arg10[%get3A_20] {strides = array<i32>} : memref<128xf32, #tpu.memory_space<vmem>>, vector<16xf32>,
    %get3A_22 = vector.shape_cast %get3A_21 : vector<16xf32> to vector<16xf32>
    %get3A_23 = arith.constant 112 : index
    %get3A_24 = tpu.vector_load %arg10[%get3A_23] {strides = array<i32>} : memref<128xf32, #tpu.memory_space<vmem>>, vector<16xf32>,
    %get3A_25 = vector.shape_cast %get3A_24 : vector<16xf32> to vector<16xf32>
    %scan3A = arith.constant 0 : i32
    %scan3A_26 = arith.constant 0 : i32
    %scan3A_27 = arith.constant 125 : i32
    %scan3A_28 = arith.addi %scan3A_26, %scan3A_27 : i32
    %scan3A_29 = arith.constant 1 : i32
    scf.for %scan3A_41 = %scan3A_26 to %scan3A_28 step %scan3A_29  : i32 {
      "tpu.region"() ({
        %run_scoped3A_75 = tpu.sem_alloc : memref<!tpu.dma_semaphore, #tpu.memory_space<semaphore_mem>>
        %dma_start3A_76 = arith.constant 0 : i32
        %dma_start3A_77 = arith.constant 0 : i32
        %dma_start3A_78 = tpu.memref_slice %arg3[%arg1, %scan3A_41, %dma_start3A_76, %dma_start3A_77] : memref<16x125x5x80xi32, #tpu.memory_space<hbm>> -> memref<1x1x5x80xi32, #tpu.memory_space<hbm>>
        %dma_start3A_79 = tpu.memref_squeeze %dma_start3A_78 : memref<1x1x5x80xi32, #tpu.memory_space<hbm>> -> memref<5x80xi32, #tpu.memory_space<hbm>>
        %dma_start3A_80 = arith.constant 0 : i32
        %dma_start3A_81 = arith.constant 0 : i32
        %dma_start3A_82 = tpu.memref_slice %arg3[%arg1, %scan3A_41, %dma_start3A_80, %dma_start3A_81] : memref<16x125x5x80xi32, #tpu.memory_space<hbm>> -> memref<1x1x5x80xi32, #tpu.memory_space<hbm>>
        %dma_start3A_83 = tpu.memref_squeeze %dma_start3A_82 : memref<1x1x5x80xi32, #tpu.memory_space<hbm>> -> memref<5x80xi32, #tpu.memory_space<hbm>>
        tpu.enqueue_dma source(%dma_start3A_83 : memref<5x80xi32, #tpu.memory_space<hbm>>) target(%arg8 : memref<5x80xi32, #tpu.memory_space<vmem>>) target_semaphore(%run_scoped3A_75 : memref<!tpu.dma_semaphore, #tpu.memory_space<semaphore_mem>>)
        %dma_wait3A_84 = arith.constant 0 : i32
        %dma_wait3A_85 = arith.constant 0 : i32
        %dma_wait3A_86 = tpu.memref_slice %arg3[%arg1, %scan3A_41, %dma_wait3A_84, %dma_wait3A_85] : memref<16x125x5x80xi32, #tpu.memory_space<hbm>> -> memref<1x1x5x80xi32, #tpu.memory_space<hbm>>
        %dma_wait3A_87 = tpu.memref_squeeze %dma_wait3A_86 : memref<1x1x5x80xi32, #tpu.memory_space<hbm>> -> memref<5x80xi32, #tpu.memory_space<hbm>>
        %dma_wait3A_88 = arith.constant 0 : i32
        %dma_wait3A_89 = arith.constant 0 : i32
        %dma_wait3A_90 = tpu.memref_slice %arg3[%arg1, %scan3A_41, %dma_wait3A_88, %dma_wait3A_89] : memref<16x125x5x80xi32, #tpu.memory_space<hbm>> -> memref<1x1x5x80xi32, #tpu.memory_space<hbm>>
        %dma_wait3A_91 = tpu.memref_squeeze %dma_wait3A_90 : memref<1x1x5x80xi32, #tpu.memory_space<hbm>> -> memref<5x80xi32, #tpu.memory_space<hbm>>
        tpu.wait_dma2 semaphore(%run_scoped3A_75 : memref<!tpu.dma_semaphore, #tpu.memory_space<semaphore_mem>>) src(%dma_wait3A_91 : memref<5x80xi32, #tpu.memory_space<hbm>>) dst(%arg8 : memref<5x80xi32, #tpu.memory_space<vmem>>)
        tpu.yield
      }) : () -> ()
      "tpu.region"() ({
        %run_scoped3A_75 = tpu.sem_alloc : memref<!tpu.dma_semaphore, #tpu.memory_space<semaphore_mem>>
        %dma_start3A_76 = arith.constant 0 : i32
        %dma_start3A_77 = tpu.memref_slice %arg4[%arg1, %scan3A_41, %dma_start3A_76] : memref<16x125x80xf32, #tpu.memory_space<hbm>> -> memref<1x1x80xf32, #tpu.memory_space<hbm>>
        %dma_start3A_78 = tpu.memref_squeeze %dma_start3A_77 : memref<1x1x80xf32, #tpu.memory_space<hbm>> -> memref<80xf32, #tpu.memory_space<hbm>>
        %dma_start3A_79 = arith.constant 0 : i32
        %dma_start3A_80 = tpu.memref_slice %arg4[%arg1, %scan3A_41, %dma_start3A_79] : memref<16x125x80xf32, #tpu.memory_space<hbm>> -> memref<1x1x80xf32, #tpu.memory_space<hbm>>
        %dma_start3A_81 = tpu.memref_squeeze %dma_start3A_80 : memref<1x1x80xf32, #tpu.memory_space<hbm>> -> memref<80xf32, #tpu.memory_space<hbm>>
        tpu.enqueue_dma source(%dma_start3A_81 : memref<80xf32, #tpu.memory_space<hbm>>) target(%arg9 : memref<80xf32, #tpu.memory_space<vmem>>) target_semaphore(%run_scoped3A_75 : memref<!tpu.dma_semaphore, #tpu.memory_space<semaphore_mem>>)
        %dma_wait3A_82 = arith.constant 0 : i32
        %dma_wait3A_83 = tpu.memref_slice %arg4[%arg1, %scan3A_41, %dma_wait3A_82] : memref<16x125x80xf32, #tpu.memory_space<hbm>> -> memref<1x1x80xf32, #tpu.memory_space<hbm>>
        %dma_wait3A_84 = tpu.memref_squeeze %dma_wait3A_83 : memref<1x1x80xf32, #tpu.memory_space<hbm>> -> memref<80xf32, #tpu.memory_space<hbm>>
        %dma_wait3A_85 = arith.constant 0 : i32
        %dma_wait3A_86 = tpu.memref_slice %arg4[%arg1, %scan3A_41, %dma_wait3A_85] : memref<16x125x80xf32, #tpu.memory_space<hbm>> -> memref<1x1x80xf32, #tpu.memory_space<hbm>>
        %dma_wait3A_87 = tpu.memref_squeeze %dma_wait3A_86 : memref<1x1x80xf32, #tpu.memory_space<hbm>> -> memref<80xf32, #tpu.memory_space<hbm>>
        tpu.wait_dma2 semaphore(%run_scoped3A_75 : memref<!tpu.dma_semaphore, #tpu.memory_space<semaphore_mem>>) src(%dma_wait3A_87 : memref<80xf32, #tpu.memory_space<hbm>>) dst(%arg9 : memref<80xf32, #tpu.memory_space<vmem>>)
        tpu.yield
      }) : () -> ()
      %mul3A_42 = arith.constant 2 : i32
      %mul3A_43 = arith.muli %mul3A_42, %arg0 : i32
      %dma_start3A = arith.constant 0 : i32
      %dma_start3A_44 = tpu.memref_slice %arg8[%mul3A_43, %dma_start3A] : memref<5x80xi32, #tpu.memory_space<vmem>> -> memref<1x80xi32, #tpu.memory_space<vmem>>
      %dma_start3A_45 = tpu.memref_squeeze %dma_start3A_44 : memref<1x80xi32, #tpu.memory_space<vmem>> -> memref<80xi32, #tpu.memory_space<vmem>>
      %dma_start3A_46 = arith.constant 0 : i32
      %dma_start3A_47 = arith.constant 0 : i32
      %dma_start3A_48 = tpu.memref_slice %arg2[%dma_start3A_46, %dma_start3A_47] : memref<40000x128xf32, #tpu.memory_space<hbm>> -> memref<40000x128xf32, #tpu.memory_space<hbm>>
      tpu.enqueue_indirect_dma source(%dma_start3A_48 : memref<40000x128xf32, #tpu.memory_space<hbm>>) target(%arg11 : memref<80x128xf32, #tpu.memory_space<vmem>>) offsets(%dma_start3A_45 : memref<80xi32, #tpu.memory_space<vmem>>) semaphore(%arg15 : memref<!tpu.dma_semaphore, #tpu.memory_space<semaphore_mem>>)
      %mul3A_49 = arith.constant 2 : i32
      %mul3A_50 = arith.muli %mul3A_49, %arg0 : i32
      %add3A = arith.constant 1 : i32
      %add3A_51 = arith.addi %mul3A_50, %add3A : i32
      %dma_start3A_52 = arith.constant 0 : i32
      %dma_start3A_53 = tpu.memref_slice %arg8[%add3A_51, %dma_start3A_52] : memref<5x80xi32, #tpu.memory_space<vmem>> -> memref<1x80xi32, #tpu.memory_space<vmem>>
      %dma_start3A_54 = tpu.memref_squeeze %dma_start3A_53 : memref<1x80xi32, #tpu.memory_space<vmem>> -> memref<80xi32, #tpu.memory_space<vmem>>
      %dma_start3A_55 = arith.constant 0 : i32
      %dma_start3A_56 = arith.constant 0 : i32
      %dma_start3A_57 = tpu.memref_slice %arg2[%dma_start3A_55, %dma_start3A_56] : memref<40000x128xf32, #tpu.memory_space<hbm>> -> memref<40000x128xf32, #tpu.memory_space<hbm>>
      tpu.enqueue_indirect_dma source(%dma_start3A_57 : memref<40000x128xf32, #tpu.memory_space<hbm>>) target(%arg12 : memref<80x128xf32, #tpu.memory_space<vmem>>) offsets(%dma_start3A_54 : memref<80xi32, #tpu.memory_space<vmem>>) semaphore(%arg16 : memref<!tpu.dma_semaphore, #tpu.memory_space<semaphore_mem>>)
      %dma_wait3A = arith.constant 0 : i32
      %dma_wait3A_58 = tpu.memref_slice %arg8[%mul3A_43, %dma_wait3A] : memref<5x80xi32, #tpu.memory_space<vmem>> -> memref<1x80xi32, #tpu.memory_space<vmem>>
      %dma_wait3A_59 = tpu.memref_squeeze %dma_wait3A_58 : memref<1x80xi32, #tpu.memory_space<vmem>> -> memref<80xi32, #tpu.memory_space<vmem>>
      %dma_wait3A_60 = arith.constant 0 : i32
      %dma_wait3A_61 = arith.constant 0 : i32
      %dma_wait3A_62 = tpu.memref_slice %arg2[%dma_wait3A_60, %dma_wait3A_61] : memref<40000x128xf32, #tpu.memory_space<hbm>> -> memref<40000x128xf32, #tpu.memory_space<hbm>>
      tpu.wait_indirect_dma semaphore(%arg15 : memref<!tpu.dma_semaphore, #tpu.memory_space<semaphore_mem>>) src(%dma_wait3A_62 : memref<40000x128xf32, #tpu.memory_space<hbm>>) dst(%arg11 : memref<80x128xf32, #tpu.memory_space<vmem>>)
      %dma_wait3A_63 = arith.constant 0 : i32
      %dma_wait3A_64 = tpu.memref_slice %arg8[%add3A_51, %dma_wait3A_63] : memref<5x80xi32, #tpu.memory_space<vmem>> -> memref<1x80xi32, #tpu.memory_space<vmem>>
      %dma_wait3A_65 = tpu.memref_squeeze %dma_wait3A_64 : memref<1x80xi32, #tpu.memory_space<vmem>> -> memref<80xi32, #tpu.memory_space<vmem>>
      %dma_wait3A_66 = arith.constant 0 : i32
      %dma_wait3A_67 = arith.constant 0 : i32
      %dma_wait3A_68 = tpu.memref_slice %arg2[%dma_wait3A_66, %dma_wait3A_67] : memref<40000x128xf32, #tpu.memory_space<hbm>> -> memref<40000x128xf32, #tpu.memory_space<hbm>>
      tpu.wait_indirect_dma semaphore(%arg16 : memref<!tpu.dma_semaphore, #tpu.memory_space<semaphore_mem>>) src(%dma_wait3A_68 : memref<40000x128xf32, #tpu.memory_space<hbm>>) dst(%arg12 : memref<80x128xf32, #tpu.memory_space<vmem>>)
      %scan3A_69 = arith.constant 0 : i32
      %scan3A_70 = arith.constant 0 : i32
      %scan3A_71 = arith.constant 5 : i32
      %scan3A_72 = arith.addi %scan3A_70, %scan3A_71 : i32
      %scan3A_73 = arith.constant 1 : i32
      scf.for %scan3A_75 = %scan3A_70 to %scan3A_72 step %scan3A_73  : i32 {
        %mul3A_76 = arith.constant 16 : i32
        %mul3A_77 = arith.muli %scan3A_75, %mul3A_76 : i32
        %get3A_78 = arith.index_cast %mul3A_77 : i32 to index
        %get3A_79 = tpu.vector_load %arg9[%get3A_78] {strides = array<i32>} : memref<80xf32, #tpu.memory_space<vmem>>, vector<16xf32>,
        %get3A_80 = vector.shape_cast %get3A_79 : vector<16xf32> to vector<16xf32>
        %lt3A = arith.constant 5.000000e-01 : f32
        %lt3A_81 = vector.broadcast %lt3A : f32 to vector<16xf32>
        %lt3A_82 = arith.cmpf olt, %get3A_80, %lt3A_81 : vector<16xf32>
        %jit3A = arith.constant 1.000000e+00 : f32
        %jit3A_83 = arith.constant 0.000000e+00 : f32
        %broadcast_in_dim3A = vector.broadcast %jit3A : f32 to vector<16xf32>
        %broadcast_in_dim3A_84 = vector.broadcast %jit3A_83 : f32 to vector<16xf32>
        %select_n3A = arith.select %lt3A_82, %broadcast_in_dim3A, %broadcast_in_dim3A_84 : vector<16xi1>, vector<16xf32>
        %mul3A_85 = arith.constant 16 : i32
        %mul3A_86 = arith.muli %scan3A_75, %mul3A_85 : i32
        %add3A_87 = arith.constant 0 : i32
        %add3A_88 = arith.addi %mul3A_86, %add3A_87 : i32
        %slice3A = vector.extract_strided_slice %get3A_80 {offsets = [0], sizes = [1], strides = [1]} : vector<16xf32> to vector<1xf32>
        %squeeze3A = vector.extract %slice3A[0] : f32 from vector<1xf32>
        %slice3A_89 = vector.extract_strided_slice %select_n3A {offsets = [0], sizes = [1], strides = [1]} : vector<16xf32> to vector<1xf32>
        %squeeze3A_90 = vector.extract %slice3A_89[0] : f32 from vector<1xf32>
        %get3A_91 = arith.index_cast %add3A_88 : i32 to index
        %get3A_92 = arith.constant 0 : index
        %get3A_93 = tpu.vector_load %arg11[%get3A_91, %get3A_92] {strides = array<i32>} : memref<80x128xf32, #tpu.memory_space<vmem>>, vector<1x16xf32>,
        %get3A_94 = vector.shape_cast %get3A_93 : vector<1x16xf32> to vector<16xf32>
        %get3A_95 = arith.index_cast %add3A_88 : i32 to index
        %get3A_96 = arith.constant 0 : index
        %get3A_97 = tpu.vector_load %arg12[%get3A_95, %get3A_96] {strides = array<i32>} : memref<80x128xf32, #tpu.memory_space<vmem>>, vector<1x16xf32>,
        %get3A_98 = vector.shape_cast %get3A_97 : vector<1x16xf32> to vector<16xf32>
        %add3A_99 = arith.addf %get3A_94, %get3A_98 : vector<16xf32>
        %mul3A_100 = vector.broadcast %squeeze3A : f32 to vector<16xf32>
        %mul3A_101 = arith.mulf %mul3A_100, %get3A_4 : vector<16xf32>
        %add3A_102 = arith.addf %add3A_99, %mul3A_101 : vector<16xf32>
        %ge3A = arith.constant 0.000000e+00 : f32
        %ge3A_103 = vector.broadcast %ge3A : f32 to vector<16xf32>
        %ge3A_104 = arith.cmpf oge, %add3A_102, %ge3A_103 : vector<16xf32>
        %mul3A_105 = arith.constant 0.00999999977 : f32
        %mul3A_106 = vector.broadcast %mul3A_105 : f32 to vector<16xf32>
        %mul3A_107 = arith.mulf %mul3A_106, %add3A_102 : vector<16xf32>
        %select_n3A_108 = arith.select %ge3A_104, %add3A_102, %mul3A_107 : vector<16xi1>, vector<16xf32>
        %mul3A_109 = vector.broadcast %squeeze3A_90 : f32 to vector<16xf32>
        %mul3A_110 = arith.mulf %select_n3A_108, %mul3A_109 : vector<16xf32>
        %swap3A = arith.index_cast %add3A_88 : i32 to index
        %swap3A_111 = arith.constant 0 : index
        %swap3A_112 = tpu.vector_load %arg13[%swap3A, %swap3A_111] {strides = array<i32>} : memref<80x128xf32, #tpu.memory_space<vmem>>, vector<1x16xf32>,
        %swap3A_113 = vector.shape_cast %swap3A_112 : vector<1x16xf32> to vector<16xf32>
        %swap3A_114 = vector.shape_cast %mul3A_110 : vector<16xf32> to vector<1x16xf32>
        tpu.vector_store %arg13[%swap3A, %swap3A_111], %swap3A_114 {strides = array<i32>} : memref<80x128xf32, #tpu.memory_space<vmem>>, vector<1x16xf32>,
        %get3A_115 = arith.index_cast %add3A_88 : i32 to index
        %get3A_116 = arith.constant 16 : index
        %get3A_117 = tpu.vector_load %arg11[%get3A_115, %get3A_116] {strides = array<i32>} : memref<80x128xf32, #tpu.memory_space<vmem>>, vector<1x16xf32>,
        %get3A_118 = vector.shape_cast %get3A_117 : vector<1x16xf32> to vector<16xf32>
        %get3A_119 = arith.index_cast %add3A_88 : i32 to index
        %get3A_120 = arith.constant 16 : index
        %get3A_121 = tpu.vector_load %arg12[%get3A_119, %get3A_120] {strides = array<i32>} : memref<80x128xf32, #tpu.memory_space<vmem>>, vector<1x16xf32>,
        %get3A_122 = vector.shape_cast %get3A_121 : vector<1x16xf32> to vector<16xf32>
        %add3A_123 = arith.addf %get3A_118, %get3A_122 : vector<16xf32>
        %mul3A_124 = vector.broadcast %squeeze3A : f32 to vector<16xf32>
        %mul3A_125 = arith.mulf %mul3A_124, %get3A_7 : vector<16xf32>
        %add3A_126 = arith.addf %add3A_123, %mul3A_125 : vector<16xf32>
        %ge3A_127 = arith.constant 0.000000e+00 : f32
        %ge3A_128 = vector.broadcast %ge3A_127 : f32 to vector<16xf32>
        %ge3A_129 = arith.cmpf oge, %add3A_126, %ge3A_128 : vector<16xf32>
        %mul3A_130 = arith.constant 0.00999999977 : f32
        %mul3A_131 = vector.broadcast %mul3A_130 : f32 to vector<16xf32>
        %mul3A_132 = arith.mulf %mul3A_131, %add3A_126 : vector<16xf32>
        %select_n3A_133 = arith.select %ge3A_129, %add3A_126, %mul3A_132 : vector<16xi1>, vector<16xf32>
        %mul3A_134 = vector.broadcast %squeeze3A_90 : f32 to vector<16xf32>
        %mul3A_135 = arith.mulf %select_n3A_133, %mul3A_134 : vector<16xf32>
        %swap3A_136 = arith.index_cast %add3A_88 : i32 to index
        %swap3A_137 = arith.constant 16 : index
        %swap3A_138 = tpu.vector_load %arg13[%swap3A_136, %swap3A_137] {strides = array<i32>} : memref<80x128xf32, #tpu.memory_space<vmem>>, vector<1x16xf32>,
        %swap3A_139 = vector.shape_cast %swap3A_138 : vector<1x16xf32> to vector<16xf32>
        %swap3A_140 = vector.shape_cast %mul3A_135 : vector<16xf32> to vector<1x16xf32>
        tpu.vector_store %arg13[%swap3A_136, %swap3A_137], %swap3A_140 {strides = array<i32>} : memref<80x128xf32, #tpu.memory_space<vmem>>, vector<1x16xf32>,
        %get3A_141 = arith.index_cast %add3A_88 : i32 to index
        %get3A_142 = arith.constant 32 : index
        %get3A_143 = tpu.vector_load %arg11[%get3A_141, %get3A_142] {strides = array<i32>} : memref<80x128xf32, #tpu.memory_space<vmem>>, vector<1x16xf32>,
        %get3A_144 = vector.shape_cast %get3A_143 : vector<1x16xf32> to vector<16xf32>
        %get3A_145 = arith.index_cast %add3A_88 : i32 to index
        %get3A_146 = arith.constant 32 : index
        %get3A_147 = tpu.vector_load %arg12[%get3A_145, %get3A_146] {strides = array<i32>} : memref<80x128xf32, #tpu.memory_space<vmem>>, vector<1x16xf32>,
        %get3A_148 = vector.shape_cast %get3A_147 : vector<1x16xf32> to vector<16xf32>
        %add3A_149 = arith.addf %get3A_144, %get3A_148 : vector<16xf32>
        %mul3A_150 = vector.broadcast %squeeze3A : f32 to vector<16xf32>
        %mul3A_151 = arith.mulf %mul3A_150, %get3A_10 : vector<16xf32>
        %add3A_152 = arith.addf %add3A_149, %mul3A_151 : vector<16xf32>
        %ge3A_153 = arith.constant 0.000000e+00 : f32
        %ge3A_154 = vector.broadcast %ge3A_153 : f32 to vector<16xf32>
        %ge3A_155 = arith.cmpf oge, %add3A_152, %ge3A_154 : vector<16xf32>
        %mul3A_156 = arith.constant 0.00999999977 : f32
        %mul3A_157 = vector.broadcast %mul3A_156 : f32 to vector<16xf32>
        %mul3A_158 = arith.mulf %mul3A_157, %add3A_152 : vector<16xf32>
        %select_n3A_159 = arith.select %ge3A_155, %add3A_152, %mul3A_158 : vector<16xi1>, vector<16xf32>
        %mul3A_160 = vector.broadcast %squeeze3A_90 : f32 to vector<16xf32>
        %mul3A_161 = arith.mulf %select_n3A_159, %mul3A_160 : vector<16xf32>
        %swap3A_162 = arith.index_cast %add3A_88 : i32 to index
        %swap3A_163 = arith.constant 32 : index
        %swap3A_164 = tpu.vector_load %arg13[%swap3A_162, %swap3A_163] {strides = array<i32>} : memref<80x128xf32, #tpu.memory_space<vmem>>, vector<1x16xf32>,
        %swap3A_165 = vector.shape_cast %swap3A_164 : vector<1x16xf32> to vector<16xf32>
        %swap3A_166 = vector.shape_cast %mul3A_161 : vector<16xf32> to vector<1x16xf32>
        tpu.vector_store %arg13[%swap3A_162, %swap3A_163], %swap3A_166 {strides = array<i32>} : memref<80x128xf32, #tpu.memory_space<vmem>>, vector<1x16xf32>,
        %get3A_167 = arith.index_cast %add3A_88 : i32 to index
        %get3A_168 = arith.constant 48 : index
        %get3A_169 = tpu.vector_load %arg11[%get3A_167, %get3A_168] {strides = array<i32>} : memref<80x128xf32, #tpu.memory_space<vmem>>, vector<1x16xf32>,
        %get3A_170 = vector.shape_cast %get3A_169 : vector<1x16xf32> to vector<16xf32>
        %get3A_171 = arith.index_cast %add3A_88 : i32 to index
        %get3A_172 = arith.constant 48 : index
        %get3A_173 = tpu.vector_load %arg12[%get3A_171, %get3A_172] {strides = array<i32>} : memref<80x128xf32, #tpu.memory_space<vmem>>, vector<1x16xf32>,
        %get3A_174 = vector.shape_cast %get3A_173 : vector<1x16xf32> to vector<16xf32>
        %add3A_175 = arith.addf %get3A_170, %get3A_174 : vector<16xf32>
        %mul3A_176 = vector.broadcast %squeeze3A : f32 to vector<16xf32>
        %mul3A_177 = arith.mulf %mul3A_176, %get3A_13 : vector<16xf32>
        %add3A_178 = arith.addf %add3A_175, %mul3A_177 : vector<16xf32>
        %ge3A_179 = arith.constant 0.000000e+00 : f32
        %ge3A_180 = vector.broadcast %ge3A_179 : f32 to vector<16xf32>
        %ge3A_181 = arith.cmpf oge, %add3A_178, %ge3A_180 : vector<16xf32>
        %mul3A_182 = arith.constant 0.00999999977 : f32
        %mul3A_183 = vector.broadcast %mul3A_182 : f32 to vector<16xf32>
        %mul3A_184 = arith.mulf %mul3A_183, %add3A_178 : vector<16xf32>
        %select_n3A_185 = arith.select %ge3A_181, %add3A_178, %mul3A_184 : vector<16xi1>, vector<16xf32>
        %mul3A_186 = vector.broadcast %squeeze3A_90 : f32 to vector<16xf32>
        %mul3A_187 = arith.mulf %select_n3A_185, %mul3A_186 : vector<16xf32>
        %swap3A_188 = arith.index_cast %add3A_88 : i32 to index
        %swap3A_189 = arith.constant 48 : index
        %swap3A_190 = tpu.vector_load %arg13[%swap3A_188, %swap3A_189] {strides = array<i32>} : memref<80x128xf32, #tpu.memory_space<vmem>>, vector<1x16xf32>,
        %swap3A_191 = vector.shape_cast %swap3A_190 : vector<1x16xf32> to vector<16xf32>
        %swap3A_192 = vector.shape_cast %mul3A_187 : vector<16xf32> to vector<1x16xf32>
        tpu.vector_store %arg13[%swap3A_188, %swap3A_189], %swap3A_192 {strides = array<i32>} : memref<80x128xf32, #tpu.memory_space<vmem>>, vector<1x16xf32>,
        %get3A_193 = arith.index_cast %add3A_88 : i32 to index
        %get3A_194 = arith.constant 64 : index
        %get3A_195 = tpu.vector_load %arg11[%get3A_193, %get3A_194] {strides = array<i32>} : memref<80x128xf32, #tpu.memory_space<vmem>>, vector<1x16xf32>,
        %get3A_196 = vector.shape_cast %get3A_195 : vector<1x16xf32> to vector<16xf32>
        %get3A_197 = arith.index_cast %add3A_88 : i32 to index
        %get3A_198 = arith.constant 64 : index
        %get3A_199 = tpu.vector_load %arg12[%get3A_197, %get3A_198] {strides = array<i32>} : memref<80x128xf32, #tpu.memory_space<vmem>>, vector<1x16xf32>,
        %get3A_200 = vector.shape_cast %get3A_199 : vector<1x16xf32> to vector<16xf32>
        %add3A_201 = arith.addf %get3A_196, %get3A_200 : vector<16xf32>
        %mul3A_202 = vector.broadcast %squeeze3A : f32 to vector<16xf32>
        %mul3A_203 = arith.mulf %mul3A_202, %get3A_16 : vector<16xf32>
        %add3A_204 = arith.addf %add3A_201, %mul3A_203 : vector<16xf32>
        %ge3A_205 = arith.constant 0.000000e+00 : f32
        %ge3A_206 = vector.broadcast %ge3A_205 : f32 to vector<16xf32>
        %ge3A_207 = arith.cmpf oge, %add3A_204, %ge3A_206 : vector<16xf32>
        %mul3A_208 = arith.constant 0.00999999977 : f32
        %mul3A_209 = vector.broadcast %mul3A_208 : f32 to vector<16xf32>
        %mul3A_210 = arith.mulf %mul3A_209, %add3A_204 : vector<16xf32>
        %select_n3A_211 = arith.select %ge3A_207, %add3A_204, %mul3A_210 : vector<16xi1>, vector<16xf32>
        %mul3A_212 = vector.broadcast %squeeze3A_90 : f32 to vector<16xf32>
        %mul3A_213 = arith.mulf %select_n3A_211, %mul3A_212 : vector<16xf32>
        %swap3A_214 = arith.index_cast %add3A_88 : i32 to index
        %swap3A_215 = arith.constant 64 : index
        %swap3A_216 = tpu.vector_load %arg13[%swap3A_214, %swap3A_215] {strides = array<i32>} : memref<80x128xf32, #tpu.memory_space<vmem>>, vector<1x16xf32>,
        %swap3A_217 = vector.shape_cast %swap3A_216 : vector<1x16xf32> to vector<16xf32>
        %swap3A_218 = vector.shape_cast %mul3A_213 : vector<16xf32> to vector<1x16xf32>
        tpu.vector_store %arg13[%swap3A_214, %swap3A_215], %swap3A_218 {strides = array<i32>} : memref<80x128xf32, #tpu.memory_space<vmem>>, vector<1x16xf32>,
        %get3A_219 = arith.index_cast %add3A_88 : i32 to index
        %get3A_220 = arith.constant 80 : index
        %get3A_221 = tpu.vector_load %arg11[%get3A_219, %get3A_220] {strides = array<i32>} : memref<80x128xf32, #tpu.memory_space<vmem>>, vector<1x16xf32>,
        %get3A_222 = vector.shape_cast %get3A_221 : vector<1x16xf32> to vector<16xf32>
        %get3A_223 = arith.index_cast %add3A_88 : i32 to index
        %get3A_224 = arith.constant 80 : index
        %get3A_225 = tpu.vector_load %arg12[%get3A_223, %get3A_224] {strides = array<i32>} : memref<80x128xf32, #tpu.memory_space<vmem>>, vector<1x16xf32>,
        %get3A_226 = vector.shape_cast %get3A_225 : vector<1x16xf32> to vector<16xf32>
        %add3A_227 = arith.addf %get3A_222, %get3A_226 : vector<16xf32>
        %mul3A_228 = vector.broadcast %squeeze3A : f32 to vector<16xf32>
        %mul3A_229 = arith.mulf %mul3A_228, %get3A_19 : vector<16xf32>
        %add3A_230 = arith.addf %add3A_227, %mul3A_229 : vector<16xf32>
        %ge3A_231 = arith.constant 0.000000e+00 : f32
        %ge3A_232 = vector.broadcast %ge3A_231 : f32 to vector<16xf32>
        %ge3A_233 = arith.cmpf oge, %add3A_230, %ge3A_232 : vector<16xf32>
        %mul3A_234 = arith.constant 0.00999999977 : f32
        %mul3A_235 = vector.broadcast %mul3A_234 : f32 to vector<16xf32>
        %mul3A_236 = arith.mulf %mul3A_235, %add3A_230 : vector<16xf32>
        %select_n3A_237 = arith.select %ge3A_233, %add3A_230, %mul3A_236 : vector<16xi1>, vector<16xf32>
        %mul3A_238 = vector.broadcast %squeeze3A_90 : f32 to vector<16xf32>
        %mul3A_239 = arith.mulf %select_n3A_237, %mul3A_238 : vector<16xf32>
        %swap3A_240 = arith.index_cast %add3A_88 : i32 to index
        %swap3A_241 = arith.constant 80 : index
        %swap3A_242 = tpu.vector_load %arg13[%swap3A_240, %swap3A_241] {strides = array<i32>} : memref<80x128xf32, #tpu.memory_space<vmem>>, vector<1x16xf32>,
        %swap3A_243 = vector.shape_cast %swap3A_242 : vector<1x16xf32> to vector<16xf32>
        %swap3A_244 = vector.shape_cast %mul3A_239 : vector<16xf32> to vector<1x16xf32>
        tpu.vector_store %arg13[%swap3A_240, %swap3A_241], %swap3A_244 {strides = array<i32>} : memref<80x128xf32, #tpu.memory_space<vmem>>, vector<1x16xf32>,
        %get3A_245 = arith.index_cast %add3A_88 : i32 to index
        %get3A_246 = arith.constant 96 : index
        %get3A_247 = tpu.vector_load %arg11[%get3A_245, %get3A_246] {strides = array<i32>} : memref<80x128xf32, #tpu.memory_space<vmem>>, vector<1x16xf32>,
        %get3A_248 = vector.shape_cast %get3A_247 : vector<1x16xf32> to vector<16xf32>
        %get3A_249 = arith.index_cast %add3A_88 : i32 to index
        %get3A_250 = arith.constant 96 : index
        %get3A_251 = tpu.vector_load %arg12[%get3A_249, %get3A_250] {strides = array<i32>} : memref<80x128xf32, #tpu.memory_space<vmem>>, vector<1x16xf32>,
        %get3A_252 = vector.shape_cast %get3A_251 : vector<1x16xf32> to vector<16xf32>
        %add3A_253 = arith.addf %get3A_248, %get3A_252 : vector<16xf32>
        %mul3A_254 = vector.broadcast %squeeze3A : f32 to vector<16xf32>
        %mul3A_255 = arith.mulf %mul3A_254, %get3A_22 : vector<16xf32>
        %add3A_256 = arith.addf %add3A_253, %mul3A_255 : vector<16xf32>
        %ge3A_257 = arith.constant 0.000000e+00 : f32
        %ge3A_258 = vector.broadcast %ge3A_257 : f32 to vector<16xf32>
        %ge3A_259 = arith.cmpf oge, %add3A_256, %ge3A_258 : vector<16xf32>
        %mul3A_260 = arith.constant 0.00999999977 : f32
        %mul3A_261 = vector.broadcast %mul3A_260 : f32 to vector<16xf32>
        %mul3A_262 = arith.mulf %mul3A_261, %add3A_256 : vector<16xf32>
        %select_n3A_263 = arith.select %ge3A_259, %add3A_256, %mul3A_262 : vector<16xi1>, vector<16xf32>
        %mul3A_264 = vector.broadcast %squeeze3A_90 : f32 to vector<16xf32>
        %mul3A_265 = arith.mulf %select_n3A_263, %mul3A_264 : vector<16xf32>
        %swap3A_266 = arith.index_cast %add3A_88 : i32 to index
        %swap3A_267 = arith.constant 96 : index
        %swap3A_268 = tpu.vector_load %arg13[%swap3A_266, %swap3A_267] {strides = array<i32>} : memref<80x128xf32, #tpu.memory_space<vmem>>, vector<1x16xf32>,
        %swap3A_269 = vector.shape_cast %swap3A_268 : vector<1x16xf32> to vector<16xf32>
        %swap3A_270 = vector.shape_cast %mul3A_265 : vector<16xf32> to vector<1x16xf32>
        tpu.vector_store %arg13[%swap3A_266, %swap3A_267], %swap3A_270 {strides = array<i32>} : memref<80x128xf32, #tpu.memory_space<vmem>>, vector<1x16xf32>,
        %get3A_271 = arith.index_cast %add3A_88 : i32 to index
        %get3A_272 = arith.constant 112 : index
        %get3A_273 = tpu.vector_load %arg11[%get3A_271, %get3A_272] {strides = array<i32>} : memref<80x128xf32, #tpu.memory_space<vmem>>, vector<1x16xf32>,
        %get3A_274 = vector.shape_cast %get3A_273 : vector<1x16xf32> to vector<16xf32>
        %get3A_275 = arith.index_cast %add3A_88 : i32 to index
        %get3A_276 = arith.constant 112 : index
        %get3A_277 = tpu.vector_load %arg12[%get3A_275, %get3A_276] {strides = array<i32>} : memref<80x128xf32, #tpu.memory_space<vmem>>, vector<1x16xf32>,
        %get3A_278 = vector.shape_cast %get3A_277 : vector<1x16xf32> to vector<16xf32>
        %add3A_279 = arith.addf %get3A_274, %get3A_278 : vector<16xf32>
        %mul3A_280 = vector.broadcast %squeeze3A : f32 to vector<16xf32>
        %mul3A_281 = arith.mulf %mul3A_280, %get3A_25 : vector<16xf32>
        %add3A_282 = arith.addf %add3A_279, %mul3A_281 : vector<16xf32>
        %ge3A_283 = arith.constant 0.000000e+00 : f32
        %ge3A_284 = vector.broadcast %ge3A_283 : f32 to vector<16xf32>
        %ge3A_285 = arith.cmpf oge, %add3A_282, %ge3A_284 : vector<16xf32>
        %mul3A_286 = arith.constant 0.00999999977 : f32
        %mul3A_287 = vector.broadcast %mul3A_286 : f32 to vector<16xf32>
        %mul3A_288 = arith.mulf %mul3A_287, %add3A_282 : vector<16xf32>
        %select_n3A_289 = arith.select %ge3A_285, %add3A_282, %mul3A_288 : vector<16xi1>, vector<16xf32>
        %mul3A_290 = vector.broadcast %squeeze3A_90 : f32 to vector<16xf32>
        %mul3A_291 = arith.mulf %select_n3A_289, %mul3A_290 : vector<16xf32>
        %swap3A_292 = arith.index_cast %add3A_88 : i32 to index
        %swap3A_293 = arith.constant 112 : index
        %swap3A_294 = tpu.vector_load %arg13[%swap3A_292, %swap3A_293] {strides = array<i32>} : memref<80x128xf32, #tpu.memory_space<vmem>>, vector<1x16xf32>,
        %swap3A_295 = vector.shape_cast %swap3A_294 : vector<1x16xf32> to vector<16xf32>
        %swap3A_296 = vector.shape_cast %mul3A_291 : vector<16xf32> to vector<1x16xf32>
        tpu.vector_store %arg13[%swap3A_292, %swap3A_293], %swap3A_296 {strides = array<i32>} : memref<80x128xf32, #tpu.memory_space<vmem>>, vector<1x16xf32>,
        %mul3A_297 = arith.constant 16 : i32
        %mul3A_298 = arith.muli %scan3A_75, %mul3A_297 : i32
        %add3A_299 = arith.constant 1 : i32
        %add3A_300 = arith.addi %mul3A_298, %add3A_299 : i32
        %slice3A_301 = vector.extract_strided_slice %get3A_80 {offsets = [1], sizes = [1], strides = [1]} : vector<16xf32> to vector<1xf32>
        %squeeze3A_302 = vector.extract %slice3A_301[0] : f32 from vector<1xf32>
        %slice3A_303 = vector.extract_strided_slice %select_n3A {offsets = [1], sizes = [1], strides = [1]} : vector<16xf32> to vector<1xf32>
        %squeeze3A_304 = vector.extract %slice3A_303[0] : f32 from vector<1xf32>
        %get3A_305 = arith.index_cast %add3A_300 : i32 to index
        %get3A_306 = arith.constant 0 : index
        %get3A_307 = tpu.vector_load %arg11[%get3A_305, %get3A_306] {strides = array<i32>} : memref<80x128xf32, #tpu.memory_space<vmem>>, vector<1x16xf32>,
        %get3A_308 = vector.shape_cast %get3A_307 : vector<1x16xf32> to vector<16xf32>
        %get3A_309 = arith.index_cast %add3A_300 : i32 to index
        %get3A_310 = arith.constant 0 : index
        %get3A_311 = tpu.vector_load %arg12[%get3A_309, %get3A_310] {strides = array<i32>} : memref<80x128xf32, #tpu.memory_space<vmem>>, vector<1x16xf32>,
        %get3A_312 = vector.shape_cast %get3A_311 : vector<1x16xf32> to vector<16xf32>
        %add3A_313 = arith.addf %get3A_308, %get3A_312 : vector<16xf32>
        %mul3A_314 = vector.broadcast %squeeze3A_302 : f32 to vector<16xf32>
        %mul3A_315 = arith.mulf %mul3A_314, %get3A_4 : vector<16xf32>
        %add3A_316 = arith.addf %add3A_313, %mul3A_315 : vector<16xf32>
        %ge3A_317 = arith.constant 0.000000e+00 : f32
        %ge3A_318 = vector.broadcast %ge3A_317 : f32 to vector<16xf32>
        %ge3A_319 = arith.cmpf oge, %add3A_316, %ge3A_318 : vector<16xf32>
        %mul3A_320 = arith.constant 0.00999999977 : f32
        %mul3A_321 = vector.broadcast %mul3A_320 : f32 to vector<16xf32>
        %mul3A_322 = arith.mulf %mul3A_321, %add3A_316 : vector<16xf32>
        %select_n3A_323 = arith.select %ge3A_319, %add3A_316, %mul3A_322 : vector<16xi1>, vector<16xf32>
        %mul3A_324 = vector.broadcast %squeeze3A_304 : f32 to vector<16xf32>
        %mul3A_325 = arith.mulf %select_n3A_323, %mul3A_324 : vector<16xf32>
        %swap3A_326 = arith.index_cast %add3A_300 : i32 to index
        %swap3A_327 = arith.constant 0 : index
        %swap3A_328 = tpu.vector_load %arg13[%swap3A_326, %swap3A_327] {strides = array<i32>} : memref<80x128xf32, #tpu.memory_space<vmem>>, vector<1x16xf32>,
        %swap3A_329 = vector.shape_cast %swap3A_328 : vector<1x16xf32> to vector<16xf32>
        %swap3A_330 = vector.shape_cast %mul3A_325 : vector<16xf32> to vector<1x16xf32>
        tpu.vector_store %arg13[%swap3A_326, %swap3A_327], %swap3A_330 {strides = array<i32>} : memref<80x128xf32, #tpu.memory_space<vmem>>, vector<1x16xf32>,
        %get3A_331 = arith.index_cast %add3A_300 : i32 to index
        %get3A_332 = arith.constant 16 : index
        %get3A_333 = tpu.vector_load %arg11[%get3A_331, %get3A_332] {strides = array<i32>} : memref<80x128xf32, #tpu.memory_space<vmem>>, vector<1x16xf32>,
        %get3A_334 = vector.shape_cast %get3A_333 : vector<1x16xf32> to vector<16xf32>
        %get3A_335 = arith.index_cast %add3A_300 : i32 to index
        %get3A_336 = arith.constant 16 : index
        %get3A_337 = tpu.vector_load %arg12[%get3A_335, %get3A_336] {strides = array<i32>} : memref<80x128xf32, #tpu.memory_space<vmem>>, vector<1x16xf32>,
        %get3A_338 = vector.shape_cast %get3A_337 : vector<1x16xf32> to vector<16xf32>
        %add3A_339 = arith.addf %get3A_334, %get3A_338 : vector<16xf32>
        %mul3A_340 = vector.broadcast %squeeze3A_302 : f32 to vector<16xf32>
        %mul3A_341 = arith.mulf %mul3A_340, %get3A_7 : vector<16xf32>
        %add3A_342 = arith.addf %add3A_339, %mul3A_341 : vector<16xf32>
        %ge3A_343 = arith.constant 0.000000e+00 : f32
        %ge3A_344 = vector.broadcast %ge3A_343 : f32 to vector<16xf32>
        %ge3A_345 = arith.cmpf oge, %add3A_342, %ge3A_344 : vector<16xf32>
        %mul3A_346 = arith.constant 0.00999999977 : f32
        %mul3A_347 = vector.broadcast %mul3A_346 : f32 to vector<16xf32>
        %mul3A_348 = arith.mulf %mul3A_347, %add3A_342 : vector<16xf32>
        %select_n3A_349 = arith.select %ge3A_345, %add3A_342, %mul3A_348 : vector<16xi1>, vector<16xf32>
        %mul3A_350 = vector.broadcast %squeeze3A_304 : f32 to vector<16xf32>
        %mul3A_351 = arith.mulf %select_n3A_349, %mul3A_350 : vector<16xf32>
        %swap3A_352 = arith.index_cast %add3A_300 : i32 to index
        %swap3A_353 = arith.constant 16 : index
        %swap3A_354 = tpu.vector_load %arg13[%swap3A_352, %swap3A_353] {strides = array<i32>} : memref<80x128xf32, #tpu.memory_space<vmem>>, vector<1x16xf32>,
        %swap3A_355 = vector.shape_cast %swap3A_354 : vector<1x16xf32> to vector<16xf32>
        %swap3A_356 = vector.shape_cast %mul3A_351 : vector<16xf32> to vector<1x16xf32>
        tpu.vector_store %arg13[%swap3A_352, %swap3A_353], %swap3A_356 {strides = array<i32>} : memref<80x128xf32, #tpu.memory_space<vmem>>, vector<1x16xf32>,
        %get3A_357 = arith.index_cast %add3A_300 : i32 to index
        %get3A_358 = arith.constant 32 : index
        %get3A_359 = tpu.vector_load %arg11[%get3A_357, %get3A_358] {strides = array<i32>} : memref<80x128xf32, #tpu.memory_space<vmem>>, vector<1x16xf32>,
        %get3A_360 = vector.shape_cast %get3A_359 : vector<1x16xf32> to vector<16xf32>
        %get3A_361 = arith.index_cast %add3A_300 : i32 to index
        %get3A_362 = arith.constant 32 : index
        %get3A_363 = tpu.vector_load %arg12[%get3A_361, %get3A_362] {strides = array<i32>} : memref<80x128xf32, #tpu.memory_space<vmem>>, vector<1x16xf32>,
        %get3A_364 = vector.shape_cast %get3A_363 : vector<1x16xf32> to vector<16xf32>
        %add3A_365 = arith.addf %get3A_360, %get3A_364 : vector<16xf32>
        %mul3A_366 = vector.broadcast %squeeze3A_302 : f32 to vector<16xf32>
        %mul3A_367 = arith.mulf %mul3A_366, %get3A_10 : vector<16xf32>
        %add3A_368 = arith.addf %add3A_365, %mul3A_367 : vector<16xf32>
        %ge3A_369 = arith.constant 0.000000e+00 : f32
        %ge3A_370 = vector.broadcast %ge3A_369 : f32 to vector<16xf32>
        %ge3A_371 = arith.cmpf oge, %add3A_368, %ge3A_370 : vector<16xf32>
        %mul3A_372 = arith.constant 0.00999999977 : f32
        %mul3A_373 = vector.broadcast %mul3A_372 : f32 to vector<16xf32>
        %mul3A_374 = arith.mulf %mul3A_373, %add3A_368 : vector<16xf32>
        %select_n3A_375 = arith.select %ge3A_371, %add3A_368, %mul3A_374 : vector<16xi1>, vector<16xf32>
        %mul3A_376 = vector.broadcast %squeeze3A_304 : f32 to vector<16xf32>
        %mul3A_377 = arith.mulf %select_n3A_375, %mul3A_376 : vector<16xf32>
        %swap3A_378 = arith.index_cast %add3A_300 : i32 to index
        %swap3A_379 = arith.constant 32 : index
        %swap3A_380 = tpu.vector_load %arg13[%swap3A_378, %swap3A_379] {strides = array<i32>} : memref<80x128xf32, #tpu.memory_space<vmem>>, vector<1x16xf32>,
        %swap3A_381 = vector.shape_cast %swap3A_380 : vector<1x16xf32> to vector<16xf32>
        %swap3A_382 = vector.shape_cast %mul3A_377 : vector<16xf32> to vector<1x16xf32>
        tpu.vector_store %arg13[%swap3A_378, %swap3A_379], %swap3A_382 {strides = array<i32>} : memref<80x128xf32, #tpu.memory_space<vmem>>, vector<1x16xf32>,
        %get3A_383 = arith.index_cast %add3A_300 : i32 to index
        %get3A_384 = arith.constant 48 : index
        %get3A_385 = tpu.vector_load %arg11[%get3A_383, %get3A_384] {strides = array<i32>} : memref<80x128xf32, #tpu.memory_space<vmem>>, vector<1x16xf32>,
        %get3A_386 = vector.shape_cast %get3A_385 : vector<1x16xf32> to vector<16xf32>
        %get3A_387 = arith.index_cast %add3A_300 : i32 to index
        %get3A_388 = arith.constant 48 : index
        %get3A_389 = tpu.vector_load %arg12[%get3A_387, %get3A_388] {strides = array<i32>} : memref<80x128xf32, #tpu.memory_space<vmem>>, vector<1x16xf32>,
        %get3A_390 = vector.shape_cast %get3A_389 : vector<1x16xf32> to vector<16xf32>
        %add3A_391 = arith.addf %get3A_386, %get3A_390 : vector<16xf32>
        %mul3A_392 = vector.broadcast %squeeze3A_302 : f32 to vector<16xf32>
        %mul3A_393 = arith.mulf %mul3A_392, %get3A_13 : vector<16xf32>
        %add3A_394 = arith.addf %add3A_391, %mul3A_393 : vector<16xf32>
        %ge3A_395 = arith.constant 0.000000e+00 : f32
        %ge3A_396 = vector.broadcast %ge3A_395 : f32 to vector<16xf32>
        %ge3A_397 = arith.cmpf oge, %add3A_394, %ge3A_396 : vector<16xf32>
        %mul3A_398 = arith.constant 0.00999999977 : f32
        %mul3A_399 = vector.broadcast %mul3A_398 : f32 to vector<16xf32>
        %mul3A_400 = arith.mulf %mul3A_399, %add3A_394 : vector<16xf32>
        %select_n3A_401 = arith.select %ge3A_397, %add3A_394, %mul3A_400 : vector<16xi1>, vector<16xf32>
        %mul3A_402 = vector.broadcast %squeeze3A_304 : f32 to vector<16xf32>
        %mul3A_403 = arith.mulf %select_n3A_401, %mul3A_402 : vector<16xf32>
        %swap3A_404 = arith.index_cast %add3A_300 : i32 to index
        %swap3A_405 = arith.constant 48 : index
        %swap3A_406 = tpu.vector_load %arg13[%swap3A_404, %swap3A_405] {strides = array<i32>} : memref<80x128xf32, #tpu.memory_space<vmem>>, vector<1x16xf32>,
        %swap3A_407 = vector.shape_cast %swap3A_406 : vector<1x16xf32> to vector<16xf32>
        %swap3A_408 = vector.shape_cast %mul3A_403 : vector<16xf32> to vector<1x16xf32>
        tpu.vector_store %arg13[%swap3A_404, %swap3A_405], %swap3A_408 {strides = array<i32>} : memref<80x128xf32, #tpu.memory_space<vmem>>, vector<1x16xf32>,
        %get3A_409 = arith.index_cast %add3A_300 : i32 to index
        %get3A_410 = arith.constant 64 : index
        %get3A_411 = tpu.vector_load %arg11[%get3A_409, %get3A_410] {strides = array<i32>} : memref<80x128xf32, #tpu.memory_space<vmem>>, vector<1x16xf32>,
        %get3A_412 = vector.shape_cast %get3A_411 : vector<1x16xf32> to vector<16xf32>
        %get3A_413 = arith.index_cast %add3A_300 : i32 to index
        %get3A_414 = arith.constant 64 : index
        %get3A_415 = tpu.vector_load %arg12[%get3A_413, %get3A_414] {strides = array<i32>} : memref<80x128xf32, #tpu.memory_space<vmem>>, vector<1x16xf32>,
        %get3A_416 = vector.shape_cast %get3A_415 : vector<1x16xf32> to vector<16xf32>
        %add3A_417 = arith.addf %get3A_412, %get3A_416 : vector<16xf32>
        %mul3A_418 = vector.broadcast %squeeze3A_302 : f32 to vector<16xf32>
        %mul3A_419 = arith.mulf %mul3A_418, %get3A_16 : vector<16xf32>
        %add3A_420 = arith.addf %add3A_417, %mul3A_419 : vector<16xf32>
        %ge3A_421 = arith.constant 0.000000e+00 : f32
        %ge3A_422 = vector.broadcast %ge3A_421 : f32 to vector<16xf32>
        %ge3A_423 = arith.cmpf oge, %add3A_420, %ge3A_422 : vector<16xf32>
        %mul3A_424 = arith.constant 0.00999999977 : f32
        %mul3A_425 = vector.broadcast %mul3A_424 : f32 to vector<16xf32>
        %mul3A_426 = arith.mulf %mul3A_425, %add3A_420 : vector<16xf32>
        %select_n3A_427 = arith.select %ge3A_423, %add3A_420, %mul3A_426 : vector<16xi1>, vector<16xf32>
        %mul3A_428 = vector.broadcast %squeeze3A_304 : f32 to vector<16xf32>
        %mul3A_429 = arith.mulf %select_n3A_427, %mul3A_428 : vector<16xf32>
        %swap3A_430 = arith.index_cast %add3A_300 : i32 to index
        %swap3A_431 = arith.constant 64 : index
        %swap3A_432 = tpu.vector_load %arg13[%swap3A_430, %swap3A_431] {strides = array<i32>} : memref<80x128xf32, #tpu.memory_space<vmem>>, vector<1x16xf32>,
        %swap3A_433 = vector.shape_cast %swap3A_432 : vector<1x16xf32> to vector<16xf32>
        %swap3A_434 = vector.shape_cast %mul3A_429 : vector<16xf32> to vector<1x16xf32>
        tpu.vector_store %arg13[%swap3A_430, %swap3A_431], %swap3A_434 {strides = array<i32>} : memref<80x128xf32, #tpu.memory_space<vmem>>, vector<1x16xf32>,
        %get3A_435 = arith.index_cast %add3A_300 : i32 to index
        %get3A_436 = arith.constant 80 : index
        %get3A_437 = tpu.vector_load %arg11[%get3A_435, %get3A_436] {strides = array<i32>} : memref<80x128xf32, #tpu.memory_space<vmem>>, vector<1x16xf32>,
        %get3A_438 = vector.shape_cast %get3A_437 : vector<1x16xf32> to vector<16xf32>
        %get3A_439 = arith.index_cast %add3A_300 : i32 to index
        %get3A_440 = arith.constant 80 : index
        %get3A_441 = tpu.vector_load %arg12[%get3A_439, %get3A_440] {strides = array<i32>} : memref<80x128xf32, #tpu.memory_space<vmem>>, vector<1x16xf32>,
        %get3A_442 = vector.shape_cast %get3A_441 : vector<1x16xf32> to vector<16xf32>
        %add3A_443 = arith.addf %get3A_438, %get3A_442 : vector<16xf32>
        %mul3A_444 = vector.broadcast %squeeze3A_302 : f32 to vector<16xf32>
        %mul3A_445 = arith.mulf %mul3A_444, %get3A_19 : vector<16xf32>
        %add3A_446 = arith.addf %add3A_443, %mul3A_445 : vector<16xf32>
        %ge3A_447 = arith.constant 0.000000e+00 : f32
        %ge3A_448 = vector.broadcast %ge3A_447 : f32 to vector<16xf32>
        %ge3A_449 = arith.cmpf oge, %add3A_446, %ge3A_448 : vector<16xf32>
        %mul3A_450 = arith.constant 0.00999999977 : f32
        %mul3A_451 = vector.broadcast %mul3A_450 : f32 to vector<16xf32>
        %mul3A_452 = arith.mulf %mul3A_451, %add3A_446 : vector<16xf32>
        %select_n3A_453 = arith.select %ge3A_449, %add3A_446, %mul3A_452 : vector<16xi1>, vector<16xf32>
        %mul3A_454 = vector.broadcast %squeeze3A_304 : f32 to vector<16xf32>
        %mul3A_455 = arith.mulf %select_n3A_453, %mul3A_454 : vector<16xf32>
        %swap3A_456 = arith.index_cast %add3A_300 : i32 to index
        %swap3A_457 = arith.constant 80 : index
        %swap3A_458 = tpu.vector_load %arg13[%swap3A_456, %swap3A_457] {strides = array<i32>} : memref<80x128xf32, #tpu.memory_space<vmem>>, vector<1x16xf32>,
        %swap3A_459 = vector.shape_cast %swap3A_458 : vector<1x16xf32> to vector<16xf32>
        %swap3A_460 = vector.shape_cast %mul3A_455 : vector<16xf32> to vector<1x16xf32>
        tpu.vector_store %arg13[%swap3A_456, %swap3A_457], %swap3A_460 {strides = array<i32>} : memref<80x128xf32, #tpu.memory_space<vmem>>, vector<1x16xf32>,
        %get3A_461 = arith.index_cast %add3A_300 : i32 to index
        %get3A_462 = arith.constant 96 : index
        %get3A_463 = tpu.vector_load %arg11[%get3A_461, %get3A_462] {strides = array<i32>} : memref<80x128xf32, #tpu.memory_space<vmem>>, vector<1x16xf32>,
        %get3A_464 = vector.shape_cast %get3A_463 : vector<1x16xf32> to vector<16xf32>
        %get3A_465 = arith.index_cast %add3A_300 : i32 to index
        %get3A_466 = arith.constant 96 : index
        %get3A_467 = tpu.vector_load %arg12[%get3A_465, %get3A_466] {strides = array<i32>} : memref<80x128xf32, #tpu.memory_space<vmem>>, vector<1x16xf32>,
        %get3A_468 = vector.shape_cast %get3A_467 : vector<1x16xf32> to vector<16xf32>
        %add3A_469 = arith.addf %get3A_464, %get3A_468 : vector<16xf32>
        %mul3A_470 = vector.broadcast %squeeze3A_302 : f32 to vector<16xf32>
        %mul3A_471 = arith.mulf %mul3A_470, %get3A_22 : vector<16xf32>
        %add3A_472 = arith.addf %add3A_469, %mul3A_471 : vector<16xf32>
        %ge3A_473 = arith.constant 0.000000e+00 : f32
        %ge3A_474 = vector.broadcast %ge3A_473 : f32 to vector<16xf32>
        %ge3A_475 = arith.cmpf oge, %add3A_472, %ge3A_474 : vector<16xf32>
        %mul3A_476 = arith.constant 0.00999999977 : f32
        %mul3A_477 = vector.broadcast %mul3A_476 : f32 to vector<16xf32>
        %mul3A_478 = arith.mulf %mul3A_477, %add3A_472 : vector<16xf32>
        %select_n3A_479 = arith.select %ge3A_475, %add3A_472, %mul3A_478 : vector<16xi1>, vector<16xf32>
        %mul3A_480 = vector.broadcast %squeeze3A_304 : f32 to vector<16xf32>
        %mul3A_481 = arith.mulf %select_n3A_479, %mul3A_480 : vector<16xf32>
        %swap3A_482 = arith.index_cast %add3A_300 : i32 to index
        %swap3A_483 = arith.constant 96 : index
        %swap3A_484 = tpu.vector_load %arg13[%swap3A_482, %swap3A_483] {strides = array<i32>} : memref<80x128xf32, #tpu.memory_space<vmem>>, vector<1x16xf32>,
        %swap3A_485 = vector.shape_cast %swap3A_484 : vector<1x16xf32> to vector<16xf32>
        %swap3A_486 = vector.shape_cast %mul3A_481 : vector<16xf32> to vector<1x16xf32>
        tpu.vector_store %arg13[%swap3A_482, %swap3A_483], %swap3A_486 {strides = array<i32>} : memref<80x128xf32, #tpu.memory_space<vmem>>, vector<1x16xf32>,
        %get3A_487 = arith.index_cast %add3A_300 : i32 to index
        %get3A_488 = arith.constant 112 : index
        %get3A_489 = tpu.vector_load %arg11[%get3A_487, %get3A_488] {strides = array<i32>} : memref<80x128xf32, #tpu.memory_space<vmem>>, vector<1x16xf32>,
        %get3A_490 = vector.shape_cast %get3A_489 : vector<1x16xf32> to vector<16xf32>
        %get3A_491 = arith.index_cast %add3A_300 : i32 to index
        %get3A_492 = arith.constant 112 : index
        %get3A_493 = tpu.vector_load %arg12[%get3A_491, %get3A_492] {strides = array<i32>} : memref<80x128xf32, #tpu.memory_space<vmem>>, vector<1x16xf32>,
        %get3A_494 = vector.shape_cast %get3A_493 : vector<1x16xf32> to vector<16xf32>
        %add3A_495 = arith.addf %get3A_490, %get3A_494 : vector<16xf32>
        %mul3A_496 = vector.broadcast %squeeze3A_302 : f32 to vector<16xf32>
        %mul3A_497 = arith.mulf %mul3A_496, %get3A_25 : vector<16xf32>
        %add3A_498 = arith.addf %add3A_495, %mul3A_497 : vector<16xf32>
        %ge3A_499 = arith.constant 0.000000e+00 : f32
        %ge3A_500 = vector.broadcast %ge3A_499 : f32 to vector<16xf32>
        %ge3A_501 = arith.cmpf oge, %add3A_498, %ge3A_500 : vector<16xf32>
        %mul3A_502 = arith.constant 0.00999999977 : f32
        %mul3A_503 = vector.broadcast %mul3A_502 : f32 to vector<16xf32>
        %mul3A_504 = arith.mulf %mul3A_503, %add3A_498 : vector<16xf32>
        %select_n3A_505 = arith.select %ge3A_501, %add3A_498, %mul3A_504 : vector<16xi1>, vector<16xf32>
        %mul3A_506 = vector.broadcast %squeeze3A_304 : f32 to vector<16xf32>
        %mul3A_507 = arith.mulf %select_n3A_505, %mul3A_506 : vector<16xf32>
        %swap3A_508 = arith.index_cast %add3A_300 : i32 to index
        %swap3A_509 = arith.constant 112 : index
        %swap3A_510 = tpu.vector_load %arg13[%swap3A_508, %swap3A_509] {strides = array<i32>} : memref<80x128xf32, #tpu.memory_space<vmem>>, vector<1x16xf32>,
        %swap3A_511 = vector.shape_cast %swap3A_510 : vector<1x16xf32> to vector<16xf32>
        %swap3A_512 = vector.shape_cast %mul3A_507 : vector<16xf32> to vector<1x16xf32>
        tpu.vector_store %arg13[%swap3A_508, %swap3A_509], %swap3A_512 {strides = array<i32>} : memref<80x128xf32, #tpu.memory_space<vmem>>, vector<1x16xf32>,
        %mul3A_513 = arith.constant 16 : i32
        %mul3A_514 = arith.muli %scan3A_75, %mul3A_513 : i32
        %add3A_515 = arith.constant 2 : i32
        %add3A_516 = arith.addi %mul3A_514, %add3A_515 : i32
        %slice3A_517 = vector.extract_strided_slice %get3A_80 {offsets = [2], sizes = [1], strides = [1]} : vector<16xf32> to vector<1xf32>
        %squeeze3A_518 = vector.extract %slice3A_517[0] : f32 from vector<1xf32>
        %slice3A_519 = vector.extract_strided_slice %select_n3A {offsets = [2], sizes = [1], strides = [1]} : vector<16xf32> to vector<1xf32>
        %squeeze3A_520 = vector.extract %slice3A_519[0] : f32 from vector<1xf32>
        %get3A_521 = arith.index_cast %add3A_516 : i32 to index
        %get3A_522 = arith.constant 0 : index
        %get3A_523 = tpu.vector_load %arg11[%get3A_521, %get3A_522] {strides = array<i32>} : memref<80x128xf32, #tpu.memory_space<vmem>>, vector<1x16xf32>,
        %get3A_524 = vector.shape_cast %get3A_523 : vector<1x16xf32> to vector<16xf32>
        %get3A_525 = arith.index_cast %add3A_516 : i32 to index
        %get3A_526 = arith.constant 0 : index
        %get3A_527 = tpu.vector_load %arg12[%get3A_525, %get3A_526] {strides = array<i32>} : memref<80x128xf32, #tpu.memory_space<vmem>>, vector<1x16xf32>,
        %get3A_528 = vector.shape_cast %get3A_527 : vector<1x16xf32> to vector<16xf32>
        %add3A_529 = arith.addf %get3A_524, %get3A_528 : vector<16xf32>
        %mul3A_530 = vector.broadcast %squeeze3A_518 : f32 to vector<16xf32>
        %mul3A_531 = arith.mulf %mul3A_530, %get3A_4 : vector<16xf32>
        %add3A_532 = arith.addf %add3A_529, %mul3A_531 : vector<16xf32>
        %ge3A_533 = arith.constant 0.000000e+00 : f32
        %ge3A_534 = vector.broadcast %ge3A_533 : f32 to vector<16xf32>
        %ge3A_535 = arith.cmpf oge, %add3A_532, %ge3A_534 : vector<16xf32>
        %mul3A_536 = arith.constant 0.00999999977 : f32
        %mul3A_537 = vector.broadcast %mul3A_536 : f32 to vector<16xf32>
        %mul3A_538 = arith.mulf %mul3A_537, %add3A_532 : vector<16xf32>
        %select_n3A_539 = arith.select %ge3A_535, %add3A_532, %mul3A_538 : vector<16xi1>, vector<16xf32>
        %mul3A_540 = vector.broadcast %squeeze3A_520 : f32 to vector<16xf32>
        %mul3A_541 = arith.mulf %select_n3A_539, %mul3A_540 : vector<16xf32>
        %swap3A_542 = arith.index_cast %add3A_516 : i32 to index
        %swap3A_543 = arith.constant 0 : index
        %swap3A_544 = tpu.vector_load %arg13[%swap3A_542, %swap3A_543] {strides = array<i32>} : memref<80x128xf32, #tpu.memory_space<vmem>>, vector<1x16xf32>,
        %swap3A_545 = vector.shape_cast %swap3A_544 : vector<1x16xf32> to vector<16xf32>
        %swap3A_546 = vector.shape_cast %mul3A_541 : vector<16xf32> to vector<1x16xf32>
        tpu.vector_store %arg13[%swap3A_542, %swap3A_543], %swap3A_546 {strides = array<i32>} : memref<80x128xf32, #tpu.memory_space<vmem>>, vector<1x16xf32>,
        %get3A_547 = arith.index_cast %add3A_516 : i32 to index
        %get3A_548 = arith.constant 16 : index
        %get3A_549 = tpu.vector_load %arg11[%get3A_547, %get3A_548] {strides = array<i32>} : memref<80x128xf32, #tpu.memory_space<vmem>>, vector<1x16xf32>,
        %get3A_550 = vector.shape_cast %get3A_549 : vector<1x16xf32> to vector<16xf32>
        %get3A_551 = arith.index_cast %add3A_516 : i32 to index
        %get3A_552 = arith.constant 16 : index
        %get3A_553 = tpu.vector_load %arg12[%get3A_551, %get3A_552] {strides = array<i32>} : memref<80x128xf32, #tpu.memory_space<vmem>>, vector<1x16xf32>,
        %get3A_554 = vector.shape_cast %get3A_553 : vector<1x16xf32> to vector<16xf32>
        %add3A_555 = arith.addf %get3A_550, %get3A_554 : vector<16xf32>
        %mul3A_556 = vector.broadcast %squeeze3A_518 : f32 to vector<16xf32>
        %mul3A_557 = arith.mulf %mul3A_556, %get3A_7 : vector<16xf32>
        %add3A_558 = arith.addf %add3A_555, %mul3A_557 : vector<16xf32>
        %ge3A_559 = arith.constant 0.000000e+00 : f32
        %ge3A_560 = vector.broadcast %ge3A_559 : f32 to vector<16xf32>
        %ge3A_561 = arith.cmpf oge, %add3A_558, %ge3A_560 : vector<16xf32>
        %mul3A_562 = arith.constant 0.00999999977 : f32
        %mul3A_563 = vector.broadcast %mul3A_562 : f32 to vector<16xf32>
        %mul3A_564 = arith.mulf %mul3A_563, %add3A_558 : vector<16xf32>
        %select_n3A_565 = arith.select %ge3A_561, %add3A_558, %mul3A_564 : vector<16xi1>, vector<16xf32>
        %mul3A_566 = vector.broadcast %squeeze3A_520 : f32 to vector<16xf32>
        %mul3A_567 = arith.mulf %select_n3A_565, %mul3A_566 : vector<16xf32>
        %swap3A_568 = arith.index_cast %add3A_516 : i32 to index
        %swap3A_569 = arith.constant 16 : index
        %swap3A_570 = tpu.vector_load %arg13[%swap3A_568, %swap3A_569] {strides = array<i32>} : memref<80x128xf32, #tpu.memory_space<vmem>>, vector<1x16xf32>,
        %swap3A_571 = vector.shape_cast %swap3A_570 : vector<1x16xf32> to vector<16xf32>
        %swap3A_572 = vector.shape_cast %mul3A_567 : vector<16xf32> to vector<1x16xf32>
        tpu.vector_store %arg13[%swap3A_568, %swap3A_569], %swap3A_572 {strides = array<i32>} : memref<80x128xf32, #tpu.memory_space<vmem>>, vector<1x16xf32>,
        %get3A_573 = arith.index_cast %add3A_516 : i32 to index
        %get3A_574 = arith.constant 32 : index
        %get3A_575 = tpu.vector_load %arg11[%get3A_573, %get3A_574] {strides = array<i32>} : memref<80x128xf32, #tpu.memory_space<vmem>>, vector<1x16xf32>,
        %get3A_576 = vector.shape_cast %get3A_575 : vector<1x16xf32> to vector<16xf32>
        %get3A_577 = arith.index_cast %add3A_516 : i32 to index
        %get3A_578 = arith.constant 32 : index
        %get3A_579 = tpu.vector_load %arg12[%get3A_577, %get3A_578] {strides = array<i32>} : memref<80x128xf32, #tpu.memory_space<vmem>>, vector<1x16xf32>,
        %get3A_580 = vector.shape_cast %get3A_579 : vector<1x16xf32> to vector<16xf32>
        %add3A_581 = arith.addf %get3A_576, %get3A_580 : vector<16xf32>
        %mul3A_582 = vector.broadcast %squeeze3A_518 : f32 to vector<16xf32>
        %mul3A_583 = arith.mulf %mul3A_582, %get3A_10 : vector<16xf32>
        %add3A_584 = arith.addf %add3A_581, %mul3A_583 : vector<16xf32>
        %ge3A_585 = arith.constant 0.000000e+00 : f32
        %ge3A_586 = vector.broadcast %ge3A_585 : f32 to vector<16xf32>
        %ge3A_587 = arith.cmpf oge, %add3A_584, %ge3A_586 : vector<16xf32>
        %mul3A_588 = arith.constant 0.00999999977 : f32
        %mul3A_589 = vector.broadcast %mul3A_588 : f32 to vector<16xf32>
        %mul3A_590 = arith.mulf %mul3A_589, %add3A_584 : vector<16xf32>
        %select_n3A_591 = arith.select %ge3A_587, %add3A_584, %mul3A_590 : vector<16xi1>, vector<16xf32>
        %mul3A_592 = vector.broadcast %squeeze3A_520 : f32 to vector<16xf32>
        %mul3A_593 = arith.mulf %select_n3A_591, %mul3A_592 : vector<16xf32>
        %swap3A_594 = arith.index_cast %add3A_516 : i32 to index
        %swap3A_595 = arith.constant 32 : index
        %swap3A_596 = tpu.vector_load %arg13[%swap3A_594, %swap3A_595] {strides = array<i32>} : memref<80x128xf32, #tpu.memory_space<vmem>>, vector<1x16xf32>,
        %swap3A_597 = vector.shape_cast %swap3A_596 : vector<1x16xf32> to vector<16xf32>
        %swap3A_598 = vector.shape_cast %mul3A_593 : vector<16xf32> to vector<1x16xf32>
        tpu.vector_store %arg13[%swap3A_594, %swap3A_595], %swap3A_598 {strides = array<i32>} : memref<80x128xf32, #tpu.memory_space<vmem>>, vector<1x16xf32>,
        %get3A_599 = arith.index_cast %add3A_516 : i32 to index
        %get3A_600 = arith.constant 48 : index
        %get3A_601 = tpu.vector_load %arg11[%get3A_599, %get3A_600] {strides = array<i32>} : memref<80x128xf32, #tpu.memory_space<vmem>>, vector<1x16xf32>,
        %get3A_602 = vector.shape_cast %get3A_601 : vector<1x16xf32> to vector<16xf32>
        %get3A_603 = arith.index_cast %add3A_516 : i32 to index
        %get3A_604 = arith.constant 48 : index
        %get3A_605 = tpu.vector_load %arg12[%get3A_603, %get3A_604] {strides = array<i32>} : memref<80x128xf32, #tpu.memory_space<vmem>>, vector<1x16xf32>,
        %get3A_606 = vector.shape_cast %get3A_605 : vector<1x16xf32> to vector<16xf32>
        %add3A_607 = arith.addf %get3A_602, %get3A_606 : vector<16xf32>
        %mul3A_608 = vector.broadcast %squeeze3A_518 : f32 to vector<16xf32>
        %mul3A_609 = arith.mulf %mul3A_608, %get3A_13 : vector<16xf32>
        %add3A_610 = arith.addf %add3A_607, %mul3A_609 : vector<16xf32>
        %ge3A_611 = arith.constant 0.000000e+00 : f32
        %ge3A_612 = vector.broadcast %ge3A_611 : f32 to vector<16xf32>
        %ge3A_613 = arith.cmpf oge, %add3A_610, %ge3A_612 : vector<16xf32>
        %mul3A_614 = arith.constant 0.00999999977 : f32
        %mul3A_615 = vector.broadcast %mul3A_614 : f32 to vector<16xf32>
        %mul3A_616 = arith.mulf %mul3A_615, %add3A_610 : vector<16xf32>
        %select_n3A_617 = arith.select %ge3A_613, %add3A_610, %mul3A_616 : vector<16xi1>, vector<16xf32>
        %mul3A_618 = vector.broadcast %squeeze3A_520 : f32 to vector<16xf32>
        %mul3A_619 = arith.mulf %select_n3A_617, %mul3A_618 : vector<16xf32>
        %swap3A_620 = arith.index_cast %add3A_516 : i32 to index
        %swap3A_621 = arith.constant 48 : index
        %swap3A_622 = tpu.vector_load %arg13[%swap3A_620, %swap3A_621] {strides = array<i32>} : memref<80x128xf32, #tpu.memory_space<vmem>>, vector<1x16xf32>,
        %swap3A_623 = vector.shape_cast %swap3A_622 : vector<1x16xf32> to vector<16xf32>
        %swap3A_624 = vector.shape_cast %mul3A_619 : vector<16xf32> to vector<1x16xf32>
        tpu.vector_store %arg13[%swap3A_620, %swap3A_621], %swap3A_624 {strides = array<i32>} : memref<80x128xf32, #tpu.memory_space<vmem>>, vector<1x16xf32>,
        %get3A_625 = arith.index_cast %add3A_516 : i32 to index
        %get3A_626 = arith.constant 64 : index
        %get3A_627 = tpu.vector_load %arg11[%get3A_625, %get3A_626] {strides = array<i32>} : memref<80x128xf32, #tpu.memory_space<vmem>>, vector<1x16xf32>,
        %get3A_628 = vector.shape_cast %get3A_627 : vector<1x16xf32> to vector<16xf32>
        %get3A_629 = arith.index_cast %add3A_516 : i32 to index
        %get3A_630 = arith.constant 64 : index
        %get3A_631 = tpu.vector_load %arg12[%get3A_629, %get3A_630] {strides = array<i32>} : memref<80x128xf32, #tpu.memory_space<vmem>>, vector<1x16xf32>,
        %get3A_632 = vector.shape_cast %get3A_631 : vector<1x16xf32> to vector<16xf32>
        %add3A_633 = arith.addf %get3A_628, %get3A_632 : vector<16xf32>
        %mul3A_634 = vector.broadcast %squeeze3A_518 : f32 to vector<16xf32>
        %mul3A_635 = arith.mulf %mul3A_634, %get3A_16 : vector<16xf32>
        %add3A_636 = arith.addf %add3A_633, %mul3A_635 : vector<16xf32>
        %ge3A_637 = arith.constant 0.000000e+00 : f32
        %ge3A_638 = vector.broadcast %ge3A_637 : f32 to vector<16xf32>
        %ge3A_639 = arith.cmpf oge, %add3A_636, %ge3A_638 : vector<16xf32>
        %mul3A_640 = arith.constant 0.00999999977 : f32
        %mul3A_641 = vector.broadcast %mul3A_640 : f32 to vector<16xf32>
        %mul3A_642 = arith.mulf %mul3A_641, %add3A_636 : vector<16xf32>
        %select_n3A_643 = arith.select %ge3A_639, %add3A_636, %mul3A_642 : vector<16xi1>, vector<16xf32>
        %mul3A_644 = vector.broadcast %squeeze3A_520 : f32 to vector<16xf32>
        %mul3A_645 = arith.mulf %select_n3A_643, %mul3A_644 : vector<16xf32>
        %swap3A_646 = arith.index_cast %add3A_516 : i32 to index
        %swap3A_647 = arith.constant 64 : index
        %swap3A_648 = tpu.vector_load %arg13[%swap3A_646, %swap3A_647] {strides = array<i32>} : memref<80x128xf32, #tpu.memory_space<vmem>>, vector<1x16xf32>,
        %swap3A_649 = vector.shape_cast %swap3A_648 : vector<1x16xf32> to vector<16xf32>
        %swap3A_650 = vector.shape_cast %mul3A_645 : vector<16xf32> to vector<1x16xf32>
        tpu.vector_store %arg13[%swap3A_646, %swap3A_647], %swap3A_650 {strides = array<i32>} : memref<80x128xf32, #tpu.memory_space<vmem>>, vector<1x16xf32>,
        %get3A_651 = arith.index_cast %add3A_516 : i32 to index
        %get3A_652 = arith.constant 80 : index
        %get3A_653 = tpu.vector_load %arg11[%get3A_651, %get3A_652] {strides = array<i32>} : memref<80x128xf32, #tpu.memory_space<vmem>>, vector<1x16xf32>,
        %get3A_654 = vector.shape_cast %get3A_653 : vector<1x16xf32> to vector<16xf32>
        %get3A_655 = arith.index_cast %add3A_516 : i32 to index
        %get3A_656 = arith.constant 80 : index
        %get3A_657 = tpu.vector_load %arg12[%get3A_655, %get3A_656] {strides = array<i32>} : memref<80x128xf32, #tpu.memory_space<vmem>>, vector<1x16xf32>,
        %get3A_658 = vector.shape_cast %get3A_657 : vector<1x16xf32> to vector<16xf32>
        %add3A_659 = arith.addf %get3A_654, %get3A_658 : vector<16xf32>
        %mul3A_660 = vector.broadcast %squeeze3A_518 : f32 to vector<16xf32>
        %mul3A_661 = arith.mulf %mul3A_660, %get3A_19 : vector<16xf32>
        %add3A_662 = arith.addf %add3A_659, %mul3A_661 : vector<16xf32>
        %ge3A_663 = arith.constant 0.000000e+00 : f32
        %ge3A_664 = vector.broadcast %ge3A_663 : f32 to vector<16xf32>
        %ge3A_665 = arith.cmpf oge, %add3A_662, %ge3A_664 : vector<16xf32>
        %mul3A_666 = arith.constant 0.00999999977 : f32
        %mul3A_667 = vector.broadcast %mul3A_666 : f32 to vector<16xf32>
        %mul3A_668 = arith.mulf %mul3A_667, %add3A_662 : vector<16xf32>
        %select_n3A_669 = arith.select %ge3A_665, %add3A_662, %mul3A_668 : vector<16xi1>, vector<16xf32>
        %mul3A_670 = vector.broadcast %squeeze3A_520 : f32 to vector<16xf32>
        %mul3A_671 = arith.mulf %select_n3A_669, %mul3A_670 : vector<16xf32>
        %swap3A_672 = arith.index_cast %add3A_516 : i32 to index
        %swap3A_673 = arith.constant 80 : index
        %swap3A_674 = tpu.vector_load %arg13[%swap3A_672, %swap3A_673] {strides = array<i32>} : memref<80x128xf32, #tpu.memory_space<vmem>>, vector<1x16xf32>,
        %swap3A_675 = vector.shape_cast %swap3A_674 : vector<1x16xf32> to vector<16xf32>
        %swap3A_676 = vector.shape_cast %mul3A_671 : vector<16xf32> to vector<1x16xf32>
        tpu.vector_store %arg13[%swap3A_672, %swap3A_673], %swap3A_676 {strides = array<i32>} : memref<80x128xf32, #tpu.memory_space<vmem>>, vector<1x16xf32>,
        %get3A_677 = arith.index_cast %add3A_516 : i32 to index
        %get3A_678 = arith.constant 96 : index
        %get3A_679 = tpu.vector_load %arg11[%get3A_677, %get3A_678] {strides = array<i32>} : memref<80x128xf32, #tpu.memory_space<vmem>>, vector<1x16xf32>,
        %get3A_680 = vector.shape_cast %get3A_679 : vector<1x16xf32> to vector<16xf32>
        %get3A_681 = arith.index_cast %add3A_516 : i32 to index
        %get3A_682 = arith.constant 96 : index
        %get3A_683 = tpu.vector_load %arg12[%get3A_681, %get3A_682] {strides = array<i32>} : memref<80x128xf32, #tpu.memory_space<vmem>>, vector<1x16xf32>,
        %get3A_684 = vector.shape_cast %get3A_683 : vector<1x16xf32> to vector<16xf32>
        %add3A_685 = arith.addf %get3A_680, %get3A_684 : vector<16xf32>
        %mul3A_686 = vector.broadcast %squeeze3A_518 : f32 to vector<16xf32>
        %mul3A_687 = arith.mulf %mul3A_686, %get3A_22 : vector<16xf32>
        %add3A_688 = arith.addf %add3A_685, %mul3A_687 : vector<16xf32>
        %ge3A_689 = arith.constant 0.000000e+00 : f32
        %ge3A_690 = vector.broadcast %ge3A_689 : f32 to vector<16xf32>
        %ge3A_691 = arith.cmpf oge, %add3A_688, %ge3A_690 : vector<16xf32>
        %mul3A_692 = arith.constant 0.00999999977 : f32
        %mul3A_693 = vector.broadcast %mul3A_692 : f32 to vector<16xf32>
        %mul3A_694 = arith.mulf %mul3A_693, %add3A_688 : vector<16xf32>
        %select_n3A_695 = arith.select %ge3A_691, %add3A_688, %mul3A_694 : vector<16xi1>, vector<16xf32>
        %mul3A_696 = vector.broadcast %squeeze3A_520 : f32 to vector<16xf32>
        %mul3A_697 = arith.mulf %select_n3A_695, %mul3A_696 : vector<16xf32>
        %swap3A_698 = arith.index_cast %add3A_516 : i32 to index
        %swap3A_699 = arith.constant 96 : index
        %swap3A_700 = tpu.vector_load %arg13[%swap3A_698, %swap3A_699] {strides = array<i32>} : memref<80x128xf32, #tpu.memory_space<vmem>>, vector<1x16xf32>,
        %swap3A_701 = vector.shape_cast %swap3A_700 : vector<1x16xf32> to vector<16xf32>
        %swap3A_702 = vector.shape_cast %mul3A_697 : vector<16xf32> to vector<1x16xf32>
        tpu.vector_store %arg13[%swap3A_698, %swap3A_699], %swap3A_702 {strides = array<i32>} : memref<80x128xf32, #tpu.memory_space<vmem>>, vector<1x16xf32>,
        %get3A_703 = arith.index_cast %add3A_516 : i32 to index
        %get3A_704 = arith.constant 112 : index
        %get3A_705 = tpu.vector_load %arg11[%get3A_703, %get3A_704] {strides = array<i32>} : memref<80x128xf32, #tpu.memory_space<vmem>>, vector<1x16xf32>,
        %get3A_706 = vector.shape_cast %get3A_705 : vector<1x16xf32> to vector<16xf32>
        %get3A_707 = arith.index_cast %add3A_516 : i32 to index
        %get3A_708 = arith.constant 112 : index
        %get3A_709 = tpu.vector_load %arg12[%get3A_707, %get3A_708] {strides = array<i32>} : memref<80x128xf32, #tpu.memory_space<vmem>>, vector<1x16xf32>,
        %get3A_710 = vector.shape_cast %get3A_709 : vector<1x16xf32> to vector<16xf32>
        %add3A_711 = arith.addf %get3A_706, %get3A_710 : vector<16xf32>
        %mul3A_712 = vector.broadcast %squeeze3A_518 : f32 to vector<16xf32>
        %mul3A_713 = arith.mulf %mul3A_712, %get3A_25 : vector<16xf32>
        %add3A_714 = arith.addf %add3A_711, %mul3A_713 : vector<16xf32>
        %ge3A_715 = arith.constant 0.000000e+00 : f32
        %ge3A_716 = vector.broadcast %ge3A_715 : f32 to vector<16xf32>
        %ge3A_717 = arith.cmpf oge, %add3A_714, %ge3A_716 : vector<16xf32>
        %mul3A_718 = arith.constant 0.00999999977 : f32
        %mul3A_719 = vector.broadcast %mul3A_718 : f32 to vector<16xf32>
        %mul3A_720 = arith.mulf %mul3A_719, %add3A_714 : vector<16xf32>
        %select_n3A_721 = arith.select %ge3A_717, %add3A_714, %mul3A_720 : vector<16xi1>, vector<16xf32>
        %mul3A_722 = vector.broadcast %squeeze3A_520 : f32 to vector<16xf32>
        %mul3A_723 = arith.mulf %select_n3A_721, %mul3A_722 : vector<16xf32>
        %swap3A_724 = arith.index_cast %add3A_516 : i32 to index
        %swap3A_725 = arith.constant 112 : index
        %swap3A_726 = tpu.vector_load %arg13[%swap3A_724, %swap3A_725] {strides = array<i32>} : memref<80x128xf32, #tpu.memory_space<vmem>>, vector<1x16xf32>,
        %swap3A_727 = vector.shape_cast %swap3A_726 : vector<1x16xf32> to vector<16xf32>
        %swap3A_728 = vector.shape_cast %mul3A_723 : vector<16xf32> to vector<1x16xf32>
        tpu.vector_store %arg13[%swap3A_724, %swap3A_725], %swap3A_728 {strides = array<i32>} : memref<80x128xf32, #tpu.memory_space<vmem>>, vector<1x16xf32>,
        %mul3A_729 = arith.constant 16 : i32
        %mul3A_730 = arith.muli %scan3A_75, %mul3A_729 : i32
        %add3A_731 = arith.constant 3 : i32
        %add3A_732 = arith.addi %mul3A_730, %add3A_731 : i32
        %slice3A_733 = vector.extract_strided_slice %get3A_80 {offsets = [3], sizes = [1], strides = [1]} : vector<16xf32> to vector<1xf32>
        %squeeze3A_734 = vector.extract %slice3A_733[0] : f32 from vector<1xf32>
        %slice3A_735 = vector.extract_strided_slice %select_n3A {offsets = [3], sizes = [1], strides = [1]} : vector<16xf32> to vector<1xf32>
        %squeeze3A_736 = vector.extract %slice3A_735[0] : f32 from vector<1xf32>
        %get3A_737 = arith.index_cast %add3A_732 : i32 to index
        %get3A_738 = arith.constant 0 : index
        %get3A_739 = tpu.vector_load %arg11[%get3A_737, %get3A_738] {strides = array<i32>} : memref<80x128xf32, #tpu.memory_space<vmem>>, vector<1x16xf32>,
        %get3A_740 = vector.shape_cast %get3A_739 : vector<1x16xf32> to vector<16xf32>
        %get3A_741 = arith.index_cast %add3A_732 : i32 to index
        %get3A_742 = arith.constant 0 : index
        %get3A_743 = tpu.vector_load %arg12[%get3A_741, %get3A_742] {strides = array<i32>} : memref<80x128xf32, #tpu.memory_space<vmem>>, vector<1x16xf32>,
        %get3A_744 = vector.shape_cast %get3A_743 : vector<1x16xf32> to vector<16xf32>
        %add3A_745 = arith.addf %get3A_740, %get3A_744 : vector<16xf32>
        %mul3A_746 = vector.broadcast %squeeze3A_734 : f32 to vector<16xf32>
        %mul3A_747 = arith.mulf %mul3A_746, %get3A_4 : vector<16xf32>
        %add3A_748 = arith.addf %add3A_745, %mul3A_747 : vector<16xf32>
        %ge3A_749 = arith.constant 0.000000e+00 : f32
        %ge3A_750 = vector.broadcast %ge3A_749 : f32 to vector<16xf32>
        %ge3A_751 = arith.cmpf oge, %add3A_748, %ge3A_750 : vector<16xf32>
        %mul3A_752 = arith.constant 0.00999999977 : f32
        %mul3A_753 = vector.broadcast %mul3A_752 : f32 to vector<16xf32>
        %mul3A_754 = arith.mulf %mul3A_753, %add3A_748 : vector<16xf32>
        %select_n3A_755 = arith.select %ge3A_751, %add3A_748, %mul3A_754 : vector<16xi1>, vector<16xf32>
        %mul3A_756 = vector.broadcast %squeeze3A_736 : f32 to vector<16xf32>
        %mul3A_757 = arith.mulf %select_n3A_755, %mul3A_756 : vector<16xf32>
        %swap3A_758 = arith.index_cast %add3A_732 : i32 to index
        %swap3A_759 = arith.constant 0 : index
        %swap3A_760 = tpu.vector_load %arg13[%swap3A_758, %swap3A_759] {strides = array<i32>} : memref<80x128xf32, #tpu.memory_space<vmem>>, vector<1x16xf32>,
        %swap3A_761 = vector.shape_cast %swap3A_760 : vector<1x16xf32> to vector<16xf32>
        %swap3A_762 = vector.shape_cast %mul3A_757 : vector<16xf32> to vector<1x16xf32>
        tpu.vector_store %arg13[%swap3A_758, %swap3A_759], %swap3A_762 {strides = array<i32>} : memref<80x128xf32, #tpu.memory_space<vmem>>, vector<1x16xf32>,
        %get3A_763 = arith.index_cast %add3A_732 : i32 to index
        %get3A_764 = arith.constant 16 : index
        %get3A_765 = tpu.vector_load %arg11[%get3A_763, %get3A_764] {strides = array<i32>} : memref<80x128xf32, #tpu.memory_space<vmem>>, vector<1x16xf32>,
        %get3A_766 = vector.shape_cast %get3A_765 : vector<1x16xf32> to vector<16xf32>
        %get3A_767 = arith.index_cast %add3A_732 : i32 to index
        %get3A_768 = arith.constant 16 : index
        %get3A_769 = tpu.vector_load %arg12[%get3A_767, %get3A_768] {strides = array<i32>} : memref<80x128xf32, #tpu.memory_space<vmem>>, vector<1x16xf32>,
        %get3A_770 = vector.shape_cast %get3A_769 : vector<1x16xf32> to vector<16xf32>
        %add3A_771 = arith.addf %get3A_766, %get3A_770 : vector<16xf32>
        %mul3A_772 = vector.broadcast %squeeze3A_734 : f32 to vector<16xf32>
        %mul3A_773 = arith.mulf %mul3A_772, %get3A_7 : vector<16xf32>
        %add3A_774 = arith.addf %add3A_771, %mul3A_773 : vector<16xf32>
        %ge3A_775 = arith.constant 0.000000e+00 : f32
        %ge3A_776 = vector.broadcast %ge3A_775 : f32 to vector<16xf32>
        %ge3A_777 = arith.cmpf oge, %add3A_774, %ge3A_776 : vector<16xf32>
        %mul3A_778 = arith.constant 0.00999999977 : f32
        %mul3A_779 = vector.broadcast %mul3A_778 : f32 to vector<16xf32>
        %mul3A_780 = arith.mulf %mul3A_779, %add3A_774 : vector<16xf32>
        %select_n3A_781 = arith.select %ge3A_777, %add3A_774, %mul3A_780 : vector<16xi1>, vector<16xf32>
        %mul3A_782 = vector.broadcast %squeeze3A_736 : f32 to vector<16xf32>
        %mul3A_783 = arith.mulf %select_n3A_781, %mul3A_782 : vector<16xf32>
        %swap3A_784 = arith.index_cast %add3A_732 : i32 to index
        %swap3A_785 = arith.constant 16 : index
        %swap3A_786 = tpu.vector_load %arg13[%swap3A_784, %swap3A_785] {strides = array<i32>} : memref<80x128xf32, #tpu.memory_space<vmem>>, vector<1x16xf32>,
        %swap3A_787 = vector.shape_cast %swap3A_786 : vector<1x16xf32> to vector<16xf32>
        %swap3A_788 = vector.shape_cast %mul3A_783 : vector<16xf32> to vector<1x16xf32>
        tpu.vector_store %arg13[%swap3A_784, %swap3A_785], %swap3A_788 {strides = array<i32>} : memref<80x128xf32, #tpu.memory_space<vmem>>, vector<1x16xf32>,
        %get3A_789 = arith.index_cast %add3A_732 : i32 to index
        %get3A_790 = arith.constant 32 : index
        %get3A_791 = tpu.vector_load %arg11[%get3A_789, %get3A_790] {strides = array<i32>} : memref<80x128xf32, #tpu.memory_space<vmem>>, vector<1x16xf32>,
        %get3A_792 = vector.shape_cast %get3A_791 : vector<1x16xf32> to vector<16xf32>
        %get3A_793 = arith.index_cast %add3A_732 : i32 to index
        %get3A_794 = arith.constant 32 : index
        %get3A_795 = tpu.vector_load %arg12[%get3A_793, %get3A_794] {strides = array<i32>} : memref<80x128xf32, #tpu.memory_space<vmem>>, vector<1x16xf32>,
        %get3A_796 = vector.shape_cast %get3A_795 : vector<1x16xf32> to vector<16xf32>
        %add3A_797 = arith.addf %get3A_792, %get3A_796 : vector<16xf32>
        %mul3A_798 = vector.broadcast %squeeze3A_734 : f32 to vector<16xf32>
        %mul3A_799 = arith.mulf %mul3A_798, %get3A_10 : vector<16xf32>
        %add3A_800 = arith.addf %add3A_797, %mul3A_799 : vector<16xf32>
        %ge3A_801 = arith.constant 0.000000e+00 : f32
        %ge3A_802 = vector.broadcast %ge3A_801 : f32 to vector<16xf32>
        %ge3A_803 = arith.cmpf oge, %add3A_800, %ge3A_802 : vector<16xf32>
        %mul3A_804 = arith.constant 0.00999999977 : f32
        %mul3A_805 = vector.broadcast %mul3A_804 : f32 to vector<16xf32>
        %mul3A_806 = arith.mulf %mul3A_805, %add3A_800 : vector<16xf32>
        %select_n3A_807 = arith.select %ge3A_803, %add3A_800, %mul3A_806 : vector<16xi1>, vector<16xf32>
        %mul3A_808 = vector.broadcast %squeeze3A_736 : f32 to vector<16xf32>
        %mul3A_809 = arith.mulf %select_n3A_807, %mul3A_808 : vector<16xf32>
        %swap3A_810 = arith.index_cast %add3A_732 : i32 to index
        %swap3A_811 = arith.constant 32 : index
        %swap3A_812 = tpu.vector_load %arg13[%swap3A_810, %swap3A_811] {strides = array<i32>} : memref<80x128xf32, #tpu.memory_space<vmem>>, vector<1x16xf32>,
        %swap3A_813 = vector.shape_cast %swap3A_812 : vector<1x16xf32> to vector<16xf32>
        %swap3A_814 = vector.shape_cast %mul3A_809 : vector<16xf32> to vector<1x16xf32>
        tpu.vector_store %arg13[%swap3A_810, %swap3A_811], %swap3A_814 {strides = array<i32>} : memref<80x128xf32, #tpu.memory_space<vmem>>, vector<1x16xf32>,
        %get3A_815 = arith.index_cast %add3A_732 : i32 to index
        %get3A_816 = arith.constant 48 : index
        %get3A_817 = tpu.vector_load %arg11[%get3A_815, %get3A_816] {strides = array<i32>} : memref<80x128xf32, #tpu.memory_space<vmem>>, vector<1x16xf32>,
        %get3A_818 = vector.shape_cast %get3A_817 : vector<1x16xf32> to vector<16xf32>
        %get3A_819 = arith.index_cast %add3A_732 : i32 to index
        %get3A_820 = arith.constant 48 : index
        %get3A_821 = tpu.vector_load %arg12[%get3A_819, %get3A_820] {strides = array<i32>} : memref<80x128xf32, #tpu.memory_space<vmem>>, vector<1x16xf32>,
        %get3A_822 = vector.shape_cast %get3A_821 : vector<1x16xf32> to vector<16xf32>
        %add3A_823 = arith.addf %get3A_818, %get3A_822 : vector<16xf32>
        %mul3A_824 = vector.broadcast %squeeze3A_734 : f32 to vector<16xf32>
        %mul3A_825 = arith.mulf %mul3A_824, %get3A_13 : vector<16xf32>
        %add3A_826 = arith.addf %add3A_823, %mul3A_825 : vector<16xf32>
        %ge3A_827 = arith.constant 0.000000e+00 : f32
        %ge3A_828 = vector.broadcast %ge3A_827 : f32 to vector<16xf32>
        %ge3A_829 = arith.cmpf oge, %add3A_826, %ge3A_828 : vector<16xf32>
        %mul3A_830 = arith.constant 0.00999999977 : f32
        %mul3A_831 = vector.broadcast %mul3A_830 : f32 to vector<16xf32>
        %mul3A_832 = arith.mulf %mul3A_831, %add3A_826 : vector<16xf32>
        %select_n3A_833 = arith.select %ge3A_829, %add3A_826, %mul3A_832 : vector<16xi1>, vector<16xf32>
        %mul3A_834 = vector.broadcast %squeeze3A_736 : f32 to vector<16xf32>
        %mul3A_835 = arith.mulf %select_n3A_833, %mul3A_834 : vector<16xf32>
        %swap3A_836 = arith.index_cast %add3A_732 : i32 to index
        %swap3A_837 = arith.constant 48 : index
        %swap3A_838 = tpu.vector_load %arg13[%swap3A_836, %swap3A_837] {strides = array<i32>} : memref<80x128xf32, #tpu.memory_space<vmem>>, vector<1x16xf32>,
        %swap3A_839 = vector.shape_cast %swap3A_838 : vector<1x16xf32> to vector<16xf32>
        %swap3A_840 = vector.shape_cast %mul3A_835 : vector<16xf32> to vector<1x16xf32>
        tpu.vector_store %arg13[%swap3A_836, %swap3A_837], %swap3A_840 {strides = array<i32>} : memref<80x128xf32, #tpu.memory_space<vmem>>, vector<1x16xf32>,
        %get3A_841 = arith.index_cast %add3A_732 : i32 to index
        %get3A_842 = arith.constant 64 : index
        %get3A_843 = tpu.vector_load %arg11[%get3A_841, %get3A_842] {strides = array<i32>} : memref<80x128xf32, #tpu.memory_space<vmem>>, vector<1x16xf32>,
        %get3A_844 = vector.shape_cast %get3A_843 : vector<1x16xf32> to vector<16xf32>
        %get3A_845 = arith.index_cast %add3A_732 : i32 to index
        %get3A_846 = arith.constant 64 : index
        %get3A_847 = tpu.vector_load %arg12[%get3A_845, %get3A_846] {strides = array<i32>} : memref<80x128xf32, #tpu.memory_space<vmem>>, vector<1x16xf32>,
        %get3A_848 = vector.shape_cast %get3A_847 : vector<1x16xf32> to vector<16xf32>
        %add3A_849 = arith.addf %get3A_844, %get3A_848 : vector<16xf32>
        %mul3A_850 = vector.broadcast %squeeze3A_734 : f32 to vector<16xf32>
        %mul3A_851 = arith.mulf %mul3A_850, %get3A_16 : vector<16xf32>
        %add3A_852 = arith.addf %add3A_849, %mul3A_851 : vector<16xf32>
        %ge3A_853 = arith.constant 0.000000e+00 : f32
        %ge3A_854 = vector.broadcast %ge3A_853 : f32 to vector<16xf32>
        %ge3A_855 = arith.cmpf oge, %add3A_852, %ge3A_854 : vector<16xf32>
        %mul3A_856 = arith.constant 0.00999999977 : f32
        %mul3A_857 = vector.broadcast %mul3A_856 : f32 to vector<16xf32>
        %mul3A_858 = arith.mulf %mul3A_857, %add3A_852 : vector<16xf32>
        %select_n3A_859 = arith.select %ge3A_855, %add3A_852, %mul3A_858 : vector<16xi1>, vector<16xf32>
        %mul3A_860 = vector.broadcast %squeeze3A_736 : f32 to vector<16xf32>
        %mul3A_861 = arith.mulf %select_n3A_859, %mul3A_860 : vector<16xf32>
        %swap3A_862 = arith.index_cast %add3A_732 : i32 to index
        %swap3A_863 = arith.constant 64 : index
        %swap3A_864 = tpu.vector_load %arg13[%swap3A_862, %swap3A_863] {strides = array<i32>} : memref<80x128xf32, #tpu.memory_space<vmem>>, vector<1x16xf32>,
        %swap3A_865 = vector.shape_cast %swap3A_864 : vector<1x16xf32> to vector<16xf32>
        %swap3A_866 = vector.shape_cast %mul3A_861 : vector<16xf32> to vector<1x16xf32>
        tpu.vector_store %arg13[%swap3A_862, %swap3A_863], %swap3A_866 {strides = array<i32>} : memref<80x128xf32, #tpu.memory_space<vmem>>, vector<1x16xf32>,
        %get3A_867 = arith.index_cast %add3A_732 : i32 to index
        %get3A_868 = arith.constant 80 : index
        %get3A_869 = tpu.vector_load %arg11[%get3A_867, %get3A_868] {strides = array<i32>} : memref<80x128xf32, #tpu.memory_space<vmem>>, vector<1x16xf32>,
        %get3A_870 = vector.shape_cast %get3A_869 : vector<1x16xf32> to vector<16xf32>
        %get3A_871 = arith.index_cast %add3A_732 : i32 to index
        %get3A_872 = arith.constant 80 : index
        %get3A_873 = tpu.vector_load %arg12[%get3A_871, %get3A_872] {strides = array<i32>} : memref<80x128xf32, #tpu.memory_space<vmem>>, vector<1x16xf32>,
        %get3A_874 = vector.shape_cast %get3A_873 : vector<1x16xf32> to vector<16xf32>
        %add3A_875 = arith.addf %get3A_870, %get3A_874 : vector<16xf32>
        %mul3A_876 = vector.broadcast %squeeze3A_734 : f32 to vector<16xf32>
        %mul3A_877 = arith.mulf %mul3A_876, %get3A_19 : vector<16xf32>
        %add3A_878 = arith.addf %add3A_875, %mul3A_877 : vector<16xf32>
        %ge3A_879 = arith.constant 0.000000e+00 : f32
        %ge3A_880 = vector.broadcast %ge3A_879 : f32 to vector<16xf32>
        %ge3A_881 = arith.cmpf oge, %add3A_878, %ge3A_880 : vector<16xf32>
        %mul3A_882 = arith.constant 0.00999999977 : f32
        %mul3A_883 = vector.broadcast %mul3A_882 : f32 to vector<16xf32>
        %mul3A_884 = arith.mulf %mul3A_883, %add3A_878 : vector<16xf32>
        %select_n3A_885 = arith.select %ge3A_881, %add3A_878, %mul3A_884 : vector<16xi1>, vector<16xf32>
        %mul3A_886 = vector.broadcast %squeeze3A_736 : f32 to vector<16xf32>
        %mul3A_887 = arith.mulf %select_n3A_885, %mul3A_886 : vector<16xf32>
        %swap3A_888 = arith.index_cast %add3A_732 : i32 to index
        %swap3A_889 = arith.constant 80 : index
        %swap3A_890 = tpu.vector_load %arg13[%swap3A_888, %swap3A_889] {strides = array<i32>} : memref<80x128xf32, #tpu.memory_space<vmem>>, vector<1x16xf32>,
        %swap3A_891 = vector.shape_cast %swap3A_890 : vector<1x16xf32> to vector<16xf32>
        %swap3A_892 = vector.shape_cast %mul3A_887 : vector<16xf32> to vector<1x16xf32>
        tpu.vector_store %arg13[%swap3A_888, %swap3A_889], %swap3A_892 {strides = array<i32>} : memref<80x128xf32, #tpu.memory_space<vmem>>, vector<1x16xf32>,
        %get3A_893 = arith.index_cast %add3A_732 : i32 to index
        %get3A_894 = arith.constant 96 : index
        %get3A_895 = tpu.vector_load %arg11[%get3A_893, %get3A_894] {strides = array<i32>} : memref<80x128xf32, #tpu.memory_space<vmem>>, vector<1x16xf32>,
        %get3A_896 = vector.shape_cast %get3A_895 : vector<1x16xf32> to vector<16xf32>
        %get3A_897 = arith.index_cast %add3A_732 : i32 to index
        %get3A_898 = arith.constant 96 : index
        %get3A_899 = tpu.vector_load %arg12[%get3A_897, %get3A_898] {strides = array<i32>} : memref<80x128xf32, #tpu.memory_space<vmem>>, vector<1x16xf32>,
        %get3A_900 = vector.shape_cast %get3A_899 : vector<1x16xf32> to vector<16xf32>
        %add3A_901 = arith.addf %get3A_896, %get3A_900 : vector<16xf32>
        %mul3A_902 = vector.broadcast %squeeze3A_734 : f32 to vector<16xf32>
        %mul3A_903 = arith.mulf %mul3A_902, %get3A_22 : vector<16xf32>
        %add3A_904 = arith.addf %add3A_901, %mul3A_903 : vector<16xf32>
        %ge3A_905 = arith.constant 0.000000e+00 : f32
        %ge3A_906 = vector.broadcast %ge3A_905 : f32 to vector<16xf32>
        %ge3A_907 = arith.cmpf oge, %add3A_904, %ge3A_906 : vector<16xf32>
        %mul3A_908 = arith.constant 0.00999999977 : f32
        %mul3A_909 = vector.broadcast %mul3A_908 : f32 to vector<16xf32>
        %mul3A_910 = arith.mulf %mul3A_909, %add3A_904 : vector<16xf32>
        %select_n3A_911 = arith.select %ge3A_907, %add3A_904, %mul3A_910 : vector<16xi1>, vector<16xf32>
        %mul3A_912 = vector.broadcast %squeeze3A_736 : f32 to vector<16xf32>
        %mul3A_913 = arith.mulf %select_n3A_911, %mul3A_912 : vector<16xf32>
        %swap3A_914 = arith.index_cast %add3A_732 : i32 to index
        %swap3A_915 = arith.constant 96 : index
        %swap3A_916 = tpu.vector_load %arg13[%swap3A_914, %swap3A_915] {strides = array<i32>} : memref<80x128xf32, #tpu.memory_space<vmem>>, vector<1x16xf32>,
        %swap3A_917 = vector.shape_cast %swap3A_916 : vector<1x16xf32> to vector<16xf32>
        %swap3A_918 = vector.shape_cast %mul3A_913 : vector<16xf32> to vector<1x16xf32>
        tpu.vector_store %arg13[%swap3A_914, %swap3A_915], %swap3A_918 {strides = array<i32>} : memref<80x128xf32, #tpu.memory_space<vmem>>, vector<1x16xf32>,
        %get3A_919 = arith.index_cast %add3A_732 : i32 to index
        %get3A_920 = arith.constant 112 : index
        %get3A_921 = tpu.vector_load %arg11[%get3A_919, %get3A_920] {strides = array<i32>} : memref<80x128xf32, #tpu.memory_space<vmem>>, vector<1x16xf32>,
        %get3A_922 = vector.shape_cast %get3A_921 : vector<1x16xf32> to vector<16xf32>
        %get3A_923 = arith.index_cast %add3A_732 : i32 to index
        %get3A_924 = arith.constant 112 : index
        %get3A_925 = tpu.vector_load %arg12[%get3A_923, %get3A_924] {strides = array<i32>} : memref<80x128xf32, #tpu.memory_space<vmem>>, vector<1x16xf32>,
        %get3A_926 = vector.shape_cast %get3A_925 : vector<1x16xf32> to vector<16xf32>
        %add3A_927 = arith.addf %get3A_922, %get3A_926 : vector<16xf32>
        %mul3A_928 = vector.broadcast %squeeze3A_734 : f32 to vector<16xf32>
        %mul3A_929 = arith.mulf %mul3A_928, %get3A_25 : vector<16xf32>
        %add3A_930 = arith.addf %add3A_927, %mul3A_929 : vector<16xf32>
        %ge3A_931 = arith.constant 0.000000e+00 : f32
        %ge3A_932 = vector.broadcast %ge3A_931 : f32 to vector<16xf32>
        %ge3A_933 = arith.cmpf oge, %add3A_930, %ge3A_932 : vector<16xf32>
        %mul3A_934 = arith.constant 0.00999999977 : f32
        %mul3A_935 = vector.broadcast %mul3A_934 : f32 to vector<16xf32>
        %mul3A_936 = arith.mulf %mul3A_935, %add3A_930 : vector<16xf32>
        %select_n3A_937 = arith.select %ge3A_933, %add3A_930, %mul3A_936 : vector<16xi1>, vector<16xf32>
        %mul3A_938 = vector.broadcast %squeeze3A_736 : f32 to vector<16xf32>
        %mul3A_939 = arith.mulf %select_n3A_937, %mul3A_938 : vector<16xf32>
        %swap3A_940 = arith.index_cast %add3A_732 : i32 to index
        %swap3A_941 = arith.constant 112 : index
        %swap3A_942 = tpu.vector_load %arg13[%swap3A_940, %swap3A_941] {strides = array<i32>} : memref<80x128xf32, #tpu.memory_space<vmem>>, vector<1x16xf32>,
        %swap3A_943 = vector.shape_cast %swap3A_942 : vector<1x16xf32> to vector<16xf32>
        %swap3A_944 = vector.shape_cast %mul3A_939 : vector<16xf32> to vector<1x16xf32>
        tpu.vector_store %arg13[%swap3A_940, %swap3A_941], %swap3A_944 {strides = array<i32>} : memref<80x128xf32, #tpu.memory_space<vmem>>, vector<1x16xf32>,
        %mul3A_945 = arith.constant 16 : i32
        %mul3A_946 = arith.muli %scan3A_75, %mul3A_945 : i32
        %add3A_947 = arith.constant 4 : i32
        %add3A_948 = arith.addi %mul3A_946, %add3A_947 : i32
        %slice3A_949 = vector.extract_strided_slice %get3A_80 {offsets = [4], sizes = [1], strides = [1]} : vector<16xf32> to vector<1xf32>
        %squeeze3A_950 = vector.extract %slice3A_949[0] : f32 from vector<1xf32>
        %slice3A_951 = vector.extract_strided_slice %select_n3A {offsets = [4], sizes = [1], strides = [1]} : vector<16xf32> to vector<1xf32>
        %squeeze3A_952 = vector.extract %slice3A_951[0] : f32 from vector<1xf32>
        %get3A_953 = arith.index_cast %add3A_948 : i32 to index
        %get3A_954 = arith.constant 0 : index
        %get3A_955 = tpu.vector_load %arg11[%get3A_953, %get3A_954] {strides = array<i32>} : memref<80x128xf32, #tpu.memory_space<vmem>>, vector<1x16xf32>,
        %get3A_956 = vector.shape_cast %get3A_955 : vector<1x16xf32> to vector<16xf32>
        %get3A_957 = arith.index_cast %add3A_948 : i32 to index
        %get3A_958 = arith.constant 0 : index
        %get3A_959 = tpu.vector_load %arg12[%get3A_957, %get3A_958] {strides = array<i32>} : memref<80x128xf32, #tpu.memory_space<vmem>>, vector<1x16xf32>,
        %get3A_960 = vector.shape_cast %get3A_959 : vector<1x16xf32> to vector<16xf32>
        %add3A_961 = arith.addf %get3A_956, %get3A_960 : vector<16xf32>
        %mul3A_962 = vector.broadcast %squeeze3A_950 : f32 to vector<16xf32>
        %mul3A_963 = arith.mulf %mul3A_962, %get3A_4 : vector<16xf32>
        %add3A_964 = arith.addf %add3A_961, %mul3A_963 : vector<16xf32>
        %ge3A_965 = arith.constant 0.000000e+00 : f32
        %ge3A_966 = vector.broadcast %ge3A_965 : f32 to vector<16xf32>
        %ge3A_967 = arith.cmpf oge, %add3A_964, %ge3A_966 : vector<16xf32>
        %mul3A_968 = arith.constant 0.00999999977 : f32
        %mul3A_969 = vector.broadcast %mul3A_968 : f32 to vector<16xf32>
        %mul3A_970 = arith.mulf %mul3A_969, %add3A_964 : vector<16xf32>
        %select_n3A_971 = arith.select %ge3A_967, %add3A_964, %mul3A_970 : vector<16xi1>, vector<16xf32>
        %mul3A_972 = vector.broadcast %squeeze3A_952 : f32 to vector<16xf32>
        %mul3A_973 = arith.mulf %select_n3A_971, %mul3A_972 : vector<16xf32>
        %swap3A_974 = arith.index_cast %add3A_948 : i32 to index
        %swap3A_975 = arith.constant 0 : index
        %swap3A_976 = tpu.vector_load %arg13[%swap3A_974, %swap3A_975] {strides = array<i32>} : memref<80x128xf32, #tpu.memory_space<vmem>>, vector<1x16xf32>,
        %swap3A_977 = vector.shape_cast %swap3A_976 : vector<1x16xf32> to vector<16xf32>
        %swap3A_978 = vector.shape_cast %mul3A_973 : vector<16xf32> to vector<1x16xf32>
        tpu.vector_store %arg13[%swap3A_974, %swap3A_975], %swap3A_978 {strides = array<i32>} : memref<80x128xf32, #tpu.memory_space<vmem>>, vector<1x16xf32>,
        %get3A_979 = arith.index_cast %add3A_948 : i32 to index
        %get3A_980 = arith.constant 16 : index
        %get3A_981 = tpu.vector_load %arg11[%get3A_979, %get3A_980] {strides = array<i32>} : memref<80x128xf32, #tpu.memory_space<vmem>>, vector<1x16xf32>,
        %get3A_982 = vector.shape_cast %get3A_981 : vector<1x16xf32> to vector<16xf32>
        %get3A_983 = arith.index_cast %add3A_948 : i32 to index
        %get3A_984 = arith.constant 16 : index
        %get3A_985 = tpu.vector_load %arg12[%get3A_983, %get3A_984] {strides = array<i32>} : memref<80x128xf32, #tpu.memory_space<vmem>>, vector<1x16xf32>,
        %get3A_986 = vector.shape_cast %get3A_985 : vector<1x16xf32> to vector<16xf32>
        %add3A_987 = arith.addf %get3A_982, %get3A_986 : vector<16xf32>
        %mul3A_988 = vector.broadcast %squeeze3A_950 : f32 to vector<16xf32>
        %mul3A_989 = arith.mulf %mul3A_988, %get3A_7 : vector<16xf32>
        %add3A_990 = arith.addf %add3A_987, %mul3A_989 : vector<16xf32>
        %ge3A_991 = arith.constant 0.000000e+00 : f32
        %ge3A_992 = vector.broadcast %ge3A_991 : f32 to vector<16xf32>
        %ge3A_993 = arith.cmpf oge, %add3A_990, %ge3A_992 : vector<16xf32>
        %mul3A_994 = arith.constant 0.00999999977 : f32
        %mul3A_995 = vector.broadcast %mul3A_994 : f32 to vector<16xf32>
        %mul3A_996 = arith.mulf %mul3A_995, %add3A_990 : vector<16xf32>
        %select_n3A_997 = arith.select %ge3A_993, %add3A_990, %mul3A_996 : vector<16xi1>, vector<16xf32>
        %mul3A_998 = vector.broadcast %squeeze3A_952 : f32 to vector<16xf32>
        %mul3A_999 = arith.mulf %select_n3A_997, %mul3A_998 : vector<16xf32>
        %swap3A_1000 = arith.index_cast %add3A_948 : i32 to index
        %swap3A_1001 = arith.constant 16 : index
        %swap3A_1002 = tpu.vector_load %arg13[%swap3A_1000, %swap3A_1001] {strides = array<i32>} : memref<80x128xf32, #tpu.memory_space<vmem>>, vector<1x16xf32>,
        %swap3A_1003 = vector.shape_cast %swap3A_1002 : vector<1x16xf32> to vector<16xf32>
        %swap3A_1004 = vector.shape_cast %mul3A_999 : vector<16xf32> to vector<1x16xf32>
        tpu.vector_store %arg13[%swap3A_1000, %swap3A_1001], %swap3A_1004 {strides = array<i32>} : memref<80x128xf32, #tpu.memory_space<vmem>>, vector<1x16xf32>,
        %get3A_1005 = arith.index_cast %add3A_948 : i32 to index
        %get3A_1006 = arith.constant 32 : index
        %get3A_1007 = tpu.vector_load %arg11[%get3A_1005, %get3A_1006] {strides = array<i32>} : memref<80x128xf32, #tpu.memory_space<vmem>>, vector<1x16xf32>,
        %get3A_1008 = vector.shape_cast %get3A_1007 : vector<1x16xf32> to vector<16xf32>
        %get3A_1009 = arith.index_cast %add3A_948 : i32 to index
        %get3A_1010 = arith.constant 32 : index
        %get3A_1011 = tpu.vector_load %arg12[%get3A_1009, %get3A_1010] {strides = array<i32>} : memref<80x128xf32, #tpu.memory_space<vmem>>, vector<1x16xf32>,
        %get3A_1012 = vector.shape_cast %get3A_1011 : vector<1x16xf32> to vector<16xf32>
        %add3A_1013 = arith.addf %get3A_1008, %get3A_1012 : vector<16xf32>
        %mul3A_1014 = vector.broadcast %squeeze3A_950 : f32 to vector<16xf32>
        %mul3A_1015 = arith.mulf %mul3A_1014, %get3A_10 : vector<16xf32>
        %add3A_1016 = arith.addf %add3A_1013, %mul3A_1015 : vector<16xf32>
        %ge3A_1017 = arith.constant 0.000000e+00 : f32
        %ge3A_1018 = vector.broadcast %ge3A_1017 : f32 to vector<16xf32>
        %ge3A_1019 = arith.cmpf oge, %add3A_1016, %ge3A_1018 : vector<16xf32>
        %mul3A_1020 = arith.constant 0.00999999977 : f32
        %mul3A_1021 = vector.broadcast %mul3A_1020 : f32 to vector<16xf32>
        %mul3A_1022 = arith.mulf %mul3A_1021, %add3A_1016 : vector<16xf32>
        %select_n3A_1023 = arith.select %ge3A_1019, %add3A_1016, %mul3A_1022 : vector<16xi1>, vector<16xf32>
        %mul3A_1024 = vector.broadcast %squeeze3A_952 : f32 to vector<16xf32>
        %mul3A_1025 = arith.mulf %select_n3A_1023, %mul3A_1024 : vector<16xf32>
        %swap3A_1026 = arith.index_cast %add3A_948 : i32 to index
        %swap3A_1027 = arith.constant 32 : index
        %swap3A_1028 = tpu.vector_load %arg13[%swap3A_1026, %swap3A_1027] {strides = array<i32>} : memref<80x128xf32, #tpu.memory_space<vmem>>, vector<1x16xf32>,
        %swap3A_1029 = vector.shape_cast %swap3A_1028 : vector<1x16xf32> to vector<16xf32>
        %swap3A_1030 = vector.shape_cast %mul3A_1025 : vector<16xf32> to vector<1x16xf32>
        tpu.vector_store %arg13[%swap3A_1026, %swap3A_1027], %swap3A_1030 {strides = array<i32>} : memref<80x128xf32, #tpu.memory_space<vmem>>, vector<1x16xf32>,
        %get3A_1031 = arith.index_cast %add3A_948 : i32 to index
        %get3A_1032 = arith.constant 48 : index
        %get3A_1033 = tpu.vector_load %arg11[%get3A_1031, %get3A_1032] {strides = array<i32>} : memref<80x128xf32, #tpu.memory_space<vmem>>, vector<1x16xf32>,
        %get3A_1034 = vector.shape_cast %get3A_1033 : vector<1x16xf32> to vector<16xf32>
        %get3A_1035 = arith.index_cast %add3A_948 : i32 to index
        %get3A_1036 = arith.constant 48 : index
        %get3A_1037 = tpu.vector_load %arg12[%get3A_1035, %get3A_1036] {strides = array<i32>} : memref<80x128xf32, #tpu.memory_space<vmem>>, vector<1x16xf32>,
        %get3A_1038 = vector.shape_cast %get3A_1037 : vector<1x16xf32> to vector<16xf32>
        %add3A_1039 = arith.addf %get3A_1034, %get3A_1038 : vector<16xf32>
        %mul3A_1040 = vector.broadcast %squeeze3A_950 : f32 to vector<16xf32>
        %mul3A_1041 = arith.mulf %mul3A_1040, %get3A_13 : vector<16xf32>
        %add3A_1042 = arith.addf %add3A_1039, %mul3A_1041 : vector<16xf32>
        %ge3A_1043 = arith.constant 0.000000e+00 : f32
        %ge3A_1044 = vector.broadcast %ge3A_1043 : f32 to vector<16xf32>
        %ge3A_1045 = arith.cmpf oge, %add3A_1042, %ge3A_1044 : vector<16xf32>
        %mul3A_1046 = arith.constant 0.00999999977 : f32
        %mul3A_1047 = vector.broadcast %mul3A_1046 : f32 to vector<16xf32>
        %mul3A_1048 = arith.mulf %mul3A_1047, %add3A_1042 : vector<16xf32>
        %select_n3A_1049 = arith.select %ge3A_1045, %add3A_1042, %mul3A_1048 : vector<16xi1>, vector<16xf32>
        %mul3A_1050 = vector.broadcast %squeeze3A_952 : f32 to vector<16xf32>
        %mul3A_1051 = arith.mulf %select_n3A_1049, %mul3A_1050 : vector<16xf32>
        %swap3A_1052 = arith.index_cast %add3A_948 : i32 to index
        %swap3A_1053 = arith.constant 48 : index
        %swap3A_1054 = tpu.vector_load %arg13[%swap3A_1052, %swap3A_1053] {strides = array<i32>} : memref<80x128xf32, #tpu.memory_space<vmem>>, vector<1x16xf32>,
        %swap3A_1055 = vector.shape_cast %swap3A_1054 : vector<1x16xf32> to vector<16xf32>
        %swap3A_1056 = vector.shape_cast %mul3A_1051 : vector<16xf32> to vector<1x16xf32>
        tpu.vector_store %arg13[%swap3A_1052, %swap3A_1053], %swap3A_1056 {strides = array<i32>} : memref<80x128xf32, #tpu.memory_space<vmem>>, vector<1x16xf32>,
        %get3A_1057 = arith.index_cast %add3A_948 : i32 to index
        %get3A_1058 = arith.constant 64 : index
        %get3A_1059 = tpu.vector_load %arg11[%get3A_1057, %get3A_1058] {strides = array<i32>} : memref<80x128xf32, #tpu.memory_space<vmem>>, vector<1x16xf32>,
        %get3A_1060 = vector.shape_cast %get3A_1059 : vector<1x16xf32> to vector<16xf32>
        %get3A_1061 = arith.index_cast %add3A_948 : i32 to index
        %get3A_1062 = arith.constant 64 : index
        %get3A_1063 = tpu.vector_load %arg12[%get3A_1061, %get3A_1062] {strides = array<i32>} : memref<80x128xf32, #tpu.memory_space<vmem>>, vector<1x16xf32>,
        %get3A_1064 = vector.shape_cast %get3A_1063 : vector<1x16xf32> to vector<16xf32>
        %add3A_1065 = arith.addf %get3A_1060, %get3A_1064 : vector<16xf32>
        %mul3A_1066 = vector.broadcast %squeeze3A_950 : f32 to vector<16xf32>
        %mul3A_1067 = arith.mulf %mul3A_1066, %get3A_16 : vector<16xf32>
        %add3A_1068 = arith.addf %add3A_1065, %mul3A_1067 : vector<16xf32>
        %ge3A_1069 = arith.constant 0.000000e+00 : f32
        %ge3A_1070 = vector.broadcast %ge3A_1069 : f32 to vector<16xf32>
        %ge3A_1071 = arith.cmpf oge, %add3A_1068, %ge3A_1070 : vector<16xf32>
        %mul3A_1072 = arith.constant 0.00999999977 : f32
        %mul3A_1073 = vector.broadcast %mul3A_1072 : f32 to vector<16xf32>
        %mul3A_1074 = arith.mulf %mul3A_1073, %add3A_1068 : vector<16xf32>
        %select_n3A_1075 = arith.select %ge3A_1071, %add3A_1068, %mul3A_1074 : vector<16xi1>, vector<16xf32>
        %mul3A_1076 = vector.broadcast %squeeze3A_952 : f32 to vector<16xf32>
        %mul3A_1077 = arith.mulf %select_n3A_1075, %mul3A_1076 : vector<16xf32>
        %swap3A_1078 = arith.index_cast %add3A_948 : i32 to index
        %swap3A_1079 = arith.constant 64 : index
        %swap3A_1080 = tpu.vector_load %arg13[%swap3A_1078, %swap3A_1079] {strides = array<i32>} : memref<80x128xf32, #tpu.memory_space<vmem>>, vector<1x16xf32>,
        %swap3A_1081 = vector.shape_cast %swap3A_1080 : vector<1x16xf32> to vector<16xf32>
        %swap3A_1082 = vector.shape_cast %mul3A_1077 : vector<16xf32> to vector<1x16xf32>
        tpu.vector_store %arg13[%swap3A_1078, %swap3A_1079], %swap3A_1082 {strides = array<i32>} : memref<80x128xf32, #tpu.memory_space<vmem>>, vector<1x16xf32>,
        %get3A_1083 = arith.index_cast %add3A_948 : i32 to index
        %get3A_1084 = arith.constant 80 : index
        %get3A_1085 = tpu.vector_load %arg11[%get3A_1083, %get3A_1084] {strides = array<i32>} : memref<80x128xf32, #tpu.memory_space<vmem>>, vector<1x16xf32>,
        %get3A_1086 = vector.shape_cast %get3A_1085 : vector<1x16xf32> to vector<16xf32>
        %get3A_1087 = arith.index_cast %add3A_948 : i32 to index
        %get3A_1088 = arith.constant 80 : index
        %get3A_1089 = tpu.vector_load %arg12[%get3A_1087, %get3A_1088] {strides = array<i32>} : memref<80x128xf32, #tpu.memory_space<vmem>>, vector<1x16xf32>,
        %get3A_1090 = vector.shape_cast %get3A_1089 : vector<1x16xf32> to vector<16xf32>
        %add3A_1091 = arith.addf %get3A_1086, %get3A_1090 : vector<16xf32>
        %mul3A_1092 = vector.broadcast %squeeze3A_950 : f32 to vector<16xf32>
        %mul3A_1093 = arith.mulf %mul3A_1092, %get3A_19 : vector<16xf32>
        %add3A_1094 = arith.addf %add3A_1091, %mul3A_1093 : vector<16xf32>
        %ge3A_1095 = arith.constant 0.000000e+00 : f32
        %ge3A_1096 = vector.broadcast %ge3A_1095 : f32 to vector<16xf32>
        %ge3A_1097 = arith.cmpf oge, %add3A_1094, %ge3A_1096 : vector<16xf32>
        %mul3A_1098 = arith.constant 0.00999999977 : f32
        %mul3A_1099 = vector.broadcast %mul3A_1098 : f32 to vector<16xf32>
        %mul3A_1100 = arith.mulf %mul3A_1099, %add3A_1094 : vector<16xf32>
        %select_n3A_1101 = arith.select %ge3A_1097, %add3A_1094, %mul3A_1100 : vector<16xi1>, vector<16xf32>
        %mul3A_1102 = vector.broadcast %squeeze3A_952 : f32 to vector<16xf32>
        %mul3A_1103 = arith.mulf %select_n3A_1101, %mul3A_1102 : vector<16xf32>
        %swap3A_1104 = arith.index_cast %add3A_948 : i32 to index
        %swap3A_1105 = arith.constant 80 : index
        %swap3A_1106 = tpu.vector_load %arg13[%swap3A_1104, %swap3A_1105] {strides = array<i32>} : memref<80x128xf32, #tpu.memory_space<vmem>>, vector<1x16xf32>,
        %swap3A_1107 = vector.shape_cast %swap3A_1106 : vector<1x16xf32> to vector<16xf32>
        %swap3A_1108 = vector.shape_cast %mul3A_1103 : vector<16xf32> to vector<1x16xf32>
        tpu.vector_store %arg13[%swap3A_1104, %swap3A_1105], %swap3A_1108 {strides = array<i32>} : memref<80x128xf32, #tpu.memory_space<vmem>>, vector<1x16xf32>,
        %get3A_1109 = arith.index_cast %add3A_948 : i32 to index
        %get3A_1110 = arith.constant 96 : index
        %get3A_1111 = tpu.vector_load %arg11[%get3A_1109, %get3A_1110] {strides = array<i32>} : memref<80x128xf32, #tpu.memory_space<vmem>>, vector<1x16xf32>,
        %get3A_1112 = vector.shape_cast %get3A_1111 : vector<1x16xf32> to vector<16xf32>
        %get3A_1113 = arith.index_cast %add3A_948 : i32 to index
        %get3A_1114 = arith.constant 96 : index
        %get3A_1115 = tpu.vector_load %arg12[%get3A_1113, %get3A_1114] {strides = array<i32>} : memref<80x128xf32, #tpu.memory_space<vmem>>, vector<1x16xf32>,
        %get3A_1116 = vector.shape_cast %get3A_1115 : vector<1x16xf32> to vector<16xf32>
        %add3A_1117 = arith.addf %get3A_1112, %get3A_1116 : vector<16xf32>
        %mul3A_1118 = vector.broadcast %squeeze3A_950 : f32 to vector<16xf32>
        %mul3A_1119 = arith.mulf %mul3A_1118, %get3A_22 : vector<16xf32>
        %add3A_1120 = arith.addf %add3A_1117, %mul3A_1119 : vector<16xf32>
        %ge3A_1121 = arith.constant 0.000000e+00 : f32
        %ge3A_1122 = vector.broadcast %ge3A_1121 : f32 to vector<16xf32>
        %ge3A_1123 = arith.cmpf oge, %add3A_1120, %ge3A_1122 : vector<16xf32>
        %mul3A_1124 = arith.constant 0.00999999977 : f32
        %mul3A_1125 = vector.broadcast %mul3A_1124 : f32 to vector<16xf32>
        %mul3A_1126 = arith.mulf %mul3A_1125, %add3A_1120 : vector<16xf32>
        %select_n3A_1127 = arith.select %ge3A_1123, %add3A_1120, %mul3A_1126 : vector<16xi1>, vector<16xf32>
        %mul3A_1128 = vector.broadcast %squeeze3A_952 : f32 to vector<16xf32>
        %mul3A_1129 = arith.mulf %select_n3A_1127, %mul3A_1128 : vector<16xf32>
        %swap3A_1130 = arith.index_cast %add3A_948 : i32 to index
        %swap3A_1131 = arith.constant 96 : index
        %swap3A_1132 = tpu.vector_load %arg13[%swap3A_1130, %swap3A_1131] {strides = array<i32>} : memref<80x128xf32, #tpu.memory_space<vmem>>, vector<1x16xf32>,
        %swap3A_1133 = vector.shape_cast %swap3A_1132 : vector<1x16xf32> to vector<16xf32>
        %swap3A_1134 = vector.shape_cast %mul3A_1129 : vector<16xf32> to vector<1x16xf32>
        tpu.vector_store %arg13[%swap3A_1130, %swap3A_1131], %swap3A_1134 {strides = array<i32>} : memref<80x128xf32, #tpu.memory_space<vmem>>, vector<1x16xf32>,
        %get3A_1135 = arith.index_cast %add3A_948 : i32 to index
        %get3A_1136 = arith.constant 112 : index
        %get3A_1137 = tpu.vector_load %arg11[%get3A_1135, %get3A_1136] {strides = array<i32>} : memref<80x128xf32, #tpu.memory_space<vmem>>, vector<1x16xf32>,
        %get3A_1138 = vector.shape_cast %get3A_1137 : vector<1x16xf32> to vector<16xf32>
        %get3A_1139 = arith.index_cast %add3A_948 : i32 to index
        %get3A_1140 = arith.constant 112 : index
        %get3A_1141 = tpu.vector_load %arg12[%get3A_1139, %get3A_1140] {strides = array<i32>} : memref<80x128xf32, #tpu.memory_space<vmem>>, vector<1x16xf32>,
        %get3A_1142 = vector.shape_cast %get3A_1141 : vector<1x16xf32> to vector<16xf32>
        %add3A_1143 = arith.addf %get3A_1138, %get3A_1142 : vector<16xf32>
        %mul3A_1144 = vector.broadcast %squeeze3A_950 : f32 to vector<16xf32>
        %mul3A_1145 = arith.mulf %mul3A_1144, %get3A_25 : vector<16xf32>
        %add3A_1146 = arith.addf %add3A_1143, %mul3A_1145 : vector<16xf32>
        %ge3A_1147 = arith.constant 0.000000e+00 : f32
        %ge3A_1148 = vector.broadcast %ge3A_1147 : f32 to vector<16xf32>
        %ge3A_1149 = arith.cmpf oge, %add3A_1146, %ge3A_1148 : vector<16xf32>
        %mul3A_1150 = arith.constant 0.00999999977 : f32
        %mul3A_1151 = vector.broadcast %mul3A_1150 : f32 to vector<16xf32>
        %mul3A_1152 = arith.mulf %mul3A_1151, %add3A_1146 : vector<16xf32>
        %select_n3A_1153 = arith.select %ge3A_1149, %add3A_1146, %mul3A_1152 : vector<16xi1>, vector<16xf32>
        %mul3A_1154 = vector.broadcast %squeeze3A_952 : f32 to vector<16xf32>
        %mul3A_1155 = arith.mulf %select_n3A_1153, %mul3A_1154 : vector<16xf32>
        %swap3A_1156 = arith.index_cast %add3A_948 : i32 to index
        %swap3A_1157 = arith.constant 112 : index
        %swap3A_1158 = tpu.vector_load %arg13[%swap3A_1156, %swap3A_1157] {strides = array<i32>} : memref<80x128xf32, #tpu.memory_space<vmem>>, vector<1x16xf32>,
        %swap3A_1159 = vector.shape_cast %swap3A_1158 : vector<1x16xf32> to vector<16xf32>
        %swap3A_1160 = vector.shape_cast %mul3A_1155 : vector<16xf32> to vector<1x16xf32>
        tpu.vector_store %arg13[%swap3A_1156, %swap3A_1157], %swap3A_1160 {strides = array<i32>} : memref<80x128xf32, #tpu.memory_space<vmem>>, vector<1x16xf32>,
        %mul3A_1161 = arith.constant 16 : i32
        %mul3A_1162 = arith.muli %scan3A_75, %mul3A_1161 : i32
        %add3A_1163 = arith.constant 5 : i32
        %add3A_1164 = arith.addi %mul3A_1162, %add3A_1163 : i32
        %slice3A_1165 = vector.extract_strided_slice %get3A_80 {offsets = [5], sizes = [1], strides = [1]} : vector<16xf32> to vector<1xf32>
        %squeeze3A_1166 = vector.extract %slice3A_1165[0] : f32 from vector<1xf32>
        %slice3A_1167 = vector.extract_strided_slice %select_n3A {offsets = [5], sizes = [1], strides = [1]} : vector<16xf32> to vector<1xf32>
        %squeeze3A_1168 = vector.extract %slice3A_1167[0] : f32 from vector<1xf32>
        %get3A_1169 = arith.index_cast %add3A_1164 : i32 to index
        %get3A_1170 = arith.constant 0 : index
        %get3A_1171 = tpu.vector_load %arg11[%get3A_1169, %get3A_1170] {strides = array<i32>} : memref<80x128xf32, #tpu.memory_space<vmem>>, vector<1x16xf32>,
        %get3A_1172 = vector.shape_cast %get3A_1171 : vector<1x16xf32> to vector<16xf32>
        %get3A_1173 = arith.index_cast %add3A_1164 : i32 to index
        %get3A_1174 = arith.constant 0 : index
        %get3A_1175 = tpu.vector_load %arg12[%get3A_1173, %get3A_1174] {strides = array<i32>} : memref<80x128xf32, #tpu.memory_space<vmem>>, vector<1x16xf32>,
        %get3A_1176 = vector.shape_cast %get3A_1175 : vector<1x16xf32> to vector<16xf32>
        %add3A_1177 = arith.addf %get3A_1172, %get3A_1176 : vector<16xf32>
        %mul3A_1178 = vector.broadcast %squeeze3A_1166 : f32 to vector<16xf32>
        %mul3A_1179 = arith.mulf %mul3A_1178, %get3A_4 : vector<16xf32>
        %add3A_1180 = arith.addf %add3A_1177, %mul3A_1179 : vector<16xf32>
        %ge3A_1181 = arith.constant 0.000000e+00 : f32
        %ge3A_1182 = vector.broadcast %ge3A_1181 : f32 to vector<16xf32>
        %ge3A_1183 = arith.cmpf oge, %add3A_1180, %ge3A_1182 : vector<16xf32>
        %mul3A_1184 = arith.constant 0.00999999977 : f32
        %mul3A_1185 = vector.broadcast %mul3A_1184 : f32 to vector<16xf32>
        %mul3A_1186 = arith.mulf %mul3A_1185, %add3A_1180 : vector<16xf32>
        %select_n3A_1187 = arith.select %ge3A_1183, %add3A_1180, %mul3A_1186 : vector<16xi1>, vector<16xf32>
        %mul3A_1188 = vector.broadcast %squeeze3A_1168 : f32 to vector<16xf32>
        %mul3A_1189 = arith.mulf %select_n3A_1187, %mul3A_1188 : vector<16xf32>
        %swap3A_1190 = arith.index_cast %add3A_1164 : i32 to index
        %swap3A_1191 = arith.constant 0 : index
        %swap3A_1192 = tpu.vector_load %arg13[%swap3A_1190, %swap3A_1191] {strides = array<i32>} : memref<80x128xf32, #tpu.memory_space<vmem>>, vector<1x16xf32>,
        %swap3A_1193 = vector.shape_cast %swap3A_1192 : vector<1x16xf32> to vector<16xf32>
        %swap3A_1194 = vector.shape_cast %mul3A_1189 : vector<16xf32> to vector<1x16xf32>
        tpu.vector_store %arg13[%swap3A_1190, %swap3A_1191], %swap3A_1194 {strides = array<i32>} : memref<80x128xf32, #tpu.memory_space<vmem>>, vector<1x16xf32>,
        %get3A_1195 = arith.index_cast %add3A_1164 : i32 to index
        %get3A_1196 = arith.constant 16 : index
        %get3A_1197 = tpu.vector_load %arg11[%get3A_1195, %get3A_1196] {strides = array<i32>} : memref<80x128xf32, #tpu.memory_space<vmem>>, vector<1x16xf32>,
        %get3A_1198 = vector.shape_cast %get3A_1197 : vector<1x16xf32> to vector<16xf32>
        %get3A_1199 = arith.index_cast %add3A_1164 : i32 to index
        %get3A_1200 = arith.constant 16 : index
        %get3A_1201 = tpu.vector_load %arg12[%get3A_1199, %get3A_1200] {strides = array<i32>} : memref<80x128xf32, #tpu.memory_space<vmem>>, vector<1x16xf32>,
        %get3A_1202 = vector.shape_cast %get3A_1201 : vector<1x16xf32> to vector<16xf32>
        %add3A_1203 = arith.addf %get3A_1198, %get3A_1202 : vector<16xf32>
        %mul3A_1204 = vector.broadcast %squeeze3A_1166 : f32 to vector<16xf32>
        %mul3A_1205 = arith.mulf %mul3A_1204, %get3A_7 : vector<16xf32>
        %add3A_1206 = arith.addf %add3A_1203, %mul3A_1205 : vector<16xf32>
        %ge3A_1207 = arith.constant 0.000000e+00 : f32
        %ge3A_1208 = vector.broadcast %ge3A_1207 : f32 to vector<16xf32>
        %ge3A_1209 = arith.cmpf oge, %add3A_1206, %ge3A_1208 : vector<16xf32>
        %mul3A_1210 = arith.constant 0.00999999977 : f32
        %mul3A_1211 = vector.broadcast %mul3A_1210 : f32 to vector<16xf32>
        %mul3A_1212 = arith.mulf %mul3A_1211, %add3A_1206 : vector<16xf32>
        %select_n3A_1213 = arith.select %ge3A_1209, %add3A_1206, %mul3A_1212 : vector<16xi1>, vector<16xf32>
        %mul3A_1214 = vector.broadcast %squeeze3A_1168 : f32 to vector<16xf32>
        %mul3A_1215 = arith.mulf %select_n3A_1213, %mul3A_1214 : vector<16xf32>
        %swap3A_1216 = arith.index_cast %add3A_1164 : i32 to index
        %swap3A_1217 = arith.constant 16 : index
        %swap3A_1218 = tpu.vector_load %arg13[%swap3A_1216, %swap3A_1217] {strides = array<i32>} : memref<80x128xf32, #tpu.memory_space<vmem>>, vector<1x16xf32>,
        %swap3A_1219 = vector.shape_cast %swap3A_1218 : vector<1x16xf32> to vector<16xf32>
        %swap3A_1220 = vector.shape_cast %mul3A_1215 : vector<16xf32> to vector<1x16xf32>
        tpu.vector_store %arg13[%swap3A_1216, %swap3A_1217], %swap3A_1220 {strides = array<i32>} : memref<80x128xf32, #tpu.memory_space<vmem>>, vector<1x16xf32>,
        %get3A_1221 = arith.index_cast %add3A_1164 : i32 to index
        %get3A_1222 = arith.constant 32 : index
        %get3A_1223 = tpu.vector_load %arg11[%get3A_1221, %get3A_1222] {strides = array<i32>} : memref<80x128xf32, #tpu.memory_space<vmem>>, vector<1x16xf32>,
        %get3A_1224 = vector.shape_cast %get3A_1223 : vector<1x16xf32> to vector<16xf32>
        %get3A_1225 = arith.index_cast %add3A_1164 : i32 to index
        %get3A_1226 = arith.constant 32 : index
        %get3A_1227 = tpu.vector_load %arg12[%get3A_1225, %get3A_1226] {strides = array<i32>} : memref<80x128xf32, #tpu.memory_space<vmem>>, vector<1x16xf32>,
        %get3A_1228 = vector.shape_cast %get3A_1227 : vector<1x16xf32> to vector<16xf32>
        %add3A_1229 = arith.addf %get3A_1224, %get3A_1228 : vector<16xf32>
        %mul3A_1230 = vector.broadcast %squeeze3A_1166 : f32 to vector<16xf32>
        %mul3A_1231 = arith.mulf %mul3A_1230, %get3A_10 : vector<16xf32>
        %add3A_1232 = arith.addf %add3A_1229, %mul3A_1231 : vector<16xf32>
        %ge3A_1233 = arith.constant 0.000000e+00 : f32
        %ge3A_1234 = vector.broadcast %ge3A_1233 : f32 to vector<16xf32>
        %ge3A_1235 = arith.cmpf oge, %add3A_1232, %ge3A_1234 : vector<16xf32>
        %mul3A_1236 = arith.constant 0.00999999977 : f32
        %mul3A_1237 = vector.broadcast %mul3A_1236 : f32 to vector<16xf32>
        %mul3A_1238 = arith.mulf %mul3A_1237, %add3A_1232 : vector<16xf32>
        %select_n3A_1239 = arith.select %ge3A_1235, %add3A_1232, %mul3A_1238 : vector<16xi1>, vector<16xf32>
        %mul3A_1240 = vector.broadcast %squeeze3A_1168 : f32 to vector<16xf32>
        %mul3A_1241 = arith.mulf %select_n3A_1239, %mul3A_1240 : vector<16xf32>
        %swap3A_1242 = arith.index_cast %add3A_1164 : i32 to index
        %swap3A_1243 = arith.constant 32 : index
        %swap3A_1244 = tpu.vector_load %arg13[%swap3A_1242, %swap3A_1243] {strides = array<i32>} : memref<80x128xf32, #tpu.memory_space<vmem>>, vector<1x16xf32>,
        %swap3A_1245 = vector.shape_cast %swap3A_1244 : vector<1x16xf32> to vector<16xf32>
        %swap3A_1246 = vector.shape_cast %mul3A_1241 : vector<16xf32> to vector<1x16xf32>
        tpu.vector_store %arg13[%swap3A_1242, %swap3A_1243], %swap3A_1246 {strides = array<i32>} : memref<80x128xf32, #tpu.memory_space<vmem>>, vector<1x16xf32>,
        %get3A_1247 = arith.index_cast %add3A_1164 : i32 to index
        %get3A_1248 = arith.constant 48 : index
        %get3A_1249 = tpu.vector_load %arg11[%get3A_1247, %get3A_1248] {strides = array<i32>} : memref<80x128xf32, #tpu.memory_space<vmem>>, vector<1x16xf32>,
        %get3A_1250 = vector.shape_cast %get3A_1249 : vector<1x16xf32> to vector<16xf32>
        %get3A_1251 = arith.index_cast %add3A_1164 : i32 to index
        %get3A_1252 = arith.constant 48 : index
        %get3A_1253 = tpu.vector_load %arg12[%get3A_1251, %get3A_1252] {strides = array<i32>} : memref<80x128xf32, #tpu.memory_space<vmem>>, vector<1x16xf32>,
        %get3A_1254 = vector.shape_cast %get3A_1253 : vector<1x16xf32> to vector<16xf32>
        %add3A_1255 = arith.addf %get3A_1250, %get3A_1254 : vector<16xf32>
        %mul3A_1256 = vector.broadcast %squeeze3A_1166 : f32 to vector<16xf32>
        %mul3A_1257 = arith.mulf %mul3A_1256, %get3A_13 : vector<16xf32>
        %add3A_1258 = arith.addf %add3A_1255, %mul3A_1257 : vector<16xf32>
        %ge3A_1259 = arith.constant 0.000000e+00 : f32
        %ge3A_1260 = vector.broadcast %ge3A_1259 : f32 to vector<16xf32>
        %ge3A_1261 = arith.cmpf oge, %add3A_1258, %ge3A_1260 : vector<16xf32>
        %mul3A_1262 = arith.constant 0.00999999977 : f32
        %mul3A_1263 = vector.broadcast %mul3A_1262 : f32 to vector<16xf32>
        %mul3A_1264 = arith.mulf %mul3A_1263, %add3A_1258 : vector<16xf32>
        %select_n3A_1265 = arith.select %ge3A_1261, %add3A_1258, %mul3A_1264 : vector<16xi1>, vector<16xf32>
        %mul3A_1266 = vector.broadcast %squeeze3A_1168 : f32 to vector<16xf32>
        %mul3A_1267 = arith.mulf %select_n3A_1265, %mul3A_1266 : vector<16xf32>
        %swap3A_1268 = arith.index_cast %add3A_1164 : i32 to index
        %swap3A_1269 = arith.constant 48 : index
        %swap3A_1270 = tpu.vector_load %arg13[%swap3A_1268, %swap3A_1269] {strides = array<i32>} : memref<80x128xf32, #tpu.memory_space<vmem>>, vector<1x16xf32>,
        %swap3A_1271 = vector.shape_cast %swap3A_1270 : vector<1x16xf32> to vector<16xf32>
        %swap3A_1272 = vector.shape_cast %mul3A_1267 : vector<16xf32> to vector<1x16xf32>
        tpu.vector_store %arg13[%swap3A_1268, %swap3A_1269], %swap3A_1272 {strides = array<i32>} : memref<80x128xf32, #tpu.memory_space<vmem>>, vector<1x16xf32>,
        %get3A_1273 = arith.index_cast %add3A_1164 : i32 to index
        %get3A_1274 = arith.constant 64 : index
        %get3A_1275 = tpu.vector_load %arg11[%get3A_1273, %get3A_1274] {strides = array<i32>} : memref<80x128xf32, #tpu.memory_space<vmem>>, vector<1x16xf32>,
        %get3A_1276 = vector.shape_cast %get3A_1275 : vector<1x16xf32> to vector<16xf32>
        %get3A_1277 = arith.index_cast %add3A_1164 : i32 to index
        %get3A_1278 = arith.constant 64 : index
        %get3A_1279 = tpu.vector_load %arg12[%get3A_1277, %get3A_1278] {strides = array<i32>} : memref<80x128xf32, #tpu.memory_space<vmem>>, vector<1x16xf32>,
        %get3A_1280 = vector.shape_cast %get3A_1279 : vector<1x16xf32> to vector<16xf32>
        %add3A_1281 = arith.addf %get3A_1276, %get3A_1280 : vector<16xf32>
        %mul3A_1282 = vector.broadcast %squeeze3A_1166 : f32 to vector<16xf32>
        %mul3A_1283 = arith.mulf %mul3A_1282, %get3A_16 : vector<16xf32>
        %add3A_1284 = arith.addf %add3A_1281, %mul3A_1283 : vector<16xf32>
        %ge3A_1285 = arith.constant 0.000000e+00 : f32
        %ge3A_1286 = vector.broadcast %ge3A_1285 : f32 to vector<16xf32>
        %ge3A_1287 = arith.cmpf oge, %add3A_1284, %ge3A_1286 : vector<16xf32>
        %mul3A_1288 = arith.constant 0.00999999977 : f32
        %mul3A_1289 = vector.broadcast %mul3A_1288 : f32 to vector<16xf32>
        %mul3A_1290 = arith.mulf %mul3A_1289, %add3A_1284 : vector<16xf32>
        %select_n3A_1291 = arith.select %ge3A_1287, %add3A_1284, %mul3A_1290 : vector<16xi1>, vector<16xf32>
        %mul3A_1292 = vector.broadcast %squeeze3A_1168 : f32 to vector<16xf32>
        %mul3A_1293 = arith.mulf %select_n3A_1291, %mul3A_1292 : vector<16xf32>
        %swap3A_1294 = arith.index_cast %add3A_1164 : i32 to index
        %swap3A_1295 = arith.constant 64 : index
        %swap3A_1296 = tpu.vector_load %arg13[%swap3A_1294, %swap3A_1295] {strides = array<i32>} : memref<80x128xf32, #tpu.memory_space<vmem>>, vector<1x16xf32>,
        %swap3A_1297 = vector.shape_cast %swap3A_1296 : vector<1x16xf32> to vector<16xf32>
        %swap3A_1298 = vector.shape_cast %mul3A_1293 : vector<16xf32> to vector<1x16xf32>
        tpu.vector_store %arg13[%swap3A_1294, %swap3A_1295], %swap3A_1298 {strides = array<i32>} : memref<80x128xf32, #tpu.memory_space<vmem>>, vector<1x16xf32>,
        %get3A_1299 = arith.index_cast %add3A_1164 : i32 to index
        %get3A_1300 = arith.constant 80 : index
        %get3A_1301 = tpu.vector_load %arg11[%get3A_1299, %get3A_1300] {strides = array<i32>} : memref<80x128xf32, #tpu.memory_space<vmem>>, vector<1x16xf32>,
        %get3A_1302 = vector.shape_cast %get3A_1301 : vector<1x16xf32> to vector<16xf32>
        %get3A_1303 = arith.index_cast %add3A_1164 : i32 to index
        %get3A_1304 = arith.constant 80 : index
        %get3A_1305 = tpu.vector_load %arg12[%get3A_1303, %get3A_1304] {strides = array<i32>} : memref<80x128xf32, #tpu.memory_space<vmem>>, vector<1x16xf32>,
        %get3A_1306 = vector.shape_cast %get3A_1305 : vector<1x16xf32> to vector<16xf32>
        %add3A_1307 = arith.addf %get3A_1302, %get3A_1306 : vector<16xf32>
        %mul3A_1308 = vector.broadcast %squeeze3A_1166 : f32 to vector<16xf32>
        %mul3A_1309 = arith.mulf %mul3A_1308, %get3A_19 : vector<16xf32>
        %add3A_1310 = arith.addf %add3A_1307, %mul3A_1309 : vector<16xf32>
        %ge3A_1311 = arith.constant 0.000000e+00 : f32
        %ge3A_1312 = vector.broadcast %ge3A_1311 : f32 to vector<16xf32>
        %ge3A_1313 = arith.cmpf oge, %add3A_1310, %ge3A_1312 : vector<16xf32>
        %mul3A_1314 = arith.constant 0.00999999977 : f32
        %mul3A_1315 = vector.broadcast %mul3A_1314 : f32 to vector<16xf32>
        %mul3A_1316 = arith.mulf %mul3A_1315, %add3A_1310 : vector<16xf32>
        %select_n3A_1317 = arith.select %ge3A_1313, %add3A_1310, %mul3A_1316 : vector<16xi1>, vector<16xf32>
        %mul3A_1318 = vector.broadcast %squeeze3A_1168 : f32 to vector<16xf32>
        %mul3A_1319 = arith.mulf %select_n3A_1317, %mul3A_1318 : vector<16xf32>
        %swap3A_1320 = arith.index_cast %add3A_1164 : i32 to index
        %swap3A_1321 = arith.constant 80 : index
        %swap3A_1322 = tpu.vector_load %arg13[%swap3A_1320, %swap3A_1321] {strides = array<i32>} : memref<80x128xf32, #tpu.memory_space<vmem>>, vector<1x16xf32>,
        %swap3A_1323 = vector.shape_cast %swap3A_1322 : vector<1x16xf32> to vector<16xf32>
        %swap3A_1324 = vector.shape_cast %mul3A_1319 : vector<16xf32> to vector<1x16xf32>
        tpu.vector_store %arg13[%swap3A_1320, %swap3A_1321], %swap3A_1324 {strides = array<i32>} : memref<80x128xf32, #tpu.memory_space<vmem>>, vector<1x16xf32>,
        %get3A_1325 = arith.index_cast %add3A_1164 : i32 to index
        %get3A_1326 = arith.constant 96 : index
        %get3A_1327 = tpu.vector_load %arg11[%get3A_1325, %get3A_1326] {strides = array<i32>} : memref<80x128xf32, #tpu.memory_space<vmem>>, vector<1x16xf32>,
        %get3A_1328 = vector.shape_cast %get3A_1327 : vector<1x16xf32> to vector<16xf32>
        %get3A_1329 = arith.index_cast %add3A_1164 : i32 to index
        %get3A_1330 = arith.constant 96 : index
        %get3A_1331 = tpu.vector_load %arg12[%get3A_1329, %get3A_1330] {strides = array<i32>} : memref<80x128xf32, #tpu.memory_space<vmem>>, vector<1x16xf32>,
        %get3A_1332 = vector.shape_cast %get3A_1331 : vector<1x16xf32> to vector<16xf32>
        %add3A_1333 = arith.addf %get3A_1328, %get3A_1332 : vector<16xf32>
        %mul3A_1334 = vector.broadcast %squeeze3A_1166 : f32 to vector<16xf32>
        %mul3A_1335 = arith.mulf %mul3A_1334, %get3A_22 : vector<16xf32>
        %add3A_1336 = arith.addf %add3A_1333, %mul3A_1335 : vector<16xf32>
        %ge3A_1337 = arith.constant 0.000000e+00 : f32
        %ge3A_1338 = vector.broadcast %ge3A_1337 : f32 to vector<16xf32>
        %ge3A_1339 = arith.cmpf oge, %add3A_1336, %ge3A_1338 : vector<16xf32>
        %mul3A_1340 = arith.constant 0.00999999977 : f32
        %mul3A_1341 = vector.broadcast %mul3A_1340 : f32 to vector<16xf32>
        %mul3A_1342 = arith.mulf %mul3A_1341, %add3A_1336 : vector<16xf32>
        %select_n3A_1343 = arith.select %ge3A_1339, %add3A_1336, %mul3A_1342 : vector<16xi1>, vector<16xf32>
        %mul3A_1344 = vector.broadcast %squeeze3A_1168 : f32 to vector<16xf32>
        %mul3A_1345 = arith.mulf %select_n3A_1343, %mul3A_1344 : vector<16xf32>
        %swap3A_1346 = arith.index_cast %add3A_1164 : i32 to index
        %swap3A_1347 = arith.constant 96 : index
        %swap3A_1348 = tpu.vector_load %arg13[%swap3A_1346, %swap3A_1347] {strides = array<i32>} : memref<80x128xf32, #tpu.memory_space<vmem>>, vector<1x16xf32>,
        %swap3A_1349 = vector.shape_cast %swap3A_1348 : vector<1x16xf32> to vector<16xf32>
        %swap3A_1350 = vector.shape_cast %mul3A_1345 : vector<16xf32> to vector<1x16xf32>
        tpu.vector_store %arg13[%swap3A_1346, %swap3A_1347], %swap3A_1350 {strides = array<i32>} : memref<80x128xf32, #tpu.memory_space<vmem>>, vector<1x16xf32>,
        %get3A_1351 = arith.index_cast %add3A_1164 : i32 to index
        %get3A_1352 = arith.constant 112 : index
        %get3A_1353 = tpu.vector_load %arg11[%get3A_1351, %get3A_1352] {strides = array<i32>} : memref<80x128xf32, #tpu.memory_space<vmem>>, vector<1x16xf32>,
        %get3A_1354 = vector.shape_cast %get3A_1353 : vector<1x16xf32> to vector<16xf32>
        %get3A_1355 = arith.index_cast %add3A_1164 : i32 to index
        %get3A_1356 = arith.constant 112 : index
        %get3A_1357 = tpu.vector_load %arg12[%get3A_1355, %get3A_1356] {strides = array<i32>} : memref<80x128xf32, #tpu.memory_space<vmem>>, vector<1x16xf32>,
        %get3A_1358 = vector.shape_cast %get3A_1357 : vector<1x16xf32> to vector<16xf32>
        %add3A_1359 = arith.addf %get3A_1354, %get3A_1358 : vector<16xf32>
        %mul3A_1360 = vector.broadcast %squeeze3A_1166 : f32 to vector<16xf32>
        %mul3A_1361 = arith.mulf %mul3A_1360, %get3A_25 : vector<16xf32>
        %add3A_1362 = arith.addf %add3A_1359, %mul3A_1361 : vector<16xf32>
        %ge3A_1363 = arith.constant 0.000000e+00 : f32
        %ge3A_1364 = vector.broadcast %ge3A_1363 : f32 to vector<16xf32>
        %ge3A_1365 = arith.cmpf oge, %add3A_1362, %ge3A_1364 : vector<16xf32>
        %mul3A_1366 = arith.constant 0.00999999977 : f32
        %mul3A_1367 = vector.broadcast %mul3A_1366 : f32 to vector<16xf32>
        %mul3A_1368 = arith.mulf %mul3A_1367, %add3A_1362 : vector<16xf32>
        %select_n3A_1369 = arith.select %ge3A_1365, %add3A_1362, %mul3A_1368 : vector<16xi1>, vector<16xf32>
        %mul3A_1370 = vector.broadcast %squeeze3A_1168 : f32 to vector<16xf32>
        %mul3A_1371 = arith.mulf %select_n3A_1369, %mul3A_1370 : vector<16xf32>
        %swap3A_1372 = arith.index_cast %add3A_1164 : i32 to index
        %swap3A_1373 = arith.constant 112 : index
        %swap3A_1374 = tpu.vector_load %arg13[%swap3A_1372, %swap3A_1373] {strides = array<i32>} : memref<80x128xf32, #tpu.memory_space<vmem>>, vector<1x16xf32>,
        %swap3A_1375 = vector.shape_cast %swap3A_1374 : vector<1x16xf32> to vector<16xf32>
        %swap3A_1376 = vector.shape_cast %mul3A_1371 : vector<16xf32> to vector<1x16xf32>
        tpu.vector_store %arg13[%swap3A_1372, %swap3A_1373], %swap3A_1376 {strides = array<i32>} : memref<80x128xf32, #tpu.memory_space<vmem>>, vector<1x16xf32>,
        %mul3A_1377 = arith.constant 16 : i32
        %mul3A_1378 = arith.muli %scan3A_75, %mul3A_1377 : i32
        %add3A_1379 = arith.constant 6 : i32
        %add3A_1380 = arith.addi %mul3A_1378, %add3A_1379 : i32
        %slice3A_1381 = vector.extract_strided_slice %get3A_80 {offsets = [6], sizes = [1], strides = [1]} : vector<16xf32> to vector<1xf32>
        %squeeze3A_1382 = vector.extract %slice3A_1381[0] : f32 from vector<1xf32>
        %slice3A_1383 = vector.extract_strided_slice %select_n3A {offsets = [6], sizes = [1], strides = [1]} : vector<16xf32> to vector<1xf32>
        %squeeze3A_1384 = vector.extract %slice3A_1383[0] : f32 from vector<1xf32>
        %get3A_1385 = arith.index_cast %add3A_1380 : i32 to index
        %get3A_1386 = arith.constant 0 : index
        %get3A_1387 = tpu.vector_load %arg11[%get3A_1385, %get3A_1386] {strides = array<i32>} : memref<80x128xf32, #tpu.memory_space<vmem>>, vector<1x16xf32>,
        %get3A_1388 = vector.shape_cast %get3A_1387 : vector<1x16xf32> to vector<16xf32>
        %get3A_1389 = arith.index_cast %add3A_1380 : i32 to index
        %get3A_1390 = arith.constant 0 : index
        %get3A_1391 = tpu.vector_load %arg12[%get3A_1389, %get3A_1390] {strides = array<i32>} : memref<80x128xf32, #tpu.memory_space<vmem>>, vector<1x16xf32>,
        %get3A_1392 = vector.shape_cast %get3A_1391 : vector<1x16xf32> to vector<16xf32>
        %add3A_1393 = arith.addf %get3A_1388, %get3A_1392 : vector<16xf32>
        %mul3A_1394 = vector.broadcast %squeeze3A_1382 : f32 to vector<16xf32>
        %mul3A_1395 = arith.mulf %mul3A_1394, %get3A_4 : vector<16xf32>
        %add3A_1396 = arith.addf %add3A_1393, %mul3A_1395 : vector<16xf32>
        %ge3A_1397 = arith.constant 0.000000e+00 : f32
        %ge3A_1398 = vector.broadcast %ge3A_1397 : f32 to vector<16xf32>
        %ge3A_1399 = arith.cmpf oge, %add3A_1396, %ge3A_1398 : vector<16xf32>
        %mul3A_1400 = arith.constant 0.00999999977 : f32
        %mul3A_1401 = vector.broadcast %mul3A_1400 : f32 to vector<16xf32>
        %mul3A_1402 = arith.mulf %mul3A_1401, %add3A_1396 : vector<16xf32>
        %select_n3A_1403 = arith.select %ge3A_1399, %add3A_1396, %mul3A_1402 : vector<16xi1>, vector<16xf32>
        %mul3A_1404 = vector.broadcast %squeeze3A_1384 : f32 to vector<16xf32>
        %mul3A_1405 = arith.mulf %select_n3A_1403, %mul3A_1404 : vector<16xf32>
        %swap3A_1406 = arith.index_cast %add3A_1380 : i32 to index
        %swap3A_1407 = arith.constant 0 : index
        %swap3A_1408 = tpu.vector_load %arg13[%swap3A_1406, %swap3A_1407] {strides = array<i32>} : memref<80x128xf32, #tpu.memory_space<vmem>>, vector<1x16xf32>,
        %swap3A_1409 = vector.shape_cast %swap3A_1408 : vector<1x16xf32> to vector<16xf32>
        %swap3A_1410 = vector.shape_cast %mul3A_1405 : vector<16xf32> to vector<1x16xf32>
        tpu.vector_store %arg13[%swap3A_1406, %swap3A_1407], %swap3A_1410 {strides = array<i32>} : memref<80x128xf32, #tpu.memory_space<vmem>>, vector<1x16xf32>,
        %get3A_1411 = arith.index_cast %add3A_1380 : i32 to index
        %get3A_1412 = arith.constant 16 : index
        %get3A_1413 = tpu.vector_load %arg11[%get3A_1411, %get3A_1412] {strides = array<i32>} : memref<80x128xf32, #tpu.memory_space<vmem>>, vector<1x16xf32>,
        %get3A_1414 = vector.shape_cast %get3A_1413 : vector<1x16xf32> to vector<16xf32>
        %get3A_1415 = arith.index_cast %add3A_1380 : i32 to index
        %get3A_1416 = arith.constant 16 : index
        %get3A_1417 = tpu.vector_load %arg12[%get3A_1415, %get3A_1416] {strides = array<i32>} : memref<80x128xf32, #tpu.memory_space<vmem>>, vector<1x16xf32>,
        %get3A_1418 = vector.shape_cast %get3A_1417 : vector<1x16xf32> to vector<16xf32>
        %add3A_1419 = arith.addf %get3A_1414, %get3A_1418 : vector<16xf32>
        %mul3A_1420 = vector.broadcast %squeeze3A_1382 : f32 to vector<16xf32>
        %mul3A_1421 = arith.mulf %mul3A_1420, %get3A_7 : vector<16xf32>
        %add3A_1422 = arith.addf %add3A_1419, %mul3A_1421 : vector<16xf32>
        %ge3A_1423 = arith.constant 0.000000e+00 : f32
        %ge3A_1424 = vector.broadcast %ge3A_1423 : f32 to vector<16xf32>
        %ge3A_1425 = arith.cmpf oge, %add3A_1422, %ge3A_1424 : vector<16xf32>
        %mul3A_1426 = arith.constant 0.00999999977 : f32
        %mul3A_1427 = vector.broadcast %mul3A_1426 : f32 to vector<16xf32>
        %mul3A_1428 = arith.mulf %mul3A_1427, %add3A_1422 : vector<16xf32>
        %select_n3A_1429 = arith.select %ge3A_1425, %add3A_1422, %mul3A_1428 : vector<16xi1>, vector<16xf32>
        %mul3A_1430 = vector.broadcast %squeeze3A_1384 : f32 to vector<16xf32>
        %mul3A_1431 = arith.mulf %select_n3A_1429, %mul3A_1430 : vector<16xf32>
        %swap3A_1432 = arith.index_cast %add3A_1380 : i32 to index
        %swap3A_1433 = arith.constant 16 : index
        %swap3A_1434 = tpu.vector_load %arg13[%swap3A_1432, %swap3A_1433] {strides = array<i32>} : memref<80x128xf32, #tpu.memory_space<vmem>>, vector<1x16xf32>,
        %swap3A_1435 = vector.shape_cast %swap3A_1434 : vector<1x16xf32> to vector<16xf32>
        %swap3A_1436 = vector.shape_cast %mul3A_1431 : vector<16xf32> to vector<1x16xf32>
        tpu.vector_store %arg13[%swap3A_1432, %swap3A_1433], %swap3A_1436 {strides = array<i32>} : memref<80x128xf32, #tpu.memory_space<vmem>>, vector<1x16xf32>,
        %get3A_1437 = arith.index_cast %add3A_1380 : i32 to index
        %get3A_1438 = arith.constant 32 : index
        %get3A_1439 = tpu.vector_load %arg11[%get3A_1437, %get3A_1438] {strides = array<i32>} : memref<80x128xf32, #tpu.memory_space<vmem>>, vector<1x16xf32>,
        %get3A_1440 = vector.shape_cast %get3A_1439 : vector<1x16xf32> to vector<16xf32>
        %get3A_1441 = arith.index_cast %add3A_1380 : i32 to index
        %get3A_1442 = arith.constant 32 : index
        %get3A_1443 = tpu.vector_load %arg12[%get3A_1441, %get3A_1442] {strides = array<i32>} : memref<80x128xf32, #tpu.memory_space<vmem>>, vector<1x16xf32>,
        %get3A_1444 = vector.shape_cast %get3A_1443 : vector<1x16xf32> to vector<16xf32>
        %add3A_1445 = arith.addf %get3A_1440, %get3A_1444 : vector<16xf32>
        %mul3A_1446 = vector.broadcast %squeeze3A_1382 : f32 to vector<16xf32>
        %mul3A_1447 = arith.mulf %mul3A_1446, %get3A_10 : vector<16xf32>
        %add3A_1448 = arith.addf %add3A_1445, %mul3A_1447 : vector<16xf32>
        %ge3A_1449 = arith.constant 0.000000e+00 : f32
        %ge3A_1450 = vector.broadcast %ge3A_1449 : f32 to vector<16xf32>
        %ge3A_1451 = arith.cmpf oge, %add3A_1448, %ge3A_1450 : vector<16xf32>
        %mul3A_1452 = arith.constant 0.00999999977 : f32
        %mul3A_1453 = vector.broadcast %mul3A_1452 : f32 to vector<16xf32>
        %mul3A_1454 = arith.mulf %mul3A_1453, %add3A_1448 : vector<16xf32>
        %select_n3A_1455 = arith.select %ge3A_1451, %add3A_1448, %mul3A_1454 : vector<16xi1>, vector<16xf32>
        %mul3A_1456 = vector.broadcast %squeeze3A_1384 : f32 to vector<16xf32>
        %mul3A_1457 = arith.mulf %select_n3A_1455, %mul3A_1456 : vector<16xf32>
        %swap3A_1458 = arith.index_cast %add3A_1380 : i32 to index
        %swap3A_1459 = arith.constant 32 : index
        %swap3A_1460 = tpu.vector_load %arg13[%swap3A_1458, %swap3A_1459] {strides = array<i32>} : memref<80x128xf32, #tpu.memory_space<vmem>>, vector<1x16xf32>,
        %swap3A_1461 = vector.shape_cast %swap3A_1460 : vector<1x16xf32> to vector<16xf32>
        %swap3A_1462 = vector.shape_cast %mul3A_1457 : vector<16xf32> to vector<1x16xf32>
        tpu.vector_store %arg13[%swap3A_1458, %swap3A_1459], %swap3A_1462 {strides = array<i32>} : memref<80x128xf32, #tpu.memory_space<vmem>>, vector<1x16xf32>,
        %get3A_1463 = arith.index_cast %add3A_1380 : i32 to index
        %get3A_1464 = arith.constant 48 : index
        %get3A_1465 = tpu.vector_load %arg11[%get3A_1463, %get3A_1464] {strides = array<i32>} : memref<80x128xf32, #tpu.memory_space<vmem>>, vector<1x16xf32>,
        %get3A_1466 = vector.shape_cast %get3A_1465 : vector<1x16xf32> to vector<16xf32>
        %get3A_1467 = arith.index_cast %add3A_1380 : i32 to index
        %get3A_1468 = arith.constant 48 : index
        %get3A_1469 = tpu.vector_load %arg12[%get3A_1467, %get3A_1468] {strides = array<i32>} : memref<80x128xf32, #tpu.memory_space<vmem>>, vector<1x16xf32>,
        %get3A_1470 = vector.shape_cast %get3A_1469 : vector<1x16xf32> to vector<16xf32>
        %add3A_1471 = arith.addf %get3A_1466, %get3A_1470 : vector<16xf32>
        %mul3A_1472 = vector.broadcast %squeeze3A_1382 : f32 to vector<16xf32>
        %mul3A_1473 = arith.mulf %mul3A_1472, %get3A_13 : vector<16xf32>
        %add3A_1474 = arith.addf %add3A_1471, %mul3A_1473 : vector<16xf32>
        %ge3A_1475 = arith.constant 0.000000e+00 : f32
        %ge3A_1476 = vector.broadcast %ge3A_1475 : f32 to vector<16xf32>
        %ge3A_1477 = arith.cmpf oge, %add3A_1474, %ge3A_1476 : vector<16xf32>
        %mul3A_1478 = arith.constant 0.00999999977 : f32
        %mul3A_1479 = vector.broadcast %mul3A_1478 : f32 to vector<16xf32>
        %mul3A_1480 = arith.mulf %mul3A_1479, %add3A_1474 : vector<16xf32>
        %select_n3A_1481 = arith.select %ge3A_1477, %add3A_1474, %mul3A_1480 : vector<16xi1>, vector<16xf32>
        %mul3A_1482 = vector.broadcast %squeeze3A_1384 : f32 to vector<16xf32>
        %mul3A_1483 = arith.mulf %select_n3A_1481, %mul3A_1482 : vector<16xf32>
        %swap3A_1484 = arith.index_cast %add3A_1380 : i32 to index
        %swap3A_1485 = arith.constant 48 : index
        %swap3A_1486 = tpu.vector_load %arg13[%swap3A_1484, %swap3A_1485] {strides = array<i32>} : memref<80x128xf32, #tpu.memory_space<vmem>>, vector<1x16xf32>,
        %swap3A_1487 = vector.shape_cast %swap3A_1486 : vector<1x16xf32> to vector<16xf32>
        %swap3A_1488 = vector.shape_cast %mul3A_1483 : vector<16xf32> to vector<1x16xf32>
        tpu.vector_store %arg13[%swap3A_1484, %swap3A_1485], %swap3A_1488 {strides = array<i32>} : memref<80x128xf32, #tpu.memory_space<vmem>>, vector<1x16xf32>,
        %get3A_1489 = arith.index_cast %add3A_1380 : i32 to index
        %get3A_1490 = arith.constant 64 : index
        %get3A_1491 = tpu.vector_load %arg11[%get3A_1489, %get3A_1490] {strides = array<i32>} : memref<80x128xf32, #tpu.memory_space<vmem>>, vector<1x16xf32>,
        %get3A_1492 = vector.shape_cast %get3A_1491 : vector<1x16xf32> to vector<16xf32>
        %get3A_1493 = arith.index_cast %add3A_1380 : i32 to index
        %get3A_1494 = arith.constant 64 : index
        %get3A_1495 = tpu.vector_load %arg12[%get3A_1493, %get3A_1494] {strides = array<i32>} : memref<80x128xf32, #tpu.memory_space<vmem>>, vector<1x16xf32>,
        %get3A_1496 = vector.shape_cast %get3A_1495 : vector<1x16xf32> to vector<16xf32>
        %add3A_1497 = arith.addf %get3A_1492, %get3A_1496 : vector<16xf32>
        %mul3A_1498 = vector.broadcast %squeeze3A_1382 : f32 to vector<16xf32>
        %mul3A_1499 = arith.mulf %mul3A_1498, %get3A_16 : vector<16xf32>
        %add3A_1500 = arith.addf %add3A_1497, %mul3A_1499 : vector<16xf32>
        %ge3A_1501 = arith.constant 0.000000e+00 : f32
        %ge3A_1502 = vector.broadcast %ge3A_1501 : f32 to vector<16xf32>
        %ge3A_1503 = arith.cmpf oge, %add3A_1500, %ge3A_1502 : vector<16xf32>
        %mul3A_1504 = arith.constant 0.00999999977 : f32
        %mul3A_1505 = vector.broadcast %mul3A_1504 : f32 to vector<16xf32>
        %mul3A_1506 = arith.mulf %mul3A_1505, %add3A_1500 : vector<16xf32>
        %select_n3A_1507 = arith.select %ge3A_1503, %add3A_1500, %mul3A_1506 : vector<16xi1>, vector<16xf32>
        %mul3A_1508 = vector.broadcast %squeeze3A_1384 : f32 to vector<16xf32>
        %mul3A_1509 = arith.mulf %select_n3A_1507, %mul3A_1508 : vector<16xf32>
        %swap3A_1510 = arith.index_cast %add3A_1380 : i32 to index
        %swap3A_1511 = arith.constant 64 : index
        %swap3A_1512 = tpu.vector_load %arg13[%swap3A_1510, %swap3A_1511] {strides = array<i32>} : memref<80x128xf32, #tpu.memory_space<vmem>>, vector<1x16xf32>,
        %swap3A_1513 = vector.shape_cast %swap3A_1512 : vector<1x16xf32> to vector<16xf32>
        %swap3A_1514 = vector.shape_cast %mul3A_1509 : vector<16xf32> to vector<1x16xf32>
        tpu.vector_store %arg13[%swap3A_1510, %swap3A_1511], %swap3A_1514 {strides = array<i32>} : memref<80x128xf32, #tpu.memory_space<vmem>>, vector<1x16xf32>,
        %get3A_1515 = arith.index_cast %add3A_1380 : i32 to index
        %get3A_1516 = arith.constant 80 : index
        %get3A_1517 = tpu.vector_load %arg11[%get3A_1515, %get3A_1516] {strides = array<i32>} : memref<80x128xf32, #tpu.memory_space<vmem>>, vector<1x16xf32>,
        %get3A_1518 = vector.shape_cast %get3A_1517 : vector<1x16xf32> to vector<16xf32>
        %get3A_1519 = arith.index_cast %add3A_1380 : i32 to index
        %get3A_1520 = arith.constant 80 : index
        %get3A_1521 = tpu.vector_load %arg12[%get3A_1519, %get3A_1520] {strides = array<i32>} : memref<80x128xf32, #tpu.memory_space<vmem>>, vector<1x16xf32>,
        %get3A_1522 = vector.shape_cast %get3A_1521 : vector<1x16xf32> to vector<16xf32>
        %add3A_1523 = arith.addf %get3A_1518, %get3A_1522 : vector<16xf32>
        %mul3A_1524 = vector.broadcast %squeeze3A_1382 : f32 to vector<16xf32>
        %mul3A_1525 = arith.mulf %mul3A_1524, %get3A_19 : vector<16xf32>
        %add3A_1526 = arith.addf %add3A_1523, %mul3A_1525 : vector<16xf32>
        %ge3A_1527 = arith.constant 0.000000e+00 : f32
        %ge3A_1528 = vector.broadcast %ge3A_1527 : f32 to vector<16xf32>
        %ge3A_1529 = arith.cmpf oge, %add3A_1526, %ge3A_1528 : vector<16xf32>
        %mul3A_1530 = arith.constant 0.00999999977 : f32
        %mul3A_1531 = vector.broadcast %mul3A_1530 : f32 to vector<16xf32>
        %mul3A_1532 = arith.mulf %mul3A_1531, %add3A_1526 : vector<16xf32>
        %select_n3A_1533 = arith.select %ge3A_1529, %add3A_1526, %mul3A_1532 : vector<16xi1>, vector<16xf32>
        %mul3A_1534 = vector.broadcast %squeeze3A_1384 : f32 to vector<16xf32>
        %mul3A_1535 = arith.mulf %select_n3A_1533, %mul3A_1534 : vector<16xf32>
        %swap3A_1536 = arith.index_cast %add3A_1380 : i32 to index
        %swap3A_1537 = arith.constant 80 : index
        %swap3A_1538 = tpu.vector_load %arg13[%swap3A_1536, %swap3A_1537] {strides = array<i32>} : memref<80x128xf32, #tpu.memory_space<vmem>>, vector<1x16xf32>,
        %swap3A_1539 = vector.shape_cast %swap3A_1538 : vector<1x16xf32> to vector<16xf32>
        %swap3A_1540 = vector.shape_cast %mul3A_1535 : vector<16xf32> to vector<1x16xf32>
        tpu.vector_store %arg13[%swap3A_1536, %swap3A_1537], %swap3A_1540 {strides = array<i32>} : memref<80x128xf32, #tpu.memory_space<vmem>>, vector<1x16xf32>,
        %get3A_1541 = arith.index_cast %add3A_1380 : i32 to index
        %get3A_1542 = arith.constant 96 : index
        %get3A_1543 = tpu.vector_load %arg11[%get3A_1541, %get3A_1542] {strides = array<i32>} : memref<80x128xf32, #tpu.memory_space<vmem>>, vector<1x16xf32>,
        %get3A_1544 = vector.shape_cast %get3A_1543 : vector<1x16xf32> to vector<16xf32>
        %get3A_1545 = arith.index_cast %add3A_1380 : i32 to index
        %get3A_1546 = arith.constant 96 : index
        %get3A_1547 = tpu.vector_load %arg12[%get3A_1545, %get3A_1546] {strides = array<i32>} : memref<80x128xf32, #tpu.memory_space<vmem>>, vector<1x16xf32>,
        %get3A_1548 = vector.shape_cast %get3A_1547 : vector<1x16xf32> to vector<16xf32>
        %add3A_1549 = arith.addf %get3A_1544, %get3A_1548 : vector<16xf32>
        %mul3A_1550 = vector.broadcast %squeeze3A_1382 : f32 to vector<16xf32>
        %mul3A_1551 = arith.mulf %mul3A_1550, %get3A_22 : vector<16xf32>
        %add3A_1552 = arith.addf %add3A_1549, %mul3A_1551 : vector<16xf32>
        %ge3A_1553 = arith.constant 0.000000e+00 : f32
        %ge3A_1554 = vector.broadcast %ge3A_1553 : f32 to vector<16xf32>
        %ge3A_1555 = arith.cmpf oge, %add3A_1552, %ge3A_1554 : vector<16xf32>
        %mul3A_1556 = arith.constant 0.00999999977 : f32
        %mul3A_1557 = vector.broadcast %mul3A_1556 : f32 to vector<16xf32>
        %mul3A_1558 = arith.mulf %mul3A_1557, %add3A_1552 : vector<16xf32>
        %select_n3A_1559 = arith.select %ge3A_1555, %add3A_1552, %mul3A_1558 : vector<16xi1>, vector<16xf32>
        %mul3A_1560 = vector.broadcast %squeeze3A_1384 : f32 to vector<16xf32>
        %mul3A_1561 = arith.mulf %select_n3A_1559, %mul3A_1560 : vector<16xf32>
        %swap3A_1562 = arith.index_cast %add3A_1380 : i32 to index
        %swap3A_1563 = arith.constant 96 : index
        %swap3A_1564 = tpu.vector_load %arg13[%swap3A_1562, %swap3A_1563] {strides = array<i32>} : memref<80x128xf32, #tpu.memory_space<vmem>>, vector<1x16xf32>,
        %swap3A_1565 = vector.shape_cast %swap3A_1564 : vector<1x16xf32> to vector<16xf32>
        %swap3A_1566 = vector.shape_cast %mul3A_1561 : vector<16xf32> to vector<1x16xf32>
        tpu.vector_store %arg13[%swap3A_1562, %swap3A_1563], %swap3A_1566 {strides = array<i32>} : memref<80x128xf32, #tpu.memory_space<vmem>>, vector<1x16xf32>,
        %get3A_1567 = arith.index_cast %add3A_1380 : i32 to index
        %get3A_1568 = arith.constant 112 : index
        %get3A_1569 = tpu.vector_load %arg11[%get3A_1567, %get3A_1568] {strides = array<i32>} : memref<80x128xf32, #tpu.memory_space<vmem>>, vector<1x16xf32>,
        %get3A_1570 = vector.shape_cast %get3A_1569 : vector<1x16xf32> to vector<16xf32>
        %get3A_1571 = arith.index_cast %add3A_1380 : i32 to index
        %get3A_1572 = arith.constant 112 : index
        %get3A_1573 = tpu.vector_load %arg12[%get3A_1571, %get3A_1572] {strides = array<i32>} : memref<80x128xf32, #tpu.memory_space<vmem>>, vector<1x16xf32>,
        %get3A_1574 = vector.shape_cast %get3A_1573 : vector<1x16xf32> to vector<16xf32>
        %add3A_1575 = arith.addf %get3A_1570, %get3A_1574 : vector<16xf32>
        %mul3A_1576 = vector.broadcast %squeeze3A_1382 : f32 to vector<16xf32>
        %mul3A_1577 = arith.mulf %mul3A_1576, %get3A_25 : vector<16xf32>
        %add3A_1578 = arith.addf %add3A_1575, %mul3A_1577 : vector<16xf32>
        %ge3A_1579 = arith.constant 0.000000e+00 : f32
        %ge3A_1580 = vector.broadcast %ge3A_1579 : f32 to vector<16xf32>
        %ge3A_1581 = arith.cmpf oge, %add3A_1578, %ge3A_1580 : vector<16xf32>
        %mul3A_1582 = arith.constant 0.00999999977 : f32
        %mul3A_1583 = vector.broadcast %mul3A_1582 : f32 to vector<16xf32>
        %mul3A_1584 = arith.mulf %mul3A_1583, %add3A_1578 : vector<16xf32>
        %select_n3A_1585 = arith.select %ge3A_1581, %add3A_1578, %mul3A_1584 : vector<16xi1>, vector<16xf32>
        %mul3A_1586 = vector.broadcast %squeeze3A_1384 : f32 to vector<16xf32>
        %mul3A_1587 = arith.mulf %select_n3A_1585, %mul3A_1586 : vector<16xf32>
        %swap3A_1588 = arith.index_cast %add3A_1380 : i32 to index
        %swap3A_1589 = arith.constant 112 : index
        %swap3A_1590 = tpu.vector_load %arg13[%swap3A_1588, %swap3A_1589] {strides = array<i32>} : memref<80x128xf32, #tpu.memory_space<vmem>>, vector<1x16xf32>,
        %swap3A_1591 = vector.shape_cast %swap3A_1590 : vector<1x16xf32> to vector<16xf32>
        %swap3A_1592 = vector.shape_cast %mul3A_1587 : vector<16xf32> to vector<1x16xf32>
        tpu.vector_store %arg13[%swap3A_1588, %swap3A_1589], %swap3A_1592 {strides = array<i32>} : memref<80x128xf32, #tpu.memory_space<vmem>>, vector<1x16xf32>,
        %mul3A_1593 = arith.constant 16 : i32
        %mul3A_1594 = arith.muli %scan3A_75, %mul3A_1593 : i32
        %add3A_1595 = arith.constant 7 : i32
        %add3A_1596 = arith.addi %mul3A_1594, %add3A_1595 : i32
        %slice3A_1597 = vector.extract_strided_slice %get3A_80 {offsets = [7], sizes = [1], strides = [1]} : vector<16xf32> to vector<1xf32>
        %squeeze3A_1598 = vector.extract %slice3A_1597[0] : f32 from vector<1xf32>
        %slice3A_1599 = vector.extract_strided_slice %select_n3A {offsets = [7], sizes = [1], strides = [1]} : vector<16xf32> to vector<1xf32>
        %squeeze3A_1600 = vector.extract %slice3A_1599[0] : f32 from vector<1xf32>
        %get3A_1601 = arith.index_cast %add3A_1596 : i32 to index
        %get3A_1602 = arith.constant 0 : index
        %get3A_1603 = tpu.vector_load %arg11[%get3A_1601, %get3A_1602] {strides = array<i32>} : memref<80x128xf32, #tpu.memory_space<vmem>>, vector<1x16xf32>,
        %get3A_1604 = vector.shape_cast %get3A_1603 : vector<1x16xf32> to vector<16xf32>
        %get3A_1605 = arith.index_cast %add3A_1596 : i32 to index
        %get3A_1606 = arith.constant 0 : index
        %get3A_1607 = tpu.vector_load %arg12[%get3A_1605, %get3A_1606] {strides = array<i32>} : memref<80x128xf32, #tpu.memory_space<vmem>>, vector<1x16xf32>,
        %get3A_1608 = vector.shape_cast %get3A_1607 : vector<1x16xf32> to vector<16xf32>
        %add3A_1609 = arith.addf %get3A_1604, %get3A_1608 : vector<16xf32>
        %mul3A_1610 = vector.broadcast %squeeze3A_1598 : f32 to vector<16xf32>
        %mul3A_1611 = arith.mulf %mul3A_1610, %get3A_4 : vector<16xf32>
        %add3A_1612 = arith.addf %add3A_1609, %mul3A_1611 : vector<16xf32>
        %ge3A_1613 = arith.constant 0.000000e+00 : f32
        %ge3A_1614 = vector.broadcast %ge3A_1613 : f32 to vector<16xf32>
        %ge3A_1615 = arith.cmpf oge, %add3A_1612, %ge3A_1614 : vector<16xf32>
        %mul3A_1616 = arith.constant 0.00999999977 : f32
        %mul3A_1617 = vector.broadcast %mul3A_1616 : f32 to vector<16xf32>
        %mul3A_1618 = arith.mulf %mul3A_1617, %add3A_1612 : vector<16xf32>
        %select_n3A_1619 = arith.select %ge3A_1615, %add3A_1612, %mul3A_1618 : vector<16xi1>, vector<16xf32>
        %mul3A_1620 = vector.broadcast %squeeze3A_1600 : f32 to vector<16xf32>
        %mul3A_1621 = arith.mulf %select_n3A_1619, %mul3A_1620 : vector<16xf32>
        %swap3A_1622 = arith.index_cast %add3A_1596 : i32 to index
        %swap3A_1623 = arith.constant 0 : index
        %swap3A_1624 = tpu.vector_load %arg13[%swap3A_1622, %swap3A_1623] {strides = array<i32>} : memref<80x128xf32, #tpu.memory_space<vmem>>, vector<1x16xf32>,
        %swap3A_1625 = vector.shape_cast %swap3A_1624 : vector<1x16xf32> to vector<16xf32>
        %swap3A_1626 = vector.shape_cast %mul3A_1621 : vector<16xf32> to vector<1x16xf32>
        tpu.vector_store %arg13[%swap3A_1622, %swap3A_1623], %swap3A_1626 {strides = array<i32>} : memref<80x128xf32, #tpu.memory_space<vmem>>, vector<1x16xf32>,
        %get3A_1627 = arith.index_cast %add3A_1596 : i32 to index
        %get3A_1628 = arith.constant 16 : index
        %get3A_1629 = tpu.vector_load %arg11[%get3A_1627, %get3A_1628] {strides = array<i32>} : memref<80x128xf32, #tpu.memory_space<vmem>>, vector<1x16xf32>,
        %get3A_1630 = vector.shape_cast %get3A_1629 : vector<1x16xf32> to vector<16xf32>
        %get3A_1631 = arith.index_cast %add3A_1596 : i32 to index
        %get3A_1632 = arith.constant 16 : index
        %get3A_1633 = tpu.vector_load %arg12[%get3A_1631, %get3A_1632] {strides = array<i32>} : memref<80x128xf32, #tpu.memory_space<vmem>>, vector<1x16xf32>,
        %get3A_1634 = vector.shape_cast %get3A_1633 : vector<1x16xf32> to vector<16xf32>
        %add3A_1635 = arith.addf %get3A_1630, %get3A_1634 : vector<16xf32>
        %mul3A_1636 = vector.broadcast %squeeze3A_1598 : f32 to vector<16xf32>
        %mul3A_1637 = arith.mulf %mul3A_1636, %get3A_7 : vector<16xf32>
        %add3A_1638 = arith.addf %add3A_1635, %mul3A_1637 : vector<16xf32>
        %ge3A_1639 = arith.constant 0.000000e+00 : f32
        %ge3A_1640 = vector.broadcast %ge3A_1639 : f32 to vector<16xf32>
        %ge3A_1641 = arith.cmpf oge, %add3A_1638, %ge3A_1640 : vector<16xf32>
        %mul3A_1642 = arith.constant 0.00999999977 : f32
        %mul3A_1643 = vector.broadcast %mul3A_1642 : f32 to vector<16xf32>
        %mul3A_1644 = arith.mulf %mul3A_1643, %add3A_1638 : vector<16xf32>
        %select_n3A_1645 = arith.select %ge3A_1641, %add3A_1638, %mul3A_1644 : vector<16xi1>, vector<16xf32>
        %mul3A_1646 = vector.broadcast %squeeze3A_1600 : f32 to vector<16xf32>
        %mul3A_1647 = arith.mulf %select_n3A_1645, %mul3A_1646 : vector<16xf32>
        %swap3A_1648 = arith.index_cast %add3A_1596 : i32 to index
        %swap3A_1649 = arith.constant 16 : index
        %swap3A_1650 = tpu.vector_load %arg13[%swap3A_1648, %swap3A_1649] {strides = array<i32>} : memref<80x128xf32, #tpu.memory_space<vmem>>, vector<1x16xf32>,
        %swap3A_1651 = vector.shape_cast %swap3A_1650 : vector<1x16xf32> to vector<16xf32>
        %swap3A_1652 = vector.shape_cast %mul3A_1647 : vector<16xf32> to vector<1x16xf32>
        tpu.vector_store %arg13[%swap3A_1648, %swap3A_1649], %swap3A_1652 {strides = array<i32>} : memref<80x128xf32, #tpu.memory_space<vmem>>, vector<1x16xf32>,
        %get3A_1653 = arith.index_cast %add3A_1596 : i32 to index
        %get3A_1654 = arith.constant 32 : index
        %get3A_1655 = tpu.vector_load %arg11[%get3A_1653, %get3A_1654] {strides = array<i32>} : memref<80x128xf32, #tpu.memory_space<vmem>>, vector<1x16xf32>,
        %get3A_1656 = vector.shape_cast %get3A_1655 : vector<1x16xf32> to vector<16xf32>
        %get3A_1657 = arith.index_cast %add3A_1596 : i32 to index
        %get3A_1658 = arith.constant 32 : index
        %get3A_1659 = tpu.vector_load %arg12[%get3A_1657, %get3A_1658] {strides = array<i32>} : memref<80x128xf32, #tpu.memory_space<vmem>>, vector<1x16xf32>,
        %get3A_1660 = vector.shape_cast %get3A_1659 : vector<1x16xf32> to vector<16xf32>
        %add3A_1661 = arith.addf %get3A_1656, %get3A_1660 : vector<16xf32>
        %mul3A_1662 = vector.broadcast %squeeze3A_1598 : f32 to vector<16xf32>
        %mul3A_1663 = arith.mulf %mul3A_1662, %get3A_10 : vector<16xf32>
        %add3A_1664 = arith.addf %add3A_1661, %mul3A_1663 : vector<16xf32>
        %ge3A_1665 = arith.constant 0.000000e+00 : f32
        %ge3A_1666 = vector.broadcast %ge3A_1665 : f32 to vector<16xf32>
        %ge3A_1667 = arith.cmpf oge, %add3A_1664, %ge3A_1666 : vector<16xf32>
        %mul3A_1668 = arith.constant 0.00999999977 : f32
        %mul3A_1669 = vector.broadcast %mul3A_1668 : f32 to vector<16xf32>
        %mul3A_1670 = arith.mulf %mul3A_1669, %add3A_1664 : vector<16xf32>
        %select_n3A_1671 = arith.select %ge3A_1667, %add3A_1664, %mul3A_1670 : vector<16xi1>, vector<16xf32>
        %mul3A_1672 = vector.broadcast %squeeze3A_1600 : f32 to vector<16xf32>
        %mul3A_1673 = arith.mulf %select_n3A_1671, %mul3A_1672 : vector<16xf32>
        %swap3A_1674 = arith.index_cast %add3A_1596 : i32 to index
        %swap3A_1675 = arith.constant 32 : index
        %swap3A_1676 = tpu.vector_load %arg13[%swap3A_1674, %swap3A_1675] {strides = array<i32>} : memref<80x128xf32, #tpu.memory_space<vmem>>, vector<1x16xf32>,
        %swap3A_1677 = vector.shape_cast %swap3A_1676 : vector<1x16xf32> to vector<16xf32>
        %swap3A_1678 = vector.shape_cast %mul3A_1673 : vector<16xf32> to vector<1x16xf32>
        tpu.vector_store %arg13[%swap3A_1674, %swap3A_1675], %swap3A_1678 {strides = array<i32>} : memref<80x128xf32, #tpu.memory_space<vmem>>, vector<1x16xf32>,
        %get3A_1679 = arith.index_cast %add3A_1596 : i32 to index
        %get3A_1680 = arith.constant 48 : index
        %get3A_1681 = tpu.vector_load %arg11[%get3A_1679, %get3A_1680] {strides = array<i32>} : memref<80x128xf32, #tpu.memory_space<vmem>>, vector<1x16xf32>,
        %get3A_1682 = vector.shape_cast %get3A_1681 : vector<1x16xf32> to vector<16xf32>
        %get3A_1683 = arith.index_cast %add3A_1596 : i32 to index
        %get3A_1684 = arith.constant 48 : index
        %get3A_1685 = tpu.vector_load %arg12[%get3A_1683, %get3A_1684] {strides = array<i32>} : memref<80x128xf32, #tpu.memory_space<vmem>>, vector<1x16xf32>,
        %get3A_1686 = vector.shape_cast %get3A_1685 : vector<1x16xf32> to vector<16xf32>
        %add3A_1687 = arith.addf %get3A_1682, %get3A_1686 : vector<16xf32>
        %mul3A_1688 = vector.broadcast %squeeze3A_1598 : f32 to vector<16xf32>
        %mul3A_1689 = arith.mulf %mul3A_1688, %get3A_13 : vector<16xf32>
        %add3A_1690 = arith.addf %add3A_1687, %mul3A_1689 : vector<16xf32>
        %ge3A_1691 = arith.constant 0.000000e+00 : f32
        %ge3A_1692 = vector.broadcast %ge3A_1691 : f32 to vector<16xf32>
        %ge3A_1693 = arith.cmpf oge, %add3A_1690, %ge3A_1692 : vector<16xf32>
        %mul3A_1694 = arith.constant 0.00999999977 : f32
        %mul3A_1695 = vector.broadcast %mul3A_1694 : f32 to vector<16xf32>
        %mul3A_1696 = arith.mulf %mul3A_1695, %add3A_1690 : vector<16xf32>
        %select_n3A_1697 = arith.select %ge3A_1693, %add3A_1690, %mul3A_1696 : vector<16xi1>, vector<16xf32>
        %mul3A_1698 = vector.broadcast %squeeze3A_1600 : f32 to vector<16xf32>
        %mul3A_1699 = arith.mulf %select_n3A_1697, %mul3A_1698 : vector<16xf32>
        %swap3A_1700 = arith.index_cast %add3A_1596 : i32 to index
        %swap3A_1701 = arith.constant 48 : index
        %swap3A_1702 = tpu.vector_load %arg13[%swap3A_1700, %swap3A_1701] {strides = array<i32>} : memref<80x128xf32, #tpu.memory_space<vmem>>, vector<1x16xf32>,
        %swap3A_1703 = vector.shape_cast %swap3A_1702 : vector<1x16xf32> to vector<16xf32>
        %swap3A_1704 = vector.shape_cast %mul3A_1699 : vector<16xf32> to vector<1x16xf32>
        tpu.vector_store %arg13[%swap3A_1700, %swap3A_1701], %swap3A_1704 {strides = array<i32>} : memref<80x128xf32, #tpu.memory_space<vmem>>, vector<1x16xf32>,
        %get3A_1705 = arith.index_cast %add3A_1596 : i32 to index
        %get3A_1706 = arith.constant 64 : index
        %get3A_1707 = tpu.vector_load %arg11[%get3A_1705, %get3A_1706] {strides = array<i32>} : memref<80x128xf32, #tpu.memory_space<vmem>>, vector<1x16xf32>,
        %get3A_1708 = vector.shape_cast %get3A_1707 : vector<1x16xf32> to vector<16xf32>
        %get3A_1709 = arith.index_cast %add3A_1596 : i32 to index
        %get3A_1710 = arith.constant 64 : index
        %get3A_1711 = tpu.vector_load %arg12[%get3A_1709, %get3A_1710] {strides = array<i32>} : memref<80x128xf32, #tpu.memory_space<vmem>>, vector<1x16xf32>,
        %get3A_1712 = vector.shape_cast %get3A_1711 : vector<1x16xf32> to vector<16xf32>
        %add3A_1713 = arith.addf %get3A_1708, %get3A_1712 : vector<16xf32>
        %mul3A_1714 = vector.broadcast %squeeze3A_1598 : f32 to vector<16xf32>
        %mul3A_1715 = arith.mulf %mul3A_1714, %get3A_16 : vector<16xf32>
        %add3A_1716 = arith.addf %add3A_1713, %mul3A_1715 : vector<16xf32>
        %ge3A_1717 = arith.constant 0.000000e+00 : f32
        %ge3A_1718 = vector.broadcast %ge3A_1717 : f32 to vector<16xf32>
        %ge3A_1719 = arith.cmpf oge, %add3A_1716, %ge3A_1718 : vector<16xf32>
        %mul3A_1720 = arith.constant 0.00999999977 : f32
        %mul3A_1721 = vector.broadcast %mul3A_1720 : f32 to vector<16xf32>
        %mul3A_1722 = arith.mulf %mul3A_1721, %add3A_1716 : vector<16xf32>
        %select_n3A_1723 = arith.select %ge3A_1719, %add3A_1716, %mul3A_1722 : vector<16xi1>, vector<16xf32>
        %mul3A_1724 = vector.broadcast %squeeze3A_1600 : f32 to vector<16xf32>
        %mul3A_1725 = arith.mulf %select_n3A_1723, %mul3A_1724 : vector<16xf32>
        %swap3A_1726 = arith.index_cast %add3A_1596 : i32 to index
        %swap3A_1727 = arith.constant 64 : index
        %swap3A_1728 = tpu.vector_load %arg13[%swap3A_1726, %swap3A_1727] {strides = array<i32>} : memref<80x128xf32, #tpu.memory_space<vmem>>, vector<1x16xf32>,
        %swap3A_1729 = vector.shape_cast %swap3A_1728 : vector<1x16xf32> to vector<16xf32>
        %swap3A_1730 = vector.shape_cast %mul3A_1725 : vector<16xf32> to vector<1x16xf32>
        tpu.vector_store %arg13[%swap3A_1726, %swap3A_1727], %swap3A_1730 {strides = array<i32>} : memref<80x128xf32, #tpu.memory_space<vmem>>, vector<1x16xf32>,
        %get3A_1731 = arith.index_cast %add3A_1596 : i32 to index
        %get3A_1732 = arith.constant 80 : index
        %get3A_1733 = tpu.vector_load %arg11[%get3A_1731, %get3A_1732] {strides = array<i32>} : memref<80x128xf32, #tpu.memory_space<vmem>>, vector<1x16xf32>,
        %get3A_1734 = vector.shape_cast %get3A_1733 : vector<1x16xf32> to vector<16xf32>
        %get3A_1735 = arith.index_cast %add3A_1596 : i32 to index
        %get3A_1736 = arith.constant 80 : index
        %get3A_1737 = tpu.vector_load %arg12[%get3A_1735, %get3A_1736] {strides = array<i32>} : memref<80x128xf32, #tpu.memory_space<vmem>>, vector<1x16xf32>,
        %get3A_1738 = vector.shape_cast %get3A_1737 : vector<1x16xf32> to vector<16xf32>
        %add3A_1739 = arith.addf %get3A_1734, %get3A_1738 : vector<16xf32>
        %mul3A_1740 = vector.broadcast %squeeze3A_1598 : f32 to vector<16xf32>
        %mul3A_1741 = arith.mulf %mul3A_1740, %get3A_19 : vector<16xf32>
        %add3A_1742 = arith.addf %add3A_1739, %mul3A_1741 : vector<16xf32>
        %ge3A_1743 = arith.constant 0.000000e+00 : f32
        %ge3A_1744 = vector.broadcast %ge3A_1743 : f32 to vector<16xf32>
        %ge3A_1745 = arith.cmpf oge, %add3A_1742, %ge3A_1744 : vector<16xf32>
        %mul3A_1746 = arith.constant 0.00999999977 : f32
        %mul3A_1747 = vector.broadcast %mul3A_1746 : f32 to vector<16xf32>
        %mul3A_1748 = arith.mulf %mul3A_1747, %add3A_1742 : vector<16xf32>
        %select_n3A_1749 = arith.select %ge3A_1745, %add3A_1742, %mul3A_1748 : vector<16xi1>, vector<16xf32>
        %mul3A_1750 = vector.broadcast %squeeze3A_1600 : f32 to vector<16xf32>
        %mul3A_1751 = arith.mulf %select_n3A_1749, %mul3A_1750 : vector<16xf32>
        %swap3A_1752 = arith.index_cast %add3A_1596 : i32 to index
        %swap3A_1753 = arith.constant 80 : index
        %swap3A_1754 = tpu.vector_load %arg13[%swap3A_1752, %swap3A_1753] {strides = array<i32>} : memref<80x128xf32, #tpu.memory_space<vmem>>, vector<1x16xf32>,
        %swap3A_1755 = vector.shape_cast %swap3A_1754 : vector<1x16xf32> to vector<16xf32>
        %swap3A_1756 = vector.shape_cast %mul3A_1751 : vector<16xf32> to vector<1x16xf32>
        tpu.vector_store %arg13[%swap3A_1752, %swap3A_1753], %swap3A_1756 {strides = array<i32>} : memref<80x128xf32, #tpu.memory_space<vmem>>, vector<1x16xf32>,
        %get3A_1757 = arith.index_cast %add3A_1596 : i32 to index
        %get3A_1758 = arith.constant 96 : index
        %get3A_1759 = tpu.vector_load %arg11[%get3A_1757, %get3A_1758] {strides = array<i32>} : memref<80x128xf32, #tpu.memory_space<vmem>>, vector<1x16xf32>,
        %get3A_1760 = vector.shape_cast %get3A_1759 : vector<1x16xf32> to vector<16xf32>
        %get3A_1761 = arith.index_cast %add3A_1596 : i32 to index
        %get3A_1762 = arith.constant 96 : index
        %get3A_1763 = tpu.vector_load %arg12[%get3A_1761, %get3A_1762] {strides = array<i32>} : memref<80x128xf32, #tpu.memory_space<vmem>>, vector<1x16xf32>,
        %get3A_1764 = vector.shape_cast %get3A_1763 : vector<1x16xf32> to vector<16xf32>
        %add3A_1765 = arith.addf %get3A_1760, %get3A_1764 : vector<16xf32>
        %mul3A_1766 = vector.broadcast %squeeze3A_1598 : f32 to vector<16xf32>
        %mul3A_1767 = arith.mulf %mul3A_1766, %get3A_22 : vector<16xf32>
        %add3A_1768 = arith.addf %add3A_1765, %mul3A_1767 : vector<16xf32>
        %ge3A_1769 = arith.constant 0.000000e+00 : f32
        %ge3A_1770 = vector.broadcast %ge3A_1769 : f32 to vector<16xf32>
        %ge3A_1771 = arith.cmpf oge, %add3A_1768, %ge3A_1770 : vector<16xf32>
        %mul3A_1772 = arith.constant 0.00999999977 : f32
        %mul3A_1773 = vector.broadcast %mul3A_1772 : f32 to vector<16xf32>
        %mul3A_1774 = arith.mulf %mul3A_1773, %add3A_1768 : vector<16xf32>
        %select_n3A_1775 = arith.select %ge3A_1771, %add3A_1768, %mul3A_1774 : vector<16xi1>, vector<16xf32>
        %mul3A_1776 = vector.broadcast %squeeze3A_1600 : f32 to vector<16xf32>
        %mul3A_1777 = arith.mulf %select_n3A_1775, %mul3A_1776 : vector<16xf32>
        %swap3A_1778 = arith.index_cast %add3A_1596 : i32 to index
        %swap3A_1779 = arith.constant 96 : index
        %swap3A_1780 = tpu.vector_load %arg13[%swap3A_1778, %swap3A_1779] {strides = array<i32>} : memref<80x128xf32, #tpu.memory_space<vmem>>, vector<1x16xf32>,
        %swap3A_1781 = vector.shape_cast %swap3A_1780 : vector<1x16xf32> to vector<16xf32>
        %swap3A_1782 = vector.shape_cast %mul3A_1777 : vector<16xf32> to vector<1x16xf32>
        tpu.vector_store %arg13[%swap3A_1778, %swap3A_1779], %swap3A_1782 {strides = array<i32>} : memref<80x128xf32, #tpu.memory_space<vmem>>, vector<1x16xf32>,
        %get3A_1783 = arith.index_cast %add3A_1596 : i32 to index
        %get3A_1784 = arith.constant 112 : index
        %get3A_1785 = tpu.vector_load %arg11[%get3A_1783, %get3A_1784] {strides = array<i32>} : memref<80x128xf32, #tpu.memory_space<vmem>>, vector<1x16xf32>,
        %get3A_1786 = vector.shape_cast %get3A_1785 : vector<1x16xf32> to vector<16xf32>
        %get3A_1787 = arith.index_cast %add3A_1596 : i32 to index
        %get3A_1788 = arith.constant 112 : index
        %get3A_1789 = tpu.vector_load %arg12[%get3A_1787, %get3A_1788] {strides = array<i32>} : memref<80x128xf32, #tpu.memory_space<vmem>>, vector<1x16xf32>,
        %get3A_1790 = vector.shape_cast %get3A_1789 : vector<1x16xf32> to vector<16xf32>
        %add3A_1791 = arith.addf %get3A_1786, %get3A_1790 : vector<16xf32>
        %mul3A_1792 = vector.broadcast %squeeze3A_1598 : f32 to vector<16xf32>
        %mul3A_1793 = arith.mulf %mul3A_1792, %get3A_25 : vector<16xf32>
        %add3A_1794 = arith.addf %add3A_1791, %mul3A_1793 : vector<16xf32>
        %ge3A_1795 = arith.constant 0.000000e+00 : f32
        %ge3A_1796 = vector.broadcast %ge3A_1795 : f32 to vector<16xf32>
        %ge3A_1797 = arith.cmpf oge, %add3A_1794, %ge3A_1796 : vector<16xf32>
        %mul3A_1798 = arith.constant 0.00999999977 : f32
        %mul3A_1799 = vector.broadcast %mul3A_1798 : f32 to vector<16xf32>
        %mul3A_1800 = arith.mulf %mul3A_1799, %add3A_1794 : vector<16xf32>
        %select_n3A_1801 = arith.select %ge3A_1797, %add3A_1794, %mul3A_1800 : vector<16xi1>, vector<16xf32>
        %mul3A_1802 = vector.broadcast %squeeze3A_1600 : f32 to vector<16xf32>
        %mul3A_1803 = arith.mulf %select_n3A_1801, %mul3A_1802 : vector<16xf32>
        %swap3A_1804 = arith.index_cast %add3A_1596 : i32 to index
        %swap3A_1805 = arith.constant 112 : index
        %swap3A_1806 = tpu.vector_load %arg13[%swap3A_1804, %swap3A_1805] {strides = array<i32>} : memref<80x128xf32, #tpu.memory_space<vmem>>, vector<1x16xf32>,
        %swap3A_1807 = vector.shape_cast %swap3A_1806 : vector<1x16xf32> to vector<16xf32>
        %swap3A_1808 = vector.shape_cast %mul3A_1803 : vector<16xf32> to vector<1x16xf32>
        tpu.vector_store %arg13[%swap3A_1804, %swap3A_1805], %swap3A_1808 {strides = array<i32>} : memref<80x128xf32, #tpu.memory_space<vmem>>, vector<1x16xf32>,
        %mul3A_1809 = arith.constant 16 : i32
        %mul3A_1810 = arith.muli %scan3A_75, %mul3A_1809 : i32
        %add3A_1811 = arith.constant 8 : i32
        %add3A_1812 = arith.addi %mul3A_1810, %add3A_1811 : i32
        %slice3A_1813 = vector.extract_strided_slice %get3A_80 {offsets = [8], sizes = [1], strides = [1]} : vector<16xf32> to vector<1xf32>
        %squeeze3A_1814 = vector.extract %slice3A_1813[0] : f32 from vector<1xf32>
        %slice3A_1815 = vector.extract_strided_slice %select_n3A {offsets = [8], sizes = [1], strides = [1]} : vector<16xf32> to vector<1xf32>
        %squeeze3A_1816 = vector.extract %slice3A_1815[0] : f32 from vector<1xf32>
        %get3A_1817 = arith.index_cast %add3A_1812 : i32 to index
        %get3A_1818 = arith.constant 0 : index
        %get3A_1819 = tpu.vector_load %arg11[%get3A_1817, %get3A_1818] {strides = array<i32>} : memref<80x128xf32, #tpu.memory_space<vmem>>, vector<1x16xf32>,
        %get3A_1820 = vector.shape_cast %get3A_1819 : vector<1x16xf32> to vector<16xf32>
        %get3A_1821 = arith.index_cast %add3A_1812 : i32 to index
        %get3A_1822 = arith.constant 0 : index
        %get3A_1823 = tpu.vector_load %arg12[%get3A_1821, %get3A_1822] {strides = array<i32>} : memref<80x128xf32, #tpu.memory_space<vmem>>, vector<1x16xf32>,
        %get3A_1824 = vector.shape_cast %get3A_1823 : vector<1x16xf32> to vector<16xf32>
        %add3A_1825 = arith.addf %get3A_1820, %get3A_1824 : vector<16xf32>
        %mul3A_1826 = vector.broadcast %squeeze3A_1814 : f32 to vector<16xf32>
        %mul3A_1827 = arith.mulf %mul3A_1826, %get3A_4 : vector<16xf32>
        %add3A_1828 = arith.addf %add3A_1825, %mul3A_1827 : vector<16xf32>
        %ge3A_1829 = arith.constant 0.000000e+00 : f32
        %ge3A_1830 = vector.broadcast %ge3A_1829 : f32 to vector<16xf32>
        %ge3A_1831 = arith.cmpf oge, %add3A_1828, %ge3A_1830 : vector<16xf32>
        %mul3A_1832 = arith.constant 0.00999999977 : f32
        %mul3A_1833 = vector.broadcast %mul3A_1832 : f32 to vector<16xf32>
        %mul3A_1834 = arith.mulf %mul3A_1833, %add3A_1828 : vector<16xf32>
        %select_n3A_1835 = arith.select %ge3A_1831, %add3A_1828, %mul3A_1834 : vector<16xi1>, vector<16xf32>
        %mul3A_1836 = vector.broadcast %squeeze3A_1816 : f32 to vector<16xf32>
        %mul3A_1837 = arith.mulf %select_n3A_1835, %mul3A_1836 : vector<16xf32>
        %swap3A_1838 = arith.index_cast %add3A_1812 : i32 to index
        %swap3A_1839 = arith.constant 0 : index
        %swap3A_1840 = tpu.vector_load %arg13[%swap3A_1838, %swap3A_1839] {strides = array<i32>} : memref<80x128xf32, #tpu.memory_space<vmem>>, vector<1x16xf32>,
        %swap3A_1841 = vector.shape_cast %swap3A_1840 : vector<1x16xf32> to vector<16xf32>
        %swap3A_1842 = vector.shape_cast %mul3A_1837 : vector<16xf32> to vector<1x16xf32>
        tpu.vector_store %arg13[%swap3A_1838, %swap3A_1839], %swap3A_1842 {strides = array<i32>} : memref<80x128xf32, #tpu.memory_space<vmem>>, vector<1x16xf32>,
        %get3A_1843 = arith.index_cast %add3A_1812 : i32 to index
        %get3A_1844 = arith.constant 16 : index
        %get3A_1845 = tpu.vector_load %arg11[%get3A_1843, %get3A_1844] {strides = array<i32>} : memref<80x128xf32, #tpu.memory_space<vmem>>, vector<1x16xf32>,
        %get3A_1846 = vector.shape_cast %get3A_1845 : vector<1x16xf32> to vector<16xf32>
        %get3A_1847 = arith.index_cast %add3A_1812 : i32 to index
        %get3A_1848 = arith.constant 16 : index
        %get3A_1849 = tpu.vector_load %arg12[%get3A_1847, %get3A_1848] {strides = array<i32>} : memref<80x128xf32, #tpu.memory_space<vmem>>, vector<1x16xf32>,
        %get3A_1850 = vector.shape_cast %get3A_1849 : vector<1x16xf32> to vector<16xf32>
        %add3A_1851 = arith.addf %get3A_1846, %get3A_1850 : vector<16xf32>
        %mul3A_1852 = vector.broadcast %squeeze3A_1814 : f32 to vector<16xf32>
        %mul3A_1853 = arith.mulf %mul3A_1852, %get3A_7 : vector<16xf32>
        %add3A_1854 = arith.addf %add3A_1851, %mul3A_1853 : vector<16xf32>
        %ge3A_1855 = arith.constant 0.000000e+00 : f32
        %ge3A_1856 = vector.broadcast %ge3A_1855 : f32 to vector<16xf32>
        %ge3A_1857 = arith.cmpf oge, %add3A_1854, %ge3A_1856 : vector<16xf32>
        %mul3A_1858 = arith.constant 0.00999999977 : f32
        %mul3A_1859 = vector.broadcast %mul3A_1858 : f32 to vector<16xf32>
        %mul3A_1860 = arith.mulf %mul3A_1859, %add3A_1854 : vector<16xf32>
        %select_n3A_1861 = arith.select %ge3A_1857, %add3A_1854, %mul3A_1860 : vector<16xi1>, vector<16xf32>
        %mul3A_1862 = vector.broadcast %squeeze3A_1816 : f32 to vector<16xf32>
        %mul3A_1863 = arith.mulf %select_n3A_1861, %mul3A_1862 : vector<16xf32>
        %swap3A_1864 = arith.index_cast %add3A_1812 : i32 to index
        %swap3A_1865 = arith.constant 16 : index
        %swap3A_1866 = tpu.vector_load %arg13[%swap3A_1864, %swap3A_1865] {strides = array<i32>} : memref<80x128xf32, #tpu.memory_space<vmem>>, vector<1x16xf32>,
        %swap3A_1867 = vector.shape_cast %swap3A_1866 : vector<1x16xf32> to vector<16xf32>
        %swap3A_1868 = vector.shape_cast %mul3A_1863 : vector<16xf32> to vector<1x16xf32>
        tpu.vector_store %arg13[%swap3A_1864, %swap3A_1865], %swap3A_1868 {strides = array<i32>} : memref<80x128xf32, #tpu.memory_space<vmem>>, vector<1x16xf32>,
        %get3A_1869 = arith.index_cast %add3A_1812 : i32 to index
        %get3A_1870 = arith.constant 32 : index
        %get3A_1871 = tpu.vector_load %arg11[%get3A_1869, %get3A_1870] {strides = array<i32>} : memref<80x128xf32, #tpu.memory_space<vmem>>, vector<1x16xf32>,
        %get3A_1872 = vector.shape_cast %get3A_1871 : vector<1x16xf32> to vector<16xf32>
        %get3A_1873 = arith.index_cast %add3A_1812 : i32 to index
        %get3A_1874 = arith.constant 32 : index
        %get3A_1875 = tpu.vector_load %arg12[%get3A_1873, %get3A_1874] {strides = array<i32>} : memref<80x128xf32, #tpu.memory_space<vmem>>, vector<1x16xf32>,
        %get3A_1876 = vector.shape_cast %get3A_1875 : vector<1x16xf32> to vector<16xf32>
        %add3A_1877 = arith.addf %get3A_1872, %get3A_1876 : vector<16xf32>
        %mul3A_1878 = vector.broadcast %squeeze3A_1814 : f32 to vector<16xf32>
        %mul3A_1879 = arith.mulf %mul3A_1878, %get3A_10 : vector<16xf32>
        %add3A_1880 = arith.addf %add3A_1877, %mul3A_1879 : vector<16xf32>
        %ge3A_1881 = arith.constant 0.000000e+00 : f32
        %ge3A_1882 = vector.broadcast %ge3A_1881 : f32 to vector<16xf32>
        %ge3A_1883 = arith.cmpf oge, %add3A_1880, %ge3A_1882 : vector<16xf32>
        %mul3A_1884 = arith.constant 0.00999999977 : f32
        %mul3A_1885 = vector.broadcast %mul3A_1884 : f32 to vector<16xf32>
        %mul3A_1886 = arith.mulf %mul3A_1885, %add3A_1880 : vector<16xf32>
        %select_n3A_1887 = arith.select %ge3A_1883, %add3A_1880, %mul3A_1886 : vector<16xi1>, vector<16xf32>
        %mul3A_1888 = vector.broadcast %squeeze3A_1816 : f32 to vector<16xf32>
        %mul3A_1889 = arith.mulf %select_n3A_1887, %mul3A_1888 : vector<16xf32>
        %swap3A_1890 = arith.index_cast %add3A_1812 : i32 to index
        %swap3A_1891 = arith.constant 32 : index
        %swap3A_1892 = tpu.vector_load %arg13[%swap3A_1890, %swap3A_1891] {strides = array<i32>} : memref<80x128xf32, #tpu.memory_space<vmem>>, vector<1x16xf32>,
        %swap3A_1893 = vector.shape_cast %swap3A_1892 : vector<1x16xf32> to vector<16xf32>
        %swap3A_1894 = vector.shape_cast %mul3A_1889 : vector<16xf32> to vector<1x16xf32>
        tpu.vector_store %arg13[%swap3A_1890, %swap3A_1891], %swap3A_1894 {strides = array<i32>} : memref<80x128xf32, #tpu.memory_space<vmem>>, vector<1x16xf32>,
        %get3A_1895 = arith.index_cast %add3A_1812 : i32 to index
        %get3A_1896 = arith.constant 48 : index
        %get3A_1897 = tpu.vector_load %arg11[%get3A_1895, %get3A_1896] {strides = array<i32>} : memref<80x128xf32, #tpu.memory_space<vmem>>, vector<1x16xf32>,
        %get3A_1898 = vector.shape_cast %get3A_1897 : vector<1x16xf32> to vector<16xf32>
        %get3A_1899 = arith.index_cast %add3A_1812 : i32 to index
        %get3A_1900 = arith.constant 48 : index
        %get3A_1901 = tpu.vector_load %arg12[%get3A_1899, %get3A_1900] {strides = array<i32>} : memref<80x128xf32, #tpu.memory_space<vmem>>, vector<1x16xf32>,
        %get3A_1902 = vector.shape_cast %get3A_1901 : vector<1x16xf32> to vector<16xf32>
        %add3A_1903 = arith.addf %get3A_1898, %get3A_1902 : vector<16xf32>
        %mul3A_1904 = vector.broadcast %squeeze3A_1814 : f32 to vector<16xf32>
        %mul3A_1905 = arith.mulf %mul3A_1904, %get3A_13 : vector<16xf32>
        %add3A_1906 = arith.addf %add3A_1903, %mul3A_1905 : vector<16xf32>
        %ge3A_1907 = arith.constant 0.000000e+00 : f32
        %ge3A_1908 = vector.broadcast %ge3A_1907 : f32 to vector<16xf32>
        %ge3A_1909 = arith.cmpf oge, %add3A_1906, %ge3A_1908 : vector<16xf32>
        %mul3A_1910 = arith.constant 0.00999999977 : f32
        %mul3A_1911 = vector.broadcast %mul3A_1910 : f32 to vector<16xf32>
        %mul3A_1912 = arith.mulf %mul3A_1911, %add3A_1906 : vector<16xf32>
        %select_n3A_1913 = arith.select %ge3A_1909, %add3A_1906, %mul3A_1912 : vector<16xi1>, vector<16xf32>
        %mul3A_1914 = vector.broadcast %squeeze3A_1816 : f32 to vector<16xf32>
        %mul3A_1915 = arith.mulf %select_n3A_1913, %mul3A_1914 : vector<16xf32>
        %swap3A_1916 = arith.index_cast %add3A_1812 : i32 to index
        %swap3A_1917 = arith.constant 48 : index
        %swap3A_1918 = tpu.vector_load %arg13[%swap3A_1916, %swap3A_1917] {strides = array<i32>} : memref<80x128xf32, #tpu.memory_space<vmem>>, vector<1x16xf32>,
        %swap3A_1919 = vector.shape_cast %swap3A_1918 : vector<1x16xf32> to vector<16xf32>
        %swap3A_1920 = vector.shape_cast %mul3A_1915 : vector<16xf32> to vector<1x16xf32>
        tpu.vector_store %arg13[%swap3A_1916, %swap3A_1917], %swap3A_1920 {strides = array<i32>} : memref<80x128xf32, #tpu.memory_space<vmem>>, vector<1x16xf32>,
        %get3A_1921 = arith.index_cast %add3A_1812 : i32 to index
        %get3A_1922 = arith.constant 64 : index
        %get3A_1923 = tpu.vector_load %arg11[%get3A_1921, %get3A_1922] {strides = array<i32>} : memref<80x128xf32, #tpu.memory_space<vmem>>, vector<1x16xf32>,
        %get3A_1924 = vector.shape_cast %get3A_1923 : vector<1x16xf32> to vector<16xf32>
        %get3A_1925 = arith.index_cast %add3A_1812 : i32 to index
        %get3A_1926 = arith.constant 64 : index
        %get3A_1927 = tpu.vector_load %arg12[%get3A_1925, %get3A_1926] {strides = array<i32>} : memref<80x128xf32, #tpu.memory_space<vmem>>, vector<1x16xf32>,
        %get3A_1928 = vector.shape_cast %get3A_1927 : vector<1x16xf32> to vector<16xf32>
        %add3A_1929 = arith.addf %get3A_1924, %get3A_1928 : vector<16xf32>
        %mul3A_1930 = vector.broadcast %squeeze3A_1814 : f32 to vector<16xf32>
        %mul3A_1931 = arith.mulf %mul3A_1930, %get3A_16 : vector<16xf32>
        %add3A_1932 = arith.addf %add3A_1929, %mul3A_1931 : vector<16xf32>
        %ge3A_1933 = arith.constant 0.000000e+00 : f32
        %ge3A_1934 = vector.broadcast %ge3A_1933 : f32 to vector<16xf32>
        %ge3A_1935 = arith.cmpf oge, %add3A_1932, %ge3A_1934 : vector<16xf32>
        %mul3A_1936 = arith.constant 0.00999999977 : f32
        %mul3A_1937 = vector.broadcast %mul3A_1936 : f32 to vector<16xf32>
        %mul3A_1938 = arith.mulf %mul3A_1937, %add3A_1932 : vector<16xf32>
        %select_n3A_1939 = arith.select %ge3A_1935, %add3A_1932, %mul3A_1938 : vector<16xi1>, vector<16xf32>
        %mul3A_1940 = vector.broadcast %squeeze3A_1816 : f32 to vector<16xf32>
        %mul3A_1941 = arith.mulf %select_n3A_1939, %mul3A_1940 : vector<16xf32>
        %swap3A_1942 = arith.index_cast %add3A_1812 : i32 to index
        %swap3A_1943 = arith.constant 64 : index
        %swap3A_1944 = tpu.vector_load %arg13[%swap3A_1942, %swap3A_1943] {strides = array<i32>} : memref<80x128xf32, #tpu.memory_space<vmem>>, vector<1x16xf32>,
        %swap3A_1945 = vector.shape_cast %swap3A_1944 : vector<1x16xf32> to vector<16xf32>
        %swap3A_1946 = vector.shape_cast %mul3A_1941 : vector<16xf32> to vector<1x16xf32>
        tpu.vector_store %arg13[%swap3A_1942, %swap3A_1943], %swap3A_1946 {strides = array<i32>} : memref<80x128xf32, #tpu.memory_space<vmem>>, vector<1x16xf32>,
        %get3A_1947 = arith.index_cast %add3A_1812 : i32 to index
        %get3A_1948 = arith.constant 80 : index
        %get3A_1949 = tpu.vector_load %arg11[%get3A_1947, %get3A_1948] {strides = array<i32>} : memref<80x128xf32, #tpu.memory_space<vmem>>, vector<1x16xf32>,
        %get3A_1950 = vector.shape_cast %get3A_1949 : vector<1x16xf32> to vector<16xf32>
        %get3A_1951 = arith.index_cast %add3A_1812 : i32 to index
        %get3A_1952 = arith.constant 80 : index
        %get3A_1953 = tpu.vector_load %arg12[%get3A_1951, %get3A_1952] {strides = array<i32>} : memref<80x128xf32, #tpu.memory_space<vmem>>, vector<1x16xf32>,
        %get3A_1954 = vector.shape_cast %get3A_1953 : vector<1x16xf32> to vector<16xf32>
        %add3A_1955 = arith.addf %get3A_1950, %get3A_1954 : vector<16xf32>
        %mul3A_1956 = vector.broadcast %squeeze3A_1814 : f32 to vector<16xf32>
        %mul3A_1957 = arith.mulf %mul3A_1956, %get3A_19 : vector<16xf32>
        %add3A_1958 = arith.addf %add3A_1955, %mul3A_1957 : vector<16xf32>
        %ge3A_1959 = arith.constant 0.000000e+00 : f32
        %ge3A_1960 = vector.broadcast %ge3A_1959 : f32 to vector<16xf32>
        %ge3A_1961 = arith.cmpf oge, %add3A_1958, %ge3A_1960 : vector<16xf32>
        %mul3A_1962 = arith.constant 0.00999999977 : f32
        %mul3A_1963 = vector.broadcast %mul3A_1962 : f32 to vector<16xf32>
        %mul3A_1964 = arith.mulf %mul3A_1963, %add3A_1958 : vector<16xf32>
        %select_n3A_1965 = arith.select %ge3A_1961, %add3A_1958, %mul3A_1964 : vector<16xi1>, vector<16xf32>
        %mul3A_1966 = vector.broadcast %squeeze3A_1816 : f32 to vector<16xf32>
        %mul3A_1967 = arith.mulf %select_n3A_1965, %mul3A_1966 : vector<16xf32>
        %swap3A_1968 = arith.index_cast %add3A_1812 : i32 to index
        %swap3A_1969 = arith.constant 80 : index
        %swap3A_1970 = tpu.vector_load %arg13[%swap3A_1968, %swap3A_1969] {strides = array<i32>} : memref<80x128xf32, #tpu.memory_space<vmem>>, vector<1x16xf32>,
        %swap3A_1971 = vector.shape_cast %swap3A_1970 : vector<1x16xf32> to vector<16xf32>
        %swap3A_1972 = vector.shape_cast %mul3A_1967 : vector<16xf32> to vector<1x16xf32>
        tpu.vector_store %arg13[%swap3A_1968, %swap3A_1969], %swap3A_1972 {strides = array<i32>} : memref<80x128xf32, #tpu.memory_space<vmem>>, vector<1x16xf32>,
        %get3A_1973 = arith.index_cast %add3A_1812 : i32 to index
        %get3A_1974 = arith.constant 96 : index
        %get3A_1975 = tpu.vector_load %arg11[%get3A_1973, %get3A_1974] {strides = array<i32>} : memref<80x128xf32, #tpu.memory_space<vmem>>, vector<1x16xf32>,
        %get3A_1976 = vector.shape_cast %get3A_1975 : vector<1x16xf32> to vector<16xf32>
        %get3A_1977 = arith.index_cast %add3A_1812 : i32 to index
        %get3A_1978 = arith.constant 96 : index
        %get3A_1979 = tpu.vector_load %arg12[%get3A_1977, %get3A_1978] {strides = array<i32>} : memref<80x128xf32, #tpu.memory_space<vmem>>, vector<1x16xf32>,
        %get3A_1980 = vector.shape_cast %get3A_1979 : vector<1x16xf32> to vector<16xf32>
        %add3A_1981 = arith.addf %get3A_1976, %get3A_1980 : vector<16xf32>
        %mul3A_1982 = vector.broadcast %squeeze3A_1814 : f32 to vector<16xf32>
        %mul3A_1983 = arith.mulf %mul3A_1982, %get3A_22 : vector<16xf32>
        %add3A_1984 = arith.addf %add3A_1981, %mul3A_1983 : vector<16xf32>
        %ge3A_1985 = arith.constant 0.000000e+00 : f32
        %ge3A_1986 = vector.broadcast %ge3A_1985 : f32 to vector<16xf32>
        %ge3A_1987 = arith.cmpf oge, %add3A_1984, %ge3A_1986 : vector<16xf32>
        %mul3A_1988 = arith.constant 0.00999999977 : f32
        %mul3A_1989 = vector.broadcast %mul3A_1988 : f32 to vector<16xf32>
        %mul3A_1990 = arith.mulf %mul3A_1989, %add3A_1984 : vector<16xf32>
        %select_n3A_1991 = arith.select %ge3A_1987, %add3A_1984, %mul3A_1990 : vector<16xi1>, vector<16xf32>
        %mul3A_1992 = vector.broadcast %squeeze3A_1816 : f32 to vector<16xf32>
        %mul3A_1993 = arith.mulf %select_n3A_1991, %mul3A_1992 : vector<16xf32>
        %swap3A_1994 = arith.index_cast %add3A_1812 : i32 to index
        %swap3A_1995 = arith.constant 96 : index
        %swap3A_1996 = tpu.vector_load %arg13[%swap3A_1994, %swap3A_1995] {strides = array<i32>} : memref<80x128xf32, #tpu.memory_space<vmem>>, vector<1x16xf32>,
        %swap3A_1997 = vector.shape_cast %swap3A_1996 : vector<1x16xf32> to vector<16xf32>
        %swap3A_1998 = vector.shape_cast %mul3A_1993 : vector<16xf32> to vector<1x16xf32>
        tpu.vector_store %arg13[%swap3A_1994, %swap3A_1995], %swap3A_1998 {strides = array<i32>} : memref<80x128xf32, #tpu.memory_space<vmem>>, vector<1x16xf32>,
        %get3A_1999 = arith.index_cast %add3A_1812 : i32 to index
        %get3A_2000 = arith.constant 112 : index
        %get3A_2001 = tpu.vector_load %arg11[%get3A_1999, %get3A_2000] {strides = array<i32>} : memref<80x128xf32, #tpu.memory_space<vmem>>, vector<1x16xf32>,
        %get3A_2002 = vector.shape_cast %get3A_2001 : vector<1x16xf32> to vector<16xf32>
        %get3A_2003 = arith.index_cast %add3A_1812 : i32 to index
        %get3A_2004 = arith.constant 112 : index
        %get3A_2005 = tpu.vector_load %arg12[%get3A_2003, %get3A_2004] {strides = array<i32>} : memref<80x128xf32, #tpu.memory_space<vmem>>, vector<1x16xf32>,
        %get3A_2006 = vector.shape_cast %get3A_2005 : vector<1x16xf32> to vector<16xf32>
        %add3A_2007 = arith.addf %get3A_2002, %get3A_2006 : vector<16xf32>
        %mul3A_2008 = vector.broadcast %squeeze3A_1814 : f32 to vector<16xf32>
        %mul3A_2009 = arith.mulf %mul3A_2008, %get3A_25 : vector<16xf32>
        %add3A_2010 = arith.addf %add3A_2007, %mul3A_2009 : vector<16xf32>
        %ge3A_2011 = arith.constant 0.000000e+00 : f32
        %ge3A_2012 = vector.broadcast %ge3A_2011 : f32 to vector<16xf32>
        %ge3A_2013 = arith.cmpf oge, %add3A_2010, %ge3A_2012 : vector<16xf32>
        %mul3A_2014 = arith.constant 0.00999999977 : f32
        %mul3A_2015 = vector.broadcast %mul3A_2014 : f32 to vector<16xf32>
        %mul3A_2016 = arith.mulf %mul3A_2015, %add3A_2010 : vector<16xf32>
        %select_n3A_2017 = arith.select %ge3A_2013, %add3A_2010, %mul3A_2016 : vector<16xi1>, vector<16xf32>
        %mul3A_2018 = vector.broadcast %squeeze3A_1816 : f32 to vector<16xf32>
        %mul3A_2019 = arith.mulf %select_n3A_2017, %mul3A_2018 : vector<16xf32>
        %swap3A_2020 = arith.index_cast %add3A_1812 : i32 to index
        %swap3A_2021 = arith.constant 112 : index
        %swap3A_2022 = tpu.vector_load %arg13[%swap3A_2020, %swap3A_2021] {strides = array<i32>} : memref<80x128xf32, #tpu.memory_space<vmem>>, vector<1x16xf32>,
        %swap3A_2023 = vector.shape_cast %swap3A_2022 : vector<1x16xf32> to vector<16xf32>
        %swap3A_2024 = vector.shape_cast %mul3A_2019 : vector<16xf32> to vector<1x16xf32>
        tpu.vector_store %arg13[%swap3A_2020, %swap3A_2021], %swap3A_2024 {strides = array<i32>} : memref<80x128xf32, #tpu.memory_space<vmem>>, vector<1x16xf32>,
        %mul3A_2025 = arith.constant 16 : i32
        %mul3A_2026 = arith.muli %scan3A_75, %mul3A_2025 : i32
        %add3A_2027 = arith.constant 9 : i32
        %add3A_2028 = arith.addi %mul3A_2026, %add3A_2027 : i32
        %slice3A_2029 = vector.extract_strided_slice %get3A_80 {offsets = [9], sizes = [1], strides = [1]} : vector<16xf32> to vector<1xf32>
        %squeeze3A_2030 = vector.extract %slice3A_2029[0] : f32 from vector<1xf32>
        %slice3A_2031 = vector.extract_strided_slice %select_n3A {offsets = [9], sizes = [1], strides = [1]} : vector<16xf32> to vector<1xf32>
        %squeeze3A_2032 = vector.extract %slice3A_2031[0] : f32 from vector<1xf32>
        %get3A_2033 = arith.index_cast %add3A_2028 : i32 to index
        %get3A_2034 = arith.constant 0 : index
        %get3A_2035 = tpu.vector_load %arg11[%get3A_2033, %get3A_2034] {strides = array<i32>} : memref<80x128xf32, #tpu.memory_space<vmem>>, vector<1x16xf32>,
        %get3A_2036 = vector.shape_cast %get3A_2035 : vector<1x16xf32> to vector<16xf32>
        %get3A_2037 = arith.index_cast %add3A_2028 : i32 to index
        %get3A_2038 = arith.constant 0 : index
        %get3A_2039 = tpu.vector_load %arg12[%get3A_2037, %get3A_2038] {strides = array<i32>} : memref<80x128xf32, #tpu.memory_space<vmem>>, vector<1x16xf32>,
        %get3A_2040 = vector.shape_cast %get3A_2039 : vector<1x16xf32> to vector<16xf32>
        %add3A_2041 = arith.addf %get3A_2036, %get3A_2040 : vector<16xf32>
        %mul3A_2042 = vector.broadcast %squeeze3A_2030 : f32 to vector<16xf32>
        %mul3A_2043 = arith.mulf %mul3A_2042, %get3A_4 : vector<16xf32>
        %add3A_2044 = arith.addf %add3A_2041, %mul3A_2043 : vector<16xf32>
        %ge3A_2045 = arith.constant 0.000000e+00 : f32
        %ge3A_2046 = vector.broadcast %ge3A_2045 : f32 to vector<16xf32>
        %ge3A_2047 = arith.cmpf oge, %add3A_2044, %ge3A_2046 : vector<16xf32>
        %mul3A_2048 = arith.constant 0.00999999977 : f32
        %mul3A_2049 = vector.broadcast %mul3A_2048 : f32 to vector<16xf32>
        %mul3A_2050 = arith.mulf %mul3A_2049, %add3A_2044 : vector<16xf32>
        %select_n3A_2051 = arith.select %ge3A_2047, %add3A_2044, %mul3A_2050 : vector<16xi1>, vector<16xf32>
        %mul3A_2052 = vector.broadcast %squeeze3A_2032 : f32 to vector<16xf32>
        %mul3A_2053 = arith.mulf %select_n3A_2051, %mul3A_2052 : vector<16xf32>
        %swap3A_2054 = arith.index_cast %add3A_2028 : i32 to index
        %swap3A_2055 = arith.constant 0 : index
        %swap3A_2056 = tpu.vector_load %arg13[%swap3A_2054, %swap3A_2055] {strides = array<i32>} : memref<80x128xf32, #tpu.memory_space<vmem>>, vector<1x16xf32>,
        %swap3A_2057 = vector.shape_cast %swap3A_2056 : vector<1x16xf32> to vector<16xf32>
        %swap3A_2058 = vector.shape_cast %mul3A_2053 : vector<16xf32> to vector<1x16xf32>
        tpu.vector_store %arg13[%swap3A_2054, %swap3A_2055], %swap3A_2058 {strides = array<i32>} : memref<80x128xf32, #tpu.memory_space<vmem>>, vector<1x16xf32>,
        %get3A_2059 = arith.index_cast %add3A_2028 : i32 to index
        %get3A_2060 = arith.constant 16 : index
        %get3A_2061 = tpu.vector_load %arg11[%get3A_2059, %get3A_2060] {strides = array<i32>} : memref<80x128xf32, #tpu.memory_space<vmem>>, vector<1x16xf32>,
        %get3A_2062 = vector.shape_cast %get3A_2061 : vector<1x16xf32> to vector<16xf32>
        %get3A_2063 = arith.index_cast %add3A_2028 : i32 to index
        %get3A_2064 = arith.constant 16 : index
        %get3A_2065 = tpu.vector_load %arg12[%get3A_2063, %get3A_2064] {strides = array<i32>} : memref<80x128xf32, #tpu.memory_space<vmem>>, vector<1x16xf32>,
        %get3A_2066 = vector.shape_cast %get3A_2065 : vector<1x16xf32> to vector<16xf32>
        %add3A_2067 = arith.addf %get3A_2062, %get3A_2066 : vector<16xf32>
        %mul3A_2068 = vector.broadcast %squeeze3A_2030 : f32 to vector<16xf32>
        %mul3A_2069 = arith.mulf %mul3A_2068, %get3A_7 : vector<16xf32>
        %add3A_2070 = arith.addf %add3A_2067, %mul3A_2069 : vector<16xf32>
        %ge3A_2071 = arith.constant 0.000000e+00 : f32
        %ge3A_2072 = vector.broadcast %ge3A_2071 : f32 to vector<16xf32>
        %ge3A_2073 = arith.cmpf oge, %add3A_2070, %ge3A_2072 : vector<16xf32>
        %mul3A_2074 = arith.constant 0.00999999977 : f32
        %mul3A_2075 = vector.broadcast %mul3A_2074 : f32 to vector<16xf32>
        %mul3A_2076 = arith.mulf %mul3A_2075, %add3A_2070 : vector<16xf32>
        %select_n3A_2077 = arith.select %ge3A_2073, %add3A_2070, %mul3A_2076 : vector<16xi1>, vector<16xf32>
        %mul3A_2078 = vector.broadcast %squeeze3A_2032 : f32 to vector<16xf32>
        %mul3A_2079 = arith.mulf %select_n3A_2077, %mul3A_2078 : vector<16xf32>
        %swap3A_2080 = arith.index_cast %add3A_2028 : i32 to index
        %swap3A_2081 = arith.constant 16 : index
        %swap3A_2082 = tpu.vector_load %arg13[%swap3A_2080, %swap3A_2081] {strides = array<i32>} : memref<80x128xf32, #tpu.memory_space<vmem>>, vector<1x16xf32>,
        %swap3A_2083 = vector.shape_cast %swap3A_2082 : vector<1x16xf32> to vector<16xf32>
        %swap3A_2084 = vector.shape_cast %mul3A_2079 : vector<16xf32> to vector<1x16xf32>
        tpu.vector_store %arg13[%swap3A_2080, %swap3A_2081], %swap3A_2084 {strides = array<i32>} : memref<80x128xf32, #tpu.memory_space<vmem>>, vector<1x16xf32>,
        %get3A_2085 = arith.index_cast %add3A_2028 : i32 to index
        %get3A_2086 = arith.constant 32 : index
        %get3A_2087 = tpu.vector_load %arg11[%get3A_2085, %get3A_2086] {strides = array<i32>} : memref<80x128xf32, #tpu.memory_space<vmem>>, vector<1x16xf32>,
        %get3A_2088 = vector.shape_cast %get3A_2087 : vector<1x16xf32> to vector<16xf32>
        %get3A_2089 = arith.index_cast %add3A_2028 : i32 to index
        %get3A_2090 = arith.constant 32 : index
        %get3A_2091 = tpu.vector_load %arg12[%get3A_2089, %get3A_2090] {strides = array<i32>} : memref<80x128xf32, #tpu.memory_space<vmem>>, vector<1x16xf32>,
        %get3A_2092 = vector.shape_cast %get3A_2091 : vector<1x16xf32> to vector<16xf32>
        %add3A_2093 = arith.addf %get3A_2088, %get3A_2092 : vector<16xf32>
        %mul3A_2094 = vector.broadcast %squeeze3A_2030 : f32 to vector<16xf32>
        %mul3A_2095 = arith.mulf %mul3A_2094, %get3A_10 : vector<16xf32>
        %add3A_2096 = arith.addf %add3A_2093, %mul3A_2095 : vector<16xf32>
        %ge3A_2097 = arith.constant 0.000000e+00 : f32
        %ge3A_2098 = vector.broadcast %ge3A_2097 : f32 to vector<16xf32>
        %ge3A_2099 = arith.cmpf oge, %add3A_2096, %ge3A_2098 : vector<16xf32>
        %mul3A_2100 = arith.constant 0.00999999977 : f32
        %mul3A_2101 = vector.broadcast %mul3A_2100 : f32 to vector<16xf32>
        %mul3A_2102 = arith.mulf %mul3A_2101, %add3A_2096 : vector<16xf32>
        %select_n3A_2103 = arith.select %ge3A_2099, %add3A_2096, %mul3A_2102 : vector<16xi1>, vector<16xf32>
        %mul3A_2104 = vector.broadcast %squeeze3A_2032 : f32 to vector<16xf32>
        %mul3A_2105 = arith.mulf %select_n3A_2103, %mul3A_2104 : vector<16xf32>
        %swap3A_2106 = arith.index_cast %add3A_2028 : i32 to index
        %swap3A_2107 = arith.constant 32 : index
        %swap3A_2108 = tpu.vector_load %arg13[%swap3A_2106, %swap3A_2107] {strides = array<i32>} : memref<80x128xf32, #tpu.memory_space<vmem>>, vector<1x16xf32>,
        %swap3A_2109 = vector.shape_cast %swap3A_2108 : vector<1x16xf32> to vector<16xf32>
        %swap3A_2110 = vector.shape_cast %mul3A_2105 : vector<16xf32> to vector<1x16xf32>
        tpu.vector_store %arg13[%swap3A_2106, %swap3A_2107], %swap3A_2110 {strides = array<i32>} : memref<80x128xf32, #tpu.memory_space<vmem>>, vector<1x16xf32>,
        %get3A_2111 = arith.index_cast %add3A_2028 : i32 to index
        %get3A_2112 = arith.constant 48 : index
        %get3A_2113 = tpu.vector_load %arg11[%get3A_2111, %get3A_2112] {strides = array<i32>} : memref<80x128xf32, #tpu.memory_space<vmem>>, vector<1x16xf32>,
        %get3A_2114 = vector.shape_cast %get3A_2113 : vector<1x16xf32> to vector<16xf32>
        %get3A_2115 = arith.index_cast %add3A_2028 : i32 to index
        %get3A_2116 = arith.constant 48 : index
        %get3A_2117 = tpu.vector_load %arg12[%get3A_2115, %get3A_2116] {strides = array<i32>} : memref<80x128xf32, #tpu.memory_space<vmem>>, vector<1x16xf32>,
        %get3A_2118 = vector.shape_cast %get3A_2117 : vector<1x16xf32> to vector<16xf32>
        %add3A_2119 = arith.addf %get3A_2114, %get3A_2118 : vector<16xf32>
        %mul3A_2120 = vector.broadcast %squeeze3A_2030 : f32 to vector<16xf32>
        %mul3A_2121 = arith.mulf %mul3A_2120, %get3A_13 : vector<16xf32>
        %add3A_2122 = arith.addf %add3A_2119, %mul3A_2121 : vector<16xf32>
        %ge3A_2123 = arith.constant 0.000000e+00 : f32
        %ge3A_2124 = vector.broadcast %ge3A_2123 : f32 to vector<16xf32>
        %ge3A_2125 = arith.cmpf oge, %add3A_2122, %ge3A_2124 : vector<16xf32>
        %mul3A_2126 = arith.constant 0.00999999977 : f32
        %mul3A_2127 = vector.broadcast %mul3A_2126 : f32 to vector<16xf32>
        %mul3A_2128 = arith.mulf %mul3A_2127, %add3A_2122 : vector<16xf32>
        %select_n3A_2129 = arith.select %ge3A_2125, %add3A_2122, %mul3A_2128 : vector<16xi1>, vector<16xf32>
        %mul3A_2130 = vector.broadcast %squeeze3A_2032 : f32 to vector<16xf32>
        %mul3A_2131 = arith.mulf %select_n3A_2129, %mul3A_2130 : vector<16xf32>
        %swap3A_2132 = arith.index_cast %add3A_2028 : i32 to index
        %swap3A_2133 = arith.constant 48 : index
        %swap3A_2134 = tpu.vector_load %arg13[%swap3A_2132, %swap3A_2133] {strides = array<i32>} : memref<80x128xf32, #tpu.memory_space<vmem>>, vector<1x16xf32>,
        %swap3A_2135 = vector.shape_cast %swap3A_2134 : vector<1x16xf32> to vector<16xf32>
        %swap3A_2136 = vector.shape_cast %mul3A_2131 : vector<16xf32> to vector<1x16xf32>
        tpu.vector_store %arg13[%swap3A_2132, %swap3A_2133], %swap3A_2136 {strides = array<i32>} : memref<80x128xf32, #tpu.memory_space<vmem>>, vector<1x16xf32>,
        %get3A_2137 = arith.index_cast %add3A_2028 : i32 to index
        %get3A_2138 = arith.constant 64 : index
        %get3A_2139 = tpu.vector_load %arg11[%get3A_2137, %get3A_2138] {strides = array<i32>} : memref<80x128xf32, #tpu.memory_space<vmem>>, vector<1x16xf32>,
        %get3A_2140 = vector.shape_cast %get3A_2139 : vector<1x16xf32> to vector<16xf32>
        %get3A_2141 = arith.index_cast %add3A_2028 : i32 to index
        %get3A_2142 = arith.constant 64 : index
        %get3A_2143 = tpu.vector_load %arg12[%get3A_2141, %get3A_2142] {strides = array<i32>} : memref<80x128xf32, #tpu.memory_space<vmem>>, vector<1x16xf32>,
        %get3A_2144 = vector.shape_cast %get3A_2143 : vector<1x16xf32> to vector<16xf32>
        %add3A_2145 = arith.addf %get3A_2140, %get3A_2144 : vector<16xf32>
        %mul3A_2146 = vector.broadcast %squeeze3A_2030 : f32 to vector<16xf32>
        %mul3A_2147 = arith.mulf %mul3A_2146, %get3A_16 : vector<16xf32>
        %add3A_2148 = arith.addf %add3A_2145, %mul3A_2147 : vector<16xf32>
        %ge3A_2149 = arith.constant 0.000000e+00 : f32
        %ge3A_2150 = vector.broadcast %ge3A_2149 : f32 to vector<16xf32>
        %ge3A_2151 = arith.cmpf oge, %add3A_2148, %ge3A_2150 : vector<16xf32>
        %mul3A_2152 = arith.constant 0.00999999977 : f32
        %mul3A_2153 = vector.broadcast %mul3A_2152 : f32 to vector<16xf32>
        %mul3A_2154 = arith.mulf %mul3A_2153, %add3A_2148 : vector<16xf32>
        %select_n3A_2155 = arith.select %ge3A_2151, %add3A_2148, %mul3A_2154 : vector<16xi1>, vector<16xf32>
        %mul3A_2156 = vector.broadcast %squeeze3A_2032 : f32 to vector<16xf32>
        %mul3A_2157 = arith.mulf %select_n3A_2155, %mul3A_2156 : vector<16xf32>
        %swap3A_2158 = arith.index_cast %add3A_2028 : i32 to index
        %swap3A_2159 = arith.constant 64 : index
        %swap3A_2160 = tpu.vector_load %arg13[%swap3A_2158, %swap3A_2159] {strides = array<i32>} : memref<80x128xf32, #tpu.memory_space<vmem>>, vector<1x16xf32>,
        %swap3A_2161 = vector.shape_cast %swap3A_2160 : vector<1x16xf32> to vector<16xf32>
        %swap3A_2162 = vector.shape_cast %mul3A_2157 : vector<16xf32> to vector<1x16xf32>
        tpu.vector_store %arg13[%swap3A_2158, %swap3A_2159], %swap3A_2162 {strides = array<i32>} : memref<80x128xf32, #tpu.memory_space<vmem>>, vector<1x16xf32>,
        %get3A_2163 = arith.index_cast %add3A_2028 : i32 to index
        %get3A_2164 = arith.constant 80 : index
        %get3A_2165 = tpu.vector_load %arg11[%get3A_2163, %get3A_2164] {strides = array<i32>} : memref<80x128xf32, #tpu.memory_space<vmem>>, vector<1x16xf32>,
        %get3A_2166 = vector.shape_cast %get3A_2165 : vector<1x16xf32> to vector<16xf32>
        %get3A_2167 = arith.index_cast %add3A_2028 : i32 to index
        %get3A_2168 = arith.constant 80 : index
        %get3A_2169 = tpu.vector_load %arg12[%get3A_2167, %get3A_2168] {strides = array<i32>} : memref<80x128xf32, #tpu.memory_space<vmem>>, vector<1x16xf32>,
        %get3A_2170 = vector.shape_cast %get3A_2169 : vector<1x16xf32> to vector<16xf32>
        %add3A_2171 = arith.addf %get3A_2166, %get3A_2170 : vector<16xf32>
        %mul3A_2172 = vector.broadcast %squeeze3A_2030 : f32 to vector<16xf32>
        %mul3A_2173 = arith.mulf %mul3A_2172, %get3A_19 : vector<16xf32>
        %add3A_2174 = arith.addf %add3A_2171, %mul3A_2173 : vector<16xf32>
        %ge3A_2175 = arith.constant 0.000000e+00 : f32
        %ge3A_2176 = vector.broadcast %ge3A_2175 : f32 to vector<16xf32>
        %ge3A_2177 = arith.cmpf oge, %add3A_2174, %ge3A_2176 : vector<16xf32>
        %mul3A_2178 = arith.constant 0.00999999977 : f32
        %mul3A_2179 = vector.broadcast %mul3A_2178 : f32 to vector<16xf32>
        %mul3A_2180 = arith.mulf %mul3A_2179, %add3A_2174 : vector<16xf32>
        %select_n3A_2181 = arith.select %ge3A_2177, %add3A_2174, %mul3A_2180 : vector<16xi1>, vector<16xf32>
        %mul3A_2182 = vector.broadcast %squeeze3A_2032 : f32 to vector<16xf32>
        %mul3A_2183 = arith.mulf %select_n3A_2181, %mul3A_2182 : vector<16xf32>
        %swap3A_2184 = arith.index_cast %add3A_2028 : i32 to index
        %swap3A_2185 = arith.constant 80 : index
        %swap3A_2186 = tpu.vector_load %arg13[%swap3A_2184, %swap3A_2185] {strides = array<i32>} : memref<80x128xf32, #tpu.memory_space<vmem>>, vector<1x16xf32>,
        %swap3A_2187 = vector.shape_cast %swap3A_2186 : vector<1x16xf32> to vector<16xf32>
        %swap3A_2188 = vector.shape_cast %mul3A_2183 : vector<16xf32> to vector<1x16xf32>
        tpu.vector_store %arg13[%swap3A_2184, %swap3A_2185], %swap3A_2188 {strides = array<i32>} : memref<80x128xf32, #tpu.memory_space<vmem>>, vector<1x16xf32>,
        %get3A_2189 = arith.index_cast %add3A_2028 : i32 to index
        %get3A_2190 = arith.constant 96 : index
        %get3A_2191 = tpu.vector_load %arg11[%get3A_2189, %get3A_2190] {strides = array<i32>} : memref<80x128xf32, #tpu.memory_space<vmem>>, vector<1x16xf32>,
        %get3A_2192 = vector.shape_cast %get3A_2191 : vector<1x16xf32> to vector<16xf32>
        %get3A_2193 = arith.index_cast %add3A_2028 : i32 to index
        %get3A_2194 = arith.constant 96 : index
        %get3A_2195 = tpu.vector_load %arg12[%get3A_2193, %get3A_2194] {strides = array<i32>} : memref<80x128xf32, #tpu.memory_space<vmem>>, vector<1x16xf32>,
        %get3A_2196 = vector.shape_cast %get3A_2195 : vector<1x16xf32> to vector<16xf32>
        %add3A_2197 = arith.addf %get3A_2192, %get3A_2196 : vector<16xf32>
        %mul3A_2198 = vector.broadcast %squeeze3A_2030 : f32 to vector<16xf32>
        %mul3A_2199 = arith.mulf %mul3A_2198, %get3A_22 : vector<16xf32>
        %add3A_2200 = arith.addf %add3A_2197, %mul3A_2199 : vector<16xf32>
        %ge3A_2201 = arith.constant 0.000000e+00 : f32
        %ge3A_2202 = vector.broadcast %ge3A_2201 : f32 to vector<16xf32>
        %ge3A_2203 = arith.cmpf oge, %add3A_2200, %ge3A_2202 : vector<16xf32>
        %mul3A_2204 = arith.constant 0.00999999977 : f32
        %mul3A_2205 = vector.broadcast %mul3A_2204 : f32 to vector<16xf32>
        %mul3A_2206 = arith.mulf %mul3A_2205, %add3A_2200 : vector<16xf32>
        %select_n3A_2207 = arith.select %ge3A_2203, %add3A_2200, %mul3A_2206 : vector<16xi1>, vector<16xf32>
        %mul3A_2208 = vector.broadcast %squeeze3A_2032 : f32 to vector<16xf32>
        %mul3A_2209 = arith.mulf %select_n3A_2207, %mul3A_2208 : vector<16xf32>
        %swap3A_2210 = arith.index_cast %add3A_2028 : i32 to index
        %swap3A_2211 = arith.constant 96 : index
        %swap3A_2212 = tpu.vector_load %arg13[%swap3A_2210, %swap3A_2211] {strides = array<i32>} : memref<80x128xf32, #tpu.memory_space<vmem>>, vector<1x16xf32>,
        %swap3A_2213 = vector.shape_cast %swap3A_2212 : vector<1x16xf32> to vector<16xf32>
        %swap3A_2214 = vector.shape_cast %mul3A_2209 : vector<16xf32> to vector<1x16xf32>
        tpu.vector_store %arg13[%swap3A_2210, %swap3A_2211], %swap3A_2214 {strides = array<i32>} : memref<80x128xf32, #tpu.memory_space<vmem>>, vector<1x16xf32>,
        %get3A_2215 = arith.index_cast %add3A_2028 : i32 to index
        %get3A_2216 = arith.constant 112 : index
        %get3A_2217 = tpu.vector_load %arg11[%get3A_2215, %get3A_2216] {strides = array<i32>} : memref<80x128xf32, #tpu.memory_space<vmem>>, vector<1x16xf32>,
        %get3A_2218 = vector.shape_cast %get3A_2217 : vector<1x16xf32> to vector<16xf32>
        %get3A_2219 = arith.index_cast %add3A_2028 : i32 to index
        %get3A_2220 = arith.constant 112 : index
        %get3A_2221 = tpu.vector_load %arg12[%get3A_2219, %get3A_2220] {strides = array<i32>} : memref<80x128xf32, #tpu.memory_space<vmem>>, vector<1x16xf32>,
        %get3A_2222 = vector.shape_cast %get3A_2221 : vector<1x16xf32> to vector<16xf32>
        %add3A_2223 = arith.addf %get3A_2218, %get3A_2222 : vector<16xf32>
        %mul3A_2224 = vector.broadcast %squeeze3A_2030 : f32 to vector<16xf32>
        %mul3A_2225 = arith.mulf %mul3A_2224, %get3A_25 : vector<16xf32>
        %add3A_2226 = arith.addf %add3A_2223, %mul3A_2225 : vector<16xf32>
        %ge3A_2227 = arith.constant 0.000000e+00 : f32
        %ge3A_2228 = vector.broadcast %ge3A_2227 : f32 to vector<16xf32>
        %ge3A_2229 = arith.cmpf oge, %add3A_2226, %ge3A_2228 : vector<16xf32>
        %mul3A_2230 = arith.constant 0.00999999977 : f32
        %mul3A_2231 = vector.broadcast %mul3A_2230 : f32 to vector<16xf32>
        %mul3A_2232 = arith.mulf %mul3A_2231, %add3A_2226 : vector<16xf32>
        %select_n3A_2233 = arith.select %ge3A_2229, %add3A_2226, %mul3A_2232 : vector<16xi1>, vector<16xf32>
        %mul3A_2234 = vector.broadcast %squeeze3A_2032 : f32 to vector<16xf32>
        %mul3A_2235 = arith.mulf %select_n3A_2233, %mul3A_2234 : vector<16xf32>
        %swap3A_2236 = arith.index_cast %add3A_2028 : i32 to index
        %swap3A_2237 = arith.constant 112 : index
        %swap3A_2238 = tpu.vector_load %arg13[%swap3A_2236, %swap3A_2237] {strides = array<i32>} : memref<80x128xf32, #tpu.memory_space<vmem>>, vector<1x16xf32>,
        %swap3A_2239 = vector.shape_cast %swap3A_2238 : vector<1x16xf32> to vector<16xf32>
        %swap3A_2240 = vector.shape_cast %mul3A_2235 : vector<16xf32> to vector<1x16xf32>
        tpu.vector_store %arg13[%swap3A_2236, %swap3A_2237], %swap3A_2240 {strides = array<i32>} : memref<80x128xf32, #tpu.memory_space<vmem>>, vector<1x16xf32>,
        %mul3A_2241 = arith.constant 16 : i32
        %mul3A_2242 = arith.muli %scan3A_75, %mul3A_2241 : i32
        %add3A_2243 = arith.constant 10 : i32
        %add3A_2244 = arith.addi %mul3A_2242, %add3A_2243 : i32
        %slice3A_2245 = vector.extract_strided_slice %get3A_80 {offsets = [10], sizes = [1], strides = [1]} : vector<16xf32> to vector<1xf32>
        %squeeze3A_2246 = vector.extract %slice3A_2245[0] : f32 from vector<1xf32>
        %slice3A_2247 = vector.extract_strided_slice %select_n3A {offsets = [10], sizes = [1], strides = [1]} : vector<16xf32> to vector<1xf32>
        %squeeze3A_2248 = vector.extract %slice3A_2247[0] : f32 from vector<1xf32>
        %get3A_2249 = arith.index_cast %add3A_2244 : i32 to index
        %get3A_2250 = arith.constant 0 : index
        %get3A_2251 = tpu.vector_load %arg11[%get3A_2249, %get3A_2250] {strides = array<i32>} : memref<80x128xf32, #tpu.memory_space<vmem>>, vector<1x16xf32>,
        %get3A_2252 = vector.shape_cast %get3A_2251 : vector<1x16xf32> to vector<16xf32>
        %get3A_2253 = arith.index_cast %add3A_2244 : i32 to index
        %get3A_2254 = arith.constant 0 : index
        %get3A_2255 = tpu.vector_load %arg12[%get3A_2253, %get3A_2254] {strides = array<i32>} : memref<80x128xf32, #tpu.memory_space<vmem>>, vector<1x16xf32>,
        %get3A_2256 = vector.shape_cast %get3A_2255 : vector<1x16xf32> to vector<16xf32>
        %add3A_2257 = arith.addf %get3A_2252, %get3A_2256 : vector<16xf32>
        %mul3A_2258 = vector.broadcast %squeeze3A_2246 : f32 to vector<16xf32>
        %mul3A_2259 = arith.mulf %mul3A_2258, %get3A_4 : vector<16xf32>
        %add3A_2260 = arith.addf %add3A_2257, %mul3A_2259 : vector<16xf32>
        %ge3A_2261 = arith.constant 0.000000e+00 : f32
        %ge3A_2262 = vector.broadcast %ge3A_2261 : f32 to vector<16xf32>
        %ge3A_2263 = arith.cmpf oge, %add3A_2260, %ge3A_2262 : vector<16xf32>
        %mul3A_2264 = arith.constant 0.00999999977 : f32
        %mul3A_2265 = vector.broadcast %mul3A_2264 : f32 to vector<16xf32>
        %mul3A_2266 = arith.mulf %mul3A_2265, %add3A_2260 : vector<16xf32>
        %select_n3A_2267 = arith.select %ge3A_2263, %add3A_2260, %mul3A_2266 : vector<16xi1>, vector<16xf32>
        %mul3A_2268 = vector.broadcast %squeeze3A_2248 : f32 to vector<16xf32>
        %mul3A_2269 = arith.mulf %select_n3A_2267, %mul3A_2268 : vector<16xf32>
        %swap3A_2270 = arith.index_cast %add3A_2244 : i32 to index
        %swap3A_2271 = arith.constant 0 : index
        %swap3A_2272 = tpu.vector_load %arg13[%swap3A_2270, %swap3A_2271] {strides = array<i32>} : memref<80x128xf32, #tpu.memory_space<vmem>>, vector<1x16xf32>,
        %swap3A_2273 = vector.shape_cast %swap3A_2272 : vector<1x16xf32> to vector<16xf32>
        %swap3A_2274 = vector.shape_cast %mul3A_2269 : vector<16xf32> to vector<1x16xf32>
        tpu.vector_store %arg13[%swap3A_2270, %swap3A_2271], %swap3A_2274 {strides = array<i32>} : memref<80x128xf32, #tpu.memory_space<vmem>>, vector<1x16xf32>,
        %get3A_2275 = arith.index_cast %add3A_2244 : i32 to index
        %get3A_2276 = arith.constant 16 : index
        %get3A_2277 = tpu.vector_load %arg11[%get3A_2275, %get3A_2276] {strides = array<i32>} : memref<80x128xf32, #tpu.memory_space<vmem>>, vector<1x16xf32>,
        %get3A_2278 = vector.shape_cast %get3A_2277 : vector<1x16xf32> to vector<16xf32>
        %get3A_2279 = arith.index_cast %add3A_2244 : i32 to index
        %get3A_2280 = arith.constant 16 : index
        %get3A_2281 = tpu.vector_load %arg12[%get3A_2279, %get3A_2280] {strides = array<i32>} : memref<80x128xf32, #tpu.memory_space<vmem>>, vector<1x16xf32>,
        %get3A_2282 = vector.shape_cast %get3A_2281 : vector<1x16xf32> to vector<16xf32>
        %add3A_2283 = arith.addf %get3A_2278, %get3A_2282 : vector<16xf32>
        %mul3A_2284 = vector.broadcast %squeeze3A_2246 : f32 to vector<16xf32>
        %mul3A_2285 = arith.mulf %mul3A_2284, %get3A_7 : vector<16xf32>
        %add3A_2286 = arith.addf %add3A_2283, %mul3A_2285 : vector<16xf32>
        %ge3A_2287 = arith.constant 0.000000e+00 : f32
        %ge3A_2288 = vector.broadcast %ge3A_2287 : f32 to vector<16xf32>
        %ge3A_2289 = arith.cmpf oge, %add3A_2286, %ge3A_2288 : vector<16xf32>
        %mul3A_2290 = arith.constant 0.00999999977 : f32
        %mul3A_2291 = vector.broadcast %mul3A_2290 : f32 to vector<16xf32>
        %mul3A_2292 = arith.mulf %mul3A_2291, %add3A_2286 : vector<16xf32>
        %select_n3A_2293 = arith.select %ge3A_2289, %add3A_2286, %mul3A_2292 : vector<16xi1>, vector<16xf32>
        %mul3A_2294 = vector.broadcast %squeeze3A_2248 : f32 to vector<16xf32>
        %mul3A_2295 = arith.mulf %select_n3A_2293, %mul3A_2294 : vector<16xf32>
        %swap3A_2296 = arith.index_cast %add3A_2244 : i32 to index
        %swap3A_2297 = arith.constant 16 : index
        %swap3A_2298 = tpu.vector_load %arg13[%swap3A_2296, %swap3A_2297] {strides = array<i32>} : memref<80x128xf32, #tpu.memory_space<vmem>>, vector<1x16xf32>,
        %swap3A_2299 = vector.shape_cast %swap3A_2298 : vector<1x16xf32> to vector<16xf32>
        %swap3A_2300 = vector.shape_cast %mul3A_2295 : vector<16xf32> to vector<1x16xf32>
        tpu.vector_store %arg13[%swap3A_2296, %swap3A_2297], %swap3A_2300 {strides = array<i32>} : memref<80x128xf32, #tpu.memory_space<vmem>>, vector<1x16xf32>,
        %get3A_2301 = arith.index_cast %add3A_2244 : i32 to index
        %get3A_2302 = arith.constant 32 : index
        %get3A_2303 = tpu.vector_load %arg11[%get3A_2301, %get3A_2302] {strides = array<i32>} : memref<80x128xf32, #tpu.memory_space<vmem>>, vector<1x16xf32>,
        %get3A_2304 = vector.shape_cast %get3A_2303 : vector<1x16xf32> to vector<16xf32>
        %get3A_2305 = arith.index_cast %add3A_2244 : i32 to index
        %get3A_2306 = arith.constant 32 : index
        %get3A_2307 = tpu.vector_load %arg12[%get3A_2305, %get3A_2306] {strides = array<i32>} : memref<80x128xf32, #tpu.memory_space<vmem>>, vector<1x16xf32>,
        %get3A_2308 = vector.shape_cast %get3A_2307 : vector<1x16xf32> to vector<16xf32>
        %add3A_2309 = arith.addf %get3A_2304, %get3A_2308 : vector<16xf32>
        %mul3A_2310 = vector.broadcast %squeeze3A_2246 : f32 to vector<16xf32>
        %mul3A_2311 = arith.mulf %mul3A_2310, %get3A_10 : vector<16xf32>
        %add3A_2312 = arith.addf %add3A_2309, %mul3A_2311 : vector<16xf32>
        %ge3A_2313 = arith.constant 0.000000e+00 : f32
        %ge3A_2314 = vector.broadcast %ge3A_2313 : f32 to vector<16xf32>
        %ge3A_2315 = arith.cmpf oge, %add3A_2312, %ge3A_2314 : vector<16xf32>
        %mul3A_2316 = arith.constant 0.00999999977 : f32
        %mul3A_2317 = vector.broadcast %mul3A_2316 : f32 to vector<16xf32>
        %mul3A_2318 = arith.mulf %mul3A_2317, %add3A_2312 : vector<16xf32>
        %select_n3A_2319 = arith.select %ge3A_2315, %add3A_2312, %mul3A_2318 : vector<16xi1>, vector<16xf32>
        %mul3A_2320 = vector.broadcast %squeeze3A_2248 : f32 to vector<16xf32>
        %mul3A_2321 = arith.mulf %select_n3A_2319, %mul3A_2320 : vector<16xf32>
        %swap3A_2322 = arith.index_cast %add3A_2244 : i32 to index
        %swap3A_2323 = arith.constant 32 : index
        %swap3A_2324 = tpu.vector_load %arg13[%swap3A_2322, %swap3A_2323] {strides = array<i32>} : memref<80x128xf32, #tpu.memory_space<vmem>>, vector<1x16xf32>,
        %swap3A_2325 = vector.shape_cast %swap3A_2324 : vector<1x16xf32> to vector<16xf32>
        %swap3A_2326 = vector.shape_cast %mul3A_2321 : vector<16xf32> to vector<1x16xf32>
        tpu.vector_store %arg13[%swap3A_2322, %swap3A_2323], %swap3A_2326 {strides = array<i32>} : memref<80x128xf32, #tpu.memory_space<vmem>>, vector<1x16xf32>,
        %get3A_2327 = arith.index_cast %add3A_2244 : i32 to index
        %get3A_2328 = arith.constant 48 : index
        %get3A_2329 = tpu.vector_load %arg11[%get3A_2327, %get3A_2328] {strides = array<i32>} : memref<80x128xf32, #tpu.memory_space<vmem>>, vector<1x16xf32>,
        %get3A_2330 = vector.shape_cast %get3A_2329 : vector<1x16xf32> to vector<16xf32>
        %get3A_2331 = arith.index_cast %add3A_2244 : i32 to index
        %get3A_2332 = arith.constant 48 : index
        %get3A_2333 = tpu.vector_load %arg12[%get3A_2331, %get3A_2332] {strides = array<i32>} : memref<80x128xf32, #tpu.memory_space<vmem>>, vector<1x16xf32>,
        %get3A_2334 = vector.shape_cast %get3A_2333 : vector<1x16xf32> to vector<16xf32>
        %add3A_2335 = arith.addf %get3A_2330, %get3A_2334 : vector<16xf32>
        %mul3A_2336 = vector.broadcast %squeeze3A_2246 : f32 to vector<16xf32>
        %mul3A_2337 = arith.mulf %mul3A_2336, %get3A_13 : vector<16xf32>
        %add3A_2338 = arith.addf %add3A_2335, %mul3A_2337 : vector<16xf32>
        %ge3A_2339 = arith.constant 0.000000e+00 : f32
        %ge3A_2340 = vector.broadcast %ge3A_2339 : f32 to vector<16xf32>
        %ge3A_2341 = arith.cmpf oge, %add3A_2338, %ge3A_2340 : vector<16xf32>
        %mul3A_2342 = arith.constant 0.00999999977 : f32
        %mul3A_2343 = vector.broadcast %mul3A_2342 : f32 to vector<16xf32>
        %mul3A_2344 = arith.mulf %mul3A_2343, %add3A_2338 : vector<16xf32>
        %select_n3A_2345 = arith.select %ge3A_2341, %add3A_2338, %mul3A_2344 : vector<16xi1>, vector<16xf32>
        %mul3A_2346 = vector.broadcast %squeeze3A_2248 : f32 to vector<16xf32>
        %mul3A_2347 = arith.mulf %select_n3A_2345, %mul3A_2346 : vector<16xf32>
        %swap3A_2348 = arith.index_cast %add3A_2244 : i32 to index
        %swap3A_2349 = arith.constant 48 : index
        %swap3A_2350 = tpu.vector_load %arg13[%swap3A_2348, %swap3A_2349] {strides = array<i32>} : memref<80x128xf32, #tpu.memory_space<vmem>>, vector<1x16xf32>,
        %swap3A_2351 = vector.shape_cast %swap3A_2350 : vector<1x16xf32> to vector<16xf32>
        %swap3A_2352 = vector.shape_cast %mul3A_2347 : vector<16xf32> to vector<1x16xf32>
        tpu.vector_store %arg13[%swap3A_2348, %swap3A_2349], %swap3A_2352 {strides = array<i32>} : memref<80x128xf32, #tpu.memory_space<vmem>>, vector<1x16xf32>,
        %get3A_2353 = arith.index_cast %add3A_2244 : i32 to index
        %get3A_2354 = arith.constant 64 : index
        %get3A_2355 = tpu.vector_load %arg11[%get3A_2353, %get3A_2354] {strides = array<i32>} : memref<80x128xf32, #tpu.memory_space<vmem>>, vector<1x16xf32>,
        %get3A_2356 = vector.shape_cast %get3A_2355 : vector<1x16xf32> to vector<16xf32>
        %get3A_2357 = arith.index_cast %add3A_2244 : i32 to index
        %get3A_2358 = arith.constant 64 : index
        %get3A_2359 = tpu.vector_load %arg12[%get3A_2357, %get3A_2358] {strides = array<i32>} : memref<80x128xf32, #tpu.memory_space<vmem>>, vector<1x16xf32>,
        %get3A_2360 = vector.shape_cast %get3A_2359 : vector<1x16xf32> to vector<16xf32>
        %add3A_2361 = arith.addf %get3A_2356, %get3A_2360 : vector<16xf32>
        %mul3A_2362 = vector.broadcast %squeeze3A_2246 : f32 to vector<16xf32>
        %mul3A_2363 = arith.mulf %mul3A_2362, %get3A_16 : vector<16xf32>
        %add3A_2364 = arith.addf %add3A_2361, %mul3A_2363 : vector<16xf32>
        %ge3A_2365 = arith.constant 0.000000e+00 : f32
        %ge3A_2366 = vector.broadcast %ge3A_2365 : f32 to vector<16xf32>
        %ge3A_2367 = arith.cmpf oge, %add3A_2364, %ge3A_2366 : vector<16xf32>
        %mul3A_2368 = arith.constant 0.00999999977 : f32
        %mul3A_2369 = vector.broadcast %mul3A_2368 : f32 to vector<16xf32>
        %mul3A_2370 = arith.mulf %mul3A_2369, %add3A_2364 : vector<16xf32>
        %select_n3A_2371 = arith.select %ge3A_2367, %add3A_2364, %mul3A_2370 : vector<16xi1>, vector<16xf32>
        %mul3A_2372 = vector.broadcast %squeeze3A_2248 : f32 to vector<16xf32>
        %mul3A_2373 = arith.mulf %select_n3A_2371, %mul3A_2372 : vector<16xf32>
        %swap3A_2374 = arith.index_cast %add3A_2244 : i32 to index
        %swap3A_2375 = arith.constant 64 : index
        %swap3A_2376 = tpu.vector_load %arg13[%swap3A_2374, %swap3A_2375] {strides = array<i32>} : memref<80x128xf32, #tpu.memory_space<vmem>>, vector<1x16xf32>,
        %swap3A_2377 = vector.shape_cast %swap3A_2376 : vector<1x16xf32> to vector<16xf32>
        %swap3A_2378 = vector.shape_cast %mul3A_2373 : vector<16xf32> to vector<1x16xf32>
        tpu.vector_store %arg13[%swap3A_2374, %swap3A_2375], %swap3A_2378 {strides = array<i32>} : memref<80x128xf32, #tpu.memory_space<vmem>>, vector<1x16xf32>,
        %get3A_2379 = arith.index_cast %add3A_2244 : i32 to index
        %get3A_2380 = arith.constant 80 : index
        %get3A_2381 = tpu.vector_load %arg11[%get3A_2379, %get3A_2380] {strides = array<i32>} : memref<80x128xf32, #tpu.memory_space<vmem>>, vector<1x16xf32>,
        %get3A_2382 = vector.shape_cast %get3A_2381 : vector<1x16xf32> to vector<16xf32>
        %get3A_2383 = arith.index_cast %add3A_2244 : i32 to index
        %get3A_2384 = arith.constant 80 : index
        %get3A_2385 = tpu.vector_load %arg12[%get3A_2383, %get3A_2384] {strides = array<i32>} : memref<80x128xf32, #tpu.memory_space<vmem>>, vector<1x16xf32>,
        %get3A_2386 = vector.shape_cast %get3A_2385 : vector<1x16xf32> to vector<16xf32>
        %add3A_2387 = arith.addf %get3A_2382, %get3A_2386 : vector<16xf32>
        %mul3A_2388 = vector.broadcast %squeeze3A_2246 : f32 to vector<16xf32>
        %mul3A_2389 = arith.mulf %mul3A_2388, %get3A_19 : vector<16xf32>
        %add3A_2390 = arith.addf %add3A_2387, %mul3A_2389 : vector<16xf32>
        %ge3A_2391 = arith.constant 0.000000e+00 : f32
        %ge3A_2392 = vector.broadcast %ge3A_2391 : f32 to vector<16xf32>
        %ge3A_2393 = arith.cmpf oge, %add3A_2390, %ge3A_2392 : vector<16xf32>
        %mul3A_2394 = arith.constant 0.00999999977 : f32
        %mul3A_2395 = vector.broadcast %mul3A_2394 : f32 to vector<16xf32>
        %mul3A_2396 = arith.mulf %mul3A_2395, %add3A_2390 : vector<16xf32>
        %select_n3A_2397 = arith.select %ge3A_2393, %add3A_2390, %mul3A_2396 : vector<16xi1>, vector<16xf32>
        %mul3A_2398 = vector.broadcast %squeeze3A_2248 : f32 to vector<16xf32>
        %mul3A_2399 = arith.mulf %select_n3A_2397, %mul3A_2398 : vector<16xf32>
        %swap3A_2400 = arith.index_cast %add3A_2244 : i32 to index
        %swap3A_2401 = arith.constant 80 : index
        %swap3A_2402 = tpu.vector_load %arg13[%swap3A_2400, %swap3A_2401] {strides = array<i32>} : memref<80x128xf32, #tpu.memory_space<vmem>>, vector<1x16xf32>,
        %swap3A_2403 = vector.shape_cast %swap3A_2402 : vector<1x16xf32> to vector<16xf32>
        %swap3A_2404 = vector.shape_cast %mul3A_2399 : vector<16xf32> to vector<1x16xf32>
        tpu.vector_store %arg13[%swap3A_2400, %swap3A_2401], %swap3A_2404 {strides = array<i32>} : memref<80x128xf32, #tpu.memory_space<vmem>>, vector<1x16xf32>,
        %get3A_2405 = arith.index_cast %add3A_2244 : i32 to index
        %get3A_2406 = arith.constant 96 : index
        %get3A_2407 = tpu.vector_load %arg11[%get3A_2405, %get3A_2406] {strides = array<i32>} : memref<80x128xf32, #tpu.memory_space<vmem>>, vector<1x16xf32>,
        %get3A_2408 = vector.shape_cast %get3A_2407 : vector<1x16xf32> to vector<16xf32>
        %get3A_2409 = arith.index_cast %add3A_2244 : i32 to index
        %get3A_2410 = arith.constant 96 : index
        %get3A_2411 = tpu.vector_load %arg12[%get3A_2409, %get3A_2410] {strides = array<i32>} : memref<80x128xf32, #tpu.memory_space<vmem>>, vector<1x16xf32>,
        %get3A_2412 = vector.shape_cast %get3A_2411 : vector<1x16xf32> to vector<16xf32>
        %add3A_2413 = arith.addf %get3A_2408, %get3A_2412 : vector<16xf32>
        %mul3A_2414 = vector.broadcast %squeeze3A_2246 : f32 to vector<16xf32>
        %mul3A_2415 = arith.mulf %mul3A_2414, %get3A_22 : vector<16xf32>
        %add3A_2416 = arith.addf %add3A_2413, %mul3A_2415 : vector<16xf32>
        %ge3A_2417 = arith.constant 0.000000e+00 : f32
        %ge3A_2418 = vector.broadcast %ge3A_2417 : f32 to vector<16xf32>
        %ge3A_2419 = arith.cmpf oge, %add3A_2416, %ge3A_2418 : vector<16xf32>
        %mul3A_2420 = arith.constant 0.00999999977 : f32
        %mul3A_2421 = vector.broadcast %mul3A_2420 : f32 to vector<16xf32>
        %mul3A_2422 = arith.mulf %mul3A_2421, %add3A_2416 : vector<16xf32>
        %select_n3A_2423 = arith.select %ge3A_2419, %add3A_2416, %mul3A_2422 : vector<16xi1>, vector<16xf32>
        %mul3A_2424 = vector.broadcast %squeeze3A_2248 : f32 to vector<16xf32>
        %mul3A_2425 = arith.mulf %select_n3A_2423, %mul3A_2424 : vector<16xf32>
        %swap3A_2426 = arith.index_cast %add3A_2244 : i32 to index
        %swap3A_2427 = arith.constant 96 : index
        %swap3A_2428 = tpu.vector_load %arg13[%swap3A_2426, %swap3A_2427] {strides = array<i32>} : memref<80x128xf32, #tpu.memory_space<vmem>>, vector<1x16xf32>,
        %swap3A_2429 = vector.shape_cast %swap3A_2428 : vector<1x16xf32> to vector<16xf32>
        %swap3A_2430 = vector.shape_cast %mul3A_2425 : vector<16xf32> to vector<1x16xf32>
        tpu.vector_store %arg13[%swap3A_2426, %swap3A_2427], %swap3A_2430 {strides = array<i32>} : memref<80x128xf32, #tpu.memory_space<vmem>>, vector<1x16xf32>,
        %get3A_2431 = arith.index_cast %add3A_2244 : i32 to index
        %get3A_2432 = arith.constant 112 : index
        %get3A_2433 = tpu.vector_load %arg11[%get3A_2431, %get3A_2432] {strides = array<i32>} : memref<80x128xf32, #tpu.memory_space<vmem>>, vector<1x16xf32>,
        %get3A_2434 = vector.shape_cast %get3A_2433 : vector<1x16xf32> to vector<16xf32>
        %get3A_2435 = arith.index_cast %add3A_2244 : i32 to index
        %get3A_2436 = arith.constant 112 : index
        %get3A_2437 = tpu.vector_load %arg12[%get3A_2435, %get3A_2436] {strides = array<i32>} : memref<80x128xf32, #tpu.memory_space<vmem>>, vector<1x16xf32>,
        %get3A_2438 = vector.shape_cast %get3A_2437 : vector<1x16xf32> to vector<16xf32>
        %add3A_2439 = arith.addf %get3A_2434, %get3A_2438 : vector<16xf32>
        %mul3A_2440 = vector.broadcast %squeeze3A_2246 : f32 to vector<16xf32>
        %mul3A_2441 = arith.mulf %mul3A_2440, %get3A_25 : vector<16xf32>
        %add3A_2442 = arith.addf %add3A_2439, %mul3A_2441 : vector<16xf32>
        %ge3A_2443 = arith.constant 0.000000e+00 : f32
        %ge3A_2444 = vector.broadcast %ge3A_2443 : f32 to vector<16xf32>
        %ge3A_2445 = arith.cmpf oge, %add3A_2442, %ge3A_2444 : vector<16xf32>
        %mul3A_2446 = arith.constant 0.00999999977 : f32
        %mul3A_2447 = vector.broadcast %mul3A_2446 : f32 to vector<16xf32>
        %mul3A_2448 = arith.mulf %mul3A_2447, %add3A_2442 : vector<16xf32>
        %select_n3A_2449 = arith.select %ge3A_2445, %add3A_2442, %mul3A_2448 : vector<16xi1>, vector<16xf32>
        %mul3A_2450 = vector.broadcast %squeeze3A_2248 : f32 to vector<16xf32>
        %mul3A_2451 = arith.mulf %select_n3A_2449, %mul3A_2450 : vector<16xf32>
        %swap3A_2452 = arith.index_cast %add3A_2244 : i32 to index
        %swap3A_2453 = arith.constant 112 : index
        %swap3A_2454 = tpu.vector_load %arg13[%swap3A_2452, %swap3A_2453] {strides = array<i32>} : memref<80x128xf32, #tpu.memory_space<vmem>>, vector<1x16xf32>,
        %swap3A_2455 = vector.shape_cast %swap3A_2454 : vector<1x16xf32> to vector<16xf32>
        %swap3A_2456 = vector.shape_cast %mul3A_2451 : vector<16xf32> to vector<1x16xf32>
        tpu.vector_store %arg13[%swap3A_2452, %swap3A_2453], %swap3A_2456 {strides = array<i32>} : memref<80x128xf32, #tpu.memory_space<vmem>>, vector<1x16xf32>,
        %mul3A_2457 = arith.constant 16 : i32
        %mul3A_2458 = arith.muli %scan3A_75, %mul3A_2457 : i32
        %add3A_2459 = arith.constant 11 : i32
        %add3A_2460 = arith.addi %mul3A_2458, %add3A_2459 : i32
        %slice3A_2461 = vector.extract_strided_slice %get3A_80 {offsets = [11], sizes = [1], strides = [1]} : vector<16xf32> to vector<1xf32>
        %squeeze3A_2462 = vector.extract %slice3A_2461[0] : f32 from vector<1xf32>
        %slice3A_2463 = vector.extract_strided_slice %select_n3A {offsets = [11], sizes = [1], strides = [1]} : vector<16xf32> to vector<1xf32>
        %squeeze3A_2464 = vector.extract %slice3A_2463[0] : f32 from vector<1xf32>
        %get3A_2465 = arith.index_cast %add3A_2460 : i32 to index
        %get3A_2466 = arith.constant 0 : index
        %get3A_2467 = tpu.vector_load %arg11[%get3A_2465, %get3A_2466] {strides = array<i32>} : memref<80x128xf32, #tpu.memory_space<vmem>>, vector<1x16xf32>,
        %get3A_2468 = vector.shape_cast %get3A_2467 : vector<1x16xf32> to vector<16xf32>
        %get3A_2469 = arith.index_cast %add3A_2460 : i32 to index
        %get3A_2470 = arith.constant 0 : index
        %get3A_2471 = tpu.vector_load %arg12[%get3A_2469, %get3A_2470] {strides = array<i32>} : memref<80x128xf32, #tpu.memory_space<vmem>>, vector<1x16xf32>,
        %get3A_2472 = vector.shape_cast %get3A_2471 : vector<1x16xf32> to vector<16xf32>
        %add3A_2473 = arith.addf %get3A_2468, %get3A_2472 : vector<16xf32>
        %mul3A_2474 = vector.broadcast %squeeze3A_2462 : f32 to vector<16xf32>
        %mul3A_2475 = arith.mulf %mul3A_2474, %get3A_4 : vector<16xf32>
        %add3A_2476 = arith.addf %add3A_2473, %mul3A_2475 : vector<16xf32>
        %ge3A_2477 = arith.constant 0.000000e+00 : f32
        %ge3A_2478 = vector.broadcast %ge3A_2477 : f32 to vector<16xf32>
        %ge3A_2479 = arith.cmpf oge, %add3A_2476, %ge3A_2478 : vector<16xf32>
        %mul3A_2480 = arith.constant 0.00999999977 : f32
        %mul3A_2481 = vector.broadcast %mul3A_2480 : f32 to vector<16xf32>
        %mul3A_2482 = arith.mulf %mul3A_2481, %add3A_2476 : vector<16xf32>
        %select_n3A_2483 = arith.select %ge3A_2479, %add3A_2476, %mul3A_2482 : vector<16xi1>, vector<16xf32>
        %mul3A_2484 = vector.broadcast %squeeze3A_2464 : f32 to vector<16xf32>
        %mul3A_2485 = arith.mulf %select_n3A_2483, %mul3A_2484 : vector<16xf32>
        %swap3A_2486 = arith.index_cast %add3A_2460 : i32 to index
        %swap3A_2487 = arith.constant 0 : index
        %swap3A_2488 = tpu.vector_load %arg13[%swap3A_2486, %swap3A_2487] {strides = array<i32>} : memref<80x128xf32, #tpu.memory_space<vmem>>, vector<1x16xf32>,
        %swap3A_2489 = vector.shape_cast %swap3A_2488 : vector<1x16xf32> to vector<16xf32>
        %swap3A_2490 = vector.shape_cast %mul3A_2485 : vector<16xf32> to vector<1x16xf32>
        tpu.vector_store %arg13[%swap3A_2486, %swap3A_2487], %swap3A_2490 {strides = array<i32>} : memref<80x128xf32, #tpu.memory_space<vmem>>, vector<1x16xf32>,
        %get3A_2491 = arith.index_cast %add3A_2460 : i32 to index
        %get3A_2492 = arith.constant 16 : index
        %get3A_2493 = tpu.vector_load %arg11[%get3A_2491, %get3A_2492] {strides = array<i32>} : memref<80x128xf32, #tpu.memory_space<vmem>>, vector<1x16xf32>,
        %get3A_2494 = vector.shape_cast %get3A_2493 : vector<1x16xf32> to vector<16xf32>
        %get3A_2495 = arith.index_cast %add3A_2460 : i32 to index
        %get3A_2496 = arith.constant 16 : index
        %get3A_2497 = tpu.vector_load %arg12[%get3A_2495, %get3A_2496] {strides = array<i32>} : memref<80x128xf32, #tpu.memory_space<vmem>>, vector<1x16xf32>,
        %get3A_2498 = vector.shape_cast %get3A_2497 : vector<1x16xf32> to vector<16xf32>
        %add3A_2499 = arith.addf %get3A_2494, %get3A_2498 : vector<16xf32>
        %mul3A_2500 = vector.broadcast %squeeze3A_2462 : f32 to vector<16xf32>
        %mul3A_2501 = arith.mulf %mul3A_2500, %get3A_7 : vector<16xf32>
        %add3A_2502 = arith.addf %add3A_2499, %mul3A_2501 : vector<16xf32>
        %ge3A_2503 = arith.constant 0.000000e+00 : f32
        %ge3A_2504 = vector.broadcast %ge3A_2503 : f32 to vector<16xf32>
        %ge3A_2505 = arith.cmpf oge, %add3A_2502, %ge3A_2504 : vector<16xf32>
        %mul3A_2506 = arith.constant 0.00999999977 : f32
        %mul3A_2507 = vector.broadcast %mul3A_2506 : f32 to vector<16xf32>
        %mul3A_2508 = arith.mulf %mul3A_2507, %add3A_2502 : vector<16xf32>
        %select_n3A_2509 = arith.select %ge3A_2505, %add3A_2502, %mul3A_2508 : vector<16xi1>, vector<16xf32>
        %mul3A_2510 = vector.broadcast %squeeze3A_2464 : f32 to vector<16xf32>
        %mul3A_2511 = arith.mulf %select_n3A_2509, %mul3A_2510 : vector<16xf32>
        %swap3A_2512 = arith.index_cast %add3A_2460 : i32 to index
        %swap3A_2513 = arith.constant 16 : index
        %swap3A_2514 = tpu.vector_load %arg13[%swap3A_2512, %swap3A_2513] {strides = array<i32>} : memref<80x128xf32, #tpu.memory_space<vmem>>, vector<1x16xf32>,
        %swap3A_2515 = vector.shape_cast %swap3A_2514 : vector<1x16xf32> to vector<16xf32>
        %swap3A_2516 = vector.shape_cast %mul3A_2511 : vector<16xf32> to vector<1x16xf32>
        tpu.vector_store %arg13[%swap3A_2512, %swap3A_2513], %swap3A_2516 {strides = array<i32>} : memref<80x128xf32, #tpu.memory_space<vmem>>, vector<1x16xf32>,
        %get3A_2517 = arith.index_cast %add3A_2460 : i32 to index
        %get3A_2518 = arith.constant 32 : index
        %get3A_2519 = tpu.vector_load %arg11[%get3A_2517, %get3A_2518] {strides = array<i32>} : memref<80x128xf32, #tpu.memory_space<vmem>>, vector<1x16xf32>,
        %get3A_2520 = vector.shape_cast %get3A_2519 : vector<1x16xf32> to vector<16xf32>
        %get3A_2521 = arith.index_cast %add3A_2460 : i32 to index
        %get3A_2522 = arith.constant 32 : index
        %get3A_2523 = tpu.vector_load %arg12[%get3A_2521, %get3A_2522] {strides = array<i32>} : memref<80x128xf32, #tpu.memory_space<vmem>>, vector<1x16xf32>,
        %get3A_2524 = vector.shape_cast %get3A_2523 : vector<1x16xf32> to vector<16xf32>
        %add3A_2525 = arith.addf %get3A_2520, %get3A_2524 : vector<16xf32>
        %mul3A_2526 = vector.broadcast %squeeze3A_2462 : f32 to vector<16xf32>
        %mul3A_2527 = arith.mulf %mul3A_2526, %get3A_10 : vector<16xf32>
        %add3A_2528 = arith.addf %add3A_2525, %mul3A_2527 : vector<16xf32>
        %ge3A_2529 = arith.constant 0.000000e+00 : f32
        %ge3A_2530 = vector.broadcast %ge3A_2529 : f32 to vector<16xf32>
        %ge3A_2531 = arith.cmpf oge, %add3A_2528, %ge3A_2530 : vector<16xf32>
        %mul3A_2532 = arith.constant 0.00999999977 : f32
        %mul3A_2533 = vector.broadcast %mul3A_2532 : f32 to vector<16xf32>
        %mul3A_2534 = arith.mulf %mul3A_2533, %add3A_2528 : vector<16xf32>
        %select_n3A_2535 = arith.select %ge3A_2531, %add3A_2528, %mul3A_2534 : vector<16xi1>, vector<16xf32>
        %mul3A_2536 = vector.broadcast %squeeze3A_2464 : f32 to vector<16xf32>
        %mul3A_2537 = arith.mulf %select_n3A_2535, %mul3A_2536 : vector<16xf32>
        %swap3A_2538 = arith.index_cast %add3A_2460 : i32 to index
        %swap3A_2539 = arith.constant 32 : index
        %swap3A_2540 = tpu.vector_load %arg13[%swap3A_2538, %swap3A_2539] {strides = array<i32>} : memref<80x128xf32, #tpu.memory_space<vmem>>, vector<1x16xf32>,
        %swap3A_2541 = vector.shape_cast %swap3A_2540 : vector<1x16xf32> to vector<16xf32>
        %swap3A_2542 = vector.shape_cast %mul3A_2537 : vector<16xf32> to vector<1x16xf32>
        tpu.vector_store %arg13[%swap3A_2538, %swap3A_2539], %swap3A_2542 {strides = array<i32>} : memref<80x128xf32, #tpu.memory_space<vmem>>, vector<1x16xf32>,
        %get3A_2543 = arith.index_cast %add3A_2460 : i32 to index
        %get3A_2544 = arith.constant 48 : index
        %get3A_2545 = tpu.vector_load %arg11[%get3A_2543, %get3A_2544] {strides = array<i32>} : memref<80x128xf32, #tpu.memory_space<vmem>>, vector<1x16xf32>,
        %get3A_2546 = vector.shape_cast %get3A_2545 : vector<1x16xf32> to vector<16xf32>
        %get3A_2547 = arith.index_cast %add3A_2460 : i32 to index
        %get3A_2548 = arith.constant 48 : index
        %get3A_2549 = tpu.vector_load %arg12[%get3A_2547, %get3A_2548] {strides = array<i32>} : memref<80x128xf32, #tpu.memory_space<vmem>>, vector<1x16xf32>,
        %get3A_2550 = vector.shape_cast %get3A_2549 : vector<1x16xf32> to vector<16xf32>
        %add3A_2551 = arith.addf %get3A_2546, %get3A_2550 : vector<16xf32>
        %mul3A_2552 = vector.broadcast %squeeze3A_2462 : f32 to vector<16xf32>
        %mul3A_2553 = arith.mulf %mul3A_2552, %get3A_13 : vector<16xf32>
        %add3A_2554 = arith.addf %add3A_2551, %mul3A_2553 : vector<16xf32>
        %ge3A_2555 = arith.constant 0.000000e+00 : f32
        %ge3A_2556 = vector.broadcast %ge3A_2555 : f32 to vector<16xf32>
        %ge3A_2557 = arith.cmpf oge, %add3A_2554, %ge3A_2556 : vector<16xf32>
        %mul3A_2558 = arith.constant 0.00999999977 : f32
        %mul3A_2559 = vector.broadcast %mul3A_2558 : f32 to vector<16xf32>
        %mul3A_2560 = arith.mulf %mul3A_2559, %add3A_2554 : vector<16xf32>
        %select_n3A_2561 = arith.select %ge3A_2557, %add3A_2554, %mul3A_2560 : vector<16xi1>, vector<16xf32>
        %mul3A_2562 = vector.broadcast %squeeze3A_2464 : f32 to vector<16xf32>
        %mul3A_2563 = arith.mulf %select_n3A_2561, %mul3A_2562 : vector<16xf32>
        %swap3A_2564 = arith.index_cast %add3A_2460 : i32 to index
        %swap3A_2565 = arith.constant 48 : index
        %swap3A_2566 = tpu.vector_load %arg13[%swap3A_2564, %swap3A_2565] {strides = array<i32>} : memref<80x128xf32, #tpu.memory_space<vmem>>, vector<1x16xf32>,
        %swap3A_2567 = vector.shape_cast %swap3A_2566 : vector<1x16xf32> to vector<16xf32>
        %swap3A_2568 = vector.shape_cast %mul3A_2563 : vector<16xf32> to vector<1x16xf32>
        tpu.vector_store %arg13[%swap3A_2564, %swap3A_2565], %swap3A_2568 {strides = array<i32>} : memref<80x128xf32, #tpu.memory_space<vmem>>, vector<1x16xf32>,
        %get3A_2569 = arith.index_cast %add3A_2460 : i32 to index
        %get3A_2570 = arith.constant 64 : index
        %get3A_2571 = tpu.vector_load %arg11[%get3A_2569, %get3A_2570] {strides = array<i32>} : memref<80x128xf32, #tpu.memory_space<vmem>>, vector<1x16xf32>,
        %get3A_2572 = vector.shape_cast %get3A_2571 : vector<1x16xf32> to vector<16xf32>
        %get3A_2573 = arith.index_cast %add3A_2460 : i32 to index
        %get3A_2574 = arith.constant 64 : index
        %get3A_2575 = tpu.vector_load %arg12[%get3A_2573, %get3A_2574] {strides = array<i32>} : memref<80x128xf32, #tpu.memory_space<vmem>>, vector<1x16xf32>,
        %get3A_2576 = vector.shape_cast %get3A_2575 : vector<1x16xf32> to vector<16xf32>
        %add3A_2577 = arith.addf %get3A_2572, %get3A_2576 : vector<16xf32>
        %mul3A_2578 = vector.broadcast %squeeze3A_2462 : f32 to vector<16xf32>
        %mul3A_2579 = arith.mulf %mul3A_2578, %get3A_16 : vector<16xf32>
        %add3A_2580 = arith.addf %add3A_2577, %mul3A_2579 : vector<16xf32>
        %ge3A_2581 = arith.constant 0.000000e+00 : f32
        %ge3A_2582 = vector.broadcast %ge3A_2581 : f32 to vector<16xf32>
        %ge3A_2583 = arith.cmpf oge, %add3A_2580, %ge3A_2582 : vector<16xf32>
        %mul3A_2584 = arith.constant 0.00999999977 : f32
        %mul3A_2585 = vector.broadcast %mul3A_2584 : f32 to vector<16xf32>
        %mul3A_2586 = arith.mulf %mul3A_2585, %add3A_2580 : vector<16xf32>
        %select_n3A_2587 = arith.select %ge3A_2583, %add3A_2580, %mul3A_2586 : vector<16xi1>, vector<16xf32>
        %mul3A_2588 = vector.broadcast %squeeze3A_2464 : f32 to vector<16xf32>
        %mul3A_2589 = arith.mulf %select_n3A_2587, %mul3A_2588 : vector<16xf32>
        %swap3A_2590 = arith.index_cast %add3A_2460 : i32 to index
        %swap3A_2591 = arith.constant 64 : index
        %swap3A_2592 = tpu.vector_load %arg13[%swap3A_2590, %swap3A_2591] {strides = array<i32>} : memref<80x128xf32, #tpu.memory_space<vmem>>, vector<1x16xf32>,
        %swap3A_2593 = vector.shape_cast %swap3A_2592 : vector<1x16xf32> to vector<16xf32>
        %swap3A_2594 = vector.shape_cast %mul3A_2589 : vector<16xf32> to vector<1x16xf32>
        tpu.vector_store %arg13[%swap3A_2590, %swap3A_2591], %swap3A_2594 {strides = array<i32>} : memref<80x128xf32, #tpu.memory_space<vmem>>, vector<1x16xf32>,
        %get3A_2595 = arith.index_cast %add3A_2460 : i32 to index
        %get3A_2596 = arith.constant 80 : index
        %get3A_2597 = tpu.vector_load %arg11[%get3A_2595, %get3A_2596] {strides = array<i32>} : memref<80x128xf32, #tpu.memory_space<vmem>>, vector<1x16xf32>,
        %get3A_2598 = vector.shape_cast %get3A_2597 : vector<1x16xf32> to vector<16xf32>
        %get3A_2599 = arith.index_cast %add3A_2460 : i32 to index
        %get3A_2600 = arith.constant 80 : index
        %get3A_2601 = tpu.vector_load %arg12[%get3A_2599, %get3A_2600] {strides = array<i32>} : memref<80x128xf32, #tpu.memory_space<vmem>>, vector<1x16xf32>,
        %get3A_2602 = vector.shape_cast %get3A_2601 : vector<1x16xf32> to vector<16xf32>
        %add3A_2603 = arith.addf %get3A_2598, %get3A_2602 : vector<16xf32>
        %mul3A_2604 = vector.broadcast %squeeze3A_2462 : f32 to vector<16xf32>
        %mul3A_2605 = arith.mulf %mul3A_2604, %get3A_19 : vector<16xf32>
        %add3A_2606 = arith.addf %add3A_2603, %mul3A_2605 : vector<16xf32>
        %ge3A_2607 = arith.constant 0.000000e+00 : f32
        %ge3A_2608 = vector.broadcast %ge3A_2607 : f32 to vector<16xf32>
        %ge3A_2609 = arith.cmpf oge, %add3A_2606, %ge3A_2608 : vector<16xf32>
        %mul3A_2610 = arith.constant 0.00999999977 : f32
        %mul3A_2611 = vector.broadcast %mul3A_2610 : f32 to vector<16xf32>
        %mul3A_2612 = arith.mulf %mul3A_2611, %add3A_2606 : vector<16xf32>
        %select_n3A_2613 = arith.select %ge3A_2609, %add3A_2606, %mul3A_2612 : vector<16xi1>, vector<16xf32>
        %mul3A_2614 = vector.broadcast %squeeze3A_2464 : f32 to vector<16xf32>
        %mul3A_2615 = arith.mulf %select_n3A_2613, %mul3A_2614 : vector<16xf32>
        %swap3A_2616 = arith.index_cast %add3A_2460 : i32 to index
        %swap3A_2617 = arith.constant 80 : index
        %swap3A_2618 = tpu.vector_load %arg13[%swap3A_2616, %swap3A_2617] {strides = array<i32>} : memref<80x128xf32, #tpu.memory_space<vmem>>, vector<1x16xf32>,
        %swap3A_2619 = vector.shape_cast %swap3A_2618 : vector<1x16xf32> to vector<16xf32>
        %swap3A_2620 = vector.shape_cast %mul3A_2615 : vector<16xf32> to vector<1x16xf32>
        tpu.vector_store %arg13[%swap3A_2616, %swap3A_2617], %swap3A_2620 {strides = array<i32>} : memref<80x128xf32, #tpu.memory_space<vmem>>, vector<1x16xf32>,
        %get3A_2621 = arith.index_cast %add3A_2460 : i32 to index
        %get3A_2622 = arith.constant 96 : index
        %get3A_2623 = tpu.vector_load %arg11[%get3A_2621, %get3A_2622] {strides = array<i32>} : memref<80x128xf32, #tpu.memory_space<vmem>>, vector<1x16xf32>,
        %get3A_2624 = vector.shape_cast %get3A_2623 : vector<1x16xf32> to vector<16xf32>
        %get3A_2625 = arith.index_cast %add3A_2460 : i32 to index
        %get3A_2626 = arith.constant 96 : index
        %get3A_2627 = tpu.vector_load %arg12[%get3A_2625, %get3A_2626] {strides = array<i32>} : memref<80x128xf32, #tpu.memory_space<vmem>>, vector<1x16xf32>,
        %get3A_2628 = vector.shape_cast %get3A_2627 : vector<1x16xf32> to vector<16xf32>
        %add3A_2629 = arith.addf %get3A_2624, %get3A_2628 : vector<16xf32>
        %mul3A_2630 = vector.broadcast %squeeze3A_2462 : f32 to vector<16xf32>
        %mul3A_2631 = arith.mulf %mul3A_2630, %get3A_22 : vector<16xf32>
        %add3A_2632 = arith.addf %add3A_2629, %mul3A_2631 : vector<16xf32>
        %ge3A_2633 = arith.constant 0.000000e+00 : f32
        %ge3A_2634 = vector.broadcast %ge3A_2633 : f32 to vector<16xf32>
        %ge3A_2635 = arith.cmpf oge, %add3A_2632, %ge3A_2634 : vector<16xf32>
        %mul3A_2636 = arith.constant 0.00999999977 : f32
        %mul3A_2637 = vector.broadcast %mul3A_2636 : f32 to vector<16xf32>
        %mul3A_2638 = arith.mulf %mul3A_2637, %add3A_2632 : vector<16xf32>
        %select_n3A_2639 = arith.select %ge3A_2635, %add3A_2632, %mul3A_2638 : vector<16xi1>, vector<16xf32>
        %mul3A_2640 = vector.broadcast %squeeze3A_2464 : f32 to vector<16xf32>
        %mul3A_2641 = arith.mulf %select_n3A_2639, %mul3A_2640 : vector<16xf32>
        %swap3A_2642 = arith.index_cast %add3A_2460 : i32 to index
        %swap3A_2643 = arith.constant 96 : index
        %swap3A_2644 = tpu.vector_load %arg13[%swap3A_2642, %swap3A_2643] {strides = array<i32>} : memref<80x128xf32, #tpu.memory_space<vmem>>, vector<1x16xf32>,
        %swap3A_2645 = vector.shape_cast %swap3A_2644 : vector<1x16xf32> to vector<16xf32>
        %swap3A_2646 = vector.shape_cast %mul3A_2641 : vector<16xf32> to vector<1x16xf32>
        tpu.vector_store %arg13[%swap3A_2642, %swap3A_2643], %swap3A_2646 {strides = array<i32>} : memref<80x128xf32, #tpu.memory_space<vmem>>, vector<1x16xf32>,
        %get3A_2647 = arith.index_cast %add3A_2460 : i32 to index
        %get3A_2648 = arith.constant 112 : index
        %get3A_2649 = tpu.vector_load %arg11[%get3A_2647, %get3A_2648] {strides = array<i32>} : memref<80x128xf32, #tpu.memory_space<vmem>>, vector<1x16xf32>,
        %get3A_2650 = vector.shape_cast %get3A_2649 : vector<1x16xf32> to vector<16xf32>
        %get3A_2651 = arith.index_cast %add3A_2460 : i32 to index
        %get3A_2652 = arith.constant 112 : index
        %get3A_2653 = tpu.vector_load %arg12[%get3A_2651, %get3A_2652] {strides = array<i32>} : memref<80x128xf32, #tpu.memory_space<vmem>>, vector<1x16xf32>,
        %get3A_2654 = vector.shape_cast %get3A_2653 : vector<1x16xf32> to vector<16xf32>
        %add3A_2655 = arith.addf %get3A_2650, %get3A_2654 : vector<16xf32>
        %mul3A_2656 = vector.broadcast %squeeze3A_2462 : f32 to vector<16xf32>
        %mul3A_2657 = arith.mulf %mul3A_2656, %get3A_25 : vector<16xf32>
        %add3A_2658 = arith.addf %add3A_2655, %mul3A_2657 : vector<16xf32>
        %ge3A_2659 = arith.constant 0.000000e+00 : f32
        %ge3A_2660 = vector.broadcast %ge3A_2659 : f32 to vector<16xf32>
        %ge3A_2661 = arith.cmpf oge, %add3A_2658, %ge3A_2660 : vector<16xf32>
        %mul3A_2662 = arith.constant 0.00999999977 : f32
        %mul3A_2663 = vector.broadcast %mul3A_2662 : f32 to vector<16xf32>
        %mul3A_2664 = arith.mulf %mul3A_2663, %add3A_2658 : vector<16xf32>
        %select_n3A_2665 = arith.select %ge3A_2661, %add3A_2658, %mul3A_2664 : vector<16xi1>, vector<16xf32>
        %mul3A_2666 = vector.broadcast %squeeze3A_2464 : f32 to vector<16xf32>
        %mul3A_2667 = arith.mulf %select_n3A_2665, %mul3A_2666 : vector<16xf32>
        %swap3A_2668 = arith.index_cast %add3A_2460 : i32 to index
        %swap3A_2669 = arith.constant 112 : index
        %swap3A_2670 = tpu.vector_load %arg13[%swap3A_2668, %swap3A_2669] {strides = array<i32>} : memref<80x128xf32, #tpu.memory_space<vmem>>, vector<1x16xf32>,
        %swap3A_2671 = vector.shape_cast %swap3A_2670 : vector<1x16xf32> to vector<16xf32>
        %swap3A_2672 = vector.shape_cast %mul3A_2667 : vector<16xf32> to vector<1x16xf32>
        tpu.vector_store %arg13[%swap3A_2668, %swap3A_2669], %swap3A_2672 {strides = array<i32>} : memref<80x128xf32, #tpu.memory_space<vmem>>, vector<1x16xf32>,
        %mul3A_2673 = arith.constant 16 : i32
        %mul3A_2674 = arith.muli %scan3A_75, %mul3A_2673 : i32
        %add3A_2675 = arith.constant 12 : i32
        %add3A_2676 = arith.addi %mul3A_2674, %add3A_2675 : i32
        %slice3A_2677 = vector.extract_strided_slice %get3A_80 {offsets = [12], sizes = [1], strides = [1]} : vector<16xf32> to vector<1xf32>
        %squeeze3A_2678 = vector.extract %slice3A_2677[0] : f32 from vector<1xf32>
        %slice3A_2679 = vector.extract_strided_slice %select_n3A {offsets = [12], sizes = [1], strides = [1]} : vector<16xf32> to vector<1xf32>
        %squeeze3A_2680 = vector.extract %slice3A_2679[0] : f32 from vector<1xf32>
        %get3A_2681 = arith.index_cast %add3A_2676 : i32 to index
        %get3A_2682 = arith.constant 0 : index
        %get3A_2683 = tpu.vector_load %arg11[%get3A_2681, %get3A_2682] {strides = array<i32>} : memref<80x128xf32, #tpu.memory_space<vmem>>, vector<1x16xf32>,
        %get3A_2684 = vector.shape_cast %get3A_2683 : vector<1x16xf32> to vector<16xf32>
        %get3A_2685 = arith.index_cast %add3A_2676 : i32 to index
        %get3A_2686 = arith.constant 0 : index
        %get3A_2687 = tpu.vector_load %arg12[%get3A_2685, %get3A_2686] {strides = array<i32>} : memref<80x128xf32, #tpu.memory_space<vmem>>, vector<1x16xf32>,
        %get3A_2688 = vector.shape_cast %get3A_2687 : vector<1x16xf32> to vector<16xf32>
        %add3A_2689 = arith.addf %get3A_2684, %get3A_2688 : vector<16xf32>
        %mul3A_2690 = vector.broadcast %squeeze3A_2678 : f32 to vector<16xf32>
        %mul3A_2691 = arith.mulf %mul3A_2690, %get3A_4 : vector<16xf32>
        %add3A_2692 = arith.addf %add3A_2689, %mul3A_2691 : vector<16xf32>
        %ge3A_2693 = arith.constant 0.000000e+00 : f32
        %ge3A_2694 = vector.broadcast %ge3A_2693 : f32 to vector<16xf32>
        %ge3A_2695 = arith.cmpf oge, %add3A_2692, %ge3A_2694 : vector<16xf32>
        %mul3A_2696 = arith.constant 0.00999999977 : f32
        %mul3A_2697 = vector.broadcast %mul3A_2696 : f32 to vector<16xf32>
        %mul3A_2698 = arith.mulf %mul3A_2697, %add3A_2692 : vector<16xf32>
        %select_n3A_2699 = arith.select %ge3A_2695, %add3A_2692, %mul3A_2698 : vector<16xi1>, vector<16xf32>
        %mul3A_2700 = vector.broadcast %squeeze3A_2680 : f32 to vector<16xf32>
        %mul3A_2701 = arith.mulf %select_n3A_2699, %mul3A_2700 : vector<16xf32>
        %swap3A_2702 = arith.index_cast %add3A_2676 : i32 to index
        %swap3A_2703 = arith.constant 0 : index
        %swap3A_2704 = tpu.vector_load %arg13[%swap3A_2702, %swap3A_2703] {strides = array<i32>} : memref<80x128xf32, #tpu.memory_space<vmem>>, vector<1x16xf32>,
        %swap3A_2705 = vector.shape_cast %swap3A_2704 : vector<1x16xf32> to vector<16xf32>
        %swap3A_2706 = vector.shape_cast %mul3A_2701 : vector<16xf32> to vector<1x16xf32>
        tpu.vector_store %arg13[%swap3A_2702, %swap3A_2703], %swap3A_2706 {strides = array<i32>} : memref<80x128xf32, #tpu.memory_space<vmem>>, vector<1x16xf32>,
        %get3A_2707 = arith.index_cast %add3A_2676 : i32 to index
        %get3A_2708 = arith.constant 16 : index
        %get3A_2709 = tpu.vector_load %arg11[%get3A_2707, %get3A_2708] {strides = array<i32>} : memref<80x128xf32, #tpu.memory_space<vmem>>, vector<1x16xf32>,
        %get3A_2710 = vector.shape_cast %get3A_2709 : vector<1x16xf32> to vector<16xf32>
        %get3A_2711 = arith.index_cast %add3A_2676 : i32 to index
        %get3A_2712 = arith.constant 16 : index
        %get3A_2713 = tpu.vector_load %arg12[%get3A_2711, %get3A_2712] {strides = array<i32>} : memref<80x128xf32, #tpu.memory_space<vmem>>, vector<1x16xf32>,
        %get3A_2714 = vector.shape_cast %get3A_2713 : vector<1x16xf32> to vector<16xf32>
        %add3A_2715 = arith.addf %get3A_2710, %get3A_2714 : vector<16xf32>
        %mul3A_2716 = vector.broadcast %squeeze3A_2678 : f32 to vector<16xf32>
        %mul3A_2717 = arith.mulf %mul3A_2716, %get3A_7 : vector<16xf32>
        %add3A_2718 = arith.addf %add3A_2715, %mul3A_2717 : vector<16xf32>
        %ge3A_2719 = arith.constant 0.000000e+00 : f32
        %ge3A_2720 = vector.broadcast %ge3A_2719 : f32 to vector<16xf32>
        %ge3A_2721 = arith.cmpf oge, %add3A_2718, %ge3A_2720 : vector<16xf32>
        %mul3A_2722 = arith.constant 0.00999999977 : f32
        %mul3A_2723 = vector.broadcast %mul3A_2722 : f32 to vector<16xf32>
        %mul3A_2724 = arith.mulf %mul3A_2723, %add3A_2718 : vector<16xf32>
        %select_n3A_2725 = arith.select %ge3A_2721, %add3A_2718, %mul3A_2724 : vector<16xi1>, vector<16xf32>
        %mul3A_2726 = vector.broadcast %squeeze3A_2680 : f32 to vector<16xf32>
        %mul3A_2727 = arith.mulf %select_n3A_2725, %mul3A_2726 : vector<16xf32>
        %swap3A_2728 = arith.index_cast %add3A_2676 : i32 to index
        %swap3A_2729 = arith.constant 16 : index
        %swap3A_2730 = tpu.vector_load %arg13[%swap3A_2728, %swap3A_2729] {strides = array<i32>} : memref<80x128xf32, #tpu.memory_space<vmem>>, vector<1x16xf32>,
        %swap3A_2731 = vector.shape_cast %swap3A_2730 : vector<1x16xf32> to vector<16xf32>
        %swap3A_2732 = vector.shape_cast %mul3A_2727 : vector<16xf32> to vector<1x16xf32>
        tpu.vector_store %arg13[%swap3A_2728, %swap3A_2729], %swap3A_2732 {strides = array<i32>} : memref<80x128xf32, #tpu.memory_space<vmem>>, vector<1x16xf32>,
        %get3A_2733 = arith.index_cast %add3A_2676 : i32 to index
        %get3A_2734 = arith.constant 32 : index
        %get3A_2735 = tpu.vector_load %arg11[%get3A_2733, %get3A_2734] {strides = array<i32>} : memref<80x128xf32, #tpu.memory_space<vmem>>, vector<1x16xf32>,
        %get3A_2736 = vector.shape_cast %get3A_2735 : vector<1x16xf32> to vector<16xf32>
        %get3A_2737 = arith.index_cast %add3A_2676 : i32 to index
        %get3A_2738 = arith.constant 32 : index
        %get3A_2739 = tpu.vector_load %arg12[%get3A_2737, %get3A_2738] {strides = array<i32>} : memref<80x128xf32, #tpu.memory_space<vmem>>, vector<1x16xf32>,
        %get3A_2740 = vector.shape_cast %get3A_2739 : vector<1x16xf32> to vector<16xf32>
        %add3A_2741 = arith.addf %get3A_2736, %get3A_2740 : vector<16xf32>
        %mul3A_2742 = vector.broadcast %squeeze3A_2678 : f32 to vector<16xf32>
        %mul3A_2743 = arith.mulf %mul3A_2742, %get3A_10 : vector<16xf32>
        %add3A_2744 = arith.addf %add3A_2741, %mul3A_2743 : vector<16xf32>
        %ge3A_2745 = arith.constant 0.000000e+00 : f32
        %ge3A_2746 = vector.broadcast %ge3A_2745 : f32 to vector<16xf32>
        %ge3A_2747 = arith.cmpf oge, %add3A_2744, %ge3A_2746 : vector<16xf32>
        %mul3A_2748 = arith.constant 0.00999999977 : f32
        %mul3A_2749 = vector.broadcast %mul3A_2748 : f32 to vector<16xf32>
        %mul3A_2750 = arith.mulf %mul3A_2749, %add3A_2744 : vector<16xf32>
        %select_n3A_2751 = arith.select %ge3A_2747, %add3A_2744, %mul3A_2750 : vector<16xi1>, vector<16xf32>
        %mul3A_2752 = vector.broadcast %squeeze3A_2680 : f32 to vector<16xf32>
        %mul3A_2753 = arith.mulf %select_n3A_2751, %mul3A_2752 : vector<16xf32>
        %swap3A_2754 = arith.index_cast %add3A_2676 : i32 to index
        %swap3A_2755 = arith.constant 32 : index
        %swap3A_2756 = tpu.vector_load %arg13[%swap3A_2754, %swap3A_2755] {strides = array<i32>} : memref<80x128xf32, #tpu.memory_space<vmem>>, vector<1x16xf32>,
        %swap3A_2757 = vector.shape_cast %swap3A_2756 : vector<1x16xf32> to vector<16xf32>
        %swap3A_2758 = vector.shape_cast %mul3A_2753 : vector<16xf32> to vector<1x16xf32>
        tpu.vector_store %arg13[%swap3A_2754, %swap3A_2755], %swap3A_2758 {strides = array<i32>} : memref<80x128xf32, #tpu.memory_space<vmem>>, vector<1x16xf32>,
        %get3A_2759 = arith.index_cast %add3A_2676 : i32 to index
        %get3A_2760 = arith.constant 48 : index
        %get3A_2761 = tpu.vector_load %arg11[%get3A_2759, %get3A_2760] {strides = array<i32>} : memref<80x128xf32, #tpu.memory_space<vmem>>, vector<1x16xf32>,
        %get3A_2762 = vector.shape_cast %get3A_2761 : vector<1x16xf32> to vector<16xf32>
        %get3A_2763 = arith.index_cast %add3A_2676 : i32 to index
        %get3A_2764 = arith.constant 48 : index
        %get3A_2765 = tpu.vector_load %arg12[%get3A_2763, %get3A_2764] {strides = array<i32>} : memref<80x128xf32, #tpu.memory_space<vmem>>, vector<1x16xf32>,
        %get3A_2766 = vector.shape_cast %get3A_2765 : vector<1x16xf32> to vector<16xf32>
        %add3A_2767 = arith.addf %get3A_2762, %get3A_2766 : vector<16xf32>
        %mul3A_2768 = vector.broadcast %squeeze3A_2678 : f32 to vector<16xf32>
        %mul3A_2769 = arith.mulf %mul3A_2768, %get3A_13 : vector<16xf32>
        %add3A_2770 = arith.addf %add3A_2767, %mul3A_2769 : vector<16xf32>
        %ge3A_2771 = arith.constant 0.000000e+00 : f32
        %ge3A_2772 = vector.broadcast %ge3A_2771 : f32 to vector<16xf32>
        %ge3A_2773 = arith.cmpf oge, %add3A_2770, %ge3A_2772 : vector<16xf32>
        %mul3A_2774 = arith.constant 0.00999999977 : f32
        %mul3A_2775 = vector.broadcast %mul3A_2774 : f32 to vector<16xf32>
        %mul3A_2776 = arith.mulf %mul3A_2775, %add3A_2770 : vector<16xf32>
        %select_n3A_2777 = arith.select %ge3A_2773, %add3A_2770, %mul3A_2776 : vector<16xi1>, vector<16xf32>
        %mul3A_2778 = vector.broadcast %squeeze3A_2680 : f32 to vector<16xf32>
        %mul3A_2779 = arith.mulf %select_n3A_2777, %mul3A_2778 : vector<16xf32>
        %swap3A_2780 = arith.index_cast %add3A_2676 : i32 to index
        %swap3A_2781 = arith.constant 48 : index
        %swap3A_2782 = tpu.vector_load %arg13[%swap3A_2780, %swap3A_2781] {strides = array<i32>} : memref<80x128xf32, #tpu.memory_space<vmem>>, vector<1x16xf32>,
        %swap3A_2783 = vector.shape_cast %swap3A_2782 : vector<1x16xf32> to vector<16xf32>
        %swap3A_2784 = vector.shape_cast %mul3A_2779 : vector<16xf32> to vector<1x16xf32>
        tpu.vector_store %arg13[%swap3A_2780, %swap3A_2781], %swap3A_2784 {strides = array<i32>} : memref<80x128xf32, #tpu.memory_space<vmem>>, vector<1x16xf32>,
        %get3A_2785 = arith.index_cast %add3A_2676 : i32 to index
        %get3A_2786 = arith.constant 64 : index
        %get3A_2787 = tpu.vector_load %arg11[%get3A_2785, %get3A_2786] {strides = array<i32>} : memref<80x128xf32, #tpu.memory_space<vmem>>, vector<1x16xf32>,
        %get3A_2788 = vector.shape_cast %get3A_2787 : vector<1x16xf32> to vector<16xf32>
        %get3A_2789 = arith.index_cast %add3A_2676 : i32 to index
        %get3A_2790 = arith.constant 64 : index
        %get3A_2791 = tpu.vector_load %arg12[%get3A_2789, %get3A_2790] {strides = array<i32>} : memref<80x128xf32, #tpu.memory_space<vmem>>, vector<1x16xf32>,
        %get3A_2792 = vector.shape_cast %get3A_2791 : vector<1x16xf32> to vector<16xf32>
        %add3A_2793 = arith.addf %get3A_2788, %get3A_2792 : vector<16xf32>
        %mul3A_2794 = vector.broadcast %squeeze3A_2678 : f32 to vector<16xf32>
        %mul3A_2795 = arith.mulf %mul3A_2794, %get3A_16 : vector<16xf32>
        %add3A_2796 = arith.addf %add3A_2793, %mul3A_2795 : vector<16xf32>
        %ge3A_2797 = arith.constant 0.000000e+00 : f32
        %ge3A_2798 = vector.broadcast %ge3A_2797 : f32 to vector<16xf32>
        %ge3A_2799 = arith.cmpf oge, %add3A_2796, %ge3A_2798 : vector<16xf32>
        %mul3A_2800 = arith.constant 0.00999999977 : f32
        %mul3A_2801 = vector.broadcast %mul3A_2800 : f32 to vector<16xf32>
        %mul3A_2802 = arith.mulf %mul3A_2801, %add3A_2796 : vector<16xf32>
        %select_n3A_2803 = arith.select %ge3A_2799, %add3A_2796, %mul3A_2802 : vector<16xi1>, vector<16xf32>
        %mul3A_2804 = vector.broadcast %squeeze3A_2680 : f32 to vector<16xf32>
        %mul3A_2805 = arith.mulf %select_n3A_2803, %mul3A_2804 : vector<16xf32>
        %swap3A_2806 = arith.index_cast %add3A_2676 : i32 to index
        %swap3A_2807 = arith.constant 64 : index
        %swap3A_2808 = tpu.vector_load %arg13[%swap3A_2806, %swap3A_2807] {strides = array<i32>} : memref<80x128xf32, #tpu.memory_space<vmem>>, vector<1x16xf32>,
        %swap3A_2809 = vector.shape_cast %swap3A_2808 : vector<1x16xf32> to vector<16xf32>
        %swap3A_2810 = vector.shape_cast %mul3A_2805 : vector<16xf32> to vector<1x16xf32>
        tpu.vector_store %arg13[%swap3A_2806, %swap3A_2807], %swap3A_2810 {strides = array<i32>} : memref<80x128xf32, #tpu.memory_space<vmem>>, vector<1x16xf32>,
        %get3A_2811 = arith.index_cast %add3A_2676 : i32 to index
        %get3A_2812 = arith.constant 80 : index
        %get3A_2813 = tpu.vector_load %arg11[%get3A_2811, %get3A_2812] {strides = array<i32>} : memref<80x128xf32, #tpu.memory_space<vmem>>, vector<1x16xf32>,
        %get3A_2814 = vector.shape_cast %get3A_2813 : vector<1x16xf32> to vector<16xf32>
        %get3A_2815 = arith.index_cast %add3A_2676 : i32 to index
        %get3A_2816 = arith.constant 80 : index
        %get3A_2817 = tpu.vector_load %arg12[%get3A_2815, %get3A_2816] {strides = array<i32>} : memref<80x128xf32, #tpu.memory_space<vmem>>, vector<1x16xf32>,
        %get3A_2818 = vector.shape_cast %get3A_2817 : vector<1x16xf32> to vector<16xf32>
        %add3A_2819 = arith.addf %get3A_2814, %get3A_2818 : vector<16xf32>
        %mul3A_2820 = vector.broadcast %squeeze3A_2678 : f32 to vector<16xf32>
        %mul3A_2821 = arith.mulf %mul3A_2820, %get3A_19 : vector<16xf32>
        %add3A_2822 = arith.addf %add3A_2819, %mul3A_2821 : vector<16xf32>
        %ge3A_2823 = arith.constant 0.000000e+00 : f32
        %ge3A_2824 = vector.broadcast %ge3A_2823 : f32 to vector<16xf32>
        %ge3A_2825 = arith.cmpf oge, %add3A_2822, %ge3A_2824 : vector<16xf32>
        %mul3A_2826 = arith.constant 0.00999999977 : f32
        %mul3A_2827 = vector.broadcast %mul3A_2826 : f32 to vector<16xf32>
        %mul3A_2828 = arith.mulf %mul3A_2827, %add3A_2822 : vector<16xf32>
        %select_n3A_2829 = arith.select %ge3A_2825, %add3A_2822, %mul3A_2828 : vector<16xi1>, vector<16xf32>
        %mul3A_2830 = vector.broadcast %squeeze3A_2680 : f32 to vector<16xf32>
        %mul3A_2831 = arith.mulf %select_n3A_2829, %mul3A_2830 : vector<16xf32>
        %swap3A_2832 = arith.index_cast %add3A_2676 : i32 to index
        %swap3A_2833 = arith.constant 80 : index
        %swap3A_2834 = tpu.vector_load %arg13[%swap3A_2832, %swap3A_2833] {strides = array<i32>} : memref<80x128xf32, #tpu.memory_space<vmem>>, vector<1x16xf32>,
        %swap3A_2835 = vector.shape_cast %swap3A_2834 : vector<1x16xf32> to vector<16xf32>
        %swap3A_2836 = vector.shape_cast %mul3A_2831 : vector<16xf32> to vector<1x16xf32>
        tpu.vector_store %arg13[%swap3A_2832, %swap3A_2833], %swap3A_2836 {strides = array<i32>} : memref<80x128xf32, #tpu.memory_space<vmem>>, vector<1x16xf32>,
        %get3A_2837 = arith.index_cast %add3A_2676 : i32 to index
        %get3A_2838 = arith.constant 96 : index
        %get3A_2839 = tpu.vector_load %arg11[%get3A_2837, %get3A_2838] {strides = array<i32>} : memref<80x128xf32, #tpu.memory_space<vmem>>, vector<1x16xf32>,
        %get3A_2840 = vector.shape_cast %get3A_2839 : vector<1x16xf32> to vector<16xf32>
        %get3A_2841 = arith.index_cast %add3A_2676 : i32 to index
        %get3A_2842 = arith.constant 96 : index
        %get3A_2843 = tpu.vector_load %arg12[%get3A_2841, %get3A_2842] {strides = array<i32>} : memref<80x128xf32, #tpu.memory_space<vmem>>, vector<1x16xf32>,
        %get3A_2844 = vector.shape_cast %get3A_2843 : vector<1x16xf32> to vector<16xf32>
        %add3A_2845 = arith.addf %get3A_2840, %get3A_2844 : vector<16xf32>
        %mul3A_2846 = vector.broadcast %squeeze3A_2678 : f32 to vector<16xf32>
        %mul3A_2847 = arith.mulf %mul3A_2846, %get3A_22 : vector<16xf32>
        %add3A_2848 = arith.addf %add3A_2845, %mul3A_2847 : vector<16xf32>
        %ge3A_2849 = arith.constant 0.000000e+00 : f32
        %ge3A_2850 = vector.broadcast %ge3A_2849 : f32 to vector<16xf32>
        %ge3A_2851 = arith.cmpf oge, %add3A_2848, %ge3A_2850 : vector<16xf32>
        %mul3A_2852 = arith.constant 0.00999999977 : f32
        %mul3A_2853 = vector.broadcast %mul3A_2852 : f32 to vector<16xf32>
        %mul3A_2854 = arith.mulf %mul3A_2853, %add3A_2848 : vector<16xf32>
        %select_n3A_2855 = arith.select %ge3A_2851, %add3A_2848, %mul3A_2854 : vector<16xi1>, vector<16xf32>
        %mul3A_2856 = vector.broadcast %squeeze3A_2680 : f32 to vector<16xf32>
        %mul3A_2857 = arith.mulf %select_n3A_2855, %mul3A_2856 : vector<16xf32>
        %swap3A_2858 = arith.index_cast %add3A_2676 : i32 to index
        %swap3A_2859 = arith.constant 96 : index
        %swap3A_2860 = tpu.vector_load %arg13[%swap3A_2858, %swap3A_2859] {strides = array<i32>} : memref<80x128xf32, #tpu.memory_space<vmem>>, vector<1x16xf32>,
        %swap3A_2861 = vector.shape_cast %swap3A_2860 : vector<1x16xf32> to vector<16xf32>
        %swap3A_2862 = vector.shape_cast %mul3A_2857 : vector<16xf32> to vector<1x16xf32>
        tpu.vector_store %arg13[%swap3A_2858, %swap3A_2859], %swap3A_2862 {strides = array<i32>} : memref<80x128xf32, #tpu.memory_space<vmem>>, vector<1x16xf32>,
        %get3A_2863 = arith.index_cast %add3A_2676 : i32 to index
        %get3A_2864 = arith.constant 112 : index
        %get3A_2865 = tpu.vector_load %arg11[%get3A_2863, %get3A_2864] {strides = array<i32>} : memref<80x128xf32, #tpu.memory_space<vmem>>, vector<1x16xf32>,
        %get3A_2866 = vector.shape_cast %get3A_2865 : vector<1x16xf32> to vector<16xf32>
        %get3A_2867 = arith.index_cast %add3A_2676 : i32 to index
        %get3A_2868 = arith.constant 112 : index
        %get3A_2869 = tpu.vector_load %arg12[%get3A_2867, %get3A_2868] {strides = array<i32>} : memref<80x128xf32, #tpu.memory_space<vmem>>, vector<1x16xf32>,
        %get3A_2870 = vector.shape_cast %get3A_2869 : vector<1x16xf32> to vector<16xf32>
        %add3A_2871 = arith.addf %get3A_2866, %get3A_2870 : vector<16xf32>
        %mul3A_2872 = vector.broadcast %squeeze3A_2678 : f32 to vector<16xf32>
        %mul3A_2873 = arith.mulf %mul3A_2872, %get3A_25 : vector<16xf32>
        %add3A_2874 = arith.addf %add3A_2871, %mul3A_2873 : vector<16xf32>
        %ge3A_2875 = arith.constant 0.000000e+00 : f32
        %ge3A_2876 = vector.broadcast %ge3A_2875 : f32 to vector<16xf32>
        %ge3A_2877 = arith.cmpf oge, %add3A_2874, %ge3A_2876 : vector<16xf32>
        %mul3A_2878 = arith.constant 0.00999999977 : f32
        %mul3A_2879 = vector.broadcast %mul3A_2878 : f32 to vector<16xf32>
        %mul3A_2880 = arith.mulf %mul3A_2879, %add3A_2874 : vector<16xf32>
        %select_n3A_2881 = arith.select %ge3A_2877, %add3A_2874, %mul3A_2880 : vector<16xi1>, vector<16xf32>
        %mul3A_2882 = vector.broadcast %squeeze3A_2680 : f32 to vector<16xf32>
        %mul3A_2883 = arith.mulf %select_n3A_2881, %mul3A_2882 : vector<16xf32>
        %swap3A_2884 = arith.index_cast %add3A_2676 : i32 to index
        %swap3A_2885 = arith.constant 112 : index
        %swap3A_2886 = tpu.vector_load %arg13[%swap3A_2884, %swap3A_2885] {strides = array<i32>} : memref<80x128xf32, #tpu.memory_space<vmem>>, vector<1x16xf32>,
        %swap3A_2887 = vector.shape_cast %swap3A_2886 : vector<1x16xf32> to vector<16xf32>
        %swap3A_2888 = vector.shape_cast %mul3A_2883 : vector<16xf32> to vector<1x16xf32>
        tpu.vector_store %arg13[%swap3A_2884, %swap3A_2885], %swap3A_2888 {strides = array<i32>} : memref<80x128xf32, #tpu.memory_space<vmem>>, vector<1x16xf32>,
        %mul3A_2889 = arith.constant 16 : i32
        %mul3A_2890 = arith.muli %scan3A_75, %mul3A_2889 : i32
        %add3A_2891 = arith.constant 13 : i32
        %add3A_2892 = arith.addi %mul3A_2890, %add3A_2891 : i32
        %slice3A_2893 = vector.extract_strided_slice %get3A_80 {offsets = [13], sizes = [1], strides = [1]} : vector<16xf32> to vector<1xf32>
        %squeeze3A_2894 = vector.extract %slice3A_2893[0] : f32 from vector<1xf32>
        %slice3A_2895 = vector.extract_strided_slice %select_n3A {offsets = [13], sizes = [1], strides = [1]} : vector<16xf32> to vector<1xf32>
        %squeeze3A_2896 = vector.extract %slice3A_2895[0] : f32 from vector<1xf32>
        %get3A_2897 = arith.index_cast %add3A_2892 : i32 to index
        %get3A_2898 = arith.constant 0 : index
        %get3A_2899 = tpu.vector_load %arg11[%get3A_2897, %get3A_2898] {strides = array<i32>} : memref<80x128xf32, #tpu.memory_space<vmem>>, vector<1x16xf32>,
        %get3A_2900 = vector.shape_cast %get3A_2899 : vector<1x16xf32> to vector<16xf32>
        %get3A_2901 = arith.index_cast %add3A_2892 : i32 to index
        %get3A_2902 = arith.constant 0 : index
        %get3A_2903 = tpu.vector_load %arg12[%get3A_2901, %get3A_2902] {strides = array<i32>} : memref<80x128xf32, #tpu.memory_space<vmem>>, vector<1x16xf32>,
        %get3A_2904 = vector.shape_cast %get3A_2903 : vector<1x16xf32> to vector<16xf32>
        %add3A_2905 = arith.addf %get3A_2900, %get3A_2904 : vector<16xf32>
        %mul3A_2906 = vector.broadcast %squeeze3A_2894 : f32 to vector<16xf32>
        %mul3A_2907 = arith.mulf %mul3A_2906, %get3A_4 : vector<16xf32>
        %add3A_2908 = arith.addf %add3A_2905, %mul3A_2907 : vector<16xf32>
        %ge3A_2909 = arith.constant 0.000000e+00 : f32
        %ge3A_2910 = vector.broadcast %ge3A_2909 : f32 to vector<16xf32>
        %ge3A_2911 = arith.cmpf oge, %add3A_2908, %ge3A_2910 : vector<16xf32>
        %mul3A_2912 = arith.constant 0.00999999977 : f32
        %mul3A_2913 = vector.broadcast %mul3A_2912 : f32 to vector<16xf32>
        %mul3A_2914 = arith.mulf %mul3A_2913, %add3A_2908 : vector<16xf32>
        %select_n3A_2915 = arith.select %ge3A_2911, %add3A_2908, %mul3A_2914 : vector<16xi1>, vector<16xf32>
        %mul3A_2916 = vector.broadcast %squeeze3A_2896 : f32 to vector<16xf32>
        %mul3A_2917 = arith.mulf %select_n3A_2915, %mul3A_2916 : vector<16xf32>
        %swap3A_2918 = arith.index_cast %add3A_2892 : i32 to index
        %swap3A_2919 = arith.constant 0 : index
        %swap3A_2920 = tpu.vector_load %arg13[%swap3A_2918, %swap3A_2919] {strides = array<i32>} : memref<80x128xf32, #tpu.memory_space<vmem>>, vector<1x16xf32>,
        %swap3A_2921 = vector.shape_cast %swap3A_2920 : vector<1x16xf32> to vector<16xf32>
        %swap3A_2922 = vector.shape_cast %mul3A_2917 : vector<16xf32> to vector<1x16xf32>
        tpu.vector_store %arg13[%swap3A_2918, %swap3A_2919], %swap3A_2922 {strides = array<i32>} : memref<80x128xf32, #tpu.memory_space<vmem>>, vector<1x16xf32>,
        %get3A_2923 = arith.index_cast %add3A_2892 : i32 to index
        %get3A_2924 = arith.constant 16 : index
        %get3A_2925 = tpu.vector_load %arg11[%get3A_2923, %get3A_2924] {strides = array<i32>} : memref<80x128xf32, #tpu.memory_space<vmem>>, vector<1x16xf32>,
        %get3A_2926 = vector.shape_cast %get3A_2925 : vector<1x16xf32> to vector<16xf32>
        %get3A_2927 = arith.index_cast %add3A_2892 : i32 to index
        %get3A_2928 = arith.constant 16 : index
        %get3A_2929 = tpu.vector_load %arg12[%get3A_2927, %get3A_2928] {strides = array<i32>} : memref<80x128xf32, #tpu.memory_space<vmem>>, vector<1x16xf32>,
        %get3A_2930 = vector.shape_cast %get3A_2929 : vector<1x16xf32> to vector<16xf32>
        %add3A_2931 = arith.addf %get3A_2926, %get3A_2930 : vector<16xf32>
        %mul3A_2932 = vector.broadcast %squeeze3A_2894 : f32 to vector<16xf32>
        %mul3A_2933 = arith.mulf %mul3A_2932, %get3A_7 : vector<16xf32>
        %add3A_2934 = arith.addf %add3A_2931, %mul3A_2933 : vector<16xf32>
        %ge3A_2935 = arith.constant 0.000000e+00 : f32
        %ge3A_2936 = vector.broadcast %ge3A_2935 : f32 to vector<16xf32>
        %ge3A_2937 = arith.cmpf oge, %add3A_2934, %ge3A_2936 : vector<16xf32>
        %mul3A_2938 = arith.constant 0.00999999977 : f32
        %mul3A_2939 = vector.broadcast %mul3A_2938 : f32 to vector<16xf32>
        %mul3A_2940 = arith.mulf %mul3A_2939, %add3A_2934 : vector<16xf32>
        %select_n3A_2941 = arith.select %ge3A_2937, %add3A_2934, %mul3A_2940 : vector<16xi1>, vector<16xf32>
        %mul3A_2942 = vector.broadcast %squeeze3A_2896 : f32 to vector<16xf32>
        %mul3A_2943 = arith.mulf %select_n3A_2941, %mul3A_2942 : vector<16xf32>
        %swap3A_2944 = arith.index_cast %add3A_2892 : i32 to index
        %swap3A_2945 = arith.constant 16 : index
        %swap3A_2946 = tpu.vector_load %arg13[%swap3A_2944, %swap3A_2945] {strides = array<i32>} : memref<80x128xf32, #tpu.memory_space<vmem>>, vector<1x16xf32>,
        %swap3A_2947 = vector.shape_cast %swap3A_2946 : vector<1x16xf32> to vector<16xf32>
        %swap3A_2948 = vector.shape_cast %mul3A_2943 : vector<16xf32> to vector<1x16xf32>
        tpu.vector_store %arg13[%swap3A_2944, %swap3A_2945], %swap3A_2948 {strides = array<i32>} : memref<80x128xf32, #tpu.memory_space<vmem>>, vector<1x16xf32>,
        %get3A_2949 = arith.index_cast %add3A_2892 : i32 to index
        %get3A_2950 = arith.constant 32 : index
        %get3A_2951 = tpu.vector_load %arg11[%get3A_2949, %get3A_2950] {strides = array<i32>} : memref<80x128xf32, #tpu.memory_space<vmem>>, vector<1x16xf32>,
        %get3A_2952 = vector.shape_cast %get3A_2951 : vector<1x16xf32> to vector<16xf32>
        %get3A_2953 = arith.index_cast %add3A_2892 : i32 to index
        %get3A_2954 = arith.constant 32 : index
        %get3A_2955 = tpu.vector_load %arg12[%get3A_2953, %get3A_2954] {strides = array<i32>} : memref<80x128xf32, #tpu.memory_space<vmem>>, vector<1x16xf32>,
        %get3A_2956 = vector.shape_cast %get3A_2955 : vector<1x16xf32> to vector<16xf32>
        %add3A_2957 = arith.addf %get3A_2952, %get3A_2956 : vector<16xf32>
        %mul3A_2958 = vector.broadcast %squeeze3A_2894 : f32 to vector<16xf32>
        %mul3A_2959 = arith.mulf %mul3A_2958, %get3A_10 : vector<16xf32>
        %add3A_2960 = arith.addf %add3A_2957, %mul3A_2959 : vector<16xf32>
        %ge3A_2961 = arith.constant 0.000000e+00 : f32
        %ge3A_2962 = vector.broadcast %ge3A_2961 : f32 to vector<16xf32>
        %ge3A_2963 = arith.cmpf oge, %add3A_2960, %ge3A_2962 : vector<16xf32>
        %mul3A_2964 = arith.constant 0.00999999977 : f32
        %mul3A_2965 = vector.broadcast %mul3A_2964 : f32 to vector<16xf32>
        %mul3A_2966 = arith.mulf %mul3A_2965, %add3A_2960 : vector<16xf32>
        %select_n3A_2967 = arith.select %ge3A_2963, %add3A_2960, %mul3A_2966 : vector<16xi1>, vector<16xf32>
        %mul3A_2968 = vector.broadcast %squeeze3A_2896 : f32 to vector<16xf32>
        %mul3A_2969 = arith.mulf %select_n3A_2967, %mul3A_2968 : vector<16xf32>
        %swap3A_2970 = arith.index_cast %add3A_2892 : i32 to index
        %swap3A_2971 = arith.constant 32 : index
        %swap3A_2972 = tpu.vector_load %arg13[%swap3A_2970, %swap3A_2971] {strides = array<i32>} : memref<80x128xf32, #tpu.memory_space<vmem>>, vector<1x16xf32>,
        %swap3A_2973 = vector.shape_cast %swap3A_2972 : vector<1x16xf32> to vector<16xf32>
        %swap3A_2974 = vector.shape_cast %mul3A_2969 : vector<16xf32> to vector<1x16xf32>
        tpu.vector_store %arg13[%swap3A_2970, %swap3A_2971], %swap3A_2974 {strides = array<i32>} : memref<80x128xf32, #tpu.memory_space<vmem>>, vector<1x16xf32>,
        %get3A_2975 = arith.index_cast %add3A_2892 : i32 to index
        %get3A_2976 = arith.constant 48 : index
        %get3A_2977 = tpu.vector_load %arg11[%get3A_2975, %get3A_2976] {strides = array<i32>} : memref<80x128xf32, #tpu.memory_space<vmem>>, vector<1x16xf32>,
        %get3A_2978 = vector.shape_cast %get3A_2977 : vector<1x16xf32> to vector<16xf32>
        %get3A_2979 = arith.index_cast %add3A_2892 : i32 to index
        %get3A_2980 = arith.constant 48 : index
        %get3A_2981 = tpu.vector_load %arg12[%get3A_2979, %get3A_2980] {strides = array<i32>} : memref<80x128xf32, #tpu.memory_space<vmem>>, vector<1x16xf32>,
        %get3A_2982 = vector.shape_cast %get3A_2981 : vector<1x16xf32> to vector<16xf32>
        %add3A_2983 = arith.addf %get3A_2978, %get3A_2982 : vector<16xf32>
        %mul3A_2984 = vector.broadcast %squeeze3A_2894 : f32 to vector<16xf32>
        %mul3A_2985 = arith.mulf %mul3A_2984, %get3A_13 : vector<16xf32>
        %add3A_2986 = arith.addf %add3A_2983, %mul3A_2985 : vector<16xf32>
        %ge3A_2987 = arith.constant 0.000000e+00 : f32
        %ge3A_2988 = vector.broadcast %ge3A_2987 : f32 to vector<16xf32>
        %ge3A_2989 = arith.cmpf oge, %add3A_2986, %ge3A_2988 : vector<16xf32>
        %mul3A_2990 = arith.constant 0.00999999977 : f32
        %mul3A_2991 = vector.broadcast %mul3A_2990 : f32 to vector<16xf32>
        %mul3A_2992 = arith.mulf %mul3A_2991, %add3A_2986 : vector<16xf32>
        %select_n3A_2993 = arith.select %ge3A_2989, %add3A_2986, %mul3A_2992 : vector<16xi1>, vector<16xf32>
        %mul3A_2994 = vector.broadcast %squeeze3A_2896 : f32 to vector<16xf32>
        %mul3A_2995 = arith.mulf %select_n3A_2993, %mul3A_2994 : vector<16xf32>
        %swap3A_2996 = arith.index_cast %add3A_2892 : i32 to index
        %swap3A_2997 = arith.constant 48 : index
        %swap3A_2998 = tpu.vector_load %arg13[%swap3A_2996, %swap3A_2997] {strides = array<i32>} : memref<80x128xf32, #tpu.memory_space<vmem>>, vector<1x16xf32>,
        %swap3A_2999 = vector.shape_cast %swap3A_2998 : vector<1x16xf32> to vector<16xf32>
        %swap3A_3000 = vector.shape_cast %mul3A_2995 : vector<16xf32> to vector<1x16xf32>
        tpu.vector_store %arg13[%swap3A_2996, %swap3A_2997], %swap3A_3000 {strides = array<i32>} : memref<80x128xf32, #tpu.memory_space<vmem>>, vector<1x16xf32>,
        %get3A_3001 = arith.index_cast %add3A_2892 : i32 to index
        %get3A_3002 = arith.constant 64 : index
        %get3A_3003 = tpu.vector_load %arg11[%get3A_3001, %get3A_3002] {strides = array<i32>} : memref<80x128xf32, #tpu.memory_space<vmem>>, vector<1x16xf32>,
        %get3A_3004 = vector.shape_cast %get3A_3003 : vector<1x16xf32> to vector<16xf32>
        %get3A_3005 = arith.index_cast %add3A_2892 : i32 to index
        %get3A_3006 = arith.constant 64 : index
        %get3A_3007 = tpu.vector_load %arg12[%get3A_3005, %get3A_3006] {strides = array<i32>} : memref<80x128xf32, #tpu.memory_space<vmem>>, vector<1x16xf32>,
        %get3A_3008 = vector.shape_cast %get3A_3007 : vector<1x16xf32> to vector<16xf32>
        %add3A_3009 = arith.addf %get3A_3004, %get3A_3008 : vector<16xf32>
        %mul3A_3010 = vector.broadcast %squeeze3A_2894 : f32 to vector<16xf32>
        %mul3A_3011 = arith.mulf %mul3A_3010, %get3A_16 : vector<16xf32>
        %add3A_3012 = arith.addf %add3A_3009, %mul3A_3011 : vector<16xf32>
        %ge3A_3013 = arith.constant 0.000000e+00 : f32
        %ge3A_3014 = vector.broadcast %ge3A_3013 : f32 to vector<16xf32>
        %ge3A_3015 = arith.cmpf oge, %add3A_3012, %ge3A_3014 : vector<16xf32>
        %mul3A_3016 = arith.constant 0.00999999977 : f32
        %mul3A_3017 = vector.broadcast %mul3A_3016 : f32 to vector<16xf32>
        %mul3A_3018 = arith.mulf %mul3A_3017, %add3A_3012 : vector<16xf32>
        %select_n3A_3019 = arith.select %ge3A_3015, %add3A_3012, %mul3A_3018 : vector<16xi1>, vector<16xf32>
        %mul3A_3020 = vector.broadcast %squeeze3A_2896 : f32 to vector<16xf32>
        %mul3A_3021 = arith.mulf %select_n3A_3019, %mul3A_3020 : vector<16xf32>
        %swap3A_3022 = arith.index_cast %add3A_2892 : i32 to index
        %swap3A_3023 = arith.constant 64 : index
        %swap3A_3024 = tpu.vector_load %arg13[%swap3A_3022, %swap3A_3023] {strides = array<i32>} : memref<80x128xf32, #tpu.memory_space<vmem>>, vector<1x16xf32>,
        %swap3A_3025 = vector.shape_cast %swap3A_3024 : vector<1x16xf32> to vector<16xf32>
        %swap3A_3026 = vector.shape_cast %mul3A_3021 : vector<16xf32> to vector<1x16xf32>
        tpu.vector_store %arg13[%swap3A_3022, %swap3A_3023], %swap3A_3026 {strides = array<i32>} : memref<80x128xf32, #tpu.memory_space<vmem>>, vector<1x16xf32>,
        %get3A_3027 = arith.index_cast %add3A_2892 : i32 to index
        %get3A_3028 = arith.constant 80 : index
        %get3A_3029 = tpu.vector_load %arg11[%get3A_3027, %get3A_3028] {strides = array<i32>} : memref<80x128xf32, #tpu.memory_space<vmem>>, vector<1x16xf32>,
        %get3A_3030 = vector.shape_cast %get3A_3029 : vector<1x16xf32> to vector<16xf32>
        %get3A_3031 = arith.index_cast %add3A_2892 : i32 to index
        %get3A_3032 = arith.constant 80 : index
        %get3A_3033 = tpu.vector_load %arg12[%get3A_3031, %get3A_3032] {strides = array<i32>} : memref<80x128xf32, #tpu.memory_space<vmem>>, vector<1x16xf32>,
        %get3A_3034 = vector.shape_cast %get3A_3033 : vector<1x16xf32> to vector<16xf32>
        %add3A_3035 = arith.addf %get3A_3030, %get3A_3034 : vector<16xf32>
        %mul3A_3036 = vector.broadcast %squeeze3A_2894 : f32 to vector<16xf32>
        %mul3A_3037 = arith.mulf %mul3A_3036, %get3A_19 : vector<16xf32>
        %add3A_3038 = arith.addf %add3A_3035, %mul3A_3037 : vector<16xf32>
        %ge3A_3039 = arith.constant 0.000000e+00 : f32
        %ge3A_3040 = vector.broadcast %ge3A_3039 : f32 to vector<16xf32>
        %ge3A_3041 = arith.cmpf oge, %add3A_3038, %ge3A_3040 : vector<16xf32>
        %mul3A_3042 = arith.constant 0.00999999977 : f32
        %mul3A_3043 = vector.broadcast %mul3A_3042 : f32 to vector<16xf32>
        %mul3A_3044 = arith.mulf %mul3A_3043, %add3A_3038 : vector<16xf32>
        %select_n3A_3045 = arith.select %ge3A_3041, %add3A_3038, %mul3A_3044 : vector<16xi1>, vector<16xf32>
        %mul3A_3046 = vector.broadcast %squeeze3A_2896 : f32 to vector<16xf32>
        %mul3A_3047 = arith.mulf %select_n3A_3045, %mul3A_3046 : vector<16xf32>
        %swap3A_3048 = arith.index_cast %add3A_2892 : i32 to index
        %swap3A_3049 = arith.constant 80 : index
        %swap3A_3050 = tpu.vector_load %arg13[%swap3A_3048, %swap3A_3049] {strides = array<i32>} : memref<80x128xf32, #tpu.memory_space<vmem>>, vector<1x16xf32>,
        %swap3A_3051 = vector.shape_cast %swap3A_3050 : vector<1x16xf32> to vector<16xf32>
        %swap3A_3052 = vector.shape_cast %mul3A_3047 : vector<16xf32> to vector<1x16xf32>
        tpu.vector_store %arg13[%swap3A_3048, %swap3A_3049], %swap3A_3052 {strides = array<i32>} : memref<80x128xf32, #tpu.memory_space<vmem>>, vector<1x16xf32>,
        %get3A_3053 = arith.index_cast %add3A_2892 : i32 to index
        %get3A_3054 = arith.constant 96 : index
        %get3A_3055 = tpu.vector_load %arg11[%get3A_3053, %get3A_3054] {strides = array<i32>} : memref<80x128xf32, #tpu.memory_space<vmem>>, vector<1x16xf32>,
        %get3A_3056 = vector.shape_cast %get3A_3055 : vector<1x16xf32> to vector<16xf32>
        %get3A_3057 = arith.index_cast %add3A_2892 : i32 to index
        %get3A_3058 = arith.constant 96 : index
        %get3A_3059 = tpu.vector_load %arg12[%get3A_3057, %get3A_3058] {strides = array<i32>} : memref<80x128xf32, #tpu.memory_space<vmem>>, vector<1x16xf32>,
        %get3A_3060 = vector.shape_cast %get3A_3059 : vector<1x16xf32> to vector<16xf32>
        %add3A_3061 = arith.addf %get3A_3056, %get3A_3060 : vector<16xf32>
        %mul3A_3062 = vector.broadcast %squeeze3A_2894 : f32 to vector<16xf32>
        %mul3A_3063 = arith.mulf %mul3A_3062, %get3A_22 : vector<16xf32>
        %add3A_3064 = arith.addf %add3A_3061, %mul3A_3063 : vector<16xf32>
        %ge3A_3065 = arith.constant 0.000000e+00 : f32
        %ge3A_3066 = vector.broadcast %ge3A_3065 : f32 to vector<16xf32>
        %ge3A_3067 = arith.cmpf oge, %add3A_3064, %ge3A_3066 : vector<16xf32>
        %mul3A_3068 = arith.constant 0.00999999977 : f32
        %mul3A_3069 = vector.broadcast %mul3A_3068 : f32 to vector<16xf32>
        %mul3A_3070 = arith.mulf %mul3A_3069, %add3A_3064 : vector<16xf32>
        %select_n3A_3071 = arith.select %ge3A_3067, %add3A_3064, %mul3A_3070 : vector<16xi1>, vector<16xf32>
        %mul3A_3072 = vector.broadcast %squeeze3A_2896 : f32 to vector<16xf32>
        %mul3A_3073 = arith.mulf %select_n3A_3071, %mul3A_3072 : vector<16xf32>
        %swap3A_3074 = arith.index_cast %add3A_2892 : i32 to index
        %swap3A_3075 = arith.constant 96 : index
        %swap3A_3076 = tpu.vector_load %arg13[%swap3A_3074, %swap3A_3075] {strides = array<i32>} : memref<80x128xf32, #tpu.memory_space<vmem>>, vector<1x16xf32>,
        %swap3A_3077 = vector.shape_cast %swap3A_3076 : vector<1x16xf32> to vector<16xf32>
        %swap3A_3078 = vector.shape_cast %mul3A_3073 : vector<16xf32> to vector<1x16xf32>
        tpu.vector_store %arg13[%swap3A_3074, %swap3A_3075], %swap3A_3078 {strides = array<i32>} : memref<80x128xf32, #tpu.memory_space<vmem>>, vector<1x16xf32>,
        %get3A_3079 = arith.index_cast %add3A_2892 : i32 to index
        %get3A_3080 = arith.constant 112 : index
        %get3A_3081 = tpu.vector_load %arg11[%get3A_3079, %get3A_3080] {strides = array<i32>} : memref<80x128xf32, #tpu.memory_space<vmem>>, vector<1x16xf32>,
        %get3A_3082 = vector.shape_cast %get3A_3081 : vector<1x16xf32> to vector<16xf32>
        %get3A_3083 = arith.index_cast %add3A_2892 : i32 to index
        %get3A_3084 = arith.constant 112 : index
        %get3A_3085 = tpu.vector_load %arg12[%get3A_3083, %get3A_3084] {strides = array<i32>} : memref<80x128xf32, #tpu.memory_space<vmem>>, vector<1x16xf32>,
        %get3A_3086 = vector.shape_cast %get3A_3085 : vector<1x16xf32> to vector<16xf32>
        %add3A_3087 = arith.addf %get3A_3082, %get3A_3086 : vector<16xf32>
        %mul3A_3088 = vector.broadcast %squeeze3A_2894 : f32 to vector<16xf32>
        %mul3A_3089 = arith.mulf %mul3A_3088, %get3A_25 : vector<16xf32>
        %add3A_3090 = arith.addf %add3A_3087, %mul3A_3089 : vector<16xf32>
        %ge3A_3091 = arith.constant 0.000000e+00 : f32
        %ge3A_3092 = vector.broadcast %ge3A_3091 : f32 to vector<16xf32>
        %ge3A_3093 = arith.cmpf oge, %add3A_3090, %ge3A_3092 : vector<16xf32>
        %mul3A_3094 = arith.constant 0.00999999977 : f32
        %mul3A_3095 = vector.broadcast %mul3A_3094 : f32 to vector<16xf32>
        %mul3A_3096 = arith.mulf %mul3A_3095, %add3A_3090 : vector<16xf32>
        %select_n3A_3097 = arith.select %ge3A_3093, %add3A_3090, %mul3A_3096 : vector<16xi1>, vector<16xf32>
        %mul3A_3098 = vector.broadcast %squeeze3A_2896 : f32 to vector<16xf32>
        %mul3A_3099 = arith.mulf %select_n3A_3097, %mul3A_3098 : vector<16xf32>
        %swap3A_3100 = arith.index_cast %add3A_2892 : i32 to index
        %swap3A_3101 = arith.constant 112 : index
        %swap3A_3102 = tpu.vector_load %arg13[%swap3A_3100, %swap3A_3101] {strides = array<i32>} : memref<80x128xf32, #tpu.memory_space<vmem>>, vector<1x16xf32>,
        %swap3A_3103 = vector.shape_cast %swap3A_3102 : vector<1x16xf32> to vector<16xf32>
        %swap3A_3104 = vector.shape_cast %mul3A_3099 : vector<16xf32> to vector<1x16xf32>
        tpu.vector_store %arg13[%swap3A_3100, %swap3A_3101], %swap3A_3104 {strides = array<i32>} : memref<80x128xf32, #tpu.memory_space<vmem>>, vector<1x16xf32>,
        %mul3A_3105 = arith.constant 16 : i32
        %mul3A_3106 = arith.muli %scan3A_75, %mul3A_3105 : i32
        %add3A_3107 = arith.constant 14 : i32
        %add3A_3108 = arith.addi %mul3A_3106, %add3A_3107 : i32
        %slice3A_3109 = vector.extract_strided_slice %get3A_80 {offsets = [14], sizes = [1], strides = [1]} : vector<16xf32> to vector<1xf32>
        %squeeze3A_3110 = vector.extract %slice3A_3109[0] : f32 from vector<1xf32>
        %slice3A_3111 = vector.extract_strided_slice %select_n3A {offsets = [14], sizes = [1], strides = [1]} : vector<16xf32> to vector<1xf32>
        %squeeze3A_3112 = vector.extract %slice3A_3111[0] : f32 from vector<1xf32>
        %get3A_3113 = arith.index_cast %add3A_3108 : i32 to index
        %get3A_3114 = arith.constant 0 : index
        %get3A_3115 = tpu.vector_load %arg11[%get3A_3113, %get3A_3114] {strides = array<i32>} : memref<80x128xf32, #tpu.memory_space<vmem>>, vector<1x16xf32>,
        %get3A_3116 = vector.shape_cast %get3A_3115 : vector<1x16xf32> to vector<16xf32>
        %get3A_3117 = arith.index_cast %add3A_3108 : i32 to index
        %get3A_3118 = arith.constant 0 : index
        %get3A_3119 = tpu.vector_load %arg12[%get3A_3117, %get3A_3118] {strides = array<i32>} : memref<80x128xf32, #tpu.memory_space<vmem>>, vector<1x16xf32>,
        %get3A_3120 = vector.shape_cast %get3A_3119 : vector<1x16xf32> to vector<16xf32>
        %add3A_3121 = arith.addf %get3A_3116, %get3A_3120 : vector<16xf32>
        %mul3A_3122 = vector.broadcast %squeeze3A_3110 : f32 to vector<16xf32>
        %mul3A_3123 = arith.mulf %mul3A_3122, %get3A_4 : vector<16xf32>
        %add3A_3124 = arith.addf %add3A_3121, %mul3A_3123 : vector<16xf32>
        %ge3A_3125 = arith.constant 0.000000e+00 : f32
        %ge3A_3126 = vector.broadcast %ge3A_3125 : f32 to vector<16xf32>
        %ge3A_3127 = arith.cmpf oge, %add3A_3124, %ge3A_3126 : vector<16xf32>
        %mul3A_3128 = arith.constant 0.00999999977 : f32
        %mul3A_3129 = vector.broadcast %mul3A_3128 : f32 to vector<16xf32>
        %mul3A_3130 = arith.mulf %mul3A_3129, %add3A_3124 : vector<16xf32>
        %select_n3A_3131 = arith.select %ge3A_3127, %add3A_3124, %mul3A_3130 : vector<16xi1>, vector<16xf32>
        %mul3A_3132 = vector.broadcast %squeeze3A_3112 : f32 to vector<16xf32>
        %mul3A_3133 = arith.mulf %select_n3A_3131, %mul3A_3132 : vector<16xf32>
        %swap3A_3134 = arith.index_cast %add3A_3108 : i32 to index
        %swap3A_3135 = arith.constant 0 : index
        %swap3A_3136 = tpu.vector_load %arg13[%swap3A_3134, %swap3A_3135] {strides = array<i32>} : memref<80x128xf32, #tpu.memory_space<vmem>>, vector<1x16xf32>,
        %swap3A_3137 = vector.shape_cast %swap3A_3136 : vector<1x16xf32> to vector<16xf32>
        %swap3A_3138 = vector.shape_cast %mul3A_3133 : vector<16xf32> to vector<1x16xf32>
        tpu.vector_store %arg13[%swap3A_3134, %swap3A_3135], %swap3A_3138 {strides = array<i32>} : memref<80x128xf32, #tpu.memory_space<vmem>>, vector<1x16xf32>,
        %get3A_3139 = arith.index_cast %add3A_3108 : i32 to index
        %get3A_3140 = arith.constant 16 : index
        %get3A_3141 = tpu.vector_load %arg11[%get3A_3139, %get3A_3140] {strides = array<i32>} : memref<80x128xf32, #tpu.memory_space<vmem>>, vector<1x16xf32>,
        %get3A_3142 = vector.shape_cast %get3A_3141 : vector<1x16xf32> to vector<16xf32>
        %get3A_3143 = arith.index_cast %add3A_3108 : i32 to index
        %get3A_3144 = arith.constant 16 : index
        %get3A_3145 = tpu.vector_load %arg12[%get3A_3143, %get3A_3144] {strides = array<i32>} : memref<80x128xf32, #tpu.memory_space<vmem>>, vector<1x16xf32>,
        %get3A_3146 = vector.shape_cast %get3A_3145 : vector<1x16xf32> to vector<16xf32>
        %add3A_3147 = arith.addf %get3A_3142, %get3A_3146 : vector<16xf32>
        %mul3A_3148 = vector.broadcast %squeeze3A_3110 : f32 to vector<16xf32>
        %mul3A_3149 = arith.mulf %mul3A_3148, %get3A_7 : vector<16xf32>
        %add3A_3150 = arith.addf %add3A_3147, %mul3A_3149 : vector<16xf32>
        %ge3A_3151 = arith.constant 0.000000e+00 : f32
        %ge3A_3152 = vector.broadcast %ge3A_3151 : f32 to vector<16xf32>
        %ge3A_3153 = arith.cmpf oge, %add3A_3150, %ge3A_3152 : vector<16xf32>
        %mul3A_3154 = arith.constant 0.00999999977 : f32
        %mul3A_3155 = vector.broadcast %mul3A_3154 : f32 to vector<16xf32>
        %mul3A_3156 = arith.mulf %mul3A_3155, %add3A_3150 : vector<16xf32>
        %select_n3A_3157 = arith.select %ge3A_3153, %add3A_3150, %mul3A_3156 : vector<16xi1>, vector<16xf32>
        %mul3A_3158 = vector.broadcast %squeeze3A_3112 : f32 to vector<16xf32>
        %mul3A_3159 = arith.mulf %select_n3A_3157, %mul3A_3158 : vector<16xf32>
        %swap3A_3160 = arith.index_cast %add3A_3108 : i32 to index
        %swap3A_3161 = arith.constant 16 : index
        %swap3A_3162 = tpu.vector_load %arg13[%swap3A_3160, %swap3A_3161] {strides = array<i32>} : memref<80x128xf32, #tpu.memory_space<vmem>>, vector<1x16xf32>,
        %swap3A_3163 = vector.shape_cast %swap3A_3162 : vector<1x16xf32> to vector<16xf32>
        %swap3A_3164 = vector.shape_cast %mul3A_3159 : vector<16xf32> to vector<1x16xf32>
        tpu.vector_store %arg13[%swap3A_3160, %swap3A_3161], %swap3A_3164 {strides = array<i32>} : memref<80x128xf32, #tpu.memory_space<vmem>>, vector<1x16xf32>,
        %get3A_3165 = arith.index_cast %add3A_3108 : i32 to index
        %get3A_3166 = arith.constant 32 : index
        %get3A_3167 = tpu.vector_load %arg11[%get3A_3165, %get3A_3166] {strides = array<i32>} : memref<80x128xf32, #tpu.memory_space<vmem>>, vector<1x16xf32>,
        %get3A_3168 = vector.shape_cast %get3A_3167 : vector<1x16xf32> to vector<16xf32>
        %get3A_3169 = arith.index_cast %add3A_3108 : i32 to index
        %get3A_3170 = arith.constant 32 : index
        %get3A_3171 = tpu.vector_load %arg12[%get3A_3169, %get3A_3170] {strides = array<i32>} : memref<80x128xf32, #tpu.memory_space<vmem>>, vector<1x16xf32>,
        %get3A_3172 = vector.shape_cast %get3A_3171 : vector<1x16xf32> to vector<16xf32>
        %add3A_3173 = arith.addf %get3A_3168, %get3A_3172 : vector<16xf32>
        %mul3A_3174 = vector.broadcast %squeeze3A_3110 : f32 to vector<16xf32>
        %mul3A_3175 = arith.mulf %mul3A_3174, %get3A_10 : vector<16xf32>
        %add3A_3176 = arith.addf %add3A_3173, %mul3A_3175 : vector<16xf32>
        %ge3A_3177 = arith.constant 0.000000e+00 : f32
        %ge3A_3178 = vector.broadcast %ge3A_3177 : f32 to vector<16xf32>
        %ge3A_3179 = arith.cmpf oge, %add3A_3176, %ge3A_3178 : vector<16xf32>
        %mul3A_3180 = arith.constant 0.00999999977 : f32
        %mul3A_3181 = vector.broadcast %mul3A_3180 : f32 to vector<16xf32>
        %mul3A_3182 = arith.mulf %mul3A_3181, %add3A_3176 : vector<16xf32>
        %select_n3A_3183 = arith.select %ge3A_3179, %add3A_3176, %mul3A_3182 : vector<16xi1>, vector<16xf32>
        %mul3A_3184 = vector.broadcast %squeeze3A_3112 : f32 to vector<16xf32>
        %mul3A_3185 = arith.mulf %select_n3A_3183, %mul3A_3184 : vector<16xf32>
        %swap3A_3186 = arith.index_cast %add3A_3108 : i32 to index
        %swap3A_3187 = arith.constant 32 : index
        %swap3A_3188 = tpu.vector_load %arg13[%swap3A_3186, %swap3A_3187] {strides = array<i32>} : memref<80x128xf32, #tpu.memory_space<vmem>>, vector<1x16xf32>,
        %swap3A_3189 = vector.shape_cast %swap3A_3188 : vector<1x16xf32> to vector<16xf32>
        %swap3A_3190 = vector.shape_cast %mul3A_3185 : vector<16xf32> to vector<1x16xf32>
        tpu.vector_store %arg13[%swap3A_3186, %swap3A_3187], %swap3A_3190 {strides = array<i32>} : memref<80x128xf32, #tpu.memory_space<vmem>>, vector<1x16xf32>,
        %get3A_3191 = arith.index_cast %add3A_3108 : i32 to index
        %get3A_3192 = arith.constant 48 : index
        %get3A_3193 = tpu.vector_load %arg11[%get3A_3191, %get3A_3192] {strides = array<i32>} : memref<80x128xf32, #tpu.memory_space<vmem>>, vector<1x16xf32>,
        %get3A_3194 = vector.shape_cast %get3A_3193 : vector<1x16xf32> to vector<16xf32>
        %get3A_3195 = arith.index_cast %add3A_3108 : i32 to index
        %get3A_3196 = arith.constant 48 : index
        %get3A_3197 = tpu.vector_load %arg12[%get3A_3195, %get3A_3196] {strides = array<i32>} : memref<80x128xf32, #tpu.memory_space<vmem>>, vector<1x16xf32>,
        %get3A_3198 = vector.shape_cast %get3A_3197 : vector<1x16xf32> to vector<16xf32>
        %add3A_3199 = arith.addf %get3A_3194, %get3A_3198 : vector<16xf32>
        %mul3A_3200 = vector.broadcast %squeeze3A_3110 : f32 to vector<16xf32>
        %mul3A_3201 = arith.mulf %mul3A_3200, %get3A_13 : vector<16xf32>
        %add3A_3202 = arith.addf %add3A_3199, %mul3A_3201 : vector<16xf32>
        %ge3A_3203 = arith.constant 0.000000e+00 : f32
        %ge3A_3204 = vector.broadcast %ge3A_3203 : f32 to vector<16xf32>
        %ge3A_3205 = arith.cmpf oge, %add3A_3202, %ge3A_3204 : vector<16xf32>
        %mul3A_3206 = arith.constant 0.00999999977 : f32
        %mul3A_3207 = vector.broadcast %mul3A_3206 : f32 to vector<16xf32>
        %mul3A_3208 = arith.mulf %mul3A_3207, %add3A_3202 : vector<16xf32>
        %select_n3A_3209 = arith.select %ge3A_3205, %add3A_3202, %mul3A_3208 : vector<16xi1>, vector<16xf32>
        %mul3A_3210 = vector.broadcast %squeeze3A_3112 : f32 to vector<16xf32>
        %mul3A_3211 = arith.mulf %select_n3A_3209, %mul3A_3210 : vector<16xf32>
        %swap3A_3212 = arith.index_cast %add3A_3108 : i32 to index
        %swap3A_3213 = arith.constant 48 : index
        %swap3A_3214 = tpu.vector_load %arg13[%swap3A_3212, %swap3A_3213] {strides = array<i32>} : memref<80x128xf32, #tpu.memory_space<vmem>>, vector<1x16xf32>,
        %swap3A_3215 = vector.shape_cast %swap3A_3214 : vector<1x16xf32> to vector<16xf32>
        %swap3A_3216 = vector.shape_cast %mul3A_3211 : vector<16xf32> to vector<1x16xf32>
        tpu.vector_store %arg13[%swap3A_3212, %swap3A_3213], %swap3A_3216 {strides = array<i32>} : memref<80x128xf32, #tpu.memory_space<vmem>>, vector<1x16xf32>,
        %get3A_3217 = arith.index_cast %add3A_3108 : i32 to index
        %get3A_3218 = arith.constant 64 : index
        %get3A_3219 = tpu.vector_load %arg11[%get3A_3217, %get3A_3218] {strides = array<i32>} : memref<80x128xf32, #tpu.memory_space<vmem>>, vector<1x16xf32>,
        %get3A_3220 = vector.shape_cast %get3A_3219 : vector<1x16xf32> to vector<16xf32>
        %get3A_3221 = arith.index_cast %add3A_3108 : i32 to index
        %get3A_3222 = arith.constant 64 : index
        %get3A_3223 = tpu.vector_load %arg12[%get3A_3221, %get3A_3222] {strides = array<i32>} : memref<80x128xf32, #tpu.memory_space<vmem>>, vector<1x16xf32>,
        %get3A_3224 = vector.shape_cast %get3A_3223 : vector<1x16xf32> to vector<16xf32>
        %add3A_3225 = arith.addf %get3A_3220, %get3A_3224 : vector<16xf32>
        %mul3A_3226 = vector.broadcast %squeeze3A_3110 : f32 to vector<16xf32>
        %mul3A_3227 = arith.mulf %mul3A_3226, %get3A_16 : vector<16xf32>
        %add3A_3228 = arith.addf %add3A_3225, %mul3A_3227 : vector<16xf32>
        %ge3A_3229 = arith.constant 0.000000e+00 : f32
        %ge3A_3230 = vector.broadcast %ge3A_3229 : f32 to vector<16xf32>
        %ge3A_3231 = arith.cmpf oge, %add3A_3228, %ge3A_3230 : vector<16xf32>
        %mul3A_3232 = arith.constant 0.00999999977 : f32
        %mul3A_3233 = vector.broadcast %mul3A_3232 : f32 to vector<16xf32>
        %mul3A_3234 = arith.mulf %mul3A_3233, %add3A_3228 : vector<16xf32>
        %select_n3A_3235 = arith.select %ge3A_3231, %add3A_3228, %mul3A_3234 : vector<16xi1>, vector<16xf32>
        %mul3A_3236 = vector.broadcast %squeeze3A_3112 : f32 to vector<16xf32>
        %mul3A_3237 = arith.mulf %select_n3A_3235, %mul3A_3236 : vector<16xf32>
        %swap3A_3238 = arith.index_cast %add3A_3108 : i32 to index
        %swap3A_3239 = arith.constant 64 : index
        %swap3A_3240 = tpu.vector_load %arg13[%swap3A_3238, %swap3A_3239] {strides = array<i32>} : memref<80x128xf32, #tpu.memory_space<vmem>>, vector<1x16xf32>,
        %swap3A_3241 = vector.shape_cast %swap3A_3240 : vector<1x16xf32> to vector<16xf32>
        %swap3A_3242 = vector.shape_cast %mul3A_3237 : vector<16xf32> to vector<1x16xf32>
        tpu.vector_store %arg13[%swap3A_3238, %swap3A_3239], %swap3A_3242 {strides = array<i32>} : memref<80x128xf32, #tpu.memory_space<vmem>>, vector<1x16xf32>,
        %get3A_3243 = arith.index_cast %add3A_3108 : i32 to index
        %get3A_3244 = arith.constant 80 : index
        %get3A_3245 = tpu.vector_load %arg11[%get3A_3243, %get3A_3244] {strides = array<i32>} : memref<80x128xf32, #tpu.memory_space<vmem>>, vector<1x16xf32>,
        %get3A_3246 = vector.shape_cast %get3A_3245 : vector<1x16xf32> to vector<16xf32>
        %get3A_3247 = arith.index_cast %add3A_3108 : i32 to index
        %get3A_3248 = arith.constant 80 : index
        %get3A_3249 = tpu.vector_load %arg12[%get3A_3247, %get3A_3248] {strides = array<i32>} : memref<80x128xf32, #tpu.memory_space<vmem>>, vector<1x16xf32>,
        %get3A_3250 = vector.shape_cast %get3A_3249 : vector<1x16xf32> to vector<16xf32>
        %add3A_3251 = arith.addf %get3A_3246, %get3A_3250 : vector<16xf32>
        %mul3A_3252 = vector.broadcast %squeeze3A_3110 : f32 to vector<16xf32>
        %mul3A_3253 = arith.mulf %mul3A_3252, %get3A_19 : vector<16xf32>
        %add3A_3254 = arith.addf %add3A_3251, %mul3A_3253 : vector<16xf32>
        %ge3A_3255 = arith.constant 0.000000e+00 : f32
        %ge3A_3256 = vector.broadcast %ge3A_3255 : f32 to vector<16xf32>
        %ge3A_3257 = arith.cmpf oge, %add3A_3254, %ge3A_3256 : vector<16xf32>
        %mul3A_3258 = arith.constant 0.00999999977 : f32
        %mul3A_3259 = vector.broadcast %mul3A_3258 : f32 to vector<16xf32>
        %mul3A_3260 = arith.mulf %mul3A_3259, %add3A_3254 : vector<16xf32>
        %select_n3A_3261 = arith.select %ge3A_3257, %add3A_3254, %mul3A_3260 : vector<16xi1>, vector<16xf32>
        %mul3A_3262 = vector.broadcast %squeeze3A_3112 : f32 to vector<16xf32>
        %mul3A_3263 = arith.mulf %select_n3A_3261, %mul3A_3262 : vector<16xf32>
        %swap3A_3264 = arith.index_cast %add3A_3108 : i32 to index
        %swap3A_3265 = arith.constant 80 : index
        %swap3A_3266 = tpu.vector_load %arg13[%swap3A_3264, %swap3A_3265] {strides = array<i32>} : memref<80x128xf32, #tpu.memory_space<vmem>>, vector<1x16xf32>,
        %swap3A_3267 = vector.shape_cast %swap3A_3266 : vector<1x16xf32> to vector<16xf32>
        %swap3A_3268 = vector.shape_cast %mul3A_3263 : vector<16xf32> to vector<1x16xf32>
        tpu.vector_store %arg13[%swap3A_3264, %swap3A_3265], %swap3A_3268 {strides = array<i32>} : memref<80x128xf32, #tpu.memory_space<vmem>>, vector<1x16xf32>,
        %get3A_3269 = arith.index_cast %add3A_3108 : i32 to index
        %get3A_3270 = arith.constant 96 : index
        %get3A_3271 = tpu.vector_load %arg11[%get3A_3269, %get3A_3270] {strides = array<i32>} : memref<80x128xf32, #tpu.memory_space<vmem>>, vector<1x16xf32>,
        %get3A_3272 = vector.shape_cast %get3A_3271 : vector<1x16xf32> to vector<16xf32>
        %get3A_3273 = arith.index_cast %add3A_3108 : i32 to index
        %get3A_3274 = arith.constant 96 : index
        %get3A_3275 = tpu.vector_load %arg12[%get3A_3273, %get3A_3274] {strides = array<i32>} : memref<80x128xf32, #tpu.memory_space<vmem>>, vector<1x16xf32>,
        %get3A_3276 = vector.shape_cast %get3A_3275 : vector<1x16xf32> to vector<16xf32>
        %add3A_3277 = arith.addf %get3A_3272, %get3A_3276 : vector<16xf32>
        %mul3A_3278 = vector.broadcast %squeeze3A_3110 : f32 to vector<16xf32>
        %mul3A_3279 = arith.mulf %mul3A_3278, %get3A_22 : vector<16xf32>
        %add3A_3280 = arith.addf %add3A_3277, %mul3A_3279 : vector<16xf32>
        %ge3A_3281 = arith.constant 0.000000e+00 : f32
        %ge3A_3282 = vector.broadcast %ge3A_3281 : f32 to vector<16xf32>
        %ge3A_3283 = arith.cmpf oge, %add3A_3280, %ge3A_3282 : vector<16xf32>
        %mul3A_3284 = arith.constant 0.00999999977 : f32
        %mul3A_3285 = vector.broadcast %mul3A_3284 : f32 to vector<16xf32>
        %mul3A_3286 = arith.mulf %mul3A_3285, %add3A_3280 : vector<16xf32>
        %select_n3A_3287 = arith.select %ge3A_3283, %add3A_3280, %mul3A_3286 : vector<16xi1>, vector<16xf32>
        %mul3A_3288 = vector.broadcast %squeeze3A_3112 : f32 to vector<16xf32>
        %mul3A_3289 = arith.mulf %select_n3A_3287, %mul3A_3288 : vector<16xf32>
        %swap3A_3290 = arith.index_cast %add3A_3108 : i32 to index
        %swap3A_3291 = arith.constant 96 : index
        %swap3A_3292 = tpu.vector_load %arg13[%swap3A_3290, %swap3A_3291] {strides = array<i32>} : memref<80x128xf32, #tpu.memory_space<vmem>>, vector<1x16xf32>,
        %swap3A_3293 = vector.shape_cast %swap3A_3292 : vector<1x16xf32> to vector<16xf32>
        %swap3A_3294 = vector.shape_cast %mul3A_3289 : vector<16xf32> to vector<1x16xf32>
        tpu.vector_store %arg13[%swap3A_3290, %swap3A_3291], %swap3A_3294 {strides = array<i32>} : memref<80x128xf32, #tpu.memory_space<vmem>>, vector<1x16xf32>,
        %get3A_3295 = arith.index_cast %add3A_3108 : i32 to index
        %get3A_3296 = arith.constant 112 : index
        %get3A_3297 = tpu.vector_load %arg11[%get3A_3295, %get3A_3296] {strides = array<i32>} : memref<80x128xf32, #tpu.memory_space<vmem>>, vector<1x16xf32>,
        %get3A_3298 = vector.shape_cast %get3A_3297 : vector<1x16xf32> to vector<16xf32>
        %get3A_3299 = arith.index_cast %add3A_3108 : i32 to index
        %get3A_3300 = arith.constant 112 : index
        %get3A_3301 = tpu.vector_load %arg12[%get3A_3299, %get3A_3300] {strides = array<i32>} : memref<80x128xf32, #tpu.memory_space<vmem>>, vector<1x16xf32>,
        %get3A_3302 = vector.shape_cast %get3A_3301 : vector<1x16xf32> to vector<16xf32>
        %add3A_3303 = arith.addf %get3A_3298, %get3A_3302 : vector<16xf32>
        %mul3A_3304 = vector.broadcast %squeeze3A_3110 : f32 to vector<16xf32>
        %mul3A_3305 = arith.mulf %mul3A_3304, %get3A_25 : vector<16xf32>
        %add3A_3306 = arith.addf %add3A_3303, %mul3A_3305 : vector<16xf32>
        %ge3A_3307 = arith.constant 0.000000e+00 : f32
        %ge3A_3308 = vector.broadcast %ge3A_3307 : f32 to vector<16xf32>
        %ge3A_3309 = arith.cmpf oge, %add3A_3306, %ge3A_3308 : vector<16xf32>
        %mul3A_3310 = arith.constant 0.00999999977 : f32
        %mul3A_3311 = vector.broadcast %mul3A_3310 : f32 to vector<16xf32>
        %mul3A_3312 = arith.mulf %mul3A_3311, %add3A_3306 : vector<16xf32>
        %select_n3A_3313 = arith.select %ge3A_3309, %add3A_3306, %mul3A_3312 : vector<16xi1>, vector<16xf32>
        %mul3A_3314 = vector.broadcast %squeeze3A_3112 : f32 to vector<16xf32>
        %mul3A_3315 = arith.mulf %select_n3A_3313, %mul3A_3314 : vector<16xf32>
        %swap3A_3316 = arith.index_cast %add3A_3108 : i32 to index
        %swap3A_3317 = arith.constant 112 : index
        %swap3A_3318 = tpu.vector_load %arg13[%swap3A_3316, %swap3A_3317] {strides = array<i32>} : memref<80x128xf32, #tpu.memory_space<vmem>>, vector<1x16xf32>,
        %swap3A_3319 = vector.shape_cast %swap3A_3318 : vector<1x16xf32> to vector<16xf32>
        %swap3A_3320 = vector.shape_cast %mul3A_3315 : vector<16xf32> to vector<1x16xf32>
        tpu.vector_store %arg13[%swap3A_3316, %swap3A_3317], %swap3A_3320 {strides = array<i32>} : memref<80x128xf32, #tpu.memory_space<vmem>>, vector<1x16xf32>,
        %mul3A_3321 = arith.constant 16 : i32
        %mul3A_3322 = arith.muli %scan3A_75, %mul3A_3321 : i32
        %add3A_3323 = arith.constant 15 : i32
        %add3A_3324 = arith.addi %mul3A_3322, %add3A_3323 : i32
        %slice3A_3325 = vector.extract_strided_slice %get3A_80 {offsets = [15], sizes = [1], strides = [1]} : vector<16xf32> to vector<1xf32>
        %squeeze3A_3326 = vector.extract %slice3A_3325[0] : f32 from vector<1xf32>
        %slice3A_3327 = vector.extract_strided_slice %select_n3A {offsets = [15], sizes = [1], strides = [1]} : vector<16xf32> to vector<1xf32>
        %squeeze3A_3328 = vector.extract %slice3A_3327[0] : f32 from vector<1xf32>
        %get3A_3329 = arith.index_cast %add3A_3324 : i32 to index
        %get3A_3330 = arith.constant 0 : index
        %get3A_3331 = tpu.vector_load %arg11[%get3A_3329, %get3A_3330] {strides = array<i32>} : memref<80x128xf32, #tpu.memory_space<vmem>>, vector<1x16xf32>,
        %get3A_3332 = vector.shape_cast %get3A_3331 : vector<1x16xf32> to vector<16xf32>
        %get3A_3333 = arith.index_cast %add3A_3324 : i32 to index
        %get3A_3334 = arith.constant 0 : index
        %get3A_3335 = tpu.vector_load %arg12[%get3A_3333, %get3A_3334] {strides = array<i32>} : memref<80x128xf32, #tpu.memory_space<vmem>>, vector<1x16xf32>,
        %get3A_3336 = vector.shape_cast %get3A_3335 : vector<1x16xf32> to vector<16xf32>
        %add3A_3337 = arith.addf %get3A_3332, %get3A_3336 : vector<16xf32>
        %mul3A_3338 = vector.broadcast %squeeze3A_3326 : f32 to vector<16xf32>
        %mul3A_3339 = arith.mulf %mul3A_3338, %get3A_4 : vector<16xf32>
        %add3A_3340 = arith.addf %add3A_3337, %mul3A_3339 : vector<16xf32>
        %ge3A_3341 = arith.constant 0.000000e+00 : f32
        %ge3A_3342 = vector.broadcast %ge3A_3341 : f32 to vector<16xf32>
        %ge3A_3343 = arith.cmpf oge, %add3A_3340, %ge3A_3342 : vector<16xf32>
        %mul3A_3344 = arith.constant 0.00999999977 : f32
        %mul3A_3345 = vector.broadcast %mul3A_3344 : f32 to vector<16xf32>
        %mul3A_3346 = arith.mulf %mul3A_3345, %add3A_3340 : vector<16xf32>
        %select_n3A_3347 = arith.select %ge3A_3343, %add3A_3340, %mul3A_3346 : vector<16xi1>, vector<16xf32>
        %mul3A_3348 = vector.broadcast %squeeze3A_3328 : f32 to vector<16xf32>
        %mul3A_3349 = arith.mulf %select_n3A_3347, %mul3A_3348 : vector<16xf32>
        %swap3A_3350 = arith.index_cast %add3A_3324 : i32 to index
        %swap3A_3351 = arith.constant 0 : index
        %swap3A_3352 = tpu.vector_load %arg13[%swap3A_3350, %swap3A_3351] {strides = array<i32>} : memref<80x128xf32, #tpu.memory_space<vmem>>, vector<1x16xf32>,
        %swap3A_3353 = vector.shape_cast %swap3A_3352 : vector<1x16xf32> to vector<16xf32>
        %swap3A_3354 = vector.shape_cast %mul3A_3349 : vector<16xf32> to vector<1x16xf32>
        tpu.vector_store %arg13[%swap3A_3350, %swap3A_3351], %swap3A_3354 {strides = array<i32>} : memref<80x128xf32, #tpu.memory_space<vmem>>, vector<1x16xf32>,
        %get3A_3355 = arith.index_cast %add3A_3324 : i32 to index
        %get3A_3356 = arith.constant 16 : index
        %get3A_3357 = tpu.vector_load %arg11[%get3A_3355, %get3A_3356] {strides = array<i32>} : memref<80x128xf32, #tpu.memory_space<vmem>>, vector<1x16xf32>,
        %get3A_3358 = vector.shape_cast %get3A_3357 : vector<1x16xf32> to vector<16xf32>
        %get3A_3359 = arith.index_cast %add3A_3324 : i32 to index
        %get3A_3360 = arith.constant 16 : index
        %get3A_3361 = tpu.vector_load %arg12[%get3A_3359, %get3A_3360] {strides = array<i32>} : memref<80x128xf32, #tpu.memory_space<vmem>>, vector<1x16xf32>,
        %get3A_3362 = vector.shape_cast %get3A_3361 : vector<1x16xf32> to vector<16xf32>
        %add3A_3363 = arith.addf %get3A_3358, %get3A_3362 : vector<16xf32>
        %mul3A_3364 = vector.broadcast %squeeze3A_3326 : f32 to vector<16xf32>
        %mul3A_3365 = arith.mulf %mul3A_3364, %get3A_7 : vector<16xf32>
        %add3A_3366 = arith.addf %add3A_3363, %mul3A_3365 : vector<16xf32>
        %ge3A_3367 = arith.constant 0.000000e+00 : f32
        %ge3A_3368 = vector.broadcast %ge3A_3367 : f32 to vector<16xf32>
        %ge3A_3369 = arith.cmpf oge, %add3A_3366, %ge3A_3368 : vector<16xf32>
        %mul3A_3370 = arith.constant 0.00999999977 : f32
        %mul3A_3371 = vector.broadcast %mul3A_3370 : f32 to vector<16xf32>
        %mul3A_3372 = arith.mulf %mul3A_3371, %add3A_3366 : vector<16xf32>
        %select_n3A_3373 = arith.select %ge3A_3369, %add3A_3366, %mul3A_3372 : vector<16xi1>, vector<16xf32>
        %mul3A_3374 = vector.broadcast %squeeze3A_3328 : f32 to vector<16xf32>
        %mul3A_3375 = arith.mulf %select_n3A_3373, %mul3A_3374 : vector<16xf32>
        %swap3A_3376 = arith.index_cast %add3A_3324 : i32 to index
        %swap3A_3377 = arith.constant 16 : index
        %swap3A_3378 = tpu.vector_load %arg13[%swap3A_3376, %swap3A_3377] {strides = array<i32>} : memref<80x128xf32, #tpu.memory_space<vmem>>, vector<1x16xf32>,
        %swap3A_3379 = vector.shape_cast %swap3A_3378 : vector<1x16xf32> to vector<16xf32>
        %swap3A_3380 = vector.shape_cast %mul3A_3375 : vector<16xf32> to vector<1x16xf32>
        tpu.vector_store %arg13[%swap3A_3376, %swap3A_3377], %swap3A_3380 {strides = array<i32>} : memref<80x128xf32, #tpu.memory_space<vmem>>, vector<1x16xf32>,
        %get3A_3381 = arith.index_cast %add3A_3324 : i32 to index
        %get3A_3382 = arith.constant 32 : index
        %get3A_3383 = tpu.vector_load %arg11[%get3A_3381, %get3A_3382] {strides = array<i32>} : memref<80x128xf32, #tpu.memory_space<vmem>>, vector<1x16xf32>,
        %get3A_3384 = vector.shape_cast %get3A_3383 : vector<1x16xf32> to vector<16xf32>
        %get3A_3385 = arith.index_cast %add3A_3324 : i32 to index
        %get3A_3386 = arith.constant 32 : index
        %get3A_3387 = tpu.vector_load %arg12[%get3A_3385, %get3A_3386] {strides = array<i32>} : memref<80x128xf32, #tpu.memory_space<vmem>>, vector<1x16xf32>,
        %get3A_3388 = vector.shape_cast %get3A_3387 : vector<1x16xf32> to vector<16xf32>
        %add3A_3389 = arith.addf %get3A_3384, %get3A_3388 : vector<16xf32>
        %mul3A_3390 = vector.broadcast %squeeze3A_3326 : f32 to vector<16xf32>
        %mul3A_3391 = arith.mulf %mul3A_3390, %get3A_10 : vector<16xf32>
        %add3A_3392 = arith.addf %add3A_3389, %mul3A_3391 : vector<16xf32>
        %ge3A_3393 = arith.constant 0.000000e+00 : f32
        %ge3A_3394 = vector.broadcast %ge3A_3393 : f32 to vector<16xf32>
        %ge3A_3395 = arith.cmpf oge, %add3A_3392, %ge3A_3394 : vector<16xf32>
        %mul3A_3396 = arith.constant 0.00999999977 : f32
        %mul3A_3397 = vector.broadcast %mul3A_3396 : f32 to vector<16xf32>
        %mul3A_3398 = arith.mulf %mul3A_3397, %add3A_3392 : vector<16xf32>
        %select_n3A_3399 = arith.select %ge3A_3395, %add3A_3392, %mul3A_3398 : vector<16xi1>, vector<16xf32>
        %mul3A_3400 = vector.broadcast %squeeze3A_3328 : f32 to vector<16xf32>
        %mul3A_3401 = arith.mulf %select_n3A_3399, %mul3A_3400 : vector<16xf32>
        %swap3A_3402 = arith.index_cast %add3A_3324 : i32 to index
        %swap3A_3403 = arith.constant 32 : index
        %swap3A_3404 = tpu.vector_load %arg13[%swap3A_3402, %swap3A_3403] {strides = array<i32>} : memref<80x128xf32, #tpu.memory_space<vmem>>, vector<1x16xf32>,
        %swap3A_3405 = vector.shape_cast %swap3A_3404 : vector<1x16xf32> to vector<16xf32>
        %swap3A_3406 = vector.shape_cast %mul3A_3401 : vector<16xf32> to vector<1x16xf32>
        tpu.vector_store %arg13[%swap3A_3402, %swap3A_3403], %swap3A_3406 {strides = array<i32>} : memref<80x128xf32, #tpu.memory_space<vmem>>, vector<1x16xf32>,
        %get3A_3407 = arith.index_cast %add3A_3324 : i32 to index
        %get3A_3408 = arith.constant 48 : index
        %get3A_3409 = tpu.vector_load %arg11[%get3A_3407, %get3A_3408] {strides = array<i32>} : memref<80x128xf32, #tpu.memory_space<vmem>>, vector<1x16xf32>,
        %get3A_3410 = vector.shape_cast %get3A_3409 : vector<1x16xf32> to vector<16xf32>
        %get3A_3411 = arith.index_cast %add3A_3324 : i32 to index
        %get3A_3412 = arith.constant 48 : index
        %get3A_3413 = tpu.vector_load %arg12[%get3A_3411, %get3A_3412] {strides = array<i32>} : memref<80x128xf32, #tpu.memory_space<vmem>>, vector<1x16xf32>,
        %get3A_3414 = vector.shape_cast %get3A_3413 : vector<1x16xf32> to vector<16xf32>
        %add3A_3415 = arith.addf %get3A_3410, %get3A_3414 : vector<16xf32>
        %mul3A_3416 = vector.broadcast %squeeze3A_3326 : f32 to vector<16xf32>
        %mul3A_3417 = arith.mulf %mul3A_3416, %get3A_13 : vector<16xf32>
        %add3A_3418 = arith.addf %add3A_3415, %mul3A_3417 : vector<16xf32>
        %ge3A_3419 = arith.constant 0.000000e+00 : f32
        %ge3A_3420 = vector.broadcast %ge3A_3419 : f32 to vector<16xf32>
        %ge3A_3421 = arith.cmpf oge, %add3A_3418, %ge3A_3420 : vector<16xf32>
        %mul3A_3422 = arith.constant 0.00999999977 : f32
        %mul3A_3423 = vector.broadcast %mul3A_3422 : f32 to vector<16xf32>
        %mul3A_3424 = arith.mulf %mul3A_3423, %add3A_3418 : vector<16xf32>
        %select_n3A_3425 = arith.select %ge3A_3421, %add3A_3418, %mul3A_3424 : vector<16xi1>, vector<16xf32>
        %mul3A_3426 = vector.broadcast %squeeze3A_3328 : f32 to vector<16xf32>
        %mul3A_3427 = arith.mulf %select_n3A_3425, %mul3A_3426 : vector<16xf32>
        %swap3A_3428 = arith.index_cast %add3A_3324 : i32 to index
        %swap3A_3429 = arith.constant 48 : index
        %swap3A_3430 = tpu.vector_load %arg13[%swap3A_3428, %swap3A_3429] {strides = array<i32>} : memref<80x128xf32, #tpu.memory_space<vmem>>, vector<1x16xf32>,
        %swap3A_3431 = vector.shape_cast %swap3A_3430 : vector<1x16xf32> to vector<16xf32>
        %swap3A_3432 = vector.shape_cast %mul3A_3427 : vector<16xf32> to vector<1x16xf32>
        tpu.vector_store %arg13[%swap3A_3428, %swap3A_3429], %swap3A_3432 {strides = array<i32>} : memref<80x128xf32, #tpu.memory_space<vmem>>, vector<1x16xf32>,
        %get3A_3433 = arith.index_cast %add3A_3324 : i32 to index
        %get3A_3434 = arith.constant 64 : index
        %get3A_3435 = tpu.vector_load %arg11[%get3A_3433, %get3A_3434] {strides = array<i32>} : memref<80x128xf32, #tpu.memory_space<vmem>>, vector<1x16xf32>,
        %get3A_3436 = vector.shape_cast %get3A_3435 : vector<1x16xf32> to vector<16xf32>
        %get3A_3437 = arith.index_cast %add3A_3324 : i32 to index
        %get3A_3438 = arith.constant 64 : index
        %get3A_3439 = tpu.vector_load %arg12[%get3A_3437, %get3A_3438] {strides = array<i32>} : memref<80x128xf32, #tpu.memory_space<vmem>>, vector<1x16xf32>,
        %get3A_3440 = vector.shape_cast %get3A_3439 : vector<1x16xf32> to vector<16xf32>
        %add3A_3441 = arith.addf %get3A_3436, %get3A_3440 : vector<16xf32>
        %mul3A_3442 = vector.broadcast %squeeze3A_3326 : f32 to vector<16xf32>
        %mul3A_3443 = arith.mulf %mul3A_3442, %get3A_16 : vector<16xf32>
        %add3A_3444 = arith.addf %add3A_3441, %mul3A_3443 : vector<16xf32>
        %ge3A_3445 = arith.constant 0.000000e+00 : f32
        %ge3A_3446 = vector.broadcast %ge3A_3445 : f32 to vector<16xf32>
        %ge3A_3447 = arith.cmpf oge, %add3A_3444, %ge3A_3446 : vector<16xf32>
        %mul3A_3448 = arith.constant 0.00999999977 : f32
        %mul3A_3449 = vector.broadcast %mul3A_3448 : f32 to vector<16xf32>
        %mul3A_3450 = arith.mulf %mul3A_3449, %add3A_3444 : vector<16xf32>
        %select_n3A_3451 = arith.select %ge3A_3447, %add3A_3444, %mul3A_3450 : vector<16xi1>, vector<16xf32>
        %mul3A_3452 = vector.broadcast %squeeze3A_3328 : f32 to vector<16xf32>
        %mul3A_3453 = arith.mulf %select_n3A_3451, %mul3A_3452 : vector<16xf32>
        %swap3A_3454 = arith.index_cast %add3A_3324 : i32 to index
        %swap3A_3455 = arith.constant 64 : index
        %swap3A_3456 = tpu.vector_load %arg13[%swap3A_3454, %swap3A_3455] {strides = array<i32>} : memref<80x128xf32, #tpu.memory_space<vmem>>, vector<1x16xf32>,
        %swap3A_3457 = vector.shape_cast %swap3A_3456 : vector<1x16xf32> to vector<16xf32>
        %swap3A_3458 = vector.shape_cast %mul3A_3453 : vector<16xf32> to vector<1x16xf32>
        tpu.vector_store %arg13[%swap3A_3454, %swap3A_3455], %swap3A_3458 {strides = array<i32>} : memref<80x128xf32, #tpu.memory_space<vmem>>, vector<1x16xf32>,
        %get3A_3459 = arith.index_cast %add3A_3324 : i32 to index
        %get3A_3460 = arith.constant 80 : index
        %get3A_3461 = tpu.vector_load %arg11[%get3A_3459, %get3A_3460] {strides = array<i32>} : memref<80x128xf32, #tpu.memory_space<vmem>>, vector<1x16xf32>,
        %get3A_3462 = vector.shape_cast %get3A_3461 : vector<1x16xf32> to vector<16xf32>
        %get3A_3463 = arith.index_cast %add3A_3324 : i32 to index
        %get3A_3464 = arith.constant 80 : index
        %get3A_3465 = tpu.vector_load %arg12[%get3A_3463, %get3A_3464] {strides = array<i32>} : memref<80x128xf32, #tpu.memory_space<vmem>>, vector<1x16xf32>,
        %get3A_3466 = vector.shape_cast %get3A_3465 : vector<1x16xf32> to vector<16xf32>
        %add3A_3467 = arith.addf %get3A_3462, %get3A_3466 : vector<16xf32>
        %mul3A_3468 = vector.broadcast %squeeze3A_3326 : f32 to vector<16xf32>
        %mul3A_3469 = arith.mulf %mul3A_3468, %get3A_19 : vector<16xf32>
        %add3A_3470 = arith.addf %add3A_3467, %mul3A_3469 : vector<16xf32>
        %ge3A_3471 = arith.constant 0.000000e+00 : f32
        %ge3A_3472 = vector.broadcast %ge3A_3471 : f32 to vector<16xf32>
        %ge3A_3473 = arith.cmpf oge, %add3A_3470, %ge3A_3472 : vector<16xf32>
        %mul3A_3474 = arith.constant 0.00999999977 : f32
        %mul3A_3475 = vector.broadcast %mul3A_3474 : f32 to vector<16xf32>
        %mul3A_3476 = arith.mulf %mul3A_3475, %add3A_3470 : vector<16xf32>
        %select_n3A_3477 = arith.select %ge3A_3473, %add3A_3470, %mul3A_3476 : vector<16xi1>, vector<16xf32>
        %mul3A_3478 = vector.broadcast %squeeze3A_3328 : f32 to vector<16xf32>
        %mul3A_3479 = arith.mulf %select_n3A_3477, %mul3A_3478 : vector<16xf32>
        %swap3A_3480 = arith.index_cast %add3A_3324 : i32 to index
        %swap3A_3481 = arith.constant 80 : index
        %swap3A_3482 = tpu.vector_load %arg13[%swap3A_3480, %swap3A_3481] {strides = array<i32>} : memref<80x128xf32, #tpu.memory_space<vmem>>, vector<1x16xf32>,
        %swap3A_3483 = vector.shape_cast %swap3A_3482 : vector<1x16xf32> to vector<16xf32>
        %swap3A_3484 = vector.shape_cast %mul3A_3479 : vector<16xf32> to vector<1x16xf32>
        tpu.vector_store %arg13[%swap3A_3480, %swap3A_3481], %swap3A_3484 {strides = array<i32>} : memref<80x128xf32, #tpu.memory_space<vmem>>, vector<1x16xf32>,
        %get3A_3485 = arith.index_cast %add3A_3324 : i32 to index
        %get3A_3486 = arith.constant 96 : index
        %get3A_3487 = tpu.vector_load %arg11[%get3A_3485, %get3A_3486] {strides = array<i32>} : memref<80x128xf32, #tpu.memory_space<vmem>>, vector<1x16xf32>,
        %get3A_3488 = vector.shape_cast %get3A_3487 : vector<1x16xf32> to vector<16xf32>
        %get3A_3489 = arith.index_cast %add3A_3324 : i32 to index
        %get3A_3490 = arith.constant 96 : index
        %get3A_3491 = tpu.vector_load %arg12[%get3A_3489, %get3A_3490] {strides = array<i32>} : memref<80x128xf32, #tpu.memory_space<vmem>>, vector<1x16xf32>,
        %get3A_3492 = vector.shape_cast %get3A_3491 : vector<1x16xf32> to vector<16xf32>
        %add3A_3493 = arith.addf %get3A_3488, %get3A_3492 : vector<16xf32>
        %mul3A_3494 = vector.broadcast %squeeze3A_3326 : f32 to vector<16xf32>
        %mul3A_3495 = arith.mulf %mul3A_3494, %get3A_22 : vector<16xf32>
        %add3A_3496 = arith.addf %add3A_3493, %mul3A_3495 : vector<16xf32>
        %ge3A_3497 = arith.constant 0.000000e+00 : f32
        %ge3A_3498 = vector.broadcast %ge3A_3497 : f32 to vector<16xf32>
        %ge3A_3499 = arith.cmpf oge, %add3A_3496, %ge3A_3498 : vector<16xf32>
        %mul3A_3500 = arith.constant 0.00999999977 : f32
        %mul3A_3501 = vector.broadcast %mul3A_3500 : f32 to vector<16xf32>
        %mul3A_3502 = arith.mulf %mul3A_3501, %add3A_3496 : vector<16xf32>
        %select_n3A_3503 = arith.select %ge3A_3499, %add3A_3496, %mul3A_3502 : vector<16xi1>, vector<16xf32>
        %mul3A_3504 = vector.broadcast %squeeze3A_3328 : f32 to vector<16xf32>
        %mul3A_3505 = arith.mulf %select_n3A_3503, %mul3A_3504 : vector<16xf32>
        %swap3A_3506 = arith.index_cast %add3A_3324 : i32 to index
        %swap3A_3507 = arith.constant 96 : index
        %swap3A_3508 = tpu.vector_load %arg13[%swap3A_3506, %swap3A_3507] {strides = array<i32>} : memref<80x128xf32, #tpu.memory_space<vmem>>, vector<1x16xf32>,
        %swap3A_3509 = vector.shape_cast %swap3A_3508 : vector<1x16xf32> to vector<16xf32>
        %swap3A_3510 = vector.shape_cast %mul3A_3505 : vector<16xf32> to vector<1x16xf32>
        tpu.vector_store %arg13[%swap3A_3506, %swap3A_3507], %swap3A_3510 {strides = array<i32>} : memref<80x128xf32, #tpu.memory_space<vmem>>, vector<1x16xf32>,
        %get3A_3511 = arith.index_cast %add3A_3324 : i32 to index
        %get3A_3512 = arith.constant 112 : index
        %get3A_3513 = tpu.vector_load %arg11[%get3A_3511, %get3A_3512] {strides = array<i32>} : memref<80x128xf32, #tpu.memory_space<vmem>>, vector<1x16xf32>,
        %get3A_3514 = vector.shape_cast %get3A_3513 : vector<1x16xf32> to vector<16xf32>
        %get3A_3515 = arith.index_cast %add3A_3324 : i32 to index
        %get3A_3516 = arith.constant 112 : index
        %get3A_3517 = tpu.vector_load %arg12[%get3A_3515, %get3A_3516] {strides = array<i32>} : memref<80x128xf32, #tpu.memory_space<vmem>>, vector<1x16xf32>,
        %get3A_3518 = vector.shape_cast %get3A_3517 : vector<1x16xf32> to vector<16xf32>
        %add3A_3519 = arith.addf %get3A_3514, %get3A_3518 : vector<16xf32>
        %mul3A_3520 = vector.broadcast %squeeze3A_3326 : f32 to vector<16xf32>
        %mul3A_3521 = arith.mulf %mul3A_3520, %get3A_25 : vector<16xf32>
        %add3A_3522 = arith.addf %add3A_3519, %mul3A_3521 : vector<16xf32>
        %ge3A_3523 = arith.constant 0.000000e+00 : f32
        %ge3A_3524 = vector.broadcast %ge3A_3523 : f32 to vector<16xf32>
        %ge3A_3525 = arith.cmpf oge, %add3A_3522, %ge3A_3524 : vector<16xf32>
        %mul3A_3526 = arith.constant 0.00999999977 : f32
        %mul3A_3527 = vector.broadcast %mul3A_3526 : f32 to vector<16xf32>
        %mul3A_3528 = arith.mulf %mul3A_3527, %add3A_3522 : vector<16xf32>
        %select_n3A_3529 = arith.select %ge3A_3525, %add3A_3522, %mul3A_3528 : vector<16xi1>, vector<16xf32>
        %mul3A_3530 = vector.broadcast %squeeze3A_3328 : f32 to vector<16xf32>
        %mul3A_3531 = arith.mulf %select_n3A_3529, %mul3A_3530 : vector<16xf32>
        %swap3A_3532 = arith.index_cast %add3A_3324 : i32 to index
        %swap3A_3533 = arith.constant 112 : index
        %swap3A_3534 = tpu.vector_load %arg13[%swap3A_3532, %swap3A_3533] {strides = array<i32>} : memref<80x128xf32, #tpu.memory_space<vmem>>, vector<1x16xf32>,
        %swap3A_3535 = vector.shape_cast %swap3A_3534 : vector<1x16xf32> to vector<16xf32>
        %swap3A_3536 = vector.shape_cast %mul3A_3531 : vector<16xf32> to vector<1x16xf32>
        tpu.vector_store %arg13[%swap3A_3532, %swap3A_3533], %swap3A_3536 {strides = array<i32>} : memref<80x128xf32, #tpu.memory_space<vmem>>, vector<1x16xf32>,
      }
      %scan3A_74 = arith.constant 5 : i32
      %run_scoped3A = arith.constant 4 : i32
      "tpu.region"() ({
        %run_scoped3A_75 = tpu.sem_alloc : memref<!tpu.dma_semaphore, #tpu.memory_space<semaphore_mem>>
        %dma_start3A_76 = arith.constant 0 : i32
        %dma_start3A_77 = tpu.memref_slice %arg8[%run_scoped3A, %dma_start3A_76] : memref<5x80xi32, #tpu.memory_space<vmem>> -> memref<1x80xi32, #tpu.memory_space<vmem>>
        %dma_start3A_78 = tpu.memref_squeeze %dma_start3A_77 : memref<1x80xi32, #tpu.memory_space<vmem>> -> memref<80xi32, #tpu.memory_space<vmem>>
        %dma_start3A_79 = arith.constant 0 : i32
        %dma_start3A_80 = arith.constant 0 : i32
        %dma_start3A_81 = tpu.memref_slice %arg14[%dma_start3A_79, %dma_start3A_80] : memref<10000x128xf32, #tpu.memory_space<vmem_shared>> -> memref<10000x128xf32, #tpu.memory_space<vmem_shared>>
        tpu.enqueue_indirect_dma source(%arg13 : memref<80x128xf32, #tpu.memory_space<vmem>>) target(%dma_start3A_81 : memref<10000x128xf32, #tpu.memory_space<vmem_shared>>) offsets(%dma_start3A_78 : memref<80xi32, #tpu.memory_space<vmem>>) semaphore(%run_scoped3A_75 : memref<!tpu.dma_semaphore, #tpu.memory_space<semaphore_mem>>) {add = true}
        %dma_wait3A_82 = arith.constant 0 : i32
        %dma_wait3A_83 = tpu.memref_slice %arg8[%run_scoped3A, %dma_wait3A_82] : memref<5x80xi32, #tpu.memory_space<vmem>> -> memref<1x80xi32, #tpu.memory_space<vmem>>
        %dma_wait3A_84 = tpu.memref_squeeze %dma_wait3A_83 : memref<1x80xi32, #tpu.memory_space<vmem>> -> memref<80xi32, #tpu.memory_space<vmem>>
        %dma_wait3A_85 = arith.constant 0 : i32
        %dma_wait3A_86 = arith.constant 0 : i32
        %dma_wait3A_87 = tpu.memref_slice %arg14[%dma_wait3A_85, %dma_wait3A_86] : memref<10000x128xf32, #tpu.memory_space<vmem_shared>> -> memref<10000x128xf32, #tpu.memory_space<vmem_shared>>
        tpu.wait_indirect_dma semaphore(%run_scoped3A_75 : memref<!tpu.dma_semaphore, #tpu.memory_space<semaphore_mem>>) src(%arg13 : memref<80x128xf32, #tpu.memory_space<vmem>>) dst(%dma_wait3A_87 : memref<10000x128xf32, #tpu.memory_space<vmem_shared>>)
        tpu.yield
      }) : () -> ()
    }
    %scan3A_30 = arith.constant 125 : i32
    %barrier3A_31 = arith.constant 0 : index
    tpu.barrier barrier_id(%barrier3A_31)
    %mul3A_32 = arith.constant 624 : i32
    %mul3A_33 = arith.muli %arg1, %mul3A_32 : i32
    %mul3A_34 = arith.constant 624 : i32
    %mul3A_35 = arith.muli %arg1, %mul3A_34 : i32
    "tpu.region"() ({
      %run_scoped3A = tpu.sem_alloc : memref<!tpu.dma_semaphore, #tpu.memory_space<semaphore_mem>>
      %dma_start3A = arith.constant 0 : i32
      %dma_start3A_41 = tpu.memref_slice %arg7[%arg0, %mul3A_35, %dma_start3A] : memref<2x10000x128xf32, #tpu.memory_space<hbm>> -> memref<1x624x128xf32, #tpu.memory_space<hbm>>
      %dma_start3A_42 = tpu.memref_squeeze %dma_start3A_41 : memref<1x624x128xf32, #tpu.memory_space<hbm>> -> memref<624x128xf32, #tpu.memory_space<hbm>>
      %dma_start3A_43 = arith.constant 0 : i32
      %dma_start3A_44 = tpu.memref_slice %arg14[%mul3A_33, %dma_start3A_43] : memref<10000x128xf32, #tpu.memory_space<vmem_shared>> -> memref<624x128xf32, #tpu.memory_space<vmem_shared>>
      tpu.enqueue_dma source(%dma_start3A_44 : memref<624x128xf32, #tpu.memory_space<vmem_shared>>) target(%dma_start3A_42 : memref<624x128xf32, #tpu.memory_space<hbm>>) target_semaphore(%run_scoped3A : memref<!tpu.dma_semaphore, #tpu.memory_space<semaphore_mem>>)
      %dma_wait3A = arith.constant 0 : i32
      %dma_wait3A_45 = tpu.memref_slice %arg7[%arg0, %mul3A_35, %dma_wait3A] : memref<2x10000x128xf32, #tpu.memory_space<hbm>> -> memref<1x624x128xf32, #tpu.memory_space<hbm>>
      %dma_wait3A_46 = tpu.memref_squeeze %dma_wait3A_45 : memref<1x624x128xf32, #tpu.memory_space<hbm>> -> memref<624x128xf32, #tpu.memory_space<hbm>>
      %dma_wait3A_47 = arith.constant 0 : i32
      %dma_wait3A_48 = tpu.memref_slice %arg14[%mul3A_33, %dma_wait3A_47] : memref<10000x128xf32, #tpu.memory_space<vmem_shared>> -> memref<624x128xf32, #tpu.memory_space<vmem_shared>>
      tpu.wait_dma2 semaphore(%run_scoped3A : memref<!tpu.dma_semaphore, #tpu.memory_space<semaphore_mem>>) src(%dma_wait3A_48 : memref<624x128xf32, #tpu.memory_space<vmem_shared>>) dst(%dma_wait3A_46 : memref<624x128xf32, #tpu.memory_space<hbm>>)
      tpu.yield
    }) : () -> ()
    %eq3A_36 = arith.constant 15 : i32
    %eq3A_37 = arith.cmpi eq, %arg1, %eq3A_36 : i32
    %convert_element_type3A_38 = arith.extui %eq3A_37 : i1 to i32
    %cond3A_39 = arith.constant 0 : i32
    %cond3A_40 = arith.cmpi ne, %convert_element_type3A_38, %cond3A_39 : i32
    scf.if %cond3A_40 {
      "tpu.region"() ({
        %run_scoped3A = tpu.sem_alloc : memref<!tpu.dma_semaphore, #tpu.memory_space<semaphore_mem>>
        %dma_start3A = arith.constant 9984 : i32
        %dma_start3A_41 = arith.constant 0 : i32
        %dma_start3A_42 = tpu.memref_slice %arg7[%arg0, %dma_start3A, %dma_start3A_41] : memref<2x10000x128xf32, #tpu.memory_space<hbm>> -> memref<1x16x128xf32, #tpu.memory_space<hbm>>
        %dma_start3A_43 = tpu.memref_squeeze %dma_start3A_42 : memref<1x16x128xf32, #tpu.memory_space<hbm>> -> memref<16x128xf32, #tpu.memory_space<hbm>>
        %dma_start3A_44 = arith.constant 9984 : i32
        %dma_start3A_45 = arith.constant 0 : i32
        %dma_start3A_46 = tpu.memref_slice %arg14[%dma_start3A_44, %dma_start3A_45] : memref<10000x128xf32, #tpu.memory_space<vmem_shared>> -> memref<16x128xf32, #tpu.memory_space<vmem_shared>>
        tpu.enqueue_dma source(%dma_start3A_46 : memref<16x128xf32, #tpu.memory_space<vmem_shared>>) target(%dma_start3A_43 : memref<16x128xf32, #tpu.memory_space<hbm>>) target_semaphore(%run_scoped3A : memref<!tpu.dma_semaphore, #tpu.memory_space<semaphore_mem>>)
        %dma_wait3A = arith.constant 9984 : i32
        %dma_wait3A_47 = arith.constant 0 : i32
        %dma_wait3A_48 = tpu.memref_slice %arg7[%arg0, %dma_wait3A, %dma_wait3A_47] : memref<2x10000x128xf32, #tpu.memory_space<hbm>> -> memref<1x16x128xf32, #tpu.memory_space<hbm>>
        %dma_wait3A_49 = tpu.memref_squeeze %dma_wait3A_48 : memref<1x16x128xf32, #tpu.memory_space<hbm>> -> memref<16x128xf32, #tpu.memory_space<hbm>>
        %dma_wait3A_50 = arith.constant 9984 : i32
        %dma_wait3A_51 = arith.constant 0 : i32
        %dma_wait3A_52 = tpu.memref_slice %arg14[%dma_wait3A_50, %dma_wait3A_51] : memref<10000x128xf32, #tpu.memory_space<vmem_shared>> -> memref<16x128xf32, #tpu.memory_space<vmem_shared>>
        tpu.wait_dma2 semaphore(%run_scoped3A : memref<!tpu.dma_semaphore, #tpu.memory_space<semaphore_mem>>) src(%dma_wait3A_52 : memref<16x128xf32, #tpu.memory_space<vmem_shared>>) dst(%dma_wait3A_49 : memref<16x128xf32, #tpu.memory_space<hbm>>)
        tpu.yield
      }) : () -> ()
    } else {
    }
    return
  }
}

module attributes {stable_mosaic.version = 14 : i64} {
  func.func @_stage1_body(%arg0: i32, %arg1: i32, %arg2: memref<1000x256xf32, #tpu.memory_space<vmem>>, %arg3: memref<256x128xf32, #tpu.memory_space<vmem>>, %arg4: memref<1x1000x128xf32, #tpu.memory_space<vmem>>) attributes {dimension_semantics = [#tpu.dimension_semantics<arbitrary>, #tpu.dimension_semantics<arbitrary>], iteration_bounds = array<i64: 10, 4>, scalar_prefetch = 0 : i64, scratch_operands = 0 : i64, tpu.core_type = #tpu.core_type<tc>, window_params = [{transform_indices = @transform_0, window_bounds = array<i64: 1000, 256>}, {transform_indices = @transform_1, window_bounds = array<i64: 256, 128>}, {transform_indices = @transform_2, window_bounds = array<i64: 1, 1000, 128>}]} {
    %get3A = arith.constant 0 : index
    %get3A_0 = arith.constant 0 : index
    %get3A_1 = vector.load %arg2[%get3A, %get3A_0] : memref<1000x256xf32, #tpu.memory_space<vmem>>, vector<1000x256xf32>
    %get3A_2 = arith.constant 0 : index
    %get3A_3 = arith.constant 0 : index
    %get3A_4 = vector.load %arg3[%get3A_2, %get3A_3] : memref<256x128xf32, #tpu.memory_space<vmem>>, vector<256x128xf32>
    %dot_general3A = arith.constant dense<0.000000e+00> : vector<1000x128xf32>
    %dot_general3A_5 = tpu.matmul %get3A_1, %get3A_4, %dot_general3A {dimension_numbers = #tpu.dot_dimension_numbers<[1], [0], [0], [1], [0, 0, 1, 1], [], []>, transpose_lhs_hint = false} : vector<1000x256xf32>, vector<256x128xf32>, vector<1000x128xf32> -> vector<1000x128xf32>
    %swap3A = arith.constant 0 : index
    %swap3A_6 = arith.constant 0 : index
    %swap3A_7 = arith.constant 0 : index
    %swap3A_8 = vector.load %arg4[%swap3A, %swap3A_6, %swap3A_7] : memref<1x1000x128xf32, #tpu.memory_space<vmem>>, vector<1x1000x128xf32>
    %swap3A_9 = vector.shape_cast %swap3A_8 : vector<1x1000x128xf32> to vector<1000x128xf32>
    %swap3A_10 = vector.shape_cast %dot_general3A_5 : vector<1000x128xf32> to vector<1x1000x128xf32>
    tpu.vector_store %arg4[%swap3A, %swap3A_6, %swap3A_7], %swap3A_10 {strides = array<i32>} : memref<1x1000x128xf32, #tpu.memory_space<vmem>>, vector<1x1000x128xf32>,
    return
  }
  func.func @transform_0(%arg0: i32, %arg1: i32) -> (i32, i32) {
    %c0_i32 = arith.constant 0 : i32
    %c0_i32_0 = arith.constant 0 : i32
    return %arg0, %c0_i32 : i32, i32
  }
  func.func @transform_1(%arg0: i32, %arg1: i32) -> (i32, i32) {
    %c0_i32 = arith.constant 0 : i32
    %c0_i32_0 = arith.constant 0 : i32
    return %c0_i32, %arg1 : i32, i32
  }
  func.func @transform_2(%arg0: i32, %arg1: i32) -> (i32, i32, i32) {
    %c0_i32 = arith.constant 0 : i32
    %c0_i32_0 = arith.constant 0 : i32
    return %arg1, %arg0, %c0_i32 : i32, i32, i32
  }
}

module attributes {stable_mosaic.version = 14 : i64} {
  func.func @_stage3_body(%arg0: i32, %arg1: memref<1000x256xf32, #tpu.memory_space<vmem>>, %arg2: memref<1000x128xf32, #tpu.memory_space<vmem>>, %arg3: memref<1000x128xf32, #tpu.memory_space<vmem>>, %arg4: memref<256x256xf32, #tpu.memory_space<vmem>>, %arg5: memref<128x256xf32, #tpu.memory_space<vmem>>, %arg6: memref<128x256xf32, #tpu.memory_space<vmem>>, %arg7: memref<1000x256xf32, #tpu.memory_space<vmem>>) attributes {dimension_semantics = [#tpu.dimension_semantics<arbitrary>], iteration_bounds = array<i64: 10>, scalar_prefetch = 0 : i64, scratch_operands = 0 : i64, tpu.core_type = #tpu.core_type<tc>, window_params = [{transform_indices = @transform_0, window_bounds = array<i64: 1000, 256>}, {transform_indices = @transform_1, window_bounds = array<i64: 1000, 128>}, {transform_indices = @transform_2, window_bounds = array<i64: 1000, 128>}, {pipeline_mode = #tpu.pipeline_mode<synchronous>, transform_indices = @transform_3, window_bounds = array<i64: 256, 256>}, {pipeline_mode = #tpu.pipeline_mode<synchronous>, transform_indices = @transform_4, window_bounds = array<i64: 128, 256>}, {pipeline_mode = #tpu.pipeline_mode<synchronous>, transform_indices = @transform_5, window_bounds = array<i64: 128, 256>}, {transform_indices = @transform_6, window_bounds = array<i64: 1000, 256>}]} {
    %get3A = arith.constant 0 : index
    %get3A_0 = arith.constant 0 : index
    %get3A_1 = vector.load %arg1[%get3A, %get3A_0] : memref<1000x256xf32, #tpu.memory_space<vmem>>, vector<1000x256xf32>
    %get3A_2 = arith.constant 0 : index
    %get3A_3 = arith.constant 0 : index
    %get3A_4 = vector.load %arg4[%get3A_2, %get3A_3] : memref<256x256xf32, #tpu.memory_space<vmem>>, vector<256x256xf32>
    %dot_general3A = arith.constant dense<0.000000e+00> : vector<1000x256xf32>
    %dot_general3A_5 = tpu.matmul %get3A_1, %get3A_4, %dot_general3A {dimension_numbers = #tpu.dot_dimension_numbers<[1], [0], [0], [1], [0, 0, 1, 1], [], []>, transpose_lhs_hint = false} : vector<1000x256xf32>, vector<256x256xf32>, vector<1000x256xf32> -> vector<1000x256xf32>
    %get3A_6 = arith.constant 0 : index
    %get3A_7 = arith.constant 0 : index
    %get3A_8 = vector.load %arg2[%get3A_6, %get3A_7] : memref<1000x128xf32, #tpu.memory_space<vmem>>, vector<1000x128xf32>
    %get3A_9 = arith.constant 0 : index
    %get3A_10 = arith.constant 0 : index
    %get3A_11 = vector.load %arg5[%get3A_9, %get3A_10] : memref<128x256xf32, #tpu.memory_space<vmem>>, vector<128x256xf32>
    %dot_general3A_12 = arith.constant dense<0.000000e+00> : vector<1000x256xf32>
    %dot_general3A_13 = tpu.matmul %get3A_8, %get3A_11, %dot_general3A_12 {dimension_numbers = #tpu.dot_dimension_numbers<[1], [0], [0], [1], [0, 0, 1, 1], [], []>, transpose_lhs_hint = false} : vector<1000x128xf32>, vector<128x256xf32>, vector<1000x256xf32> -> vector<1000x256xf32>
    %add3A = arith.addf %dot_general3A_5, %dot_general3A_13 : vector<1000x256xf32>
    %get3A_14 = arith.constant 0 : index
    %get3A_15 = arith.constant 0 : index
    %get3A_16 = vector.load %arg3[%get3A_14, %get3A_15] : memref<1000x128xf32, #tpu.memory_space<vmem>>, vector<1000x128xf32>
    %get3A_17 = arith.constant 0 : index
    %get3A_18 = arith.constant 0 : index
    %get3A_19 = vector.load %arg6[%get3A_17, %get3A_18] : memref<128x256xf32, #tpu.memory_space<vmem>>, vector<128x256xf32>
    %dot_general3A_20 = arith.constant dense<0.000000e+00> : vector<1000x256xf32>
    %dot_general3A_21 = tpu.matmul %get3A_16, %get3A_19, %dot_general3A_20 {dimension_numbers = #tpu.dot_dimension_numbers<[1], [0], [0], [1], [0, 0, 1, 1], [], []>, transpose_lhs_hint = false} : vector<1000x128xf32>, vector<128x256xf32>, vector<1000x256xf32> -> vector<1000x256xf32>
    %add3A_22 = arith.addf %add3A, %dot_general3A_21 : vector<1000x256xf32>
    %ge3A = arith.constant 0.000000e+00 : f32
    %ge3A_23 = vector.broadcast %ge3A : f32 to vector<1000x256xf32>
    %ge3A_24 = arith.cmpf oge, %add3A_22, %ge3A_23 : vector<1000x256xf32>
    %mul3A = arith.constant 0.00999999977 : f32
    %mul3A_25 = vector.broadcast %mul3A : f32 to vector<1000x256xf32>
    %mul3A_26 = arith.mulf %mul3A_25, %add3A_22 : vector<1000x256xf32>
    %select_n3A = arith.select %ge3A_24, %add3A_22, %mul3A_26 : vector<1000x256xi1>, vector<1000x256xf32>
    %swap3A = arith.constant 0 : index
    %swap3A_27 = arith.constant 0 : index
    %swap3A_28 = vector.load %arg7[%swap3A, %swap3A_27] : memref<1000x256xf32, #tpu.memory_space<vmem>>, vector<1000x256xf32>
    tpu.vector_store %arg7[%swap3A, %swap3A_27], %select_n3A {strides = array<i32>} : memref<1000x256xf32, #tpu.memory_space<vmem>>, vector<1000x256xf32>,
    return
  }
  func.func @transform_0(%arg0: i32) -> (i32, i32) {
    %c0_i32 = arith.constant 0 : i32
    %c0_i32_0 = arith.constant 0 : i32
    return %arg0, %c0_i32 : i32, i32
  }
  func.func @transform_1(%arg0: i32) -> (i32, i32) {
    %c0_i32 = arith.constant 0 : i32
    %c0_i32_0 = arith.constant 0 : i32
    return %arg0, %c0_i32 : i32, i32
  }
  func.func @transform_2(%arg0: i32) -> (i32, i32) {
    %c0_i32 = arith.constant 0 : i32
    %c0_i32_0 = arith.constant 0 : i32
    return %arg0, %c0_i32 : i32, i32
  }
  func.func @transform_3(%arg0: i32) -> (i32, i32) {
    %c0_i32 = arith.constant 0 : i32
    %c0_i32_0 = arith.constant 0 : i32
    %c0_i32_1 = arith.constant 0 : i32
    return %c0_i32, %c0_i32_0 : i32, i32
  }
  func.func @transform_4(%arg0: i32) -> (i32, i32) {
    %c0_i32 = arith.constant 0 : i32
    %c0_i32_0 = arith.constant 0 : i32
    %c0_i32_1 = arith.constant 0 : i32
    return %c0_i32, %c0_i32_0 : i32, i32
  }
  func.func @transform_5(%arg0: i32) -> (i32, i32) {
    %c0_i32 = arith.constant 0 : i32
    %c0_i32_0 = arith.constant 0 : i32
    %c0_i32_1 = arith.constant 0 : i32
    return %c0_i32, %c0_i32_0 : i32, i32
  }
  func.func @transform_6(%arg0: i32) -> (i32, i32) {
    %c0_i32 = arith.constant 0 : i32
    %c0_i32_0 = arith.constant 0 : i32
    return %arg0, %c0_i32 : i32, i32
  }
}

</mosaic_0001>

<sc_bundles>
// kernel: kernel.5.cloned.1.call-start
scs
__scs_entry_jumppad:
0x0: {  	(pc) =	sbr.rel $0x88, $3  }
0x1: {  	(tag) =	ssettag $0x0;
	lr =	simm.s32 $0x1  }
0x2: {  	[smem:$0x3F9C] =	sst lr;
	_ =	strace $0xD0000000  }
0x3: {  	_ = 	snop  }
0x4: {  	_ = 	snop  }
0x5: {  	_ = 	snop  }
0x6: {  	_ = 	snop  }
0x7: {  	_ = 	snop  }
__scs_overlays_trampoline_lowered:
0x8: {  	[smem:$0x3FAB] =	sst s0  }
0x9: {  	[smem:$0x3FAC] =	sst s1  }
0xa: {  	[smem:$0x3FAD] =	sst s2  }
0xb: {  	[smem:$0x3FAE] =	sst s3  }
0xc: {  	[smem:$0x3FAF] =	sst s4  }
0xd: {  	[smem:$0x3FB0] =	sst s5  }
0xe: {  	[smem:$0x3FB1] =	sst s6  }
0xf: {  	[smem:$0x3FB2] =	sst s7  }
0x10: {  	[smem:$0x3FB3] =	sst s8  }
0x11: {  	[smem:$0x3FB4] =	sst s9;
	s0 =	simm.s32 @!p0 $0x0  }
0x12: {  	s1 =	sld [smem:$0x3F9A];
	s0 =	simm.s32 @p0 $0x1  }
0x13: {  	[smem:$0x3FB5] =	sst s0;
	s0 =	simm.s32 @!p1 $0x0  }
0x14: {  	s2 =	sld [smem:$0x3F99];
	s0 =	simm.s32 @p1 $0x1  }
0x15: {  	[smem:$0x3FB6] =	sst s0;
	s0 =	simm.s32 @!p2 $0x0  }
0x16: {  	s3 =	sld [smem:$0x3FDB];
	s0 =	simm.s32 @p2 $0x1  }
0x17: {  	s4 =	simm.s32 $0x1BF5;
	[smem:$0x3FB8] =	sst s0  }
0x18: {  	s0 =	sld [smem:$0x3F9B];
	_ =	swait.ge [sflag:s4], $0x0  }
0x19: {  	s7 =	sld [smem:$0x3F9C]  }
0x1a: {  	s8 =	sadd.s32 $0xFFFFE003, lr  }
0x1b: {  	s9 =	sadd.s32 $0xFFFFFEF7, lr;
	s5 =	simm.s32 $0xFFFFFFFF;
	p2 =	slt.u32 s8, $0xFFFFF086  }
0x1c: {  	p1 =	slt.u32 s9, $0xF7A;
	s5 =	simm.s32 @!p2 $0x0  }
0x1d: {  	s5 =	simm.s32 @p1 $0x1;
	p0 =	seq.s32 s7, s2  }
0x1e: {  	s7 =	smul.u32 @!p0 $0xF7A, s2;
	p2 =	seq.s32 @!p0 s5, $0x0  }
0x1f: {  	s9 =	smul.u32 $0xF7A, s1;
	s8 =	simm.s32 @!p0 $0x1BF5;
	p2 =	por !p2, p0  }
0x20: {  	[sflag:s8] =	ssyncset.s32 @!p0 $0xFFFFF086;
	s6 =	sadd.s32 @!p0 s3, s7;
	s7 =	simm.s32 @!p0 $0x108  }
0x21: {  	s3 =	sadd.s32 s3, s9;
	s6 =	sadd.s32 @!p0 $0x88, s6;
	s7 =	simm.s32 @p2 $0x1082  }
0x22: {  	[simem:s7], [sflag:s8] =	dma.local @!p0 [hbm:s6], $0xF7A  }
0x23: {  	s9 =	sor.u32 $0xD0000000, s2;
	s6 =	simm.s32 $0x108;
	_ =	swait.ge @!p0 [sflag:s8], $0x0  }
0x24: {  	s3 =	sadd.s32 $0x88, s3;
	s6 =	simm.s32 @!p1 $0x1082;
	[sflag:s4] =	ssyncset.s32 $0xFFFFF086  }
0x25: {  	[simem:s6], [sflag:s4] =	dma.local [hbm:s3], $0xF7A  }
0x26: {  	[smem:$0x3F9C] =	sst s1;
	(tag) =	ssettag s2;
	_ =	strace s9  }
0x27: {  	s1 =	sld [smem:$0x3FAC]  }
0x28: {  	s2 =	sld [smem:$0x3FAD]  }
0x29: {  	s4 =	sld [smem:$0x3FAF]  }
0x2a: {  	p0 =	seq.s32 s5, $0x0;
	s5 =	sld [smem:$0x3FB0]  }
0x2b: {  	s6 =	sld [smem:$0x3FB1]  }
0x2c: {  	s7 =	sld [smem:$0x3FB2]  }
0x2d: {  	s3 =	simm.s32 $0x108;
	s8 =	sld [smem:$0x3FB3]  }
0x2e: {  	s3 =	simm.s32 @!p0 $0x1082;
	s9 =	sld [smem:$0x3FB4]  }
0x2f: {  	lr =	sadd.s32 s0, s3;
	s0 =	sld [smem:$0x3FAB]  }
0x30: {  	s3 =	sld [smem:$0x3FAE]  }
0x31: {  	[smem:$0x3FB7] =	sst s10  }
0x32: {  	s10 =	sld [smem:$0x3FB5];
	_ =	sdelay $0x3  }
0x33: {  	p0 =	seq.s32 s10, $0x1;
	s10 =	sld [smem:$0x3FB7];
	_ =	sdelay $0x3  }
0x34: {  	[smem:$0x3FB7] =	sst s10  }
0x35: {  	s10 =	sld [smem:$0x3FB6];
	_ =	sdelay $0x3  }
0x36: {  	p1 =	seq.s32 s10, $0x1;
	s10 =	sld [smem:$0x3FB7];
	_ =	sdelay $0x3  }
0x37: {  	[smem:$0x3FB7] =	sst s10  }
0x38: {  	s10 =	sld [smem:$0x3FB8]  }
0x39: {  	_ = 	snop;
	(pc) =	sbr.ind lr, $3  }
0x3a: {  	_ = 	snop  }
0x3b: {  	_ = 	snop  }
0x3c: {  	p2 =	seq.s32 s10, $0x1;
	s10 =	sld [smem:$0x3FB7]  }
0x3d: {  	_ =	shalt  }
0x3e: {  	_ =	shalt  }
0x3f: {  	_ =	shalt  }
0x40: {  	_ =	shalt  }
0x41: {  	_ =	shalt  }
0x42: {  	_ =	shalt  }
0x43: {  	_ =	shalt  }
0x44: {  	_ =	shalt  }
0x45: {  	_ =	shalt  }
0x46: {  	_ =	shalt  }
0x47: {  	_ =	shalt  }
0x48: {  	_ =	shalt  }
0x49: {  	_ =	shalt  }
0x4a: {  	_ =	shalt  }
0x4b: {  	_ =	shalt  }
0x4c: {  	_ =	shalt  }
0x4d: {  	_ =	shalt  }
0x4e: {  	_ =	shalt  }
0x4f: {  	_ =	shalt  }
0x50: {  	_ =	shalt  }
0x51: {  	_ =	shalt  }
0x52: {  	_ =	shalt  }
0x53: {  	_ =	shalt  }
0x54: {  	_ =	shalt  }
0x55: {  	_ =	shalt  }
0x56: {  	_ =	shalt  }
0x57: {  	_ =	shalt  }
0x58: {  	_ =	shalt  }
0x59: {  	_ =	shalt  }
0x5a: {  	_ =	shalt  }
0x5b: {  	_ =	shalt  }
0x5c: {  	_ =	shalt  }
0x5d: {  	_ =	shalt  }
0x5e: {  	_ =	shalt  }
0x5f: {  	_ =	shalt  }
0x60: {  	_ =	shalt  }
0x61: {  	_ =	shalt  }
0x62: {  	_ =	shalt  }
0x63: {  	_ =	shalt  }
0x64: {  	_ =	shalt  }
0x65: {  	_ =	shalt  }
0x66: {  	_ =	shalt  }
0x67: {  	_ =	shalt  }
0x68: {  	_ =	shalt  }
0x69: {  	_ =	shalt  }
0x6a: {  	_ =	shalt  }
0x6b: {  	_ =	shalt  }
0x6c: {  	_ =	shalt  }
0x6d: {  	_ =	shalt  }
0x6e: {  	_ =	shalt  }
0x6f: {  	_ =	shalt  }
0x70: {  	_ =	shalt  }
0x71: {  	_ =	shalt  }
0x72: {  	_ =	shalt  }
0x73: {  	_ =	shalt  }
0x74: {  	_ =	shalt  }
0x75: {  	_ =	shalt  }
0x76: {  	_ =	shalt  }
0x77: {  	_ =	shalt  }
0x78: {  	_ =	shalt  }
0x79: {  	_ =	shalt  }
0x7a: {  	_ =	shalt  }
0x7b: {  	_ =	shalt  }
0x7c: {  	_ =	shalt  }
0x7d: {  	_ =	shalt  }
0x7e: {  	_ =	shalt  }
0x7f: {  	_ =	shalt  }
0x80: {  	_ =	shalt  }
0x81: {  	_ =	shalt  }
0x82: {  	_ =	shalt  }
0x83: {  	_ =	shalt  }
0x84: {  	_ =	shalt  }
0x85: {  	_ =	shalt  }
0x86: {  	_ =	shalt  }
0x87: {  	_ =	shalt  }
.Lfunc_end0:
.L_simem_size_0:
called_computation_lowered:
.L_overlay_start_0:
0x88: {  	s2 =	sld [smem:$0x3FD9]  }
0x89: {  	s3 =	sld [smem:$0x3FFE];
	_ =	sdelay $0x1  }
0x8a: {  	s1 =	srdreg.scid  }
0x8b: {  	s0 =	sand.u32 $0x1, s1  }
0x8c: {  	s17 =	sshll.u32 s0, $0xA;
	s2 =	sadd.s32 s3, s2  }
0x8d: {  	s2 =	sadd.s32 s2, s17  }
0x8e: {  	[smem:$0x3FC3] =	sst s2  }
0x8f: {  	_ = 	snop  }
0x90: {  	s2 =	sld [smem:$0x3FD0];
	(tm) =	ssettm $0x1  }
0x91: {  	s18 =	sld [smem:$0x3FFB];
	_ =	sdelay $0x3  }
0x92: {  	_ =	strace s18  }
0x93: {  	s3 =	sld [smem:$0x3FFC];
	_ =	sdelay $0x3  }
0x94: {  	_ =	strace s3  }
0x95: {  	s3 =	sld [smem:$0x3FFD];
	_ =	sdelay $0x3  }
0x96: {  	_ =	strace s3  }
0x97: {  	_ =	strace $0x8FFFFFFF  }
0x98: {  	s19 =	sld [smem:$0x3FDB];
	_ =	sdelay $0x1  }
0x99: {  	s4 =	simm.s32 $_scs_section_size  }
0x9a: {  	s5 =	simm.s32 $_size__tile_overlayer_lowered;
	s6 =	simm.s32 $_tile_overlayer_lowered  }
0x9b: {  	s22 =	simm.s32 $0x1BFF;
	s21 =	sshll.u32 s6, $0x1;
	s3 =	sadd.s32 s4, s19  }
0x9c: {  	s7 =	simm.s32 $0x0;
	s20 =	sshll.u32 s5, $0x1;
	s5 =	sadd.s32 s21, s3  }
0x9d: {  	[timem:s7], [sflag:s22] =	dma.local [hbm:s5], s20  }
0x9e: {  	_ =	swait.ge [sflag:s22], s20  }
0x9f: {  	s4 =	ssub.s32 $0x0, s20;
	[sflag:s22] =	ssyncset.done $0x0  }
0xa0: {  	[sflag:s22] =	ssyncadd.s32 s4;
	_ =	sdelay $0x1  }
0xa1: {  	s23 =	simm.s32 $0x1B8B  }
0xa2: {  	_ =	swait.ge [sflag:s23], $0x1  }
0xa3: {  	[sflag:s23] =	ssyncset.done $0x0  }
0xa4: {  	s25 =	simm.s32 $0x1B8E;
	s24 =	sld [smem:$0x3FFE];
	[sflag:s23] =	ssyncadd.s32 $0xFFFFFFFF  }
0xa5: {  	s26 =	simm.s32 $execute0_lowered;
	[smem:$0x3FD2] =	sst s25  }
0xa6: {  	s5 =	sshll.u32 s26, $0x1;
	_ =	strace $0x80000046;
	[dreg:$0x1] =	wrdreg $0xFFFFFFFF  }
0xa7: {  	s28 =	simm.s32 $_size_execute0_lowered;
	s3 =	sadd.s32 s3, s5;
	[dreg:$0x0] =	wrdreg $0x0  }
0xa8: {  	s5 =	sshll.u32 s28, $0x1;
	[dreg:$0x2] =	wrdreg s3  }
0xa9: {  	[dreg:$0x3] =	wrdreg s5  }
0xaa: {  	[dreg:$0x4] =	wrdreg $0xC0  }
0xab: {  	_ =	task [dreg:s7], $0x5FFFF  }
0xac: {  	[dreg:$0x1] =	wrdreg $0xFFFFFFFF  }
0xad: {  	[dreg:$0x0] =	wrdreg $0x60  }
0xae: {  	[dreg:$0x2] =	wrdreg s24  }
0xaf: {  	[dreg:$0x3] =	wrdreg s2  }
0xb0: {  	[dreg:$0x4] =	wrdreg $0x7D000  }
0xb1: {  	[dreg:$0x5] =	wrdreg $0x9  }
0xb2: {  	_ =	task.clear_ibuf [dreg:s7], $0x6FFFF;
	_ =	strace $0x90000046  }
0xb3: {  	s29 =	simm.s32 $0x9;
	_ =	strace $0x80000048  }
0xb4: {  	_ =	swait.ge [sflag:s29], $0x1  }
0xb5: {  	[sflag:s29] =	ssyncadd.s32 $0xFFFFFFFF  }
0xb6: {  	_ =	strace $0x90000048  }
0xb7: {  	_ =	sfence  }
0xb8: {  	s30 =	sld [smem:$0x0];
	_ =	sdelay $0x2  }
0xb9: {  	s31 =	sshll.u32 s1, $0xD;
	s1 =	sshrl.u32 s1, $0x2  }
0xba: {  	s3 =	sand.u32 $0x4000, s31;
	s1 =	sadd.s32 s1, s30  }
0xbb: {  	s0 =	sor.u32 s3, s0;
	s1 =	sshll.u32 s1, $0x11  }
0xbc: {  	s0 =	sor.u32 s1, s0  }
0xbd: {  	s0 =	sadd.s32 $0x8F2B, s0  }
0xbe: {  	[sflag:s0] =	ssyncadd.remote.s32 $0x1  }
0xbf: {  	_ =	sfence.sel $0xFFFF  }
0xc0: {  	[dreg:$0x0] =	wrdreg $0xFFFFFFFF;
	(pc) =	sbr.abs _section_cstart, $3  }
0xc1: {  	[dreg:$0x1] =	wrdreg $0xFFFFFFFF  }
0xc2: {  	_ =	task.clear_ibuf [dreg:s7], $0x2FFFF;
	_ =	strace $0x9FFFFFFF  }
0xc3: {  	(tm) =	ssettm $0x7FFFFFFF  }
tec
execute0_lowered:
.L_overlay_start_1:
0x0: {  	(tag) =	ssettag $0x1  }
0x1: {  	s0 =	rddreg [dreg:$0x0]  }
0x2: {  	s13 =	rddreg [dreg:$0x1]  }
0x3: {  	s1 =	rddreg [dreg:$0x2];
	s3 =	simm.s32 $0x0;
	s2 =	stileid.u32  }
0x4: {  	s5 =	srdreg.scid;
	s17 =	simm.s32 $0x3;
	s19 =	simm.s32 $0x480  }
0x5: {  	s20 =	simm.s32 $0x400;
	s21 =	simm.s32 $0x50;
	s22 =	simm.s32 $0x500  }
0x6: {  	s23 =	simm.s32 $0x2D00;
	s28 =	simm.s32 $0x5500;
	s29 =	simm.s32 $0x0  }
0x7: {  	[smem:$0x7FF] =	sst s3;
	s4 =	sadd.s32 $0x8A00, s0;
	s6 =	sshll.u32 s2, $0xB  }
0x8: {  	s11 =	sand.u32 $0x1, s5;
	s5 =	sadd.s32 $0xA4E00, s0;
	s9 =	smul.u32 $0x4E000, s2  }
0x9: {  	s30 =	sshll.u32 s2, $0x6;
	s15 =	smul.u32 $0x13800, s2;
	s18 =	sadd.s32 $0x138000, s1  }
0xa: {  	p0 =	sne.s32 s2, $0xF;
	_ =	strace $0x80000047;
	s10 =	sadd.s32 s6, s0  }
0xb: {  	s7 =	ssub.s32 $0x2, s11;
	s24 =	sshll.u32 s11, $0x4;
	s6 =	sadd.s32 $0xE3600, s0  }
0xc: {  	s14 =	smul.u32 $0x138800, s11;
	s11 =	sshll.u32 s11, $0x8;
	s18 =	sshrl.u32 @!p0 s18, $0x3  }
0xd: {  	s8 =	sshrl.u32 s7, $0x1;
	s12 =	sadd.s32 s24, s0;
	s26 =	sshrl.u32 s9, $0x2  }
0xe: {  	s9 =	smul.u32 $0x1F400, s2;
	s10 =	sadd.s32 $0xA00, s10;
	s24 =	simm.s32 $0x1  }
0xf: {  	s25 =	ssub.s32 s7, s8;
	s16 =	sadd.s32 s26, s1;
	s7 =	sor.u32 $0x1C03, s30  }
0x10: {  	s8 =	sadd.s32 $0x800, s12;
	s31 =	sadd.s32 s15, s14;
	s14 =	sshrl.u32 s14, $0x3  }
0x11: {  	s12 =	sor.u32 $0x80, s11;
	s26 =	simm.s32 $0x200;
	s15 =	sshrl.u32 s31, $0x3  }
0x12: {  	s14 =	sadd.s32 s13, s14;
	s16 =	sshrl.u32 s16, $0x3;
	s13 =	sadd.s32 s13, s15  }
0x13: {  	v2 =	vimm.f32 $0.0e+00;
	s14 =	sadd.s32 $0x27000, s14;
	s15 =	smax.u32 s25, $0x1;
	s25 =	simm.s32 $0x2  }
.LBB2_1:
0x14: {  	[spmem:s16], [sflag:s7] =	dma.local [hbm:s6], $0x2700  }
0x15: {  	_ =	swait.ge [sflag:s17], $0x2700  }
0x16: {  	[sflag:s17] =	ssyncset.done $0x0  }
0x17: {  	s0 =	simm.s32 @!p0 $0x3;
	[sflag:s17] =	ssyncadd.s32 $0xFFFFD900  }
0x18: {  	[spmem:s18], [sflag:s7] =	dma.local @!p0 [hbm:s6], $0x100  }
0x19: {  	_ =	swait.ge @!p0 [sflag:s0], $0x100  }
0x1a: {  	[sflag:s0] =	ssyncset.done @!p0 $0x0  }
0x1b: {  	[sflag:s0] =	ssyncadd.s32 @!p0 $0xFFFFFF00  }
0x1c: {  	[tilespmem:s19], [sflag:$0x3] =	stream.linear.gather [hbm4b:s8+s3], $0x80, $0x38;
	[tilespmem:$0x1B580] =	vst v63  }
0x1d: {  	_ =	swait.ge [sflag:s17], $0x80  }
0x1e: {  	[sflag:s17] =	ssyncset.done $0x0  }
0x1f: {  	[sflag:s17] =	ssyncadd.s32 $0xFFFFFF80  }
0x20: {  	[bflag:$0x0] =	sbarrier.arrive $0xFFFF  }
0x21: {  	v25 =	vld [tilespmem:$0x4A0]  }
0x22: {  	v8 =	vld [tilespmem:$0x480]  }
0x23: {  	v23 =	vld [tilespmem:$0x4C0]  }
0x24: {  	v26 =	vld [tilespmem:$0x4D0]  }
0x25: {  	v24 =	vld [tilespmem:$0x4B0]  }
0x26: {  	v28 =	vld [tilespmem:$0x4E0];
	[tilespmem:$0x1FF90] =	vst v25  }
0x27: {  	v29 =	vld [tilespmem:$0x4F0];
	[tilespmem:$0x1FFA0] =	vst v8  }
0x28: {  	[tilespmem:$0x1FFB0] =	vst v23  }
0x29: {  	[tilespmem:$0x1FFC0] =	vst v26  }
0x2a: {  	[tilespmem:$0x1FFD0] =	vst v24  }
0x2b: {  	[tilespmem:$0x1FFE0] =	vst v28  }
0x2c: {  	s30 =	simm.s32 $0x0;
	v27 =	vld [tilespmem:$0x490];
	[tilespmem:$0x1FFF0] =	vst v29  }
.LBB2_2:
0x2d: {  	s0 =	sshll.u32 s30, $0xA  }
0x2e: {  	s0 =	sadd.s32 s9, s0  }
0x2f: {  	s0 =	sshrl.u32 s0, $0x3  }
0x30: {  	s31 =	simm.s32 $0x0;
	s0 =	sadd.s32 s5, s0  }
0x31: {  	[tilespmem:s31], [sflag:$0x3] =	stream.linear.gather [hbm4b:s0+s31], $0x280, $0x38;
	[tilespmem:$0x1B580] =	vst v63  }
0x32: {  	_ =	swait.ge [sflag:s17], $0x280  }
0x33: {  	s0 =	sshll.u32 s30, $0x4;
	[sflag:s17] =	ssyncset.done $0x0  }
0x34: {  	s0 =	sadd.s32 s0, s10;
	[sflag:s17] =	ssyncadd.s32 $0xFFFFFD80  }
0x35: {  	[tilespmem:s20], [sflag:$0x3] =	stream.linear.gather [hbm4b:s0+s31], $0x80, $0x38;
	[tilespmem:$0x1B580] =	vst v63  }
0x36: {  	_ =	swait.ge [sflag:s17], $0x80  }
0x37: {  	[sflag:s17] =	ssyncset.done $0x0  }
0x38: {  	[sflag:s17] =	ssyncadd.s32 $0xFFFFFF80  }
0x39: {  	[tilespmem:s22], [sflag:$0x1] =	stream.indirect.gather [hbm4b:s4+s21], $0x80, s11, s21, $0xb8;
	[tilespmem:$0x1B580] =	vst v63  }
0x3a: {  	_ = 	snop  }
0x3b: {  	[tilespmem:s23], [sflag:$0x2] =	stream.indirect.gather [hbm4b:s4+s21], $0x80, s12, s21, $0xb8;
	[tilespmem:$0x1B580] =	vst v63  }
0x3c: {  	_ =	swait.ge [sflag:s24], $0x2800  }
0x3d: {  	[sflag:s24] =	ssyncset.done $0x0  }
0x3e: {  	[sflag:s24] =	ssyncadd.s32 $0xFFFFD800  }
0x3f: {  	_ =	swait.ge [sflag:s25], $0x2800  }
0x40: {  	[sflag:s25] =	ssyncset.done $0x0  }
0x41: {  	[sflag:s25] =	ssyncadd.s32 $0xFFFFD800  }
.LBB2_3:
0x42: {  	s0 =	sshll.u32 s31, $0x4  }
0x43: {  	s0 =	sand.u32 $0x3FFFFFF0, s0  }
0x44: {  	v10 =	vld [tilespmem:s0+$0x400];
	s0 =	sshll.u32 s31, $0xB  }
0x45: {  	v0 =	vld [tilespmem:s0+$0x500]  }
0x46: {  	v1 =	vld [tilespmem:s0+$0x2D00]  }
0x47: {  	v9 =	vld [tilespmem:s0+$0x510]  }
0x48: {  	v11 =	vld [tilespmem:s0+$0x2D10]  }
0x49: {  	v13 =	vld [tilespmem:s0+$0x520]  }
0x4a: {  	v14 =	vld [tilespmem:s0+$0x2D20]  }
0x4b: {  	v15 =	vld [tilespmem:s0+$0x530];
	v12 =	vbroadcast v10, $0x0  }
0x4c: {  	v16 =	vld [tilespmem:s0+$0x2D30]  }
0x4d: {  	v19 =	vld [tilespmem:s0+$0x550];
	v0 =	vadd.f32 v1, v0;
	v1 =	vmul.f32 v12, v8  }
0x4e: {  	v20 =	vld [tilespmem:s0+$0x2D50]  }
0x4f: {  	v17 =	vld [tilespmem:s0+$0x2D40];
	v0 =	vadd.f32 v0, v1  }
0x50: {  	vm0 =	vlt.f32 v10, $5.000000000e-01;
	v9 =	vadd.f32 v11, v9;
	v13 =	vadd.f32 v14, v13;
	v1 =	vld [tilespmem:s0+$0x540]  }
0x51: {  	v3 =	vsel vm0, $0x3F800000, v2;
	v54 =	vmul.f32 v12, v25;
	v18 =	vmul.f32 $9.999999770e-03, v0  }
0x52: {  	v15 =	vadd.f32 v16, v15;
	v11 =	vmul.f32 v12, v27;
	vm1 =	vge.f32 v0, $0.0e+00  }
0x53: {  	v55 =	vld [tilespmem:s0+$0x560];
	v61 =	vadd.f32 v20, v19;
	v25 =	vsel vm1, v0, v18;
	v0 =	vadd.f32 v13, v54  }
0x54: {  	v58 =	vld [tilespmem:s0+$0x2D60];
	v57 =	vmul.f32 v12, v24;
	v59 =	vmul.f32 v12, v23;
	v11 =	vadd.f32 v9, v11  }
0x55: {  	v22 =	vld [tilespmem:s0+$0x570];
	v62 =	vmul.f32 v12, v26;
	v1 =	vadd.f32 v17, v1;
	v21 =	vmul.f32 $9.999999770e-03, v0  }
0x56: {  	v60 =	vld [tilespmem:s0+$0x2D70];
	v15 =	vadd.f32 v15, v57;
	v56 =	vmul.f32 $9.999999770e-03, v11;
	vm11 =	vge.f32 v0, $0.0e+00  }
0x57: {  	vm10 =	vge.f32 v11, $0.0e+00;
	v35 =	vsel vm11, v0, v21;
	v0 =	vadd.f32 v1, v59  }
0x58: {  	v4 =	vmul.f32 v12, v28;
	v32 =	vsel vm10, v11, v56;
	v11 =	vmul.f32 $9.999999770e-03, v15  }
0x59: {  	vm12 =	vge.f32 v15, $0.0e+00;
	v13 =	vadd.f32 v58, v55;
	v20 =	vmul.f32 $9.999999770e-03, v0  }
0x5a: {  	v2 =	vld [tilespmem:$0x1FF90];
	v12 =	vmul.f32 v12, v29;
	v39 =	vsel vm12, v15, v11;
	vm13 =	vge.f32 v0, $0.0e+00  }
0x5b: {  	v33 =	vld [tilespmem:s0+$0x5A0];
	v11 =	vadd.f32 v60, v22;
	v26 =	vsel vm13, v0, v20;
	v0 =	vadd.f32 v13, v4  }
0x5c: {  	v34 =	vld [tilespmem:s0+$0x2DA0]  }
0x5d: {  	v63 =	vld [tilespmem:s0+$0x2D80];
	v37 =	vbroadcast v10, $0x1;
	v11 =	vadd.f32 v11, v12;
	v22 =	vmul.f32 $9.999999770e-03, v0  }
0x5e: {  	v5 =	vld [tilespmem:s0+$0x2D90];
	vm15 =	vge.f32 v0, $0.0e+00  }
0x5f: {  	v44 =	vmul.f32 v37, v2;
	v2 =	vld [tilespmem:$0x1FFC0];
	v22 =	vsel vm15, v0, v22;
	v0 =	vmul.f32 $9.999999770e-03, v11  }
0x60: {  	v38 =	vld [tilespmem:s0+$0x2DB0];
	vm4 =	vge.f32 v11, $0.0e+00  }
0x61: {  	v41 =	vld [tilespmem:s0+$0x2DC0];
	v11 =	vsel vm4, v11, v0;
	v0 =	vadd.f32 v34, v33  }
0x62: {  	v30 =	vld [tilespmem:s0+$0x5F0]  }
0x63: {  	v28 =	vadd.f32 v0, v44;
	v0 =	vld [tilespmem:$0x1FFD0]  }
0x64: {  	v49 =	vmul.f32 v37, v2;
	v2 =	vld [tilespmem:$0x1FFE0]  }
0x65: {  	v46 =	vld [tilespmem:s0+$0x2DF0]  }
0x66: {  	v21 =	vld [tilespmem:s0+$0x590]  }
0x67: {  	v24 =	vld [tilespmem:s0+$0x5C0]  }
0x68: {  	v14 =	vadd.f32 v61, v62;
	v29 =	vmul.f32 v37, v0;
	v0 =	vld [tilespmem:$0x1FFB0]  }
0x69: {  	v31 =	vmul.f32 v37, v2;
	v2 =	vld [tilespmem:$0x1FFF0]  }
0x6a: {  	v50 =	vld [tilespmem:s0+$0x2E00];
	v36 =	vmul.f32 $9.999999770e-03, v14  }
0x6b: {  	vm14 =	vge.f32 v14, $0.0e+00;
	v20 =	vld [tilespmem:s0+$0x5B0];
	v17 =	vadd.f32 v5, v21;
	v21 =	vmul.f32 v37, v27  }
0x6c: {  	v23 =	vsel vm14, v14, v36;
	v1 =	vld [tilespmem:s0+$0x580]  }
0x6d: {  	v14 =	vadd.f32 v41, v24;
	v42 =	vadd.f32 v17, v21;
	v21 =	vld [tilespmem:s0+$0x5E0];
	v24 =	vmul.f32 v37, v0  }
0x6e: {  	v18 =	vmul.f32 v37, v2;
	v2 =	vld [tilespmem:$0x1FFA0]  }
0x6f: {  	v47 =	vadd.f32 v14, v24;
	v24 =	vld [tilespmem:s0+$0x600]  }
0x70: {  	v12 =	vadd.f32 v38, v20;
	v20 =	vld [tilespmem:s0+$0x2DE0]  }
0x71: {  	v43 =	vld [tilespmem:s0+$0x5D0];
	v40 =	vmul.f32 v37, v8;
	v1 =	vadd.f32 v63, v1  }
0x72: {  	v52 =	vld [tilespmem:s0+$0x2E20];
	v51 =	vbroadcast v10, $0x2  }
0x73: {  	v16 =	vadd.f32 v46, v30;
	v30 =	vld [tilespmem:s0+$0x620];
	v8 =	vmovc v27;
	v1 =	vadd.f32 v1, v40;
	v27 =	vmul.f32 $9.999999770e-03, v42  }
0x74: {  	v12 =	vadd.f32 v12, v29;
	v17 =	vadd.f32 v50, v24;
	v24 =	vmul.f32 v51, v2;
	v2 =	vld [tilespmem:$0x1FF90]  }
0x75: {  	v45 =	vld [tilespmem:s0+$0x2DD0];
	vm6 =	vge.f32 v42, $0.0e+00;
	v20 =	vadd.f32 v20, v21  }
0x76: {  	v19 =	vmul.f32 $9.999999770e-03, v1;
	v21 =	vld [tilespmem:s0+$0x2E10];
	v0 =	vsel vm6, v42, v27;
	v27 =	vmul.f32 $9.999999770e-03, v12  }
0x77: {  	vm5 =	vge.f32 v1, $0.0e+00;
	v20 =	vadd.f32 v20, v31;
	v31 =	vld [tilespmem:s0+$0x2E30];
	vm8 =	vge.f32 v12, $0.0e+00  }
0x78: {  	v13 =	vsel vm5, v1, v19;
	v1 =	vmul.f32 $9.999999770e-03, v28;
	v14 =	vsel vm8, v12, v27;
	v27 =	vld [tilespmem:s0+$0x630]  }
0x79: {  	v19 =	vadd.f32 v52, v30;
	vm7 =	vge.f32 v28, $0.0e+00;
	v30 =	vmul.f32 v51, v2;
	v2 =	vld [tilespmem:$0x1FFD0]  }
0x7a: {  	v1 =	vsel vm7, v28, v1;
	v28 =	vld [tilespmem:s0+$0x610];
	v29 =	vmul.f32 $9.999999770e-03, v47  }
0x7b: {  	vm9 =	vge.f32 v47, $0.0e+00  }
0x7c: {  	v48 =	vadd.f32 v45, v43;
	v45 =	vsel vm9, v47, v29;
	v29 =	vmul.f32 $9.999999770e-03, v20  }
0x7d: {  	vm11 =	vge.f32 v20, $0.0e+00  }
0x7e: {  	v47 =	vsel vm11, v20, v29;
	v20 =	vadd.f32 v31, v27;
	v27 =	vmul.f32 v51, v2;
	v2 =	vld [tilespmem:$0x1FFB0]  }
0x7f: {  	v21 =	vadd.f32 v21, v28;
	v28 =	vmul.f32 v51, v8;
	_ =	sdelay $0x1  }
0x80: {  	v54 =	vadd.f32 v21, v28;
	v28 =	vld [tilespmem:s0+$0x2E50]  }
0x81: {  	v29 =	vld [tilespmem:s0+$0x650]  }
0x82: {  	v57 =	vmul.f32 v51, v2;
	v2 =	vld [tilespmem:$0x1FFC0];
	_ =	sdelay $0x2  }
0x83: {  	v36 =	vld [tilespmem:s0+$0x2E60]  }
0x84: {  	v21 =	vadd.f32 v19, v30;
	v30 =	vld [tilespmem:s0+$0x660]  }
0x85: {  	v15 =	vadd.f32 v48, v49;
	v28 =	vadd.f32 v28, v29;
	v29 =	vmul.f32 v51, v2;
	v2 =	vld [tilespmem:$0x1FFE0]  }
0x86: {  	v34 =	vld [tilespmem:s0+$0x2E40]  }
0x87: {  	v53 =	vmul.f32 $9.999999770e-03, v15;
	v17 =	vadd.f32 v17, v24;
	v24 =	vld [tilespmem:s0+$0x640]  }
0x88: {  	vm10 =	vge.f32 v15, $0.0e+00  }
0x89: {  	v16 =	vadd.f32 v16, v18;
	v18 =	vsel vm10, v15, v53  }
0x8a: {  	v28 =	vadd.f32 v28, v29;
	v29 =	vadd.f32 v36, v30;
	v30 =	vmul.f32 v51, v2;
	v2 =	vld [tilespmem:$0x1FFF0]  }
0x8b: {  	v59 =	vld [tilespmem:s0+$0x2E80];
	vm2 =	vge.f32 v16, $0.0e+00;
	v33 =	vmul.f32 $9.999999770e-03, v16;
	v31 =	vmul.f32 $9.999999770e-03, v54  }
0x8c: {  	v37 =	vld [tilespmem:s0+$0x670];
	vm13 =	vge.f32 v54, $0.0e+00;
	v24 =	vadd.f32 v34, v24;
	v56 =	vmul.f32 $9.999999770e-03, v21  }
0x8d: {  	vm14 =	vge.f32 v21, $0.0e+00;
	v27 =	vadd.f32 v20, v27;
	v20 =	vsel vm13, v54, v31;
	v31 =	vld [tilespmem:s0+$0x2E70]  }
0x8e: {  	v15 =	vsel vm2, v16, v33;
	v16 =	vsel vm14, v21, v56;
	v21 =	vadd.f32 v24, v57;
	v24 =	vld [tilespmem:s0+$0x680]  }
0x8f: {  	v12 =	vmul.f32 v51, v2;
	v2 =	vld [tilespmem:$0x1FFA0];
	_ =	sdelay $0x2  }
0x90: {  	v31 =	vadd.f32 v31, v37;
	v37 =	vbroadcast v10, $0x3;
	_ =	sdelay $0x1  }
0x91: {  	v62 =	vadd.f32 v59, v24;
	v24 =	vmul.f32 v37, v2;
	v2 =	vld [tilespmem:$0x1FF90]  }
0x92: {  	v31 =	vadd.f32 v31, v12;
	_ =	sdelay $0x1  }
0x93: {  	v4 =	vmul.f32 $9.999999770e-03, v31  }
0x94: {  	vm7 =	vge.f32 v31, $0.0e+00  }
0x95: {  	v48 =	vsel vm7, v31, v4;
	v31 =	vmul.f32 v37, v2;
	v2 =	vld [tilespmem:$0x1FFD0];
	_ =	sdelay $0x4  }
0x96: {  	v51 =	vmul.f32 v37, v2;
	v2 =	vld [tilespmem:$0x1FFB0]  }
0x97: {  	v61 =	vld [tilespmem:s0+$0x2E90]  }
0x98: {  	v41 =	vld [tilespmem:s0+$0x6C0]  }
0x99: {  	v60 =	vld [tilespmem:s0+$0x690];
	v55 =	vmul.f32 $9.999999770e-03, v17  }
0x9a: {  	v42 =	vld [tilespmem:s0+$0x2EC0];
	vm12 =	vge.f32 v17, $0.0e+00  }
0x9b: {  	v19 =	vsel vm12, v17, v55;
	v55 =	vmul.f32 v37, v2;
	v2 =	vld [tilespmem:$0x1FFC0]  }
0x9c: {  	v46 =	vld [tilespmem:s0+$0x2ED0]  }
0x9d: {  	v63 =	vld [tilespmem:s0+$0x6B0]  }
0x9e: {  	v38 =	vld [tilespmem:s0+$0x6A0]  }
0x9f: {  	v34 =	vadd.f32 v61, v60;
	v29 =	vadd.f32 v29, v30;
	v30 =	vld [tilespmem:s0+$0x2EA0]  }
0xa0: {  	v54 =	vadd.f32 v42, v41;
	v40 =	vmul.f32 $9.999999770e-03, v28;
	v59 =	vmul.f32 v37, v2;
	v2 =	vld [tilespmem:$0x1FFE0]  }
0xa1: {  	v52 =	vld [tilespmem:s0+$0x6E0];
	v58 =	vmul.f32 $9.999999770e-03, v27;
	vm15 =	vge.f32 v27, $0.0e+00;
	vm5 =	vge.f32 v28, $0.0e+00  }
0xa2: {  	v44 =	vld [tilespmem:s0+$0x750];
	v5 =	vmul.f32 v37, v8;
	v49 =	vsel vm5, v28, v40;
	v28 =	vmul.f32 $9.999999770e-03, v29  }
0xa3: {  	v60 =	vld [tilespmem:s0+$0x2F00];
	v17 =	vsel vm15, v27, v58;
	v27 =	vmul.f32 $9.999999770e-03, v21;
	vm6 =	vge.f32 v29, $0.0e+00  }
0xa4: {  	v12 =	vsel vm6, v29, v28;
	v28 =	vld [tilespmem:s0+$0x6D0];
	v29 =	vadd.f32 v34, v5;
	v24 =	vadd.f32 v62, v24  }
0xa5: {  	vm4 =	vge.f32 v21, $0.0e+00;
	v30 =	vadd.f32 v30, v38;
	v61 =	vmul.f32 v37, v2;
	v2 =	vld [tilespmem:$0x1FFF0]  }
0xa6: {  	v56 =	vld [tilespmem:s0+$0x6F0];
	v21 =	vsel vm4, v21, v27;
	v53 =	vmul.f32 $9.999999770e-03, v29;
	v50 =	vmul.f32 $9.999999770e-03, v24  }
0xa7: {  	v27 =	vld [tilespmem:s0+$0x2EB0];
	vm9 =	vge.f32 v29, $0.0e+00;
	vm8 =	vge.f32 v24, $0.0e+00;
	v30 =	vadd.f32 v30, v31  }
0xa8: {  	v4 =	vsel vm9, v29, v53;
	v5 =	vsel vm8, v24, v50;
	v24 =	vld [tilespmem:s0+$0x2EF0]  }
0xa9: {  	v28 =	vadd.f32 v46, v28;
	v31 =	vld [tilespmem:s0+$0x2EE0];
	v29 =	vmul.f32 $9.999999770e-03, v30;
	v33 =	vadd.f32 v54, v55  }
0xaa: {  	vm10 =	vge.f32 v30, $0.0e+00;
	v62 =	vmul.f32 v37, v2;
	v2 =	vld [tilespmem:$0x1FFA0]  }
0xab: {  	v58 =	vld [tilespmem:s0+$0x700];
	v7 =	vsel vm10, v30, v29;
	v29 =	vmul.f32 $9.999999770e-03, v33;
	v28 =	vadd.f32 v28, v59  }
0xac: {  	v36 =	vld [tilespmem:s0+$0x2F30];
	v27 =	vadd.f32 v27, v63;
	vm12 =	vge.f32 v33, $0.0e+00  }
0xad: {  	v63 =	vld [tilespmem:s0+$0x720];
	v50 =	vsel vm12, v33, v29;
	v33 =	vbroadcast v10, $0x4;
	v29 =	vmul.f32 $9.999999770e-03, v28  }
0xae: {  	v34 =	vld [tilespmem:s0+$0x730];
	v24 =	vadd.f32 v24, v56;
	v27 =	vadd.f32 v27, v51;
	vm13 =	vge.f32 v28, $0.0e+00  }
0xaf: {  	v30 =	vadd.f32 v31, v52;
	v52 =	vsel vm13, v28, v29;
	v29 =	vmul.f32 v33, v2;
	v2 =	vld [tilespmem:$0x1FF90]  }
0xb0: {  	v53 =	vld [tilespmem:s0+$0x740];
	v57 =	vmul.f32 $9.999999770e-03, v27;
	v28 =	vadd.f32 v60, v58  }
0xb1: {  	v46 =	vld [tilespmem:s0+$0x2F20];
	vm11 =	vge.f32 v27, $0.0e+00;
	v30 =	vadd.f32 v30, v61;
	v24 =	vadd.f32 v24, v62  }
0xb2: {  	v31 =	vld [tilespmem:s0+$0x2F10];
	v6 =	vsel vm11, v27, v57  }
0xb3: {  	v27 =	vld [tilespmem:s0+$0x710];
	v51 =	vmul.f32 $9.999999770e-03, v30;
	v54 =	vmul.f32 $9.999999770e-03, v24;
	v28 =	vadd.f32 v28, v29  }
0xb4: {  	vm14 =	vge.f32 v30, $0.0e+00;
	vm15 =	vge.f32 v24, $0.0e+00;
	v55 =	vmul.f32 v33, v2;
	v2 =	vld [tilespmem:$0x1FFD0]  }
0xb5: {  	v60 =	vsel vm14, v30, v51;
	v30 =	vld [tilespmem:s0+$0x2F50];
	v59 =	vsel vm15, v24, v54;
	v24 =	vmul.f32 $9.999999770e-03, v28  }
0xb6: {  	v29 =	vld [tilespmem:s0+$0x2F40];
	vm4 =	vge.f32 v28, $0.0e+00  }
0xb7: {  	v9 =	vsel vm4, v28, v24;
	v24 =	vadd.f32 v36, v34;
	v34 =	vld [tilespmem:s0+$0x760]  }
0xb8: {  	v62 =	vld [tilespmem:s0+$0x2F60]  }
0xb9: {  	v28 =	vmul.f32 v33, v2;
	v2 =	vld [tilespmem:$0x1FFB0];
	_ =	sdelay $0x4  }
0xba: {  	v37 =	vadd.f32 v46, v63;
	v63 =	vmul.f32 v33, v2;
	v2 =	vld [tilespmem:$0x1FFC0];
	_ =	sdelay $0x1  }
0xbb: {  	v27 =	vadd.f32 v31, v27;
	v31 =	vmul.f32 v33, v8;
	_ =	sdelay $0x1  }
0xbc: {  	v27 =	vadd.f32 v27, v31  }
0xbd: {  	v46 =	vmul.f32 v33, v2;
	v2 =	vld [tilespmem:$0x1FFE0]  }
0xbe: {  	v61 =	vmul.f32 $9.999999770e-03, v27;
	v24 =	vadd.f32 v24, v28  }
0xbf: {  	vm5 =	vge.f32 v27, $0.0e+00  }
0xc0: {  	v57 =	vsel vm5, v27, v61;
	v51 =	vld [tilespmem:s0+$0x2F70];
	v27 =	vmul.f32 $9.999999770e-03, v24  }
0xc1: {  	v31 =	vadd.f32 v37, v55;
	v28 =	vadd.f32 v29, v53;
	v29 =	vld [tilespmem:s0+$0x770];
	vm7 =	vge.f32 v24, $0.0e+00  }
0xc2: {  	v58 =	vsel vm7, v24, v27;
	v27 =	vmul.f32 v33, v2;
	v2 =	vld [tilespmem:$0x1FFF0]  }
0xc3: {  	v38 =	vmul.f32 $9.999999770e-03, v31  }
0xc4: {  	vm6 =	vge.f32 v31, $0.0e+00  }
0xc5: {  	v56 =	vsel vm6, v31, v38;
	v31 =	vld [tilespmem:s0+$0x780];
	v24 =	vadd.f32 v62, v34  }
0xc6: {  	v30 =	vadd.f32 v30, v44;
	v53 =	vld [tilespmem:s0+$0x2F80];
	v28 =	vadd.f32 v28, v63  }
0xc7: {  	v24 =	vadd.f32 v24, v27;
	v27 =	vadd.f32 v51, v29;
	v29 =	vmul.f32 v33, v2;
	v2 =	vld [tilespmem:$0x1FFA0]  }
0xc8: {  	v54 =	vmul.f32 $9.999999770e-03, v28  }
0xc9: {  	vm8 =	vge.f32 v28, $0.0e+00;
	v30 =	vadd.f32 v30, v46  }
0xca: {  	v61 =	vsel vm8, v28, v54;
	v28 =	vbroadcast v10, $0x5  }
0xcb: {  	v55 =	vmul.f32 $9.999999770e-03, v30  }
0xcc: {  	v27 =	vadd.f32 v27, v29;
	v29 =	vadd.f32 v53, v31;
	v31 =	vmul.f32 v28, v2;
	v2 =	vld [tilespmem:$0x1FF90]  }
0xcd: {  	vm9 =	vge.f32 v30, $0.0e+00  }
0xce: {  	v62 =	vsel vm9, v30, v55;
	v30 =	vmul.f32 $9.999999770e-03, v24  }
0xcf: {  	v38 =	vbroadcast v3, $0x0;
	vm10 =	vge.f32 v24, $0.0e+00  }
0xd0: {  	v63 =	vsel vm10, v24, v30;
	v30 =	vmul.f32 $9.999999770e-03, v27;
	v29 =	vadd.f32 v29, v31  }
0xd1: {  	v55 =	vmul.f32 v28, v2;
	v2 =	vmul.f32 v25, v38  }
0xd2: {  	vm11 =	vge.f32 v27, $0.0e+00;
	v25 =	vmul.f32 $9.999999770e-03, v29  }
0xd3: {  	v44 =	vld [tilespmem:s0+$0x2F90];
	vm12 =	vge.f32 v29, $0.0e+00;
	[tilespmem:$0x1FC50] =	vst v2;
	v2 =	vsel vm11, v27, v30  }
0xd4: {  	v34 =	vld [tilespmem:s0+$0x790];
	[tilespmem:$0x1FC10] =	vst v2;
	v2 =	vsel vm12, v29, v25  }
0xd5: {  	[tilespmem:$0x1FC20] =	vst v2;
	v2 =	vld [tilespmem:$0x1FFD0]  }
0xd6: {  	v46 =	vld [tilespmem:s0+$0x7A0]  }
0xd7: {  	v51 =	vld [tilespmem:s0+$0x2FA0];
	_ =	sdelay $0x2  }
0xd8: {  	v54 =	vmul.f32 v28, v8;
	v31 =	vadd.f32 v44, v34;
	v25 =	vmul.f32 v28, v2;
	v2 =	vld [tilespmem:$0x1FFB0];
	_ =	sdelay $0x1  }
0xd9: {  	v33 =	vadd.f32 v51, v46;
	v30 =	vadd.f32 v31, v54;
	_ =	sdelay $0x1  }
0xda: {  	v31 =	vadd.f32 v33, v55;
	v51 =	vmul.f32 $9.999999770e-03, v30  }
0xdb: {  	v54 =	vmul.f32 v28, v2;
	v2 =	vmul.f32 v32, v38  }
0xdc: {  	vm13 =	vge.f32 v30, $0.0e+00;
	v37 =	vmul.f32 $9.999999770e-03, v31  }
0xdd: {  	vm14 =	vge.f32 v31, $0.0e+00;
	[tilespmem:$0x1FC70] =	vst v2;
	v2 =	vsel vm13, v30, v51  }
0xde: {  	[tilespmem:$0x1FC30] =	vst v2;
	v2 =	vsel vm14, v31, v37  }
0xdf: {  	[tilespmem:$0x1FC40] =	vst v2;
	v2 =	vld [tilespmem:$0x1FFC0];
	_ =	sdelay $0x2  }
0xe0: {  	v24 =	vld [tilespmem:s0+$0x2FB0]  }
0xe1: {  	v53 =	vld [tilespmem:s0+$0x7B0]  }
0xe2: {  	v34 =	vld [tilespmem:s0+$0x7C0];
	v43 =	vmul.f32 v28, v2;
	v2 =	vmul.f32 v35, v38  }
0xe3: {  	v44 =	vld [tilespmem:s0+$0x2FC0]  }
0xe4: {  	[tilespmem:$0x1FC80] =	vst v2;
	v2 =	vld [tilespmem:$0x1FFE0];
	_ =	sdelay $0x1  }
0xe5: {  	v24 =	vadd.f32 v24, v53  }
0xe6: {  	v46 =	vld [tilespmem:s0+$0x2FD0]  }
0xe7: {  	v27 =	vld [tilespmem:s0+$0x7D0];
	v24 =	vadd.f32 v24, v25;
	v25 =	vadd.f32 v44, v34  }
0xe8: {  	v51 =	vmul.f32 v28, v2;
	v2 =	vld [tilespmem:$0x1FFF0]  }
0xe9: {  	v53 =	vld [tilespmem:s0+$0x2FE0];
	v25 =	vadd.f32 v25, v54;
	v31 =	vmul.f32 $9.999999770e-03, v24  }
0xea: {  	v55 =	vld [tilespmem:s0+$0x7F0];
	vm15 =	vge.f32 v24, $0.0e+00  }
0xeb: {  	v29 =	vld [tilespmem:s0+$0x7E0];
	v37 =	vsel vm15, v24, v31;
	v31 =	vmul.f32 $9.999999770e-03, v25  }
0xec: {  	v44 =	vld [tilespmem:s0+$0x800];
	vm4 =	vge.f32 v25, $0.0e+00  }
0xed: {  	v27 =	vadd.f32 v46, v27;
	v30 =	vld [tilespmem:s0+$0x2FF0];
	v28 =	vmul.f32 v28, v2;
	v2 =	vsel vm4, v25, v31  }
0xee: {  	[tilespmem:$0x1FC60] =	vst v2;
	v2 =	vld [tilespmem:$0x1FFA0]  }
0xef: {  	v24 =	vld [tilespmem:s0+$0x3000];
	v27 =	vadd.f32 v27, v43;
	_ =	sdelay $0x1  }
0xf0: {  	v25 =	vmul.f32 $9.999999770e-03, v27;
	v31 =	vbroadcast v10, $0x6  }
0xf1: {  	v29 =	vadd.f32 v53, v29;
	v30 =	vadd.f32 v30, v55;
	vm5 =	vge.f32 v27, $0.0e+00  }
0xf2: {  	v41 =	vsel vm5, v27, v25;
	v25 =	vmul.f32 v31, v2;
	v2 =	vmul.f32 v39, v38  }
0xf3: {  	v24 =	vadd.f32 v24, v44;
	v28 =	vadd.f32 v30, v28  }
0xf4: {  	[tilespmem:$0x1FC90] =	vst v2;
	v2 =	vld [tilespmem:$0x1FF90]  }
0xf5: {  	v29 =	vadd.f32 v29, v51;
	v55 =	vmul.f32 $9.999999770e-03, v28;
	v24 =	vadd.f32 v24, v25  }
0xf6: {  	v36 =	vld [tilespmem:s0+$0x820];
	vm7 =	vge.f32 v28, $0.0e+00  }
0xf7: {  	v46 =	vld [tilespmem:s0+$0x810];
	v54 =	vmul.f32 $9.999999770e-03, v29;
	v55 =	vsel vm7, v28, v55;
	v28 =	vmul.f32 $9.999999770e-03, v24  }
0xf8: {  	vm6 =	vge.f32 v29, $0.0e+00;
	v30 =	vld [tilespmem:s0+$0x3020];
	vm8 =	vge.f32 v24, $0.0e+00  }
0xf9: {  	v53 =	vld [tilespmem:s0+$0x3010];
	v43 =	vsel vm6, v29, v54;
	v54 =	vmul.f32 v31, v2;
	v2 =	vsel vm8, v24, v28  }
0xfa: {  	[tilespmem:$0x1FCA0] =	vst v2;
	v2 =	vld [tilespmem:$0x1FFD0];
	_ =	sdelay $0x1  }
0xfb: {  	v40 =	vld [tilespmem:s0+$0x3030]  }
0xfc: {  	v51 =	vld [tilespmem:s0+$0x840];
	v30 =	vadd.f32 v30, v36  }
0xfd: {  	v27 =	vld [tilespmem:s0+$0x830];
	v25 =	vadd.f32 v53, v46;
	v46 =	vmul.f32 v31, v8  }
0xfe: {  	v28 =	vadd.f32 v30, v54;
	v30 =	vmul.f32 v31, v2;
	v2 =	vld [tilespmem:$0x1FFB0]  }
0xff: {  	v29 =	vld [tilespmem:s0+$0x3040];
	v25 =	vadd.f32 v25, v46;
	_ =	sdelay $0x1  }
0x100: {  	v24 =	vmul.f32 $9.999999770e-03, v25  }
0x101: {  	vm9 =	vge.f32 v25, $0.0e+00  }
0x102: {  	v27 =	vadd.f32 v40, v27;
	v40 =	vsel vm9, v25, v24;
	v25 =	vmul.f32 v31, v2;
	v2 =	vld [tilespmem:$0x1FFC0]  }
0x103: {  	v36 =	vld [tilespmem:s0+$0x3050];
	v24 =	vadd.f32 v29, v51  }
0x104: {  	v53 =	vld [tilespmem:s0+$0x850];
	v27 =	vadd.f32 v27, v30  }
0x105: {  	v44 =	vmul.f32 v26, v38;
	v33 =	vmul.f32 $9.999999770e-03, v28;
	v24 =	vadd.f32 v24, v25  }
0x106: {  	vm10 =	vge.f32 v28, $0.0e+00;
	v26 =	vmul.f32 $9.999999770e-03, v27;
	vm11 =	vge.f32 v27, $0.0e+00  }
0x107: {  	v42 =	vmul.f32 $9.999999770e-03, v24;
	v39 =	vmul.f32 v31, v2;
	v2 =	vsel vm10, v28, v33  }
0x108: {  	v29 =	vld [tilespmem:s0+$0x860];
	vm12 =	vge.f32 v24, $0.0e+00;
	[tilespmem:$0x1FCB0] =	vst v2;
	v2 =	vsel vm11, v27, v26  }
0x109: {  	v30 =	vld [tilespmem:s0+$0x3060];
	v25 =	vadd.f32 v36, v53;
	[tilespmem:$0x1FCC0] =	vst v2;
	v2 =	vsel vm12, v24, v42  }
0x10a: {  	[tilespmem:$0x1FCD0] =	vst v2;
	v2 =	vld [tilespmem:$0x1FFE0]  }
0x10b: {  	v25 =	vadd.f32 v25, v39;
	_ =	sdelay $0x1  }
0x10c: {  	v24 =	vmul.f32 $9.999999770e-03, v25  }
0x10d: {  	vm13 =	vge.f32 v25, $0.0e+00  }
0x10e: {  	v26 =	vadd.f32 v30, v29;
	v30 =	vmul.f32 v31, v2;
	v2 =	vsel vm13, v25, v24  }
0x10f: {  	[tilespmem:$0x1FCF0] =	vst v2;
	v2 =	vld [tilespmem:$0x1FFF0];
	_ =	sdelay $0x2  }
0x110: {  	v46 =	vmul.f32 v23, v38;
	v23 =	vld [tilespmem:s0+$0x880]  }
0x111: {  	v35 =	vmul.f32 v22, v38;
	v27 =	vld [tilespmem:s0+$0x3080]  }
0x112: {  	v29 =	vbroadcast v3, $0x1;
	v22 =	vmul.f32 v31, v2;
	v2 =	vld [tilespmem:$0x1FFA0];
	_ =	sdelay $0x1  }
0x113: {  	v42 =	vmul.f32 v13, v29  }
0x114: {  	v13 =	vbroadcast v10, $0x7;
	v1 =	vmul.f32 v1, v29;
	_ =	sdelay $0x1  }
0x115: {  	[tilespmem:$0x1FCE0] =	vst v1;
	v1 =	vadd.f32 v27, v23;
	v23 =	vmul.f32 v13, v2;
	v2 =	vmul.f32 v14, v29;
	_ =	sdelay $0x1  }
0x116: {  	v51 =	vld [tilespmem:s0+$0x3070];
	[tilespmem:$0x1FD00] =	vst v2;
	v2 =	vmul.f32 v45, v29  }
0x117: {  	v28 =	vld [tilespmem:s0+$0x870]  }
0x118: {  	[tilespmem:$0x1FD20] =	vst v2;
	v2 =	vmul.f32 v18, v29;
	_ =	sdelay $0x1  }
0x119: {  	v38 =	vmul.f32 v11, v38;
	v11 =	vadd.f32 v26, v30;
	[tilespmem:$0x1FD30] =	vst v2;
	v2 =	vmul.f32 v47, v29  }
0x11a: {  	v54 =	vmul.f32 v0, v29  }
0x11b: {  	v0 =	vadd.f32 v51, v28;
	v33 =	vmul.f32 $9.999999770e-03, v11;
	[tilespmem:$0x1FD40] =	vst v2;
	v2 =	vmul.f32 v15, v29  }
0x11c: {  	vm14 =	vge.f32 v11, $0.0e+00  }
0x11d: {  	v0 =	vadd.f32 v0, v22;
	[tilespmem:$0x1FD60] =	vst v2;
	v2 =	vsel vm14, v11, v33  }
0x11e: {  	[tilespmem:$0x1FD10] =	vst v2;
	v2 =	vld [tilespmem:$0x1FF90]  }
0x11f: {  	v1 =	vadd.f32 v1, v23;
	v23 =	vmul.f32 $9.999999770e-03, v0  }
0x120: {  	vm15 =	vge.f32 v0, $0.0e+00  }
0x121: {  	v53 =	vsel vm15, v0, v23;
	v23 =	vbroadcast v3, $0x2;
	_ =	sdelay $0x1  }
0x122: {  	v39 =	vmul.f32 v13, v2;
	v2 =	vmul.f32 v19, v23;
	_ =	sdelay $0x1  }
0x123: {  	[tilespmem:$0x1FD80] =	vst v2;
	v2 =	vmul.f32 v20, v23;
	_ =	sdelay $0x1  }
0x124: {  	[tilespmem:$0x1FDB0] =	vst v2;
	v2 =	vmul.f32 v16, v23;
	_ =	sdelay $0x1  }
0x125: {  	[tilespmem:$0x1FDD0] =	vst v2;
	v2 =	vmul.f32 v17, v23;
	_ =	sdelay $0x1  }
0x126: {  	[tilespmem:$0x1FDE0] =	vst v2;
	v2 =	vmul.f32 v21, v23;
	_ =	sdelay $0x1  }
0x127: {  	[tilespmem:$0x1FE10] =	vst v2;
	v2 =	vmul.f32 v49, v23;
	_ =	sdelay $0x1  }
0x128: {  	[tilespmem:$0x1FE30] =	vst v2;
	v2 =	vld [tilespmem:$0x1FFD0];
	_ =	sdelay $0x4  }
0x129: {  	v20 =	vmul.f32 v13, v2;
	v2 =	vmul.f32 v12, v23  }
0x12a: {  	v24 =	vld [tilespmem:s0+$0x890]  }
0x12b: {  	[tilespmem:$0x1FE50] =	vst v2;
	v2 =	vld [tilespmem:$0x1FFB0]  }
0x12c: {  	v25 =	vld [tilespmem:s0+$0x3090];
	_ =	sdelay $0x1  }
0x12d: {  	v34 =	vmul.f32 $9.999999770e-03, v1  }
0x12e: {  	v26 =	vld [tilespmem:s0+$0x8B0];
	vm4 =	vge.f32 v1, $0.0e+00  }
0x12f: {  	v1 =	vsel vm4, v1, v34;
	v11 =	vld [tilespmem:s0+$0x30B0];
	v34 =	vmul.f32 v13, v2;
	v2 =	vmul.f32 v48, v23  }
0x130: {  	v0 =	vadd.f32 v25, v24;
	v24 =	vmul.f32 v13, v8  }
0x131: {  	[tilespmem:$0x1FE80] =	vst v2;
	v2 =	vld [tilespmem:$0x1FFC0]  }
0x132: {  	v0 =	vadd.f32 v0, v24;
	_ =	sdelay $0x1  }
0x133: {  	v32 =	vld [tilespmem:s0+$0x8A0];
	v33 =	vmul.f32 $9.999999770e-03, v0;
	v11 =	vadd.f32 v11, v26  }
0x134: {  	v22 =	vld [tilespmem:s0+$0x30A0];
	vm5 =	vge.f32 v0, $0.0e+00  }
0x135: {  	v51 =	vsel vm5, v0, v33;
	v0 =	vadd.f32 v11, v20;
	v20 =	vmul.f32 v13, v2;
	v2 =	vld [tilespmem:$0x1FFE0]  }
0x136: {  	v36 =	vld [tilespmem:s0+$0x8C0]  }
0x137: {  	v25 =	vld [tilespmem:s0+$0x30C0];
	_ =	sdelay $0x1  }
0x138: {  	[tilespmem:$0x1FD50] =	vst v1;
	v1 =	vadd.f32 v22, v32  }
0x139: {  	v48 =	vmul.f32 v13, v2;
	v2 =	vld [tilespmem:$0x1FFF0]  }
0x13a: {  	v45 =	vld [tilespmem:s0+$0x8D0];
	v1 =	vadd.f32 v1, v39  }
0x13b: {  	v47 =	vld [tilespmem:s0+$0x30D0];
	v32 =	vadd.f32 v25, v36  }
0x13c: {  	v36 =	vmul.f32 $9.999999770e-03, v1  }
0x13d: {  	vm6 =	vge.f32 v1, $0.0e+00;
	v12 =	vadd.f32 v32, v34  }
0x13e: {  	v1 =	vsel vm6, v1, v36;
	v13 =	vmul.f32 v13, v2;
	v2 =	vld [tilespmem:$0x1FFA0]  }
0x13f: {  	[tilespmem:$0x1FD70] =	vst v1;
	v1 =	vmul.f32 $9.999999770e-03, v12  }
0x140: {  	v22 =	vld [tilespmem:s0+$0x30F0];
	v15 =	vadd.f32 v47, v45;
	v45 =	vmul.f32 $9.999999770e-03, v0;
	vm8 =	vge.f32 v12, $0.0e+00  }
0x141: {  	v21 =	vld [tilespmem:s0+$0x8F0];
	vm7 =	vge.f32 v0, $0.0e+00;
	v1 =	vsel vm8, v12, v1;
	v12 =	vbroadcast v10, $0x8  }
0x142: {  	v0 =	vsel vm7, v0, v45  }
0x143: {  	[tilespmem:$0x1FD90] =	vst v0;
	v0 =	vadd.f32 v15, v20;
	v45 =	vmul.f32 v12, v2;
	v2 =	vld [tilespmem:$0x1FF90];
	_ =	sdelay $0x1  }
0x144: {  	v14 =	vld [tilespmem:s0+$0x8E0];
	v33 =	vmul.f32 $9.999999770e-03, v0  }
0x145: {  	v47 =	vld [tilespmem:s0+$0x3110];
	v32 =	vadd.f32 v22, v21;
	vm9 =	vge.f32 v0, $0.0e+00  }
0x146: {  	v16 =	vld [tilespmem:s0+$0x30E0];
	v0 =	vsel vm9, v0, v33  }
0x147: {  	[tilespmem:$0x1FDC0] =	vst v0;
	v0 =	vadd.f32 v32, v13;
	v32 =	vmul.f32 v12, v2;
	v2 =	vld [tilespmem:$0x1FFD0]  }
0x148: {  	v39 =	vld [tilespmem:s0+$0x3100]  }
0x149: {  	v11 =	vld [tilespmem:s0+$0x900]  }
0x14a: {  	v23 =	vld [tilespmem:s0+$0x910];
	v22 =	vmul.f32 $9.999999770e-03, v0  }
0x14b: {  	[tilespmem:$0x1FDA0] =	vst v1;
	v1 =	vadd.f32 v16, v14;
	vm11 =	vge.f32 v0, $0.0e+00  }
0x14c: {  	v0 =	vsel vm11, v0, v22;
	v22 =	vmul.f32 v12, v2;
	v2 =	vld [tilespmem:$0x1FFB0]  }
0x14d: {  	v21 =	vld [tilespmem:s0+$0x3130];
	v1 =	vadd.f32 v1, v48  }
0x14e: {  	v11 =	vadd.f32 v39, v11;
	v20 =	vld [tilespmem:s0+$0x930]  }
0x14f: {  	v36 =	vadd.f32 v47, v23;
	v23 =	vmul.f32 v12, v8;
	v39 =	vmul.f32 $9.999999770e-03, v1  }
0x150: {  	vm10 =	vge.f32 v1, $0.0e+00  }
0x151: {  	v1 =	vsel vm10, v1, v39;
	[tilespmem:$0x1FE00] =	vst v0;
	v0 =	vadd.f32 v36, v23;
	v39 =	vmul.f32 v12, v2;
	v2 =	vld [tilespmem:$0x1FFC0]  }
0x152: {  	v24 =	vld [tilespmem:s0+$0x950]  }
0x153: {  	v49 =	vld [tilespmem:s0+$0x3120];
	v48 =	vadd.f32 v21, v20;
	v21 =	vmul.f32 $9.999999770e-03, v0  }
0x154: {  	v15 =	vld [tilespmem:s0+$0x920];
	vm13 =	vge.f32 v0, $0.0e+00  }
0x155: {  	v34 =	vld [tilespmem:s0+$0x940];
	v0 =	vsel vm13, v0, v21  }
0x156: {  	[tilespmem:$0x1FE40] =	vst v0;
	v0 =	vadd.f32 v48, v22;
	v22 =	vmul.f32 v12, v2;
	v2 =	vld [tilespmem:$0x1FFE0]  }
0x157: {  	v47 =	vld [tilespmem:s0+$0x3140];
	[tilespmem:$0x1FDF0] =	vst v1;
	v1 =	vadd.f32 v11, v45  }
0x158: {  	v33 =	vld [tilespmem:s0+$0x3170]  }
0x159: {  	v14 =	vadd.f32 v49, v15;
	v15 =	vld [tilespmem:s0+$0x960];
	v49 =	vmul.f32 $9.999999770e-03, v1  }
0x15a: {  	v20 =	vld [tilespmem:s0+$0x3160];
	vm12 =	vge.f32 v1, $0.0e+00  }
0x15b: {  	v1 =	vsel vm12, v1, v49;
	v49 =	vmul.f32 v12, v2;
	v2 =	vld [tilespmem:$0x1FFF0]  }
0x15c: {  	v13 =	vadd.f32 v47, v34;
	v34 =	vld [tilespmem:s0+$0x980]  }
0x15d: {  	v11 =	vld [tilespmem:s0+$0x3150];
	[tilespmem:$0x1FE20] =	vst v1;
	v1 =	vadd.f32 v14, v32  }
0x15e: {  	v47 =	vld [tilespmem:s0+$0x990]  }
0x15f: {  	v23 =	vld [tilespmem:s0+$0x970];
	v36 =	vmul.f32 $9.999999770e-03, v1  }
0x160: {  	vm14 =	vge.f32 v1, $0.0e+00;
	v12 =	vmul.f32 v12, v2;
	v2 =	vld [tilespmem:$0x1FFA0]  }
0x161: {  	v45 =	vld [tilespmem:s0+$0x3180];
	v1 =	vsel vm14, v1, v36;
	v21 =	vmul.f32 $9.999999770e-03, v0  }
0x162: {  	v11 =	vadd.f32 v11, v24;
	[tilespmem:$0x1FE60] =	vst v1;
	v48 =	vld [tilespmem:s0+$0x3190];
	vm15 =	vge.f32 v0, $0.0e+00;
	v1 =	vadd.f32 v13, v39  }
0x163: {  	v18 =	vbroadcast v10, $0x9;
	v0 =	vsel vm15, v0, v21;
	v21 =	vld [tilespmem:s0+$0x31A0]  }
0x164: {  	[tilespmem:$0x1FE70] =	vst v0;
	v32 =	vmul.f32 $9.999999770e-03, v1;
	v0 =	vadd.f32 v11, v22;
	v11 =	vadd.f32 v20, v15;
	v20 =	vld [tilespmem:s0+$0x9A0]  }
0x165: {  	v14 =	vadd.f32 v33, v23;
	vm4 =	vge.f32 v1, $0.0e+00;
	v23 =	vmul.f32 v18, v2;
	v2 =	vld [tilespmem:$0x1FF90]  }
0x166: {  	v1 =	vsel vm4, v1, v32  }
0x167: {  	[tilespmem:$0x1FE90] =	vst v1;
	v1 =	vadd.f32 v11, v49  }
0x168: {  	v16 =	vadd.f32 v45, v34;
	v36 =	vmul.f32 v18, v8  }
0x169: {  	v33 =	vadd.f32 v48, v47;
	v39 =	vadd.f32 v21, v20;
	v34 =	vmul.f32 $9.999999770e-03, v1  }
0x16a: {  	vm6 =	vge.f32 v1, $0.0e+00;
	v11 =	vadd.f32 v16, v23;
	v45 =	vmul.f32 v18, v2  }
0x16b: {  	v1 =	vsel vm6, v1, v34  }
0x16c: {  	[tilespmem:$0x1FEB0] =	vst v1;
	v1 =	vadd.f32 v33, v36;
	v33 =	vmul.f32 $9.999999770e-03, v11;
	v32 =	vadd.f32 v39, v45  }
0x16d: {  	vm8 =	vge.f32 v11, $0.0e+00  }
0x16e: {  	v2 =	vsel vm8, v11, v33;
	v11 =	vmul.f32 $9.999999770e-03, v32  }
0x16f: {  	vm10 =	vge.f32 v32, $0.0e+00  }
0x170: {  	[tilespmem:$0x1FED0] =	vst v2;
	v2 =	vsel vm10, v32, v11  }
0x171: {  	[tilespmem:$0x1FEF0] =	vst v2;
	v2 =	vld [tilespmem:$0x1FFD0];
	_ =	sdelay $0x4  }
0x172: {  	v39 =	vmul.f32 v18, v2;
	v2 =	vld [tilespmem:$0x1FFB0];
	_ =	sdelay $0x1  }
0x173: {  	v22 =	vmul.f32 $9.999999770e-03, v0  }
0x174: {  	vm5 =	vge.f32 v0, $0.0e+00  }
0x175: {  	v0 =	vsel vm5, v0, v22  }
0x176: {  	[tilespmem:$0x1FEA0] =	vst v0;
	v0 =	vadd.f32 v14, v12;
	v45 =	vmul.f32 v18, v2;
	v2 =	vld [tilespmem:$0x1FFC0];
	_ =	sdelay $0x1  }
0x177: {  	v48 =	vmul.f32 $9.999999770e-03, v0  }
0x178: {  	vm7 =	vge.f32 v0, $0.0e+00  }
0x179: {  	v24 =	vld [tilespmem:s0+$0x3200];
	v0 =	vsel vm7, v0, v48  }
0x17a: {  	[tilespmem:$0x1FEC0] =	vst v0;
	v0 =	vmul.f32 $9.999999770e-03, v1;
	v20 =	vmul.f32 v18, v2;
	v2 =	vld [tilespmem:$0x1FFE0]  }
0x17b: {  	v47 =	vld [tilespmem:s0+$0x31B0];
	vm9 =	vge.f32 v1, $0.0e+00  }
0x17c: {  	v15 =	vld [tilespmem:s0+$0x9B0];
	v0 =	vsel vm9, v1, v0  }
0x17d: {  	v49 =	vld [tilespmem:s0+$0x9C0];
	[tilespmem:$0x1FEE0] =	vst v0;
	v0 =	vbroadcast v3, $0x3  }
0x17e: {  	v34 =	vld [tilespmem:s0+$0x31C0]  }
0x17f: {  	v19 =	vmul.f32 v4, v0;
	v4 =	vmul.f32 v18, v2;
	v2 =	vld [tilespmem:$0x1FFF0]  }
0x180: {  	v36 =	vld [tilespmem:s0+$0x9D0]  }
0x181: {  	v1 =	vld [tilespmem:s0+$0x31D0];
	v11 =	vadd.f32 v47, v15  }
0x182: {  	v15 =	vld [tilespmem:s0+$0x9E0]  }
0x183: {  	v22 =	vmul.f32 v5, v0;
	v25 =	vmul.f32 v7, v0;
	v47 =	vld [tilespmem:s0+$0x31E0];
	v11 =	vadd.f32 v11, v39  }
0x184: {  	v27 =	vmul.f32 v6, v0;
	v5 =	vmul.f32 v18, v2;
	v2 =	vld [tilespmem:$0x1FFA0]  }
0x185: {  	v13 =	vadd.f32 v34, v49;
	v48 =	vld [tilespmem:s0+$0x9F0];
	v31 =	vmul.f32 v50, v0;
	v50 =	vmul.f32 $9.999999770e-03, v11  }
0x186: {  	v49 =	vld [tilespmem:s0+$0x31F0];
	v29 =	vmul.f32 v52, v0;
	v1 =	vadd.f32 v1, v36;
	vm11 =	vge.f32 v11, $0.0e+00  }
0x187: {  	v21 =	vld [tilespmem:s0+$0xA00];
	v36 =	vmul.f32 v59, v0;
	v23 =	vsel vm11, v11, v50;
	v50 =	vbroadcast v10, $0xA  }
0x188: {  	v32 =	vmul.f32 v60, v0;
	v0 =	vadd.f32 v1, v20;
	v1 =	vadd.f32 v47, v15  }
0x189: {  	v13 =	vadd.f32 v13, v45;
	v45 =	vmul.f32 v50, v2;
	v2 =	vld [tilespmem:$0x1FC30]  }
0x18a: {  	v1 =	vadd.f32 v1, v4  }
0x18b: {  	v14 =	vadd.f32 v49, v48  }
0x18c: {  	v33 =	vadd.f32 v24, v21;
	v52 =	vbroadcast v3, $0x5;
	v39 =	vmul.f32 $9.999999770e-03, v1  }
0x18d: {  	v11 =	vmul.f32 $9.999999770e-03, v13;
	vm12 =	vge.f32 v13, $0.0e+00;
	vm14 =	vge.f32 v1, $0.0e+00  }
0x18e: {  	v15 =	vsel vm14, v1, v39;
	v1 =	vadd.f32 v33, v45;
	v33 =	vmul.f32 v2, v52;
	v2 =	vld [tilespmem:$0x1FF90]  }
0x18f: {  	v18 =	vsel vm12, v13, v11;
	v11 =	vadd.f32 v14, v5;
	_ =	sdelay $0x1  }
0x190: {  	v47 =	vmul.f32 $9.999999770e-03, v11  }
0x191: {  	vm15 =	vge.f32 v11, $0.0e+00  }
0x192: {  	v12 =	vsel vm15, v11, v47;
	v47 =	vmul.f32 v50, v2;
	v2 =	vld [tilespmem:$0x1FC40]  }
0x193: {  	v21 =	vld [tilespmem:s0+$0xA10]  }
0x194: {  	v24 =	vld [tilespmem:s0+$0x3210]  }
0x195: {  	v34 =	vmul.f32 $9.999999770e-03, v0;
	v4 =	vld [tilespmem:s0+$0xA30]  }
0x196: {  	vm13 =	vge.f32 v0, $0.0e+00;
	v5 =	vld [tilespmem:s0+$0x3230]  }
0x197: {  	v13 =	vsel vm13, v0, v34;
	v34 =	vmul.f32 v2, v52;
	v2 =	vld [tilespmem:$0x1FFD0];
	_ =	sdelay $0x1  }
0x198: {  	v11 =	vmul.f32 $9.999999770e-03, v1  }
0x199: {  	v0 =	vbroadcast v3, $0x4;
	vm4 =	vge.f32 v1, $0.0e+00  }
0x19a: {  	v30 =	vadd.f32 v24, v21;
	v11 =	vsel vm4, v1, v11;
	v1 =	vld [tilespmem:$0x1FC10]  }
0x19b: {  	v24 =	vmul.f32 v61, v0;
	v61 =	vadd.f32 v5, v4;
	v4 =	vmul.f32 v50, v2;
	v2 =	vld [tilespmem:$0x1FC50];
	_ =	sdelay $0x1  }
0x19c: {  	v48 =	vld [tilespmem:s0+$0xA20]  }
0x19d: {  	v49 =	vld [tilespmem:s0+$0x3220]  }
0x19e: {  	v28 =	vmul.f32 v1, v0;
	v1 =	vld [tilespmem:$0x1FC20]  }
0x19f: {  	v14 =	vmul.f32 v9, v0;
	[tilespmem:s0+$0x5500] =	vst v2;
	v2 =	vld [tilespmem:$0x1FC80]  }
0x1a0: {  	v16 =	vmul.f32 v57, v0;
	v17 =	vmul.f32 v56, v0  }
0x1a1: {  	v20 =	vmul.f32 v58, v0;
	v45 =	vmul.f32 v50, v8  }
0x1a2: {  	v21 =	vmul.f32 v62, v0;
	v26 =	vmul.f32 v63, v0  }
0x1a3: {  	v0 =	vadd.f32 v30, v45;
	v30 =	vmul.f32 v1, v52;
	v1 =	vadd.f32 v49, v48  }
0x1a4: {  	[tilespmem:s0+$0x5520] =	vst v2;
	v2 =	vmul.f32 v43, v52  }
0x1a5: {  	v56 =	vadd.f32 v1, v47;
	v1 =	vld [tilespmem:$0x1FC60]  }
0x1a6: {  	[tilespmem:$0x1FF20] =	vst v2;
	v2 =	vld [tilespmem:$0x1FC90];
	_ =	sdelay $0x3  }
0x1a7: {  	v1 =	vmul.f32 v1, v52  }
0x1a8: {  	[tilespmem:s0+$0x5530] =	vst v2;
	v2 =	vmul.f32 v55, v52  }
0x1a9: {  	[tilespmem:$0x1FF00] =	vst v1;
	v1 =	vld [tilespmem:$0x1FC70]  }
0x1aa: {  	[tilespmem:$0x1FF30] =	vst v2;
	v2 =	vld [tilespmem:$0x1FFB0];
	_ =	sdelay $0x4  }
0x1ab: {  	[tilespmem:s0+$0x5510] =	vst v1;
	v1 =	vmul.f32 v41, v52;
	v41 =	vmul.f32 v50, v2;
	v2 =	vld [tilespmem:$0x1FFC0];
	_ =	sdelay $0x1  }
0x1ac: {  	v58 =	vld [tilespmem:s0+$0xA40]  }
0x1ad: {  	v5 =	vld [tilespmem:s0+$0x3240];
	_ =	sdelay $0x1  }
0x1ae: {  	v55 =	vmul.f32 v50, v2;
	v2 =	vld [tilespmem:$0x1FCA0];
	_ =	sdelay $0x2  }
0x1af: {  	v5 =	vadd.f32 v5, v58;
	v58 =	vbroadcast v3, $0x6;
	_ =	sdelay $0x1  }
0x1b0: {  	[tilespmem:s0+$0x5550] =	vst v46;
	v46 =	vmul.f32 v2, v58;
	v2 =	vld [tilespmem:$0x1FCB0];
	_ =	sdelay $0x4  }
0x1b1: {  	[tilespmem:s0+$0x5560] =	vst v35;
	v35 =	vmul.f32 v2, v58;
	v2 =	vld [tilespmem:$0x1FCC0];
	_ =	sdelay $0x2  }
0x1b2: {  	v59 =	vld [tilespmem:s0+$0xA50]  }
0x1b3: {  	v63 =	vld [tilespmem:s0+$0x3250]  }
0x1b4: {  	[tilespmem:s0+$0x5570] =	vst v38;
	v38 =	vmul.f32 v40, v58;
	v40 =	vmul.f32 v2, v58;
	v2 =	vld [tilespmem:$0x1FCD0];
	_ =	sdelay $0x4  }
0x1b5: {  	v43 =	vadd.f32 v63, v59;
	v59 =	vadd.f32 v5, v41;
	v41 =	vmul.f32 v2, v58;
	v2 =	vld [tilespmem:$0x1FCE0];
	_ =	sdelay $0x4  }
0x1b6: {  	[tilespmem:s0+$0x55A0] =	vst v2;
	v2 =	vld [tilespmem:$0x1FCF0];
	_ =	sdelay $0x4  }
0x1b7: {  	[tilespmem:s0+$0x5540] =	vst v44;
	v44 =	vmul.f32 v2, v58;
	v2 =	vld [tilespmem:$0x1FFE0];
	_ =	sdelay $0x4  }
0x1b8: {  	v47 =	vmul.f32 v50, v2;
	v2 =	vld [tilespmem:$0x1FD00]  }
0x1b9: {  	v61 =	vadd.f32 v61, v4;
	v4 =	vmul.f32 $9.999999770e-03, v56;
	[tilespmem:$0x1FF10] =	vst v1;
	v1 =	vmul.f32 $9.999999770e-03, v0  }
0x1ba: {  	vm5 =	vge.f32 v0, $0.0e+00;
	vm6 =	vge.f32 v56, $0.0e+00  }
0x1bb: {  	v1 =	vsel vm5, v0, v1;
	v0 =	vsel vm6, v56, v4;
	v56 =	vld [tilespmem:s0+$0x3260]  }
0x1bc: {  	v37 =	vmul.f32 v37, v52;
	v52 =	vld [tilespmem:s0+$0xA60]  }
0x1bd: {  	[tilespmem:s0+$0x55B0] =	vst v2;
	v2 =	vld [tilespmem:$0x1FD10];
	_ =	sdelay $0x4  }
0x1be: {  	v52 =	vadd.f32 v56, v52;
	v56 =	vmul.f32 v2, v58;
	v2 =	vmul.f32 v53, v58;
	_ =	sdelay $0x1  }
0x1bf: {  	[tilespmem:$0x1FF40] =	vst v2;
	v2 =	vld [tilespmem:$0x1FD20];
	_ =	sdelay $0x4  }
0x1c0: {  	[tilespmem:s0+$0x55C0] =	vst v2;
	v2 =	vld [tilespmem:$0x1FD30];
	_ =	sdelay $0x2  }
0x1c1: {  	v4 =	vld [tilespmem:s0+$0xA70]  }
0x1c2: {  	v5 =	vld [tilespmem:s0+$0x3270]  }
0x1c3: {  	[tilespmem:s0+$0x55D0] =	vst v2;
	v2 =	vld [tilespmem:$0x1FFF0]  }
0x1c4: {  	v39 =	vmul.f32 $9.999999770e-03, v61  }
0x1c5: {  	vm7 =	vge.f32 v61, $0.0e+00  }
0x1c6: {  	v61 =	vsel vm7, v61, v39;
	v39 =	vmul.f32 $9.999999770e-03, v59  }
0x1c7: {  	vm8 =	vge.f32 v59, $0.0e+00;
	v49 =	vadd.f32 v43, v55  }
0x1c8: {  	v55 =	vsel vm8, v59, v39;
	v59 =	vadd.f32 v5, v4;
	v4 =	vmul.f32 v50, v2;
	v2 =	vld [tilespmem:$0x1FD40];
	_ =	sdelay $0x4  }
0x1c9: {  	[tilespmem:s0+$0x55E0] =	vst v2;
	v2 =	vld [tilespmem:$0x1FD50];
	_ =	sdelay $0x2  }
0x1ca: {  	v45 =	vadd.f32 v52, v47;
	v52 =	vbroadcast v3, $0x7;
	_ =	sdelay $0x1  }
0x1cb: {  	v39 =	vmul.f32 v2, v52;
	v2 =	vld [tilespmem:$0x1FD60];
	_ =	sdelay $0x1  }
0x1cc: {  	[tilespmem:s0+$0x5580] =	vst v42;
	v42 =	vmul.f32 v51, v52;
	v51 =	vld [tilespmem:s0+$0xA90]  }
0x1cd: {  	v53 =	vld [tilespmem:s0+$0x3290];
	_ =	sdelay $0x1  }
0x1ce: {  	[tilespmem:s0+$0x55F0] =	vst v2;
	v2 =	vld [tilespmem:$0x1FD70]  }
0x1cf: {  	v9 =	vmov v3;
	v57 =	vbroadcast v3, $0x8;
	v3 =	vld [tilespmem:$0x1FDE0]  }
0x1d0: {  	v58 =	vmul.f32 $9.999999770e-03, v49  }
0x1d1: {  	vm9 =	vge.f32 v49, $0.0e+00;
	v53 =	vadd.f32 v53, v51;
	v51 =	vld [tilespmem:$0x1FE40]  }
0x1d2: {  	v62 =	vsel vm9, v49, v58;
	v58 =	vadd.f32 v59, v4;
	v4 =	vld [tilespmem:$0x1FE30]  }
0x1d3: {  	v43 =	vmul.f32 v2, v52;
	v2 =	vld [tilespmem:$0x1FD80]  }
0x1d4: {  	[tilespmem:s0+$0x5630] =	vst v3;
	v3 =	vld [tilespmem:$0x1FDF0]  }
0x1d5: {  	v5 =	vmul.f32 $9.999999770e-03, v45  }
0x1d6: {  	[tilespmem:s0+$0x5590] =	vst v54;
	vm10 =	vge.f32 v45, $0.0e+00  }
0x1d7: {  	v54 =	vsel vm10, v45, v5;
	v45 =	vmul.f32 $9.999999770e-03, v58;
	[tilespmem:s0+$0x5650] =	vst v4  }
0x1d8: {  	vm11 =	vge.f32 v58, $0.0e+00;
	v4 =	vmul.f32 v51, v57;
	[tilespmem:s0+$0x5600] =	vst v2;
	v2 =	vld [tilespmem:$0x1FD90]  }
0x1d9: {  	v58 =	vsel vm11, v58, v45;
	v45 =	vmul.f32 v3, v52;
	v3 =	vld [tilespmem:$0x1FE00]  }
0x1da: {  	[tilespmem:$0x1FF50] =	vst v4;
	v4 =	vld [tilespmem:$0x1FE50];
	_ =	sdelay $0x2  }
0x1db: {  	v47 =	vmul.f32 v2, v52;
	v2 =	vld [tilespmem:$0x1FDA0]  }
0x1dc: {  	v59 =	vmul.f32 v3, v52;
	v3 =	vld [tilespmem:$0x1FE10]  }
0x1dd: {  	[tilespmem:s0+$0x5660] =	vst v4;
	v4 =	vld [tilespmem:$0x1FE70]  }
0x1de: {  	v49 =	vld [tilespmem:s0+$0x3280]  }
0x1df: {  	v60 =	vbroadcast v10, $0xB;
	v50 =	vld [tilespmem:s0+$0xA80]  }
0x1e0: {  	v63 =	vmul.f32 v2, v52;
	v2 =	vld [tilespmem:$0x1FDB0]  }
0x1e1: {  	v51 =	vmul.f32 v60, v8;
	[tilespmem:s0+$0x5640] =	vst v3;
	v3 =	vld [tilespmem:$0x1FE20]  }
0x1e2: {  	v4 =	vmul.f32 v4, v57  }
0x1e3: {  	v51 =	vadd.f32 v53, v51;
	v53 =	vld [tilespmem:$0x1FE90]  }
0x1e4: {  	[tilespmem:$0x1FF60] =	vst v4;
	v4 =	vld [tilespmem:$0x1FE80]  }
0x1e5: {  	[tilespmem:s0+$0x5610] =	vst v2;
	v2 =	vld [tilespmem:$0x1FDC0]  }
0x1e6: {  	v50 =	vadd.f32 v49, v50;
	v49 =	vmul.f32 v3, v57;
	v3 =	vld [tilespmem:$0x1FFA0];
	_ =	sdelay $0x2  }
0x1e7: {  	[tilespmem:s0+$0x5670] =	vst v4;
	v4 =	vmul.f32 v53, v57;
	v53 =	vld [tilespmem:$0x1FEA0]  }
0x1e8: {  	v48 =	vmul.f32 v2, v52;
	v2 =	vld [tilespmem:$0x1FDD0]  }
0x1e9: {  	[tilespmem:s0+$0x5690] =	vst v19;
	v19 =	vld [tilespmem:$0x1FEB0];
	v3 =	vmul.f32 v60, v3  }
0x1ea: {  	v5 =	vld [tilespmem:$0x1FEC0]  }
0x1eb: {  	v50 =	vadd.f32 v50, v3;
	v3 =	vld [tilespmem:$0x1FE60]  }
0x1ec: {  	[tilespmem:$0x1FF70] =	vst v4;
	v4 =	vmul.f32 v53, v57;
	v52 =	vld [tilespmem:s0+$0x32A0]  }
0x1ed: {  	v53 =	vmul.f32 $9.999999770e-03, v50;
	[tilespmem:s0+$0x5620] =	vst v2;
	v2 =	vld [tilespmem:s0+$0xAA0]  }
0x1ee: {  	vm12 =	vge.f32 v50, $0.0e+00;
	[tilespmem:$0x1FF80] =	vst v4;
	v4 =	vld [tilespmem:$0x1FF90]  }
0x1ef: {  	v19 =	vmul.f32 v19, v57;
	v53 =	vsel vm12, v50, v53;
	v50 =	vld [tilespmem:$0x1FED0]  }
0x1f0: {  	v3 =	vmul.f32 v3, v57;
	v57 =	vmul.f32 v5, v57;
	v5 =	vld [tilespmem:$0x1FEE0]  }
0x1f1: {  	[tilespmem:s0+$0x5680] =	vst v22;
	v7 =	vld [tilespmem:$0x1FEF0]  }
0x1f2: {  	[tilespmem:s0+$0x5720] =	vst v17;
	v17 =	vbroadcast v9, $0xB;
	v2 =	vadd.f32 v52, v2;
	v52 =	vbroadcast v9, $0x9  }
0x1f3: {  	v6 =	vld [tilespmem:s0+$0xAC0];
	[tilespmem:s0+$0x56A0] =	vst v25;
	v22 =	vmul.f32 v60, v4  }
0x1f4: {  	[tilespmem:s0+$0x5740] =	vst v24;
	v24 =	vmul.f32 v53, v17;
	v53 =	vld [tilespmem:s0+$0x3300];
	v25 =	vmul.f32 v50, v52  }
0x1f5: {  	[tilespmem:s0+$0x56B0] =	vst v27;
	v4 =	vld [tilespmem:s0+$0xAB0];
	v2 =	vadd.f32 v2, v22;
	v27 =	vmul.f32 v5, v52;
	v5 =	vmul.f32 $9.999999770e-03, v51  }
0x1f6: {  	[tilespmem:s0+$0x56C0] =	vst v31;
	vm13 =	vge.f32 v51, $0.0e+00;
	v50 =	vld [tilespmem:s0+$0x32B0];
	v22 =	vmul.f32 v7, v52;
	v31 =	vmul.f32 v23, v52  }
0x1f7: {  	[tilespmem:s0+$0x56D0] =	vst v29;
	v23 =	vld [tilespmem:s0+$0x32C0];
	v29 =	vsel vm13, v51, v5;
	v5 =	vmul.f32 v18, v52;
	v18 =	vmul.f32 $9.999999770e-03, v2  }
0x1f8: {  	v7 =	vld [tilespmem:s0+$0xAD0];
	v51 =	vmul.f32 v13, v52;
	vm14 =	vge.f32 v2, $0.0e+00;
	v13 =	vbroadcast v9, $0xA  }
0x1f9: {  	v18 =	vsel vm14, v2, v18;
	v2 =	vmul.f32 v12, v52;
	v12 =	vld [tilespmem:s0+$0x32D0]  }
0x1fa: {  	[tilespmem:s0+$0x56E0] =	vst v32;
	v32 =	vmul.f32 v15, v52;
	v15 =	vmul.f32 v11, v13;
	v11 =	vld [tilespmem:$0x1FFD0]  }
0x1fb: {  	[tilespmem:s0+$0x56F0] =	vst v36;
	v36 =	vmul.f32 v1, v13;
	v1 =	vld [tilespmem:$0x1FFB0]  }
0x1fc: {  	[tilespmem:s0+$0x5700] =	vst v14;
	v6 =	vadd.f32 v23, v6;
	v23 =	vld [tilespmem:s0+$0xB00]  }
0x1fd: {  	[tilespmem:s0+$0x5750] =	vst v21;
	v21 =	vld [tilespmem:$0x1FFC0];
	v14 =	vmul.f32 v0, v13  }
0x1fe: {  	v61 =	vmul.f32 v61, v13;
	v52 =	vmul.f32 v55, v13  }
0x1ff: {  	[tilespmem:s0+$0x5710] =	vst v16;
	v16 =	vld [tilespmem:s0+$0xAE0];
	v4 =	vadd.f32 v50, v4;
	v50 =	vmul.f32 v62, v13;
	v11 =	vmul.f32 v60, v11  }
0x200: {  	v0 =	vld [tilespmem:s0+$0x32E0];
	v1 =	vmul.f32 v60, v1;
	v7 =	vadd.f32 v12, v7;
	v12 =	vmul.f32 v58, v13  }
0x201: {  	v11 =	vadd.f32 v4, v11;
	v4 =	vmul.f32 v54, v13;
	v13 =	vadd.f32 v53, v23;
	v23 =	vld [tilespmem:$0x1FFA0]  }
0x202: {  	v21 =	vmul.f32 v60, v21;
	v54 =	vld [tilespmem:$0x1FFE0]  }
0x203: {  	[tilespmem:s0+$0x5730] =	vst v20;
	v1 =	vadd.f32 v6, v1  }
0x204: {  	v20 =	vld [tilespmem:s0+$0x32F0];
	[tilespmem:s0+$0x5760] =	vst v26;
	v7 =	vadd.f32 v7, v21;
	v21 =	vmul.f32 v29, v17;
	v29 =	vbroadcast v10, $0xC  }
0x205: {  	[tilespmem:s0+$0x5770] =	vst v28;
	v28 =	vld [tilespmem:s0+$0xB10];
	v26 =	vmul.f32 $9.999999770e-03, v1  }
0x206: {  	[tilespmem:s0+$0x5780] =	vst v30;
	v30 =	vld [tilespmem:s0+$0x3310];
	vm4 =	vge.f32 v1, $0.0e+00;
	v23 =	vmul.f32 v29, v23  }
0x207: {  	v0 =	vadd.f32 v0, v16;
	v1 =	vsel vm4, v1, v26;
	v26 =	vld [tilespmem:$0x1FFF0];
	v16 =	vmul.f32 v60, v54  }
0x208: {  	v13 =	vadd.f32 v13, v23;
	v23 =	vld [tilespmem:$0x1FF20]  }
0x209: {  	v6 =	vld [tilespmem:s0+$0xAF0];
	v62 =	vmul.f32 $9.999999770e-03, v11;
	v0 =	vadd.f32 v0, v16  }
0x20a: {  	v53 =	vld [tilespmem:$0x1FF10];
	vm15 =	vge.f32 v11, $0.0e+00  }
0x20b: {  	[tilespmem:s0+$0x57B0] =	vst v37;
	v11 =	vsel vm15, v11, v62;
	v62 =	vld [tilespmem:$0x1FF00];
	v37 =	vmul.f32 $9.999999770e-03, v0  }
0x20c: {  	v58 =	vmul.f32 v60, v26;
	v26 =	vmul.f32 v18, v17;
	vm6 =	vge.f32 v0, $0.0e+00;
	v18 =	vld [tilespmem:s0+$0xB30]  }
0x20d: {  	[tilespmem:s0+$0x57E0] =	vst v23;
	v23 =	vsel vm6, v0, v37;
	v0 =	vadd.f32 v30, v28;
	v28 =	vld [tilespmem:s0+$0x3330]  }
0x20e: {  	v6 =	vadd.f32 v20, v6;
	v20 =	vld [tilespmem:s0+$0xB20]  }
0x20f: {  	v60 =	vld [tilespmem:s0+$0x3320]  }
0x210: {  	[tilespmem:s0+$0x57C0] =	vst v62;
	v62 =	vld [tilespmem:s0+$0x3340]  }
0x211: {  	v54 =	vmul.f32 v29, v8;
	v30 =	vld [tilespmem:$0x1FF30]  }
0x212: {  	v18 =	vadd.f32 v28, v18;
	v28 =	vld [tilespmem:$0x1FFD0]  }
0x213: {  	v16 =	vadd.f32 v0, v54;
	v0 =	vld [tilespmem:$0x1FF90]  }
0x214: {  	v6 =	vadd.f32 v6, v58;
	v58 =	vld [tilespmem:s0+$0xB40];
	_ =	sdelay $0x1  }
0x215: {  	vm5 =	vge.f32 v7, $0.0e+00;
	v55 =	vmul.f32 $9.999999770e-03, v7  }
0x216: {  	vm7 =	vge.f32 v6, $0.0e+00;
	[tilespmem:s0+$0x57F0] =	vst v30;
	v30 =	vmul.f32 $9.999999770e-03, v6;
	v28 =	vmul.f32 v29, v28  }
0x217: {  	[tilespmem:s0+$0x57D0] =	vst v53;
	v53 =	vld [tilespmem:s0+$0x3350];
	v20 =	vadd.f32 v60, v20;
	v60 =	vmul.f32 v29, v0;
	v0 =	vmul.f32 v11, v17  }
0x218: {  	v11 =	vmul.f32 $9.999999770e-03, v16;
	v18 =	vadd.f32 v18, v28;
	v28 =	vadd.f32 v62, v58;
	v58 =	vld [tilespmem:$0x1FFB0]  }
0x219: {  	v7 =	vsel vm5, v7, v55;
	vm9 =	vge.f32 v16, $0.0e+00;
	v6 =	vsel vm7, v6, v30;
	v30 =	vld [tilespmem:s0+$0xB50]  }
0x21a: {  	[tilespmem:s0+$0x5820] =	vst v35;
	v35 =	vsel vm9, v16, v11;
	v16 =	vmul.f32 v7, v17;
	v7 =	vld [tilespmem:$0x1FF40];
	_ =	sdelay $0x2  }
0x21b: {  	v20 =	vadd.f32 v20, v60;
	v60 =	vmul.f32 v29, v58  }
0x21c: {  	[tilespmem:s0+$0x5850] =	vst v44;
	v44 =	vld [tilespmem:s0+$0xB80]  }
0x21d: {  	v55 =	vmul.f32 $9.999999770e-03, v13;
	[tilespmem:s0+$0x5870] =	vst v7;
	v7 =	vadd.f32 v28, v60;
	v28 =	vadd.f32 v53, v30;
	v30 =	vld [tilespmem:$0x1FFC0]  }
0x21e: {  	[tilespmem:s0+$0x5800] =	vst v46;
	v46 =	vld [tilespmem:s0+$0x3380];
	vm8 =	vge.f32 v13, $0.0e+00  }
0x21f: {  	v13 =	vsel vm8, v13, v55;
	v55 =	vld [tilespmem:s0+$0x3360];
	v11 =	vmul.f32 $9.999999770e-03, v20  }
0x220: {  	[tilespmem:s0+$0x5840] =	vst v41;
	v54 =	vld [tilespmem:s0+$0xB60];
	vm10 =	vge.f32 v20, $0.0e+00  }
0x221: {  	[tilespmem:s0+$0x5860] =	vst v56;
	v56 =	vld [tilespmem:s0+$0x3390];
	v41 =	vsel vm10, v20, v11;
	v11 =	vmul.f32 v23, v17  }
0x222: {  	[tilespmem:s0+$0x58B0] =	vst v47;
	v47 =	vld [tilespmem:$0x1FF60];
	v23 =	vmul.f32 $9.999999770e-03, v18;
	v30 =	vmul.f32 v29, v30  }
0x223: {  	v62 =	vld [tilespmem:s0+$0xB70];
	v20 =	vmul.f32 v1, v17;
	v17 =	vmul.f32 v6, v17;
	vm11 =	vge.f32 v18, $0.0e+00  }
0x224: {  	v1 =	vld [tilespmem:s0+$0x3370];
	v6 =	vsel vm11, v18, v23;
	v23 =	vadd.f32 v28, v30;
	v28 =	vmul.f32 $9.999999770e-03, v7  }
0x225: {  	vm12 =	vge.f32 v7, $0.0e+00;
	v30 =	vadd.f32 v55, v54;
	v54 =	vld [tilespmem:$0x1FFE0]  }
0x226: {  	v55 =	vld [tilespmem:$0x1FFF0];
	v7 =	vsel vm12, v7, v28;
	v28 =	vmul.f32 $9.999999770e-03, v23  }
0x227: {  	[tilespmem:s0+$0x58D0] =	vst v48;
	v48 =	vld [tilespmem:$0x1FF90];
	vm13 =	vge.f32 v23, $0.0e+00  }
0x228: {  	[tilespmem:s0+$0x57A0] =	vst v34;
	v23 =	vsel vm13, v23, v28;
	v28 =	vld [tilespmem:$0x1FFA0]  }
0x229: {  	[tilespmem:s0+$0x58C0] =	vst v63;
	v63 =	vld [tilespmem:s0+$0x33B0]  }
0x22a: {  	[tilespmem:s0+$0x5880] =	vst v39;
	v39 =	vbroadcast v10, $0xD;
	v53 =	vld [tilespmem:s0+$0xB90]  }
0x22b: {  	[tilespmem:s0+$0x58F0] =	vst v59;
	v34 =	vld [tilespmem:s0+$0xBC0];
	v1 =	vadd.f32 v1, v62;
	v37 =	vmul.f32 v29, v54;
	v29 =	vmul.f32 v29, v55  }
0x22c: {  	[tilespmem:s0+$0x5900] =	vst v49;
	v49 =	vld [tilespmem:s0+$0x33C0]  }
0x22d: {  	[tilespmem:s0+$0x5970] =	vst v57;
	v57 =	vld [tilespmem:s0+$0x3420];
	v18 =	vadd.f32 v46, v44;
	v1 =	vadd.f32 v1, v29;
	v28 =	vmul.f32 v39, v28  }
0x22e: {  	[tilespmem:s0+$0x5980] =	vst v25;
	v25 =	vld [tilespmem:$0x1FFB0];
	v62 =	vmul.f32 v39, v8;
	v30 =	vadd.f32 v30, v37  }
0x22f: {  	[tilespmem:s0+$0x5990] =	vst v27;
	v27 =	vld [tilespmem:s0+$0x33F0];
	v59 =	vmul.f32 $9.999999770e-03, v1;
	v18 =	vadd.f32 v18, v28;
	v28 =	vadd.f32 v56, v53  }
0x230: {  	[tilespmem:s0+$0x59B0] =	vst v31;
	v31 =	vld [tilespmem:$0x1FFC0];
	vm14 =	vge.f32 v30, $0.0e+00;
	v37 =	vmul.f32 $9.999999770e-03, v30;
	vm15 =	vge.f32 v1, $0.0e+00  }
0x231: {  	[tilespmem:s0+$0x5920] =	vst v3;
	v58 =	vld [tilespmem:s0+$0x33A0];
	v3 =	vsel vm15, v1, v59;
	v1 =	vmul.f32 $9.999999770e-03, v18;
	v28 =	vadd.f32 v28, v62  }
0x232: {  	v60 =	vld [tilespmem:s0+$0xBB0];
	v30 =	vsel vm14, v30, v37;
	vm4 =	vge.f32 v18, $0.0e+00  }
0x233: {  	[tilespmem:s0+$0x58A0] =	vst v43;
	v54 =	vld [tilespmem:s0+$0xBD0];
	v37 =	vbroadcast v9, $0xC;
	v43 =	vsel vm4, v18, v1;
	v1 =	vmul.f32 $9.999999770e-03, v28  }
0x234: {  	v29 =	vld [tilespmem:s0+$0xBA0];
	vm5 =	vge.f32 v28, $0.0e+00  }
0x235: {  	v28 =	vsel vm5, v28, v1;
	v1 =	vmul.f32 v23, v37;
	v23 =	vld [tilespmem:s0+$0xBF0]  }
0x236: {  	[tilespmem:s0+$0x59A0] =	vst v22;
	v22 =	vadd.f32 v49, v34;
	v25 =	vmul.f32 v39, v25;
	v59 =	vld [tilespmem:s0+$0x33D0]  }
0x237: {  	v49 =	vld [tilespmem:s0+$0xC00]  }
0x238: {  	[tilespmem:s0+$0x5790] =	vst v33;
	v33 =	vmul.f32 v39, v48;
	v48 =	vadd.f32 v22, v25;
	v25 =	vld [tilespmem:$0x1FFE0]  }
0x239: {  	v56 =	vadd.f32 v63, v60;
	v60 =	vld [tilespmem:s0+$0xBE0]  }
0x23a: {  	v31 =	vmul.f32 v39, v31;
	v23 =	vadd.f32 v27, v23;
	v27 =	vld [tilespmem:$0x1FFF0]  }
0x23b: {  	[tilespmem:s0+$0x5930] =	vst v47;
	v29 =	vadd.f32 v58, v29;
	v58 =	vld [tilespmem:$0x1FFD0];
	v47 =	vmul.f32 v30, v37;
	v30 =	vadd.f32 v59, v54  }
0x23c: {  	v63 =	vld [tilespmem:s0+$0x33E0]  }
0x23d: {  	[tilespmem:s0+$0x5810] =	vst v38;
	v30 =	vadd.f32 v30, v31;
	v31 =	vld [tilespmem:s0+$0x3400]  }
0x23e: {  	[tilespmem:s0+$0x5830] =	vst v40;
	v38 =	vld [tilespmem:s0+$0x3450]  }
0x23f: {  	[tilespmem:s0+$0x5890] =	vst v42;
	v55 =	vld [tilespmem:$0x1FF80];
	v27 =	vmul.f32 v39, v27  }
0x240: {  	[tilespmem:s0+$0x5A80] =	vst v24;
	v24 =	vld [tilespmem:s0+$0xC50];
	v29 =	vadd.f32 v29, v33;
	v33 =	vmul.f32 v39, v58  }
0x241: {  	[tilespmem:s0+$0x58E0] =	vst v45;
	v22 =	vadd.f32 v63, v60;
	v23 =	vadd.f32 v23, v27;
	v27 =	vld [tilespmem:s0+$0xC20]  }
0x242: {  	[tilespmem:s0+$0x5960] =	vst v19;
	v25 =	vmul.f32 v39, v25;
	v33 =	vadd.f32 v56, v33;
	v56 =	vadd.f32 v31, v49;
	v31 =	vld [tilespmem:$0x1FFA0]  }
0x243: {  	[tilespmem:s0+$0x59E0] =	vst v32;
	v54 =	vld [tilespmem:s0+$0x3410]  }
0x244: {  	v40 =	vbroadcast v9, $0xE;
	[tilespmem:s0+$0x5950] =	vst v55;
	v55 =	vbroadcast v10, $0xE;
	v22 =	vadd.f32 v22, v25;
	v25 =	vld [tilespmem:s0+$0xC10]  }
0x245: {  	[tilespmem:s0+$0x59C0] =	vst v5;
	v42 =	vld [tilespmem:s0+$0xC70];
	v10 =	vbroadcast v10, $0xF;
	v13 =	vmul.f32 v13, v37  }
0x246: {  	[tilespmem:s0+$0x59F0] =	vst v2;
	v19 =	vmul.f32 v7, v37;
	v2 =	vmul.f32 $9.999999770e-03, v30;
	v63 =	vadd.f32 v57, v27;
	v27 =	vld [tilespmem:$0x1FF90]  }
0x247: {  	[tilespmem:s0+$0x59D0] =	vst v51;
	v46 =	vld [tilespmem:$0x1FF50];
	v62 =	vmul.f32 $9.999999770e-03, v29;
	vm9 =	vge.f32 v30, $0.0e+00;
	v31 =	vmul.f32 v55, v31  }
0x248: {  	[tilespmem:s0+$0x5A00] =	vst v15;
	v53 =	vld [tilespmem:$0x1FF70];
	vm10 =	vge.f32 v22, $0.0e+00;
	v2 =	vsel vm9, v30, v2;
	v30 =	vmul.f32 $9.999999770e-03, v22  }
0x249: {  	[tilespmem:s0+$0x5A20] =	vst v14;
	v59 =	vld [tilespmem:s0+$0xC30];
	v25 =	vadd.f32 v54, v25;
	v14 =	vadd.f32 v56, v31;
	v31 =	vmul.f32 v55, v8  }
0x24a: {  	[tilespmem:s0+$0x5A10] =	vst v36;
	vm6 =	vge.f32 v29, $0.0e+00;
	v60 =	vld [tilespmem:s0+$0x3430];
	v22 =	vsel vm10, v22, v30;
	v30 =	vmul.f32 $9.999999770e-03, v23  }
0x24b: {  	[tilespmem:s0+$0x5A30] =	vst v61;
	vm11 =	vge.f32 v23, $0.0e+00;
	v25 =	vadd.f32 v25, v31;
	v31 =	vld [tilespmem:s0+$0x3440];
	v27 =	vmul.f32 v55, v27  }
0x24c: {  	[tilespmem:s0+$0x5A70] =	vst v12;
	v58 =	vbroadcast v9, $0xD;
	v7 =	vsel vm6, v29, v62;
	v62 =	vsel vm11, v23, v30;
	v30 =	vld [tilespmem:s0+$0xC40]  }
0x24d: {  	v35 =	vmul.f32 v35, v37;
	[tilespmem:s0+$0x5940] =	vst v53;
	v53 =	vmul.f32 $9.999999770e-03, v48;
	v12 =	vadd.f32 v63, v27;
	v27 =	vld [tilespmem:$0x1FFD0]  }
0x24e: {  	v24 =	vadd.f32 v38, v24;
	[tilespmem:s0+$0x5AC0] =	vst v20;
	v20 =	vmul.f32 v22, v58;
	v22 =	vld [tilespmem:$0x1FFB0];
	v23 =	vmul.f32 $9.999999770e-03, v14  }
0x24f: {  	[tilespmem:s0+$0x5AA0] =	vst v26;
	v26 =	vld [tilespmem:s0+$0xC60];
	vm7 =	vge.f32 v33, $0.0e+00;
	v29 =	vmul.f32 $9.999999770e-03, v33;
	vm12 =	vge.f32 v14, $0.0e+00  }
0x250: {  	[tilespmem:s0+$0x5A90] =	vst v21;
	v45 =	vld [tilespmem:s0+$0xCA0];
	v21 =	vadd.f32 v60, v59;
	v14 =	vsel vm12, v14, v23;
	v23 =	vmul.f32 $9.999999770e-03, v25  }
0x251: {  	[tilespmem:s0+$0x5AE0] =	vst v11;
	v29 =	vsel vm7, v33, v29;
	vm13 =	vge.f32 v25, $0.0e+00;
	v11 =	vadd.f32 v31, v30;
	v30 =	vld [tilespmem:$0x1FFC0]  }
0x252: {  	[tilespmem:s0+$0x5A40] =	vst v52;
	v23 =	vsel vm13, v25, v23;
	v25 =	vmul.f32 v29, v58;
	v29 =	vld [tilespmem:s0+$0x3470];
	v27 =	vmul.f32 v55, v27  }
0x253: {  	vm8 =	vge.f32 v48, $0.0e+00;
	[tilespmem:s0+$0x5910] =	vst v46;
	v46 =	vld [tilespmem:s0+$0x34A0];
	v41 =	vmul.f32 v41, v37;
	v22 =	vmul.f32 v55, v22  }
0x254: {  	[tilespmem:s0+$0x5AB0] =	vst v0;
	v5 =	vsel vm8, v48, v53;
	v61 =	vmul.f32 v43, v58;
	v21 =	vadd.f32 v21, v27;
	v27 =	vld [tilespmem:s0+$0x3460]  }
0x255: {  	v0 =	vmul.f32 v5, v58;
	[tilespmem:s0+$0x5BB0] =	vst v25;
	v25 =	vld [tilespmem:$0x1FF90];
	v11 =	vadd.f32 v11, v22;
	v39 =	vmul.f32 $9.999999770e-03, v12  }
0x256: {  	[tilespmem:s0+$0x5A50] =	vst v50;
	v22 =	vld [tilespmem:$0x1FFE0];
	vm14 =	vge.f32 v12, $0.0e+00;
	v30 =	vmul.f32 v55, v30;
	v43 =	vmul.f32 $9.999999770e-03, v21  }
0x257: {  	[tilespmem:s0+$0x5A60] =	vst v4;
	v5 =	vsel vm14, v12, v39;
	v12 =	vadd.f32 v29, v42;
	v29 =	vld [tilespmem:$0x1FFF0];
	vm15 =	vge.f32 v21, $0.0e+00  }
0x258: {  	[tilespmem:s0+$0x5AF0] =	vst v17;
	v6 =	vmul.f32 v6, v37;
	v17 =	vsel vm15, v21, v43;
	v21 =	vadd.f32 v24, v30;
	v24 =	vld [tilespmem:s0+$0x3480]  }
0x259: {  	[tilespmem:s0+$0x5AD0] =	vst v16;
	v3 =	vmul.f32 v3, v37;
	v44 =	vadd.f32 v27, v26;
	v26 =	vld [tilespmem:s0+$0xC80];
	v27 =	vmul.f32 $9.999999770e-03, v11  }
0x25a: {  	[tilespmem:s0+$0x5B00] =	vst v13;
	v48 =	vld [tilespmem:s0+$0x34B0];
	v28 =	vmul.f32 v28, v58;
	v7 =	vmul.f32 v7, v58  }
0x25b: {  	[tilespmem:s0+$0x5B10] =	vst v35;
	v2 =	vmul.f32 v2, v58;
	v49 =	vmul.f32 v23, v40;
	v23 =	vld [tilespmem:s0+$0x34C0]  }
0x25c: {  	[tilespmem:s0+$0x5B20] =	vst v41;
	v4 =	vmul.f32 v62, v58;
	vm4 =	vge.f32 v11, $0.0e+00;
	v15 =	vmul.f32 v55, v29;
	v29 =	vld [tilespmem:s0+$0x3490]  }
0x25d: {  	v14 =	vmul.f32 v14, v40;
	v22 =	vmul.f32 v55, v22;
	v11 =	vsel vm4, v11, v27;
	v27 =	vmovc v8;
	v8 =	vld [tilespmem:$0x1FFA0]  }
0x25e: {  	[tilespmem:s0+$0x5B60] =	vst v47;
	v51 =	vmul.f32 v10, v25;
	v12 =	vadd.f32 v12, v15;
	v47 =	vadd.f32 v24, v26;
	v26 =	vld [tilespmem:s0+$0xCC0]  }
0x25f: {  	[tilespmem:s0+$0x5B30] =	vst v6;
	v5 =	vmul.f32 v5, v40;
	v15 =	vadd.f32 v46, v45;
	v13 =	vadd.f32 v44, v22;
	v22 =	vld [tilespmem:s0+$0xC90]  }
0x260: {  	[tilespmem:s0+$0x5BA0] =	vst v7;
	v7 =	vmul.f32 v17, v40;
	v6 =	vmul.f32 $9.999999770e-03, v21;
	v24 =	vld [tilespmem:s0+$0xCB0]  }
0x261: {  	v53 =	vld [tilespmem:s0+$0x34D0];
	[tilespmem:s0+$0x5B50] =	vst v1;
	vm5 =	vge.f32 v21, $0.0e+00;
	vm7 =	vge.f32 v12, $0.0e+00;
	v15 =	vadd.f32 v15, v51  }
0x262: {  	[tilespmem:s0+$0x5B90] =	vst v28;
	v28 =	vld [tilespmem:$0x1FFE0];
	v1 =	vsel vm5, v21, v6;
	v55 =	vmul.f32 v11, v40;
	v21 =	vmul.f32 v10, v8  }
0x263: {  	[tilespmem:s0+$0x5B40] =	vst v19;
	v56 =	vld [tilespmem:s0+$0x34E0];
	v6 =	vmul.f32 $9.999999770e-03, v13;
	vm6 =	vge.f32 v13, $0.0e+00;
	v54 =	vadd.f32 v23, v26  }
0x264: {  	[tilespmem:s0+$0x5B70] =	vst v3;
	v23 =	vld [tilespmem:$0x1FFB0];
	v18 =	vadd.f32 v47, v21;
	v21 =	vadd.f32 v29, v22;
	v22 =	vmul.f32 v10, v27  }
0x265: {  	[tilespmem:s0+$0x5B80] =	vst v61;
	v3 =	vsel vm6, v13, v6;
	v6 =	vmul.f32 $9.999999770e-03, v12;
	v13 =	vadd.f32 v48, v24;
	v24 =	vld [tilespmem:$0x1FFD0]  }
0x266: {  	[tilespmem:s0+$0x5BC0] =	vst v0;
	v11 =	vmul.f32 $9.999999770e-03, v15;
	v26 =	vld [tilespmem:$0x1FFC0];
	v50 =	vadd.f32 v21, v22;
	v21 =	vmul.f32 $9.999999770e-03, v18  }
0x267: {  	[tilespmem:s0+$0x5BD0] =	vst v2;
	v1 =	vmul.f32 v1, v40;
	v6 =	vsel vm7, v12, v6;
	v29 =	vld [tilespmem:$0x1FFF0];
	vm8 =	vge.f32 v18, $0.0e+00  }
0x268: {  	[tilespmem:s0+$0x5BE0] =	vst v20;
	v3 =	vmul.f32 v3, v40;
	v61 =	vmul.f32 v6, v40;
	v0 =	vsel vm8, v18, v21;
	v21 =	vld [tilespmem:s0+$0xCD0]  }
0x269: {  	[tilespmem:s0+$0x5BF0] =	vst v4;
	v58 =	vld [tilespmem:s0+$0x34F0];
	vm10 =	vge.f32 v15, $0.0e+00;
	v6 =	vbroadcast v9, $0xF;
	v20 =	vmul.f32 v10, v23  }
0x26a: {  	[tilespmem:s0+$0x5C00] =	vst v14;
	v11 =	vsel vm10, v15, v11;
	v9 =	vmul.f32 v10, v28;
	v22 =	vld [tilespmem:s0+$0xCE0];
	v52 =	vmul.f32 v10, v24  }
0x26b: {  	[tilespmem:s0+$0x5C10] =	vst v49;
	vm9 =	vge.f32 v50, $0.0e+00;
	v2 =	vmul.f32 $9.999999770e-03, v50;
	v18 =	vadd.f32 v54, v20;
	v20 =	vld [tilespmem:s0+$0xCF0]  }
0x26c: {  	[tilespmem:s0+$0x5C20] =	vst v5;
	v60 =	vmul.f32 v10, v26;
	v0 =	vmul.f32 v0, v6;
	v13 =	vadd.f32 v13, v52  }
0x26d: {  	[tilespmem:s0+$0x5C30] =	vst v7;
	v10 =	vmul.f32 v10, v29;
	v2 =	vsel vm9, v50, v2;
	v7 =	vadd.f32 v53, v21  }
0x26e: {  	[tilespmem:s0+$0x5C40] =	vst v55;
	v2 =	vmul.f32 v2, v6;
	v57 =	vmul.f32 $9.999999770e-03, v13;
	vm11 =	vge.f32 v13, $0.0e+00  }
0x26f: {  	[tilespmem:s0+$0x5C50] =	vst v1;
	v59 =	vmul.f32 $9.999999770e-03, v18;
	v1 =	vadd.f32 v7, v60;
	v7 =	vadd.f32 v56, v22  }
0x270: {  	[tilespmem:s0+$0x5C60] =	vst v3;
	vm12 =	vge.f32 v18, $0.0e+00;
	v13 =	vsel vm11, v13, v57;
	v3 =	vadd.f32 v58, v20  }
0x271: {  	[tilespmem:s0+$0x5C80] =	vst v0;
	v5 =	vsel vm12, v18, v59;
	v0 =	vmul.f32 v13, v6;
	v62 =	vadd.f32 v7, v9  }
0x272: {  	[tilespmem:s0+$0x5C70] =	vst v61;
	v7 =	vmul.f32 v11, v6;
	v3 =	vadd.f32 v3, v10;
	v9 =	vmul.f32 $9.999999770e-03, v1  }
0x273: {  	[tilespmem:s0+$0x5C90] =	vst v2;
	v2 =	vmul.f32 v5, v6;
	vm13 =	vge.f32 v1, $0.0e+00;
	v63 =	vmul.f32 $9.999999770e-03, v62  }
0x274: {  	p1 =	sne.s32 s31, $0x4;
	[tilespmem:s0+$0x5CA0] =	vst v7;
	v1 =	vsel vm13, v1, v9;
	vm14 =	vge.f32 v62, $0.0e+00;
	v7 =	vmul.f32 $9.999999770e-03, v3  }
.Ltmp0:
0x275: {  	[tilespmem:s0+$0x5CB0] =	vst v0;
	vm15 =	vge.f32 v3, $0.0e+00;
	v1 =	vmul.f32 v1, v6;
	v0 =	vsel vm14, v62, v63;
	(pc) =	sbr.rel @p1 .LBB2_3-.Ltmp0, $4  }
0x276: {  	[tilespmem:s0+$0x5CC0] =	vst v2;
	v2 =	vsel vm15, v3, v7;
	v0 =	vmul.f32 v0, v6  }
0x277: {  	[tilespmem:s0+$0x5CD0] =	vst v1;
	v1 =	vmul.f32 v2, v6  }
0x278: {  	[tilespmem:s0+$0x5CE0] =	vst v0  }
0x279: {  	s31 =	sadd.s32 $0x1, s31;
	v2 =	vimm.f32 $0.0e+00;
	[tilespmem:s0+$0x5CF0] =	vst v1  }
0x27a: {  	s30 =	sadd.s32 $0x1, s30  }
0x27b: {  	p1 =	sne.s32 s30, $0x7D  }
.Ltmp1:
0x27c: {  	_ = 	snop;
	(pc) =	sbr.rel @p1 .LBB2_2-.Ltmp1, $4  }
0x27d: {  	[spmem:s1] =	stream.indirect.scatter.add.f32 [tilespmem:s28], [sflag:$0x3], $0x80, s26, s21, $0xb8;
	[tilespmem:$0x1B580] =	vst v63  }
0x27e: {  	_ =	swait.ge [sflag:s17], $0x2800  }
0x27f: {  	[sflag:s17] =	ssyncset.done $0x0  }
0x280: {  	[sflag:s17] =	ssyncadd.s32 $0xFFFFD800  }
0x281: {  	[bflag:$0x0] =	sbarrier.arrive $0xFFFF  }
0x282: {  	[hbm:s13], [sflag:s7] =	dma.local [spmem:s16], $0x2700  }
0x283: {  	s29 =	sadd.s32 $0x1, s29;
	_ =	swait.ge [sflag:s17], $0x2700  }
0x284: {  	p1 =	sne.s32 s29, s15;
	[sflag:s17] =	ssyncset.done $0x0  }
.Ltmp2:
0x285: {  	s0 =	simm.s32 @!p0 $0x3;
	[sflag:s17] =	ssyncadd.s32 $0xFFFFD900;
	(pc) =	sbr.rel @p1 .LBB2_1-.Ltmp2, $4  }
0x286: {  	[hbm:s14], [sflag:s7] =	dma.local @!p0 [spmem:s18], $0x100  }
0x287: {  	_ =	swait.ge @!p0 [sflag:s0], $0x100  }
0x288: {  	[sflag:s0] =	ssyncset.done @!p0 $0x0  }
0x289: {  	[sflag:s0] =	ssyncadd.s32 @!p0 $0xFFFFFF00  }
0x28a: {  	_ =	sfence.sel $0x180000  }
0x28b: {  	[bflag:$0x0] =	sbarrier.arrive $0xFFFF  }
0x28c: {  	_ =	strace $0x90000047  }
0x28d: {  	[bflag:$0x2] =	sbarrier.arrive $0xFFFF  }
0x28e: {  	p0 =	sne.s32 s2, $0x0;
	s0 =	rddreg [dreg:$0x3]  }
0x28f: {  	s0 =	sadd.s32 @!p0 $0x100000, s0  }
0x290: {  	[sflag:s0] =	ssyncadd.tile.s32 @!p0 $0x1;
	_ =	shalt  }
.Lfunc_end2:
_tile_overlayer_lowered:
.L_overlay_start_2:
0x291: {  	(tag) =	ssettag $0x2  }
0x292: {  	s0 =	rddreg [dreg:$0x0];
	s2 =	stileid.u32  }
0x293: {  	s1 =	rddreg [dreg:$0x1];
	p0 =	sne.s32 s2, $0x0  }
0x294: {  	s3 =	rddreg [dreg:$0x2];
	[bflag:$0x3] =	sbarrier.arrive $0xFFFF;
	s2 =	simm.s32 @!p0 $0x1C03  }
0x295: {  	[timem:s3], [sflag:s2] =	dma.local @!p0 [hbm:s0], s1  }
0x296: {  	s0 =	simm.s32 @!p0 $0x3  }
0x297: {  	_ =	swait.ge @!p0 [sflag:s0], s1  }
0x298: {  	s1 =	ssub.s32 @!p0 $0x0, s1;
	[sflag:s0] =	ssyncset.done @!p0 $0x0  }
0x299: {  	[sflag:s0] =	ssyncadd.s32 @!p0 s1  }
0x29a: {  	[bflag:$0x3] =	sbarrier.arrive $0xFFFF  }
0x29b: {  	_ =	shalt  }

</sc_bundles>
